<compile_context>
chip_gen: v7x
topology: tpu7x:2x2x1
jax: 0.10.2.dev20260603
libtpu: 0.0.44.dev20260713+nightly
codegen_flags: <defaults>
</compile_context>

<pallas_src>
import jax
import jax.numpy as jnp
from jax import lax
from jax.experimental import pallas as pl
from jax.experimental.pallas import tpu as pltpu
from jax.experimental.pallas import tpu_sc as plsc

NC = 2
NS = 16
NW = NC * NS
L = 16

D = 128
S = 4096
T = 50
S_PER_W = S // NW
CH_S = 2
NBUF = 8
PREF = 4
NCHUNK = S_PER_W // CH_S

_GROUP_OFF = (0, 16, 32, T - L)


def _worker_body(table, x, zrow, out, idx_v, bufs, gsems, ssems):
    wid = lax.axis_index("s") * NC + lax.axis_index("c")
    sent0 = wid * S_PER_W

    pltpu.sync_copy(x.at[pl.ds(sent0, S_PER_W)], idx_v)

    def gather_parts(c, k):
        for j in range(CH_S):
            yield (table.at[idx_v.at[c * CH_S + j]], bufs[k].at[j], gsems[k])

    def start_gather(c, k):
        for src, dst, sem in gather_parts(c, k):
            pltpu.async_copy(src, dst, sem)

    def wait_gather(c, k):
        for src, dst, sem in gather_parts(c, k):
            pltpu.make_async_copy(src, dst, sem).wait()

    def out_slice(c):
        return out.at[pl.ds(sent0 + c * CH_S, CH_S)]

    def start_scatter(c, k):
        pltpu.async_copy(bufs[k], out_slice(c), ssems[k])

    def wait_scatter(c, k):
        pltpu.make_async_copy(bufs[k], out_slice(c), ssems[k]).wait()

    for p in range(PREF):
        start_gather(p, p % NBUF)

    @pl.loop(0, NCHUNK // NBUF)
    def _steady(i):
        for t in range(NBUF):
            c = i * NBUF + t
            wait_gather(c, t)
            start_scatter(c, t)
            p = c + PREF
            kp = (t + PREF) % NBUF

            @pl.when(c >= NBUF - PREF)
            def _drain():
                wait_scatter(c - (NBUF - PREF), kp)

            @pl.when(p < NCHUNK)
            def _prefetch():
                start_gather(p, kp)

    for c in range(NCHUNK - (NBUF - PREF), NCHUNK):
        wait_scatter(c, c % NBUF)

    @pl.loop(0, S_PER_W)
    def _fix_sent(sl):
        vs = [idx_v[sl, pl.ds(off, L)] for off in _GROUP_OFF]
        smn = vs[0]
        for v in vs[1:]:
            smn = jnp.minimum(smn, v)
        sent_pad = plsc.all_reduce_population_count(smn == 0)[0] > 0

        @pl.when(sent_pad)
        def _patch():
            for g, off in enumerate(_GROUP_OFF):
                for lane in range(L):
                    row = off + lane

                    @pl.when(vs[g][lane] == 0)
                    def _zero_row():
                        pltpu.sync_copy(zrow.at[0], out.at[sent0 + sl, row])


def _body(table, x, zrow, out, idx_v, *rest):
    _worker_body(table, x, zrow, out, idx_v, rest[:NBUF],
                 rest[NBUF:2 * NBUF], rest[2 * NBUF:])


@jax.jit
def kernel(embedding, x):
    xi = x.astype(jnp.int32)
    zrow = jnp.zeros((8, D), jnp.float32)
    mesh = plsc.VectorSubcoreMesh(
        core_axis_name="c", subcore_axis_name="s",
        num_cores=NC, num_subcores=NS,
    )
    return pl.kernel(
        _body,
        out_type=jax.ShapeDtypeStruct((S, T, D), jnp.float32),
        mesh=mesh,
        compiler_params=pltpu.CompilerParams(needs_layout_passes=False),
        scratch_types=(
            [pltpu.VMEM((S_PER_W, T), jnp.int32)]
            + [pltpu.VMEM((CH_S, T, D), jnp.float32) for _ in range(NBUF)]
            + [pltpu.SemaphoreType.DMA for _ in range(2 * NBUF)]
        ),
    )(embedding, xi, zrow)

# --- scband reference (transcript-rebuilt; emitter-appended) ---
"""Pipeline reference for scband-token-embedding-17781164605916 (READ-ONLY COPY).

The authoritative reference and input builder live on the scoring server;
editing this copy changes nothing except your own understanding.
"""

import jax, jax.numpy as jnp
import numpy as np

PAD_TOKEN_ID = 0

def setup_inputs(seed: int = 0) -> dict:
    key = jax.random.key(seed)
    k1, k2 = jax.random.split(key)
    embedding = jax.random.normal(k1, (100000, 128), dtype=jnp.float32)
    x = jax.random.randint(k2, (4096, 50), 0, 100000, dtype=jnp.int64 if jax.config.read('jax_enable_x64') else jnp.int32)
    return {"embedding": embedding, "x": x}

def reference(embedding, x):
    y = jnp.take(embedding, x, axis=0)
    mask = (x == PAD_TOKEN_ID)[..., None]
    y = jnp.where(mask, 0.0, y)
    return y

if __name__ == "__main__":
    import jax
    _d = setup_inputs()
    print(jax.jit(kernel)(*tuple(_d.values())))

</pallas_src>

<mosaic_0001>
#map = affine_map<(d0, d1) -> (0, 0)>
#map1 = affine_map<(d0, d1) -> (0, 0, 0)>
module attributes {stable_mosaic.version = 14 : i64} {
  func.func @_body(%arg0: i32, %arg1: i32, %arg2: memref<100000x128xf32, #tpu.memory_space<hbm>>, %arg3: memref<4096x50xi32, #tpu.memory_space<hbm>>, %arg4: memref<8x128xf32, #tpu.memory_space<hbm>>, %arg5: memref<4096x50x128xf32, #tpu.memory_space<hbm>>, %arg6: memref<128x50xi32, #tpu.memory_space<vmem>>, %arg7: memref<2x50x128xf32, #tpu.memory_space<vmem>>, %arg8: memref<2x50x128xf32, #tpu.memory_space<vmem>>, %arg9: memref<2x50x128xf32, #tpu.memory_space<vmem>>, %arg10: memref<2x50x128xf32, #tpu.memory_space<vmem>>, %arg11: memref<2x50x128xf32, #tpu.memory_space<vmem>>, %arg12: memref<2x50x128xf32, #tpu.memory_space<vmem>>, %arg13: memref<2x50x128xf32, #tpu.memory_space<vmem>>, %arg14: memref<2x50x128xf32, #tpu.memory_space<vmem>>, %arg15: memref<!tpu.dma_semaphore, #tpu.memory_space<semaphore_mem>>, %arg16: memref<!tpu.dma_semaphore, #tpu.memory_space<semaphore_mem>>, %arg17: memref<!tpu.dma_semaphore, #tpu.memory_space<semaphore_mem>>, %arg18: memref<!tpu.dma_semaphore, #tpu.memory_space<semaphore_mem>>, %arg19: memref<!tpu.dma_semaphore, #tpu.memory_space<semaphore_mem>>, %arg20: memref<!tpu.dma_semaphore, #tpu.memory_space<semaphore_mem>>, %arg21: memref<!tpu.dma_semaphore, #tpu.memory_space<semaphore_mem>>, %arg22: memref<!tpu.dma_semaphore, #tpu.memory_space<semaphore_mem>>, %arg23: memref<!tpu.dma_semaphore, #tpu.memory_space<semaphore_mem>>, %arg24: memref<!tpu.dma_semaphore, #tpu.memory_space<semaphore_mem>>, %arg25: memref<!tpu.dma_semaphore, #tpu.memory_space<semaphore_mem>>, %arg26: memref<!tpu.dma_semaphore, #tpu.memory_space<semaphore_mem>>, %arg27: memref<!tpu.dma_semaphore, #tpu.memory_space<semaphore_mem>>, %arg28: memref<!tpu.dma_semaphore, #tpu.memory_space<semaphore_mem>>, %arg29: memref<!tpu.dma_semaphore, #tpu.memory_space<semaphore_mem>>, %arg30: memref<!tpu.dma_semaphore, #tpu.memory_space<semaphore_mem>>) attributes {dimension_semantics = [#tpu.dimension_semantics<core_parallel>, #tpu.dimension_semantics<subcore_parallel>], iteration_bounds = array<i64: 2, 16>, scalar_prefetch = 0 : i64, scratch_operands = 25 : i64, tpu.core_type = #tpu.core_type<sc_vector_subcore>, window_params = [{transform_indices = #map}, {transform_indices = #map}, {transform_indices = #map}, {transform_indices = #map1}]} {
    %mul3A = arith.constant 2 : i32
    %mul3A_0 = arith.muli %arg1, %mul3A : i32
    %add3A = arith.addi %mul3A_0, %arg0 : i32
    %mul3A_1 = arith.constant 128 : i32
    %mul3A_2 = arith.muli %add3A, %mul3A_1 : i32
    "tpu.region"() ({
      %run_scoped3A = tpu.sem_alloc : memref<!tpu.dma_semaphore, #tpu.memory_space<semaphore_mem>>
      %dma_start3A_138 = arith.constant 0 : i32
      %dma_start3A_139 = tpu.memref_slice %arg3[%mul3A_2, %dma_start3A_138] : memref<4096x50xi32, #tpu.memory_space<hbm>> -> memref<128x50xi32, #tpu.memory_space<hbm>>
      %dma_start3A_140 = arith.constant 0 : i32
      %dma_start3A_141 = tpu.memref_slice %arg3[%mul3A_2, %dma_start3A_140] : memref<4096x50xi32, #tpu.memory_space<hbm>> -> memref<128x50xi32, #tpu.memory_space<hbm>>
      tpu.enqueue_dma source(%dma_start3A_141 : memref<128x50xi32, #tpu.memory_space<hbm>>) target(%arg6 : memref<128x50xi32, #tpu.memory_space<vmem>>) target_semaphore(%run_scoped3A : memref<!tpu.dma_semaphore, #tpu.memory_space<semaphore_mem>>)
      %dma_wait3A_142 = arith.constant 0 : i32
      %dma_wait3A_143 = tpu.memref_slice %arg3[%mul3A_2, %dma_wait3A_142] : memref<4096x50xi32, #tpu.memory_space<hbm>> -> memref<128x50xi32, #tpu.memory_space<hbm>>
      %dma_wait3A_144 = arith.constant 0 : i32
      %dma_wait3A_145 = tpu.memref_slice %arg3[%mul3A_2, %dma_wait3A_144] : memref<4096x50xi32, #tpu.memory_space<hbm>> -> memref<128x50xi32, #tpu.memory_space<hbm>>
      tpu.wait_dma2 semaphore(%run_scoped3A : memref<!tpu.dma_semaphore, #tpu.memory_space<semaphore_mem>>) src(%dma_wait3A_145 : memref<128x50xi32, #tpu.memory_space<hbm>>) dst(%arg6 : memref<128x50xi32, #tpu.memory_space<vmem>>)
      tpu.yield
    }) : () -> ()
    %dma_start3A = arith.constant 0 : i32
    %dma_start3A_3 = arith.constant 0 : i32
    %dma_start3A_4 = arith.constant 0 : i32
    %dma_start3A_5 = arith.constant 0 : i32
    %dma_start3A_6 = tpu.memref_slice %arg7[%dma_start3A_3, %dma_start3A_4, %dma_start3A_5] : memref<2x50x128xf32, #tpu.memory_space<vmem>> -> memref<1x50x128xf32, #tpu.memory_space<vmem>>
    %dma_start3A_7 = tpu.memref_squeeze %dma_start3A_6 : memref<1x50x128xf32, #tpu.memory_space<vmem>> -> memref<50x128xf32, #tpu.memory_space<vmem>>
    %dma_start3A_8 = arith.constant 0 : i32
    %dma_start3A_9 = tpu.memref_slice %arg6[%dma_start3A, %dma_start3A_8] : memref<128x50xi32, #tpu.memory_space<vmem>> -> memref<1x50xi32, #tpu.memory_space<vmem>>
    %dma_start3A_10 = tpu.memref_squeeze %dma_start3A_9 : memref<1x50xi32, #tpu.memory_space<vmem>> -> memref<50xi32, #tpu.memory_space<vmem>>
    %dma_start3A_11 = arith.constant 0 : i32
    %dma_start3A_12 = arith.constant 0 : i32
    %dma_start3A_13 = tpu.memref_slice %arg2[%dma_start3A_11, %dma_start3A_12] : memref<100000x128xf32, #tpu.memory_space<hbm>> -> memref<100000x128xf32, #tpu.memory_space<hbm>>
    tpu.enqueue_indirect_dma source(%dma_start3A_13 : memref<100000x128xf32, #tpu.memory_space<hbm>>) target(%dma_start3A_7 : memref<50x128xf32, #tpu.memory_space<vmem>>) offsets(%dma_start3A_10 : memref<50xi32, #tpu.memory_space<vmem>>) semaphore(%arg15 : memref<!tpu.dma_semaphore, #tpu.memory_space<semaphore_mem>>)
    %dma_start3A_14 = arith.constant 1 : i32
    %dma_start3A_15 = arith.constant 1 : i32
    %dma_start3A_16 = arith.constant 0 : i32
    %dma_start3A_17 = arith.constant 0 : i32
    %dma_start3A_18 = tpu.memref_slice %arg7[%dma_start3A_15, %dma_start3A_16, %dma_start3A_17] : memref<2x50x128xf32, #tpu.memory_space<vmem>> -> memref<1x50x128xf32, #tpu.memory_space<vmem>>
    %dma_start3A_19 = tpu.memref_squeeze %dma_start3A_18 : memref<1x50x128xf32, #tpu.memory_space<vmem>> -> memref<50x128xf32, #tpu.memory_space<vmem>>
    %dma_start3A_20 = arith.constant 0 : i32
    %dma_start3A_21 = tpu.memref_slice %arg6[%dma_start3A_14, %dma_start3A_20] : memref<128x50xi32, #tpu.memory_space<vmem>> -> memref<1x50xi32, #tpu.memory_space<vmem>>
    %dma_start3A_22 = tpu.memref_squeeze %dma_start3A_21 : memref<1x50xi32, #tpu.memory_space<vmem>> -> memref<50xi32, #tpu.memory_space<vmem>>
    %dma_start3A_23 = arith.constant 0 : i32
    %dma_start3A_24 = arith.constant 0 : i32
    %dma_start3A_25 = tpu.memref_slice %arg2[%dma_start3A_23, %dma_start3A_24] : memref<100000x128xf32, #tpu.memory_space<hbm>> -> memref<100000x128xf32, #tpu.memory_space<hbm>>
    tpu.enqueue_indirect_dma source(%dma_start3A_25 : memref<100000x128xf32, #tpu.memory_space<hbm>>) target(%dma_start3A_19 : memref<50x128xf32, #tpu.memory_space<vmem>>) offsets(%dma_start3A_22 : memref<50xi32, #tpu.memory_space<vmem>>) semaphore(%arg15 : memref<!tpu.dma_semaphore, #tpu.memory_space<semaphore_mem>>)
    %dma_start3A_26 = arith.constant 2 : i32
    %dma_start3A_27 = arith.constant 0 : i32
    %dma_start3A_28 = arith.constant 0 : i32
    %dma_start3A_29 = arith.constant 0 : i32
    %dma_start3A_30 = tpu.memref_slice %arg8[%dma_start3A_27, %dma_start3A_28, %dma_start3A_29] : memref<2x50x128xf32, #tpu.memory_space<vmem>> -> memref<1x50x128xf32, #tpu.memory_space<vmem>>
    %dma_start3A_31 = tpu.memref_squeeze %dma_start3A_30 : memref<1x50x128xf32, #tpu.memory_space<vmem>> -> memref<50x128xf32, #tpu.memory_space<vmem>>
    %dma_start3A_32 = arith.constant 0 : i32
    %dma_start3A_33 = tpu.memref_slice %arg6[%dma_start3A_26, %dma_start3A_32] : memref<128x50xi32, #tpu.memory_space<vmem>> -> memref<1x50xi32, #tpu.memory_space<vmem>>
    %dma_start3A_34 = tpu.memref_squeeze %dma_start3A_33 : memref<1x50xi32, #tpu.memory_space<vmem>> -> memref<50xi32, #tpu.memory_space<vmem>>
    %dma_start3A_35 = arith.constant 0 : i32
    %dma_start3A_36 = arith.constant 0 : i32
    %dma_start3A_37 = tpu.memref_slice %arg2[%dma_start3A_35, %dma_start3A_36] : memref<100000x128xf32, #tpu.memory_space<hbm>> -> memref<100000x128xf32, #tpu.memory_space<hbm>>
    tpu.enqueue_indirect_dma source(%dma_start3A_37 : memref<100000x128xf32, #tpu.memory_space<hbm>>) target(%dma_start3A_31 : memref<50x128xf32, #tpu.memory_space<vmem>>) offsets(%dma_start3A_34 : memref<50xi32, #tpu.memory_space<vmem>>) semaphore(%arg16 : memref<!tpu.dma_semaphore, #tpu.memory_space<semaphore_mem>>)
    %dma_start3A_38 = arith.constant 3 : i32
    %dma_start3A_39 = arith.constant 1 : i32
    %dma_start3A_40 = arith.constant 0 : i32
    %dma_start3A_41 = arith.constant 0 : i32
    %dma_start3A_42 = tpu.memref_slice %arg8[%dma_start3A_39, %dma_start3A_40, %dma_start3A_41] : memref<2x50x128xf32, #tpu.memory_space<vmem>> -> memref<1x50x128xf32, #tpu.memory_space<vmem>>
    %dma_start3A_43 = tpu.memref_squeeze %dma_start3A_42 : memref<1x50x128xf32, #tpu.memory_space<vmem>> -> memref<50x128xf32, #tpu.memory_space<vmem>>
    %dma_start3A_44 = arith.constant 0 : i32
    %dma_start3A_45 = tpu.memref_slice %arg6[%dma_start3A_38, %dma_start3A_44] : memref<128x50xi32, #tpu.memory_space<vmem>> -> memref<1x50xi32, #tpu.memory_space<vmem>>
    %dma_start3A_46 = tpu.memref_squeeze %dma_start3A_45 : memref<1x50xi32, #tpu.memory_space<vmem>> -> memref<50xi32, #tpu.memory_space<vmem>>
    %dma_start3A_47 = arith.constant 0 : i32
    %dma_start3A_48 = arith.constant 0 : i32
    %dma_start3A_49 = tpu.memref_slice %arg2[%dma_start3A_47, %dma_start3A_48] : memref<100000x128xf32, #tpu.memory_space<hbm>> -> memref<100000x128xf32, #tpu.memory_space<hbm>>
    tpu.enqueue_indirect_dma source(%dma_start3A_49 : memref<100000x128xf32, #tpu.memory_space<hbm>>) target(%dma_start3A_43 : memref<50x128xf32, #tpu.memory_space<vmem>>) offsets(%dma_start3A_46 : memref<50xi32, #tpu.memory_space<vmem>>) semaphore(%arg16 : memref<!tpu.dma_semaphore, #tpu.memory_space<semaphore_mem>>)
    %dma_start3A_50 = arith.constant 4 : i32
    %dma_start3A_51 = arith.constant 0 : i32
    %dma_start3A_52 = arith.constant 0 : i32
    %dma_start3A_53 = arith.constant 0 : i32
    %dma_start3A_54 = tpu.memref_slice %arg9[%dma_start3A_51, %dma_start3A_52, %dma_start3A_53] : memref<2x50x128xf32, #tpu.memory_space<vmem>> -> memref<1x50x128xf32, #tpu.memory_space<vmem>>
    %dma_start3A_55 = tpu.memref_squeeze %dma_start3A_54 : memref<1x50x128xf32, #tpu.memory_space<vmem>> -> memref<50x128xf32, #tpu.memory_space<vmem>>
    %dma_start3A_56 = arith.constant 0 : i32
    %dma_start3A_57 = tpu.memref_slice %arg6[%dma_start3A_50, %dma_start3A_56] : memref<128x50xi32, #tpu.memory_space<vmem>> -> memref<1x50xi32, #tpu.memory_space<vmem>>
    %dma_start3A_58 = tpu.memref_squeeze %dma_start3A_57 : memref<1x50xi32, #tpu.memory_space<vmem>> -> memref<50xi32, #tpu.memory_space<vmem>>
    %dma_start3A_59 = arith.constant 0 : i32
    %dma_start3A_60 = arith.constant 0 : i32
    %dma_start3A_61 = tpu.memref_slice %arg2[%dma_start3A_59, %dma_start3A_60] : memref<100000x128xf32, #tpu.memory_space<hbm>> -> memref<100000x128xf32, #tpu.memory_space<hbm>>
    tpu.enqueue_indirect_dma source(%dma_start3A_61 : memref<100000x128xf32, #tpu.memory_space<hbm>>) target(%dma_start3A_55 : memref<50x128xf32, #tpu.memory_space<vmem>>) offsets(%dma_start3A_58 : memref<50xi32, #tpu.memory_space<vmem>>) semaphore(%arg17 : memref<!tpu.dma_semaphore, #tpu.memory_space<semaphore_mem>>)
    %dma_start3A_62 = arith.constant 5 : i32
    %dma_start3A_63 = arith.constant 1 : i32
    %dma_start3A_64 = arith.constant 0 : i32
    %dma_start3A_65 = arith.constant 0 : i32
    %dma_start3A_66 = tpu.memref_slice %arg9[%dma_start3A_63, %dma_start3A_64, %dma_start3A_65] : memref<2x50x128xf32, #tpu.memory_space<vmem>> -> memref<1x50x128xf32, #tpu.memory_space<vmem>>
    %dma_start3A_67 = tpu.memref_squeeze %dma_start3A_66 : memref<1x50x128xf32, #tpu.memory_space<vmem>> -> memref<50x128xf32, #tpu.memory_space<vmem>>
    %dma_start3A_68 = arith.constant 0 : i32
    %dma_start3A_69 = tpu.memref_slice %arg6[%dma_start3A_62, %dma_start3A_68] : memref<128x50xi32, #tpu.memory_space<vmem>> -> memref<1x50xi32, #tpu.memory_space<vmem>>
    %dma_start3A_70 = tpu.memref_squeeze %dma_start3A_69 : memref<1x50xi32, #tpu.memory_space<vmem>> -> memref<50xi32, #tpu.memory_space<vmem>>
    %dma_start3A_71 = arith.constant 0 : i32
    %dma_start3A_72 = arith.constant 0 : i32
    %dma_start3A_73 = tpu.memref_slice %arg2[%dma_start3A_71, %dma_start3A_72] : memref<100000x128xf32, #tpu.memory_space<hbm>> -> memref<100000x128xf32, #tpu.memory_space<hbm>>
    tpu.enqueue_indirect_dma source(%dma_start3A_73 : memref<100000x128xf32, #tpu.memory_space<hbm>>) target(%dma_start3A_67 : memref<50x128xf32, #tpu.memory_space<vmem>>) offsets(%dma_start3A_70 : memref<50xi32, #tpu.memory_space<vmem>>) semaphore(%arg17 : memref<!tpu.dma_semaphore, #tpu.memory_space<semaphore_mem>>)
    %dma_start3A_74 = arith.constant 6 : i32
    %dma_start3A_75 = arith.constant 0 : i32
    %dma_start3A_76 = arith.constant 0 : i32
    %dma_start3A_77 = arith.constant 0 : i32
    %dma_start3A_78 = tpu.memref_slice %arg10[%dma_start3A_75, %dma_start3A_76, %dma_start3A_77] : memref<2x50x128xf32, #tpu.memory_space<vmem>> -> memref<1x50x128xf32, #tpu.memory_space<vmem>>
    %dma_start3A_79 = tpu.memref_squeeze %dma_start3A_78 : memref<1x50x128xf32, #tpu.memory_space<vmem>> -> memref<50x128xf32, #tpu.memory_space<vmem>>
    %dma_start3A_80 = arith.constant 0 : i32
    %dma_start3A_81 = tpu.memref_slice %arg6[%dma_start3A_74, %dma_start3A_80] : memref<128x50xi32, #tpu.memory_space<vmem>> -> memref<1x50xi32, #tpu.memory_space<vmem>>
    %dma_start3A_82 = tpu.memref_squeeze %dma_start3A_81 : memref<1x50xi32, #tpu.memory_space<vmem>> -> memref<50xi32, #tpu.memory_space<vmem>>
    %dma_start3A_83 = arith.constant 0 : i32
    %dma_start3A_84 = arith.constant 0 : i32
    %dma_start3A_85 = tpu.memref_slice %arg2[%dma_start3A_83, %dma_start3A_84] : memref<100000x128xf32, #tpu.memory_space<hbm>> -> memref<100000x128xf32, #tpu.memory_space<hbm>>
    tpu.enqueue_indirect_dma source(%dma_start3A_85 : memref<100000x128xf32, #tpu.memory_space<hbm>>) target(%dma_start3A_79 : memref<50x128xf32, #tpu.memory_space<vmem>>) offsets(%dma_start3A_82 : memref<50xi32, #tpu.memory_space<vmem>>) semaphore(%arg18 : memref<!tpu.dma_semaphore, #tpu.memory_space<semaphore_mem>>)
    %dma_start3A_86 = arith.constant 7 : i32
    %dma_start3A_87 = arith.constant 1 : i32
    %dma_start3A_88 = arith.constant 0 : i32
    %dma_start3A_89 = arith.constant 0 : i32
    %dma_start3A_90 = tpu.memref_slice %arg10[%dma_start3A_87, %dma_start3A_88, %dma_start3A_89] : memref<2x50x128xf32, #tpu.memory_space<vmem>> -> memref<1x50x128xf32, #tpu.memory_space<vmem>>
    %dma_start3A_91 = tpu.memref_squeeze %dma_start3A_90 : memref<1x50x128xf32, #tpu.memory_space<vmem>> -> memref<50x128xf32, #tpu.memory_space<vmem>>
    %dma_start3A_92 = arith.constant 0 : i32
    %dma_start3A_93 = tpu.memref_slice %arg6[%dma_start3A_86, %dma_start3A_92] : memref<128x50xi32, #tpu.memory_space<vmem>> -> memref<1x50xi32, #tpu.memory_space<vmem>>
    %dma_start3A_94 = tpu.memref_squeeze %dma_start3A_93 : memref<1x50xi32, #tpu.memory_space<vmem>> -> memref<50xi32, #tpu.memory_space<vmem>>
    %dma_start3A_95 = arith.constant 0 : i32
    %dma_start3A_96 = arith.constant 0 : i32
    %dma_start3A_97 = tpu.memref_slice %arg2[%dma_start3A_95, %dma_start3A_96] : memref<100000x128xf32, #tpu.memory_space<hbm>> -> memref<100000x128xf32, #tpu.memory_space<hbm>>
    tpu.enqueue_indirect_dma source(%dma_start3A_97 : memref<100000x128xf32, #tpu.memory_space<hbm>>) target(%dma_start3A_91 : memref<50x128xf32, #tpu.memory_space<vmem>>) offsets(%dma_start3A_94 : memref<50xi32, #tpu.memory_space<vmem>>) semaphore(%arg18 : memref<!tpu.dma_semaphore, #tpu.memory_space<semaphore_mem>>)
    %scan3A = arith.constant 0 : i32
    %scan3A_98 = arith.constant 8 : i32
    %scan3A_99 = arith.addi %scan3A, %scan3A_98 : i32
    %scan3A_100 = arith.constant 1 : i32
    scf.for %scan3A_138 = %scan3A to %scan3A_99 step %scan3A_100  : i32 {
      %mul3A_139 = arith.constant 1 : i32
      %mul3A_140 = arith.muli %scan3A_138, %mul3A_139 : i32
      %add3A_141 = arith.constant 0 : i32
      %add3A_142 = arith.addi %add3A_141, %mul3A_140 : i32
      %mul3A_143 = arith.constant 8 : i32
      %mul3A_144 = arith.muli %add3A_142, %mul3A_143 : i32
      %add3A_145 = arith.constant 0 : i32
      %add3A_146 = arith.addi %mul3A_144, %add3A_145 : i32
      %mul3A_147 = arith.constant 2 : i32
      %mul3A_148 = arith.muli %add3A_146, %mul3A_147 : i32
      %add3A_149 = arith.constant 0 : i32
      %add3A_150 = arith.addi %mul3A_148, %add3A_149 : i32
      %dma_wait3A_151 = arith.constant 0 : i32
      %dma_wait3A_152 = arith.constant 0 : i32
      %dma_wait3A_153 = arith.constant 0 : i32
      %dma_wait3A_154 = tpu.memref_slice %arg7[%dma_wait3A_151, %dma_wait3A_152, %dma_wait3A_153] : memref<2x50x128xf32, #tpu.memory_space<vmem>> -> memref<1x50x128xf32, #tpu.memory_space<vmem>>
      %dma_wait3A_155 = tpu.memref_squeeze %dma_wait3A_154 : memref<1x50x128xf32, #tpu.memory_space<vmem>> -> memref<50x128xf32, #tpu.memory_space<vmem>>
      %dma_wait3A_156 = arith.constant 0 : i32
      %dma_wait3A_157 = tpu.memref_slice %arg6[%add3A_150, %dma_wait3A_156] : memref<128x50xi32, #tpu.memory_space<vmem>> -> memref<1x50xi32, #tpu.memory_space<vmem>>
      %dma_wait3A_158 = tpu.memref_squeeze %dma_wait3A_157 : memref<1x50xi32, #tpu.memory_space<vmem>> -> memref<50xi32, #tpu.memory_space<vmem>>
      %dma_wait3A_159 = arith.constant 0 : i32
      %dma_wait3A_160 = arith.constant 0 : i32
      %dma_wait3A_161 = tpu.memref_slice %arg2[%dma_wait3A_159, %dma_wait3A_160] : memref<100000x128xf32, #tpu.memory_space<hbm>> -> memref<100000x128xf32, #tpu.memory_space<hbm>>
      tpu.wait_indirect_dma semaphore(%arg15 : memref<!tpu.dma_semaphore, #tpu.memory_space<semaphore_mem>>) src(%dma_wait3A_161 : memref<100000x128xf32, #tpu.memory_space<hbm>>) dst(%dma_wait3A_155 : memref<50x128xf32, #tpu.memory_space<vmem>>)
      %mul3A_162 = arith.constant 2 : i32
      %mul3A_163 = arith.muli %add3A_146, %mul3A_162 : i32
      %add3A_164 = arith.constant 1 : i32
      %add3A_165 = arith.addi %mul3A_163, %add3A_164 : i32
      %dma_wait3A_166 = arith.constant 1 : i32
      %dma_wait3A_167 = arith.constant 0 : i32
      %dma_wait3A_168 = arith.constant 0 : i32
      %dma_wait3A_169 = tpu.memref_slice %arg7[%dma_wait3A_166, %dma_wait3A_167, %dma_wait3A_168] : memref<2x50x128xf32, #tpu.memory_space<vmem>> -> memref<1x50x128xf32, #tpu.memory_space<vmem>>
      %dma_wait3A_170 = tpu.memref_squeeze %dma_wait3A_169 : memref<1x50x128xf32, #tpu.memory_space<vmem>> -> memref<50x128xf32, #tpu.memory_space<vmem>>
      %dma_wait3A_171 = arith.constant 0 : i32
      %dma_wait3A_172 = tpu.memref_slice %arg6[%add3A_165, %dma_wait3A_171] : memref<128x50xi32, #tpu.memory_space<vmem>> -> memref<1x50xi32, #tpu.memory_space<vmem>>
      %dma_wait3A_173 = tpu.memref_squeeze %dma_wait3A_172 : memref<1x50xi32, #tpu.memory_space<vmem>> -> memref<50xi32, #tpu.memory_space<vmem>>
      %dma_wait3A_174 = arith.constant 0 : i32
      %dma_wait3A_175 = arith.constant 0 : i32
      %dma_wait3A_176 = tpu.memref_slice %arg2[%dma_wait3A_174, %dma_wait3A_175] : memref<100000x128xf32, #tpu.memory_space<hbm>> -> memref<100000x128xf32, #tpu.memory_space<hbm>>
      tpu.wait_indirect_dma semaphore(%arg15 : memref<!tpu.dma_semaphore, #tpu.memory_space<semaphore_mem>>) src(%dma_wait3A_176 : memref<100000x128xf32, #tpu.memory_space<hbm>>) dst(%dma_wait3A_170 : memref<50x128xf32, #tpu.memory_space<vmem>>)
      %mul3A_177 = arith.constant 2 : i32
      %mul3A_178 = arith.muli %add3A_146, %mul3A_177 : i32
      %add3A_179 = arith.addi %mul3A_2, %mul3A_178 : i32
      %dma_start3A_180 = arith.constant 0 : i32
      %dma_start3A_181 = arith.constant 0 : i32
      %dma_start3A_182 = tpu.memref_slice %arg5[%add3A_179, %dma_start3A_180, %dma_start3A_181] : memref<4096x50x128xf32, #tpu.memory_space<hbm>> -> memref<2x50x128xf32, #tpu.memory_space<hbm>>
      %dma_start3A_183 = arith.constant 0 : i32
      %dma_start3A_184 = arith.constant 0 : i32
      %dma_start3A_185 = tpu.memref_slice %arg5[%add3A_179, %dma_start3A_183, %dma_start3A_184] : memref<4096x50x128xf32, #tpu.memory_space<hbm>> -> memref<2x50x128xf32, #tpu.memory_space<hbm>>
      tpu.enqueue_dma source(%arg7 : memref<2x50x128xf32, #tpu.memory_space<vmem>>) target(%dma_start3A_185 : memref<2x50x128xf32, #tpu.memory_space<hbm>>) target_semaphore(%arg23 : memref<!tpu.dma_semaphore, #tpu.memory_space<semaphore_mem>>)
      %add3A_186 = arith.constant 4 : i32
      %add3A_187 = arith.addi %add3A_146, %add3A_186 : i32
      %ge3A = arith.constant 4 : i32
      %ge3A_188 = arith.cmpi sge, %add3A_146, %ge3A : i32
      %convert_element_type3A = arith.extui %ge3A_188 : i1 to i32
      %cond3A = arith.constant 0 : i32
      %cond3A_189 = arith.cmpi ne, %convert_element_type3A, %cond3A : i32
      scf.if %cond3A_189 {
        %sub3A = arith.constant 4 : i32
        %sub3A_579 = arith.subi %add3A_146, %sub3A : i32
        %mul3A_580 = arith.constant 2 : i32
        %mul3A_581 = arith.muli %sub3A_579, %mul3A_580 : i32
        %add3A_582 = arith.addi %mul3A_2, %mul3A_581 : i32
        %dma_wait3A_583 = arith.constant 0 : i32
        %dma_wait3A_584 = arith.constant 0 : i32
        %dma_wait3A_585 = tpu.memref_slice %arg5[%add3A_582, %dma_wait3A_583, %dma_wait3A_584] : memref<4096x50x128xf32, #tpu.memory_space<hbm>> -> memref<2x50x128xf32, #tpu.memory_space<hbm>>
        %dma_wait3A_586 = arith.constant 0 : i32
        %dma_wait3A_587 = arith.constant 0 : i32
        %dma_wait3A_588 = tpu.memref_slice %arg5[%add3A_582, %dma_wait3A_586, %dma_wait3A_587] : memref<4096x50x128xf32, #tpu.memory_space<hbm>> -> memref<2x50x128xf32, #tpu.memory_space<hbm>>
        tpu.wait_dma2 semaphore(%arg27 : memref<!tpu.dma_semaphore, #tpu.memory_space<semaphore_mem>>) src(%arg11 : memref<2x50x128xf32, #tpu.memory_space<vmem>>) dst(%dma_wait3A_588 : memref<2x50x128xf32, #tpu.memory_space<hbm>>)
      } else {
      }
      %lt3A = arith.constant 64 : i32
      %lt3A_190 = arith.cmpi slt, %add3A_187, %lt3A : i32
      %convert_element_type3A_191 = arith.extui %lt3A_190 : i1 to i32
      %cond3A_192 = arith.constant 0 : i32
      %cond3A_193 = arith.cmpi ne, %convert_element_type3A_191, %cond3A_192 : i32
      scf.if %cond3A_193 {
        %mul3A_579 = arith.constant 2 : i32
        %mul3A_580 = arith.muli %add3A_187, %mul3A_579 : i32
        %add3A_581 = arith.constant 0 : i32
        %add3A_582 = arith.addi %mul3A_580, %add3A_581 : i32
        %dma_start3A_583 = arith.constant 0 : i32
        %dma_start3A_584 = arith.constant 0 : i32
        %dma_start3A_585 = arith.constant 0 : i32
        %dma_start3A_586 = tpu.memref_slice %arg11[%dma_start3A_583, %dma_start3A_584, %dma_start3A_585] : memref<2x50x128xf32, #tpu.memory_space<vmem>> -> memref<1x50x128xf32, #tpu.memory_space<vmem>>
        %dma_start3A_587 = tpu.memref_squeeze %dma_start3A_586 : memref<1x50x128xf32, #tpu.memory_space<vmem>> -> memref<50x128xf32, #tpu.memory_space<vmem>>
        %dma_start3A_588 = arith.constant 0 : i32
        %dma_start3A_589 = tpu.memref_slice %arg6[%add3A_582, %dma_start3A_588] : memref<128x50xi32, #tpu.memory_space<vmem>> -> memref<1x50xi32, #tpu.memory_space<vmem>>
        %dma_start3A_590 = tpu.memref_squeeze %dma_start3A_589 : memref<1x50xi32, #tpu.memory_space<vmem>> -> memref<50xi32, #tpu.memory_space<vmem>>
        %dma_start3A_591 = arith.constant 0 : i32
        %dma_start3A_592 = arith.constant 0 : i32
        %dma_start3A_593 = tpu.memref_slice %arg2[%dma_start3A_591, %dma_start3A_592] : memref<100000x128xf32, #tpu.memory_space<hbm>> -> memref<100000x128xf32, #tpu.memory_space<hbm>>
        tpu.enqueue_indirect_dma source(%dma_start3A_593 : memref<100000x128xf32, #tpu.memory_space<hbm>>) target(%dma_start3A_587 : memref<50x128xf32, #tpu.memory_space<vmem>>) offsets(%dma_start3A_590 : memref<50xi32, #tpu.memory_space<vmem>>) semaphore(%arg19 : memref<!tpu.dma_semaphore, #tpu.memory_space<semaphore_mem>>)
        %mul3A_594 = arith.constant 2 : i32
        %mul3A_595 = arith.muli %add3A_187, %mul3A_594 : i32
        %add3A_596 = arith.constant 1 : i32
        %add3A_597 = arith.addi %mul3A_595, %add3A_596 : i32
        %dma_start3A_598 = arith.constant 1 : i32
        %dma_start3A_599 = arith.constant 0 : i32
        %dma_start3A_600 = arith.constant 0 : i32
        %dma_start3A_601 = tpu.memref_slice %arg11[%dma_start3A_598, %dma_start3A_599, %dma_start3A_600] : memref<2x50x128xf32, #tpu.memory_space<vmem>> -> memref<1x50x128xf32, #tpu.memory_space<vmem>>
        %dma_start3A_602 = tpu.memref_squeeze %dma_start3A_601 : memref<1x50x128xf32, #tpu.memory_space<vmem>> -> memref<50x128xf32, #tpu.memory_space<vmem>>
        %dma_start3A_603 = arith.constant 0 : i32
        %dma_start3A_604 = tpu.memref_slice %arg6[%add3A_597, %dma_start3A_603] : memref<128x50xi32, #tpu.memory_space<vmem>> -> memref<1x50xi32, #tpu.memory_space<vmem>>
        %dma_start3A_605 = tpu.memref_squeeze %dma_start3A_604 : memref<1x50xi32, #tpu.memory_space<vmem>> -> memref<50xi32, #tpu.memory_space<vmem>>
        %dma_start3A_606 = arith.constant 0 : i32
        %dma_start3A_607 = arith.constant 0 : i32
        %dma_start3A_608 = tpu.memref_slice %arg2[%dma_start3A_606, %dma_start3A_607] : memref<100000x128xf32, #tpu.memory_space<hbm>> -> memref<100000x128xf32, #tpu.memory_space<hbm>>
        tpu.enqueue_indirect_dma source(%dma_start3A_608 : memref<100000x128xf32, #tpu.memory_space<hbm>>) target(%dma_start3A_602 : memref<50x128xf32, #tpu.memory_space<vmem>>) offsets(%dma_start3A_605 : memref<50xi32, #tpu.memory_space<vmem>>) semaphore(%arg19 : memref<!tpu.dma_semaphore, #tpu.memory_space<semaphore_mem>>)
      } else {
      }
      %mul3A_194 = arith.constant 8 : i32
      %mul3A_195 = arith.muli %add3A_142, %mul3A_194 : i32
      %add3A_196 = arith.constant 1 : i32
      %add3A_197 = arith.addi %mul3A_195, %add3A_196 : i32
      %mul3A_198 = arith.constant 2 : i32
      %mul3A_199 = arith.muli %add3A_197, %mul3A_198 : i32
      %add3A_200 = arith.constant 0 : i32
      %add3A_201 = arith.addi %mul3A_199, %add3A_200 : i32
      %dma_wait3A_202 = arith.constant 0 : i32
      %dma_wait3A_203 = arith.constant 0 : i32
      %dma_wait3A_204 = arith.constant 0 : i32
      %dma_wait3A_205 = tpu.memref_slice %arg8[%dma_wait3A_202, %dma_wait3A_203, %dma_wait3A_204] : memref<2x50x128xf32, #tpu.memory_space<vmem>> -> memref<1x50x128xf32, #tpu.memory_space<vmem>>
      %dma_wait3A_206 = tpu.memref_squeeze %dma_wait3A_205 : memref<1x50x128xf32, #tpu.memory_space<vmem>> -> memref<50x128xf32, #tpu.memory_space<vmem>>
      %dma_wait3A_207 = arith.constant 0 : i32
      %dma_wait3A_208 = tpu.memref_slice %arg6[%add3A_201, %dma_wait3A_207] : memref<128x50xi32, #tpu.memory_space<vmem>> -> memref<1x50xi32, #tpu.memory_space<vmem>>
      %dma_wait3A_209 = tpu.memref_squeeze %dma_wait3A_208 : memref<1x50xi32, #tpu.memory_space<vmem>> -> memref<50xi32, #tpu.memory_space<vmem>>
      %dma_wait3A_210 = arith.constant 0 : i32
      %dma_wait3A_211 = arith.constant 0 : i32
      %dma_wait3A_212 = tpu.memref_slice %arg2[%dma_wait3A_210, %dma_wait3A_211] : memref<100000x128xf32, #tpu.memory_space<hbm>> -> memref<100000x128xf32, #tpu.memory_space<hbm>>
      tpu.wait_indirect_dma semaphore(%arg16 : memref<!tpu.dma_semaphore, #tpu.memory_space<semaphore_mem>>) src(%dma_wait3A_212 : memref<100000x128xf32, #tpu.memory_space<hbm>>) dst(%dma_wait3A_206 : memref<50x128xf32, #tpu.memory_space<vmem>>)
      %mul3A_213 = arith.constant 2 : i32
      %mul3A_214 = arith.muli %add3A_197, %mul3A_213 : i32
      %add3A_215 = arith.constant 1 : i32
      %add3A_216 = arith.addi %mul3A_214, %add3A_215 : i32
      %dma_wait3A_217 = arith.constant 1 : i32
      %dma_wait3A_218 = arith.constant 0 : i32
      %dma_wait3A_219 = arith.constant 0 : i32
      %dma_wait3A_220 = tpu.memref_slice %arg8[%dma_wait3A_217, %dma_wait3A_218, %dma_wait3A_219] : memref<2x50x128xf32, #tpu.memory_space<vmem>> -> memref<1x50x128xf32, #tpu.memory_space<vmem>>
      %dma_wait3A_221 = tpu.memref_squeeze %dma_wait3A_220 : memref<1x50x128xf32, #tpu.memory_space<vmem>> -> memref<50x128xf32, #tpu.memory_space<vmem>>
      %dma_wait3A_222 = arith.constant 0 : i32
      %dma_wait3A_223 = tpu.memref_slice %arg6[%add3A_216, %dma_wait3A_222] : memref<128x50xi32, #tpu.memory_space<vmem>> -> memref<1x50xi32, #tpu.memory_space<vmem>>
      %dma_wait3A_224 = tpu.memref_squeeze %dma_wait3A_223 : memref<1x50xi32, #tpu.memory_space<vmem>> -> memref<50xi32, #tpu.memory_space<vmem>>
      %dma_wait3A_225 = arith.constant 0 : i32
      %dma_wait3A_226 = arith.constant 0 : i32
      %dma_wait3A_227 = tpu.memref_slice %arg2[%dma_wait3A_225, %dma_wait3A_226] : memref<100000x128xf32, #tpu.memory_space<hbm>> -> memref<100000x128xf32, #tpu.memory_space<hbm>>
      tpu.wait_indirect_dma semaphore(%arg16 : memref<!tpu.dma_semaphore, #tpu.memory_space<semaphore_mem>>) src(%dma_wait3A_227 : memref<100000x128xf32, #tpu.memory_space<hbm>>) dst(%dma_wait3A_221 : memref<50x128xf32, #tpu.memory_space<vmem>>)
      %mul3A_228 = arith.constant 2 : i32
      %mul3A_229 = arith.muli %add3A_197, %mul3A_228 : i32
      %add3A_230 = arith.addi %mul3A_2, %mul3A_229 : i32
      %dma_start3A_231 = arith.constant 0 : i32
      %dma_start3A_232 = arith.constant 0 : i32
      %dma_start3A_233 = tpu.memref_slice %arg5[%add3A_230, %dma_start3A_231, %dma_start3A_232] : memref<4096x50x128xf32, #tpu.memory_space<hbm>> -> memref<2x50x128xf32, #tpu.memory_space<hbm>>
      %dma_start3A_234 = arith.constant 0 : i32
      %dma_start3A_235 = arith.constant 0 : i32
      %dma_start3A_236 = tpu.memref_slice %arg5[%add3A_230, %dma_start3A_234, %dma_start3A_235] : memref<4096x50x128xf32, #tpu.memory_space<hbm>> -> memref<2x50x128xf32, #tpu.memory_space<hbm>>
      tpu.enqueue_dma source(%arg8 : memref<2x50x128xf32, #tpu.memory_space<vmem>>) target(%dma_start3A_236 : memref<2x50x128xf32, #tpu.memory_space<hbm>>) target_semaphore(%arg24 : memref<!tpu.dma_semaphore, #tpu.memory_space<semaphore_mem>>)
      %add3A_237 = arith.constant 4 : i32
      %add3A_238 = arith.addi %add3A_197, %add3A_237 : i32
      %ge3A_239 = arith.constant 4 : i32
      %ge3A_240 = arith.cmpi sge, %add3A_197, %ge3A_239 : i32
      %convert_element_type3A_241 = arith.extui %ge3A_240 : i1 to i32
      %cond3A_242 = arith.constant 0 : i32
      %cond3A_243 = arith.cmpi ne, %convert_element_type3A_241, %cond3A_242 : i32
      scf.if %cond3A_243 {
        %sub3A = arith.constant 4 : i32
        %sub3A_579 = arith.subi %add3A_197, %sub3A : i32
        %mul3A_580 = arith.constant 2 : i32
        %mul3A_581 = arith.muli %sub3A_579, %mul3A_580 : i32
        %add3A_582 = arith.addi %mul3A_2, %mul3A_581 : i32
        %dma_wait3A_583 = arith.constant 0 : i32
        %dma_wait3A_584 = arith.constant 0 : i32
        %dma_wait3A_585 = tpu.memref_slice %arg5[%add3A_582, %dma_wait3A_583, %dma_wait3A_584] : memref<4096x50x128xf32, #tpu.memory_space<hbm>> -> memref<2x50x128xf32, #tpu.memory_space<hbm>>
        %dma_wait3A_586 = arith.constant 0 : i32
        %dma_wait3A_587 = arith.constant 0 : i32
        %dma_wait3A_588 = tpu.memref_slice %arg5[%add3A_582, %dma_wait3A_586, %dma_wait3A_587] : memref<4096x50x128xf32, #tpu.memory_space<hbm>> -> memref<2x50x128xf32, #tpu.memory_space<hbm>>
        tpu.wait_dma2 semaphore(%arg28 : memref<!tpu.dma_semaphore, #tpu.memory_space<semaphore_mem>>) src(%arg12 : memref<2x50x128xf32, #tpu.memory_space<vmem>>) dst(%dma_wait3A_588 : memref<2x50x128xf32, #tpu.memory_space<hbm>>)
      } else {
      }
      %lt3A_244 = arith.constant 64 : i32
      %lt3A_245 = arith.cmpi slt, %add3A_238, %lt3A_244 : i32
      %convert_element_type3A_246 = arith.extui %lt3A_245 : i1 to i32
      %cond3A_247 = arith.constant 0 : i32
      %cond3A_248 = arith.cmpi ne, %convert_element_type3A_246, %cond3A_247 : i32
      scf.if %cond3A_248 {
        %mul3A_579 = arith.constant 2 : i32
        %mul3A_580 = arith.muli %add3A_238, %mul3A_579 : i32
        %add3A_581 = arith.constant 0 : i32
        %add3A_582 = arith.addi %mul3A_580, %add3A_581 : i32
        %dma_start3A_583 = arith.constant 0 : i32
        %dma_start3A_584 = arith.constant 0 : i32
        %dma_start3A_585 = arith.constant 0 : i32
        %dma_start3A_586 = tpu.memref_slice %arg12[%dma_start3A_583, %dma_start3A_584, %dma_start3A_585] : memref<2x50x128xf32, #tpu.memory_space<vmem>> -> memref<1x50x128xf32, #tpu.memory_space<vmem>>
        %dma_start3A_587 = tpu.memref_squeeze %dma_start3A_586 : memref<1x50x128xf32, #tpu.memory_space<vmem>> -> memref<50x128xf32, #tpu.memory_space<vmem>>
        %dma_start3A_588 = arith.constant 0 : i32
        %dma_start3A_589 = tpu.memref_slice %arg6[%add3A_582, %dma_start3A_588] : memref<128x50xi32, #tpu.memory_space<vmem>> -> memref<1x50xi32, #tpu.memory_space<vmem>>
        %dma_start3A_590 = tpu.memref_squeeze %dma_start3A_589 : memref<1x50xi32, #tpu.memory_space<vmem>> -> memref<50xi32, #tpu.memory_space<vmem>>
        %dma_start3A_591 = arith.constant 0 : i32
        %dma_start3A_592 = arith.constant 0 : i32
        %dma_start3A_593 = tpu.memref_slice %arg2[%dma_start3A_591, %dma_start3A_592] : memref<100000x128xf32, #tpu.memory_space<hbm>> -> memref<100000x128xf32, #tpu.memory_space<hbm>>
        tpu.enqueue_indirect_dma source(%dma_start3A_593 : memref<100000x128xf32, #tpu.memory_space<hbm>>) target(%dma_start3A_587 : memref<50x128xf32, #tpu.memory_space<vmem>>) offsets(%dma_start3A_590 : memref<50xi32, #tpu.memory_space<vmem>>) semaphore(%arg20 : memref<!tpu.dma_semaphore, #tpu.memory_space<semaphore_mem>>)
        %mul3A_594 = arith.constant 2 : i32
        %mul3A_595 = arith.muli %add3A_238, %mul3A_594 : i32
        %add3A_596 = arith.constant 1 : i32
        %add3A_597 = arith.addi %mul3A_595, %add3A_596 : i32
        %dma_start3A_598 = arith.constant 1 : i32
        %dma_start3A_599 = arith.constant 0 : i32
        %dma_start3A_600 = arith.constant 0 : i32
        %dma_start3A_601 = tpu.memref_slice %arg12[%dma_start3A_598, %dma_start3A_599, %dma_start3A_600] : memref<2x50x128xf32, #tpu.memory_space<vmem>> -> memref<1x50x128xf32, #tpu.memory_space<vmem>>
        %dma_start3A_602 = tpu.memref_squeeze %dma_start3A_601 : memref<1x50x128xf32, #tpu.memory_space<vmem>> -> memref<50x128xf32, #tpu.memory_space<vmem>>
        %dma_start3A_603 = arith.constant 0 : i32
        %dma_start3A_604 = tpu.memref_slice %arg6[%add3A_597, %dma_start3A_603] : memref<128x50xi32, #tpu.memory_space<vmem>> -> memref<1x50xi32, #tpu.memory_space<vmem>>
        %dma_start3A_605 = tpu.memref_squeeze %dma_start3A_604 : memref<1x50xi32, #tpu.memory_space<vmem>> -> memref<50xi32, #tpu.memory_space<vmem>>
        %dma_start3A_606 = arith.constant 0 : i32
        %dma_start3A_607 = arith.constant 0 : i32
        %dma_start3A_608 = tpu.memref_slice %arg2[%dma_start3A_606, %dma_start3A_607] : memref<100000x128xf32, #tpu.memory_space<hbm>> -> memref<100000x128xf32, #tpu.memory_space<hbm>>
        tpu.enqueue_indirect_dma source(%dma_start3A_608 : memref<100000x128xf32, #tpu.memory_space<hbm>>) target(%dma_start3A_602 : memref<50x128xf32, #tpu.memory_space<vmem>>) offsets(%dma_start3A_605 : memref<50xi32, #tpu.memory_space<vmem>>) semaphore(%arg20 : memref<!tpu.dma_semaphore, #tpu.memory_space<semaphore_mem>>)
      } else {
      }
      %mul3A_249 = arith.constant 8 : i32
      %mul3A_250 = arith.muli %add3A_142, %mul3A_249 : i32
      %add3A_251 = arith.constant 2 : i32
      %add3A_252 = arith.addi %mul3A_250, %add3A_251 : i32
      %mul3A_253 = arith.constant 2 : i32
      %mul3A_254 = arith.muli %add3A_252, %mul3A_253 : i32
      %add3A_255 = arith.constant 0 : i32
      %add3A_256 = arith.addi %mul3A_254, %add3A_255 : i32
      %dma_wait3A_257 = arith.constant 0 : i32
      %dma_wait3A_258 = arith.constant 0 : i32
      %dma_wait3A_259 = arith.constant 0 : i32
      %dma_wait3A_260 = tpu.memref_slice %arg9[%dma_wait3A_257, %dma_wait3A_258, %dma_wait3A_259] : memref<2x50x128xf32, #tpu.memory_space<vmem>> -> memref<1x50x128xf32, #tpu.memory_space<vmem>>
      %dma_wait3A_261 = tpu.memref_squeeze %dma_wait3A_260 : memref<1x50x128xf32, #tpu.memory_space<vmem>> -> memref<50x128xf32, #tpu.memory_space<vmem>>
      %dma_wait3A_262 = arith.constant 0 : i32
      %dma_wait3A_263 = tpu.memref_slice %arg6[%add3A_256, %dma_wait3A_262] : memref<128x50xi32, #tpu.memory_space<vmem>> -> memref<1x50xi32, #tpu.memory_space<vmem>>
      %dma_wait3A_264 = tpu.memref_squeeze %dma_wait3A_263 : memref<1x50xi32, #tpu.memory_space<vmem>> -> memref<50xi32, #tpu.memory_space<vmem>>
      %dma_wait3A_265 = arith.constant 0 : i32
      %dma_wait3A_266 = arith.constant 0 : i32
      %dma_wait3A_267 = tpu.memref_slice %arg2[%dma_wait3A_265, %dma_wait3A_266] : memref<100000x128xf32, #tpu.memory_space<hbm>> -> memref<100000x128xf32, #tpu.memory_space<hbm>>
      tpu.wait_indirect_dma semaphore(%arg17 : memref<!tpu.dma_semaphore, #tpu.memory_space<semaphore_mem>>) src(%dma_wait3A_267 : memref<100000x128xf32, #tpu.memory_space<hbm>>) dst(%dma_wait3A_261 : memref<50x128xf32, #tpu.memory_space<vmem>>)
      %mul3A_268 = arith.constant 2 : i32
      %mul3A_269 = arith.muli %add3A_252, %mul3A_268 : i32
      %add3A_270 = arith.constant 1 : i32
      %add3A_271 = arith.addi %mul3A_269, %add3A_270 : i32
      %dma_wait3A_272 = arith.constant 1 : i32
      %dma_wait3A_273 = arith.constant 0 : i32
      %dma_wait3A_274 = arith.constant 0 : i32
      %dma_wait3A_275 = tpu.memref_slice %arg9[%dma_wait3A_272, %dma_wait3A_273, %dma_wait3A_274] : memref<2x50x128xf32, #tpu.memory_space<vmem>> -> memref<1x50x128xf32, #tpu.memory_space<vmem>>
      %dma_wait3A_276 = tpu.memref_squeeze %dma_wait3A_275 : memref<1x50x128xf32, #tpu.memory_space<vmem>> -> memref<50x128xf32, #tpu.memory_space<vmem>>
      %dma_wait3A_277 = arith.constant 0 : i32
      %dma_wait3A_278 = tpu.memref_slice %arg6[%add3A_271, %dma_wait3A_277] : memref<128x50xi32, #tpu.memory_space<vmem>> -> memref<1x50xi32, #tpu.memory_space<vmem>>
      %dma_wait3A_279 = tpu.memref_squeeze %dma_wait3A_278 : memref<1x50xi32, #tpu.memory_space<vmem>> -> memref<50xi32, #tpu.memory_space<vmem>>
      %dma_wait3A_280 = arith.constant 0 : i32
      %dma_wait3A_281 = arith.constant 0 : i32
      %dma_wait3A_282 = tpu.memref_slice %arg2[%dma_wait3A_280, %dma_wait3A_281] : memref<100000x128xf32, #tpu.memory_space<hbm>> -> memref<100000x128xf32, #tpu.memory_space<hbm>>
      tpu.wait_indirect_dma semaphore(%arg17 : memref<!tpu.dma_semaphore, #tpu.memory_space<semaphore_mem>>) src(%dma_wait3A_282 : memref<100000x128xf32, #tpu.memory_space<hbm>>) dst(%dma_wait3A_276 : memref<50x128xf32, #tpu.memory_space<vmem>>)
      %mul3A_283 = arith.constant 2 : i32
      %mul3A_284 = arith.muli %add3A_252, %mul3A_283 : i32
      %add3A_285 = arith.addi %mul3A_2, %mul3A_284 : i32
      %dma_start3A_286 = arith.constant 0 : i32
      %dma_start3A_287 = arith.constant 0 : i32
      %dma_start3A_288 = tpu.memref_slice %arg5[%add3A_285, %dma_start3A_286, %dma_start3A_287] : memref<4096x50x128xf32, #tpu.memory_space<hbm>> -> memref<2x50x128xf32, #tpu.memory_space<hbm>>
      %dma_start3A_289 = arith.constant 0 : i32
      %dma_start3A_290 = arith.constant 0 : i32
      %dma_start3A_291 = tpu.memref_slice %arg5[%add3A_285, %dma_start3A_289, %dma_start3A_290] : memref<4096x50x128xf32, #tpu.memory_space<hbm>> -> memref<2x50x128xf32, #tpu.memory_space<hbm>>
      tpu.enqueue_dma source(%arg9 : memref<2x50x128xf32, #tpu.memory_space<vmem>>) target(%dma_start3A_291 : memref<2x50x128xf32, #tpu.memory_space<hbm>>) target_semaphore(%arg25 : memref<!tpu.dma_semaphore, #tpu.memory_space<semaphore_mem>>)
      %add3A_292 = arith.constant 4 : i32
      %add3A_293 = arith.addi %add3A_252, %add3A_292 : i32
      %ge3A_294 = arith.constant 4 : i32
      %ge3A_295 = arith.cmpi sge, %add3A_252, %ge3A_294 : i32
      %convert_element_type3A_296 = arith.extui %ge3A_295 : i1 to i32
      %cond3A_297 = arith.constant 0 : i32
      %cond3A_298 = arith.cmpi ne, %convert_element_type3A_296, %cond3A_297 : i32
      scf.if %cond3A_298 {
        %sub3A = arith.constant 4 : i32
        %sub3A_579 = arith.subi %add3A_252, %sub3A : i32
        %mul3A_580 = arith.constant 2 : i32
        %mul3A_581 = arith.muli %sub3A_579, %mul3A_580 : i32
        %add3A_582 = arith.addi %mul3A_2, %mul3A_581 : i32
        %dma_wait3A_583 = arith.constant 0 : i32
        %dma_wait3A_584 = arith.constant 0 : i32
        %dma_wait3A_585 = tpu.memref_slice %arg5[%add3A_582, %dma_wait3A_583, %dma_wait3A_584] : memref<4096x50x128xf32, #tpu.memory_space<hbm>> -> memref<2x50x128xf32, #tpu.memory_space<hbm>>
        %dma_wait3A_586 = arith.constant 0 : i32
        %dma_wait3A_587 = arith.constant 0 : i32
        %dma_wait3A_588 = tpu.memref_slice %arg5[%add3A_582, %dma_wait3A_586, %dma_wait3A_587] : memref<4096x50x128xf32, #tpu.memory_space<hbm>> -> memref<2x50x128xf32, #tpu.memory_space<hbm>>
        tpu.wait_dma2 semaphore(%arg29 : memref<!tpu.dma_semaphore, #tpu.memory_space<semaphore_mem>>) src(%arg13 : memref<2x50x128xf32, #tpu.memory_space<vmem>>) dst(%dma_wait3A_588 : memref<2x50x128xf32, #tpu.memory_space<hbm>>)
      } else {
      }
      %lt3A_299 = arith.constant 64 : i32
      %lt3A_300 = arith.cmpi slt, %add3A_293, %lt3A_299 : i32
      %convert_element_type3A_301 = arith.extui %lt3A_300 : i1 to i32
      %cond3A_302 = arith.constant 0 : i32
      %cond3A_303 = arith.cmpi ne, %convert_element_type3A_301, %cond3A_302 : i32
      scf.if %cond3A_303 {
        %mul3A_579 = arith.constant 2 : i32
        %mul3A_580 = arith.muli %add3A_293, %mul3A_579 : i32
        %add3A_581 = arith.constant 0 : i32
        %add3A_582 = arith.addi %mul3A_580, %add3A_581 : i32
        %dma_start3A_583 = arith.constant 0 : i32
        %dma_start3A_584 = arith.constant 0 : i32
        %dma_start3A_585 = arith.constant 0 : i32
        %dma_start3A_586 = tpu.memref_slice %arg13[%dma_start3A_583, %dma_start3A_584, %dma_start3A_585] : memref<2x50x128xf32, #tpu.memory_space<vmem>> -> memref<1x50x128xf32, #tpu.memory_space<vmem>>
        %dma_start3A_587 = tpu.memref_squeeze %dma_start3A_586 : memref<1x50x128xf32, #tpu.memory_space<vmem>> -> memref<50x128xf32, #tpu.memory_space<vmem>>
        %dma_start3A_588 = arith.constant 0 : i32
        %dma_start3A_589 = tpu.memref_slice %arg6[%add3A_582, %dma_start3A_588] : memref<128x50xi32, #tpu.memory_space<vmem>> -> memref<1x50xi32, #tpu.memory_space<vmem>>
        %dma_start3A_590 = tpu.memref_squeeze %dma_start3A_589 : memref<1x50xi32, #tpu.memory_space<vmem>> -> memref<50xi32, #tpu.memory_space<vmem>>
        %dma_start3A_591 = arith.constant 0 : i32
        %dma_start3A_592 = arith.constant 0 : i32
        %dma_start3A_593 = tpu.memref_slice %arg2[%dma_start3A_591, %dma_start3A_592] : memref<100000x128xf32, #tpu.memory_space<hbm>> -> memref<100000x128xf32, #tpu.memory_space<hbm>>
        tpu.enqueue_indirect_dma source(%dma_start3A_593 : memref<100000x128xf32, #tpu.memory_space<hbm>>) target(%dma_start3A_587 : memref<50x128xf32, #tpu.memory_space<vmem>>) offsets(%dma_start3A_590 : memref<50xi32, #tpu.memory_space<vmem>>) semaphore(%arg21 : memref<!tpu.dma_semaphore, #tpu.memory_space<semaphore_mem>>)
        %mul3A_594 = arith.constant 2 : i32
        %mul3A_595 = arith.muli %add3A_293, %mul3A_594 : i32
        %add3A_596 = arith.constant 1 : i32
        %add3A_597 = arith.addi %mul3A_595, %add3A_596 : i32
        %dma_start3A_598 = arith.constant 1 : i32
        %dma_start3A_599 = arith.constant 0 : i32
        %dma_start3A_600 = arith.constant 0 : i32
        %dma_start3A_601 = tpu.memref_slice %arg13[%dma_start3A_598, %dma_start3A_599, %dma_start3A_600] : memref<2x50x128xf32, #tpu.memory_space<vmem>> -> memref<1x50x128xf32, #tpu.memory_space<vmem>>
        %dma_start3A_602 = tpu.memref_squeeze %dma_start3A_601 : memref<1x50x128xf32, #tpu.memory_space<vmem>> -> memref<50x128xf32, #tpu.memory_space<vmem>>
        %dma_start3A_603 = arith.constant 0 : i32
        %dma_start3A_604 = tpu.memref_slice %arg6[%add3A_597, %dma_start3A_603] : memref<128x50xi32, #tpu.memory_space<vmem>> -> memref<1x50xi32, #tpu.memory_space<vmem>>
        %dma_start3A_605 = tpu.memref_squeeze %dma_start3A_604 : memref<1x50xi32, #tpu.memory_space<vmem>> -> memref<50xi32, #tpu.memory_space<vmem>>
        %dma_start3A_606 = arith.constant 0 : i32
        %dma_start3A_607 = arith.constant 0 : i32
        %dma_start3A_608 = tpu.memref_slice %arg2[%dma_start3A_606, %dma_start3A_607] : memref<100000x128xf32, #tpu.memory_space<hbm>> -> memref<100000x128xf32, #tpu.memory_space<hbm>>
        tpu.enqueue_indirect_dma source(%dma_start3A_608 : memref<100000x128xf32, #tpu.memory_space<hbm>>) target(%dma_start3A_602 : memref<50x128xf32, #tpu.memory_space<vmem>>) offsets(%dma_start3A_605 : memref<50xi32, #tpu.memory_space<vmem>>) semaphore(%arg21 : memref<!tpu.dma_semaphore, #tpu.memory_space<semaphore_mem>>)
      } else {
      }
      %mul3A_304 = arith.constant 8 : i32
      %mul3A_305 = arith.muli %add3A_142, %mul3A_304 : i32
      %add3A_306 = arith.constant 3 : i32
      %add3A_307 = arith.addi %mul3A_305, %add3A_306 : i32
      %mul3A_308 = arith.constant 2 : i32
      %mul3A_309 = arith.muli %add3A_307, %mul3A_308 : i32
      %add3A_310 = arith.constant 0 : i32
      %add3A_311 = arith.addi %mul3A_309, %add3A_310 : i32
      %dma_wait3A_312 = arith.constant 0 : i32
      %dma_wait3A_313 = arith.constant 0 : i32
      %dma_wait3A_314 = arith.constant 0 : i32
      %dma_wait3A_315 = tpu.memref_slice %arg10[%dma_wait3A_312, %dma_wait3A_313, %dma_wait3A_314] : memref<2x50x128xf32, #tpu.memory_space<vmem>> -> memref<1x50x128xf32, #tpu.memory_space<vmem>>
      %dma_wait3A_316 = tpu.memref_squeeze %dma_wait3A_315 : memref<1x50x128xf32, #tpu.memory_space<vmem>> -> memref<50x128xf32, #tpu.memory_space<vmem>>
      %dma_wait3A_317 = arith.constant 0 : i32
      %dma_wait3A_318 = tpu.memref_slice %arg6[%add3A_311, %dma_wait3A_317] : memref<128x50xi32, #tpu.memory_space<vmem>> -> memref<1x50xi32, #tpu.memory_space<vmem>>
      %dma_wait3A_319 = tpu.memref_squeeze %dma_wait3A_318 : memref<1x50xi32, #tpu.memory_space<vmem>> -> memref<50xi32, #tpu.memory_space<vmem>>
      %dma_wait3A_320 = arith.constant 0 : i32
      %dma_wait3A_321 = arith.constant 0 : i32
      %dma_wait3A_322 = tpu.memref_slice %arg2[%dma_wait3A_320, %dma_wait3A_321] : memref<100000x128xf32, #tpu.memory_space<hbm>> -> memref<100000x128xf32, #tpu.memory_space<hbm>>
      tpu.wait_indirect_dma semaphore(%arg18 : memref<!tpu.dma_semaphore, #tpu.memory_space<semaphore_mem>>) src(%dma_wait3A_322 : memref<100000x128xf32, #tpu.memory_space<hbm>>) dst(%dma_wait3A_316 : memref<50x128xf32, #tpu.memory_space<vmem>>)
      %mul3A_323 = arith.constant 2 : i32
      %mul3A_324 = arith.muli %add3A_307, %mul3A_323 : i32
      %add3A_325 = arith.constant 1 : i32
      %add3A_326 = arith.addi %mul3A_324, %add3A_325 : i32
      %dma_wait3A_327 = arith.constant 1 : i32
      %dma_wait3A_328 = arith.constant 0 : i32
      %dma_wait3A_329 = arith.constant 0 : i32
      %dma_wait3A_330 = tpu.memref_slice %arg10[%dma_wait3A_327, %dma_wait3A_328, %dma_wait3A_329] : memref<2x50x128xf32, #tpu.memory_space<vmem>> -> memref<1x50x128xf32, #tpu.memory_space<vmem>>
      %dma_wait3A_331 = tpu.memref_squeeze %dma_wait3A_330 : memref<1x50x128xf32, #tpu.memory_space<vmem>> -> memref<50x128xf32, #tpu.memory_space<vmem>>
      %dma_wait3A_332 = arith.constant 0 : i32
      %dma_wait3A_333 = tpu.memref_slice %arg6[%add3A_326, %dma_wait3A_332] : memref<128x50xi32, #tpu.memory_space<vmem>> -> memref<1x50xi32, #tpu.memory_space<vmem>>
      %dma_wait3A_334 = tpu.memref_squeeze %dma_wait3A_333 : memref<1x50xi32, #tpu.memory_space<vmem>> -> memref<50xi32, #tpu.memory_space<vmem>>
      %dma_wait3A_335 = arith.constant 0 : i32
      %dma_wait3A_336 = arith.constant 0 : i32
      %dma_wait3A_337 = tpu.memref_slice %arg2[%dma_wait3A_335, %dma_wait3A_336] : memref<100000x128xf32, #tpu.memory_space<hbm>> -> memref<100000x128xf32, #tpu.memory_space<hbm>>
      tpu.wait_indirect_dma semaphore(%arg18 : memref<!tpu.dma_semaphore, #tpu.memory_space<semaphore_mem>>) src(%dma_wait3A_337 : memref<100000x128xf32, #tpu.memory_space<hbm>>) dst(%dma_wait3A_331 : memref<50x128xf32, #tpu.memory_space<vmem>>)
      %mul3A_338 = arith.constant 2 : i32
      %mul3A_339 = arith.muli %add3A_307, %mul3A_338 : i32
      %add3A_340 = arith.addi %mul3A_2, %mul3A_339 : i32
      %dma_start3A_341 = arith.constant 0 : i32
      %dma_start3A_342 = arith.constant 0 : i32
      %dma_start3A_343 = tpu.memref_slice %arg5[%add3A_340, %dma_start3A_341, %dma_start3A_342] : memref<4096x50x128xf32, #tpu.memory_space<hbm>> -> memref<2x50x128xf32, #tpu.memory_space<hbm>>
      %dma_start3A_344 = arith.constant 0 : i32
      %dma_start3A_345 = arith.constant 0 : i32
      %dma_start3A_346 = tpu.memref_slice %arg5[%add3A_340, %dma_start3A_344, %dma_start3A_345] : memref<4096x50x128xf32, #tpu.memory_space<hbm>> -> memref<2x50x128xf32, #tpu.memory_space<hbm>>
      tpu.enqueue_dma source(%arg10 : memref<2x50x128xf32, #tpu.memory_space<vmem>>) target(%dma_start3A_346 : memref<2x50x128xf32, #tpu.memory_space<hbm>>) target_semaphore(%arg26 : memref<!tpu.dma_semaphore, #tpu.memory_space<semaphore_mem>>)
      %add3A_347 = arith.constant 4 : i32
      %add3A_348 = arith.addi %add3A_307, %add3A_347 : i32
      %ge3A_349 = arith.constant 4 : i32
      %ge3A_350 = arith.cmpi sge, %add3A_307, %ge3A_349 : i32
      %convert_element_type3A_351 = arith.extui %ge3A_350 : i1 to i32
      %cond3A_352 = arith.constant 0 : i32
      %cond3A_353 = arith.cmpi ne, %convert_element_type3A_351, %cond3A_352 : i32
      scf.if %cond3A_353 {
        %sub3A = arith.constant 4 : i32
        %sub3A_579 = arith.subi %add3A_307, %sub3A : i32
        %mul3A_580 = arith.constant 2 : i32
        %mul3A_581 = arith.muli %sub3A_579, %mul3A_580 : i32
        %add3A_582 = arith.addi %mul3A_2, %mul3A_581 : i32
        %dma_wait3A_583 = arith.constant 0 : i32
        %dma_wait3A_584 = arith.constant 0 : i32
        %dma_wait3A_585 = tpu.memref_slice %arg5[%add3A_582, %dma_wait3A_583, %dma_wait3A_584] : memref<4096x50x128xf32, #tpu.memory_space<hbm>> -> memref<2x50x128xf32, #tpu.memory_space<hbm>>
        %dma_wait3A_586 = arith.constant 0 : i32
        %dma_wait3A_587 = arith.constant 0 : i32
        %dma_wait3A_588 = tpu.memref_slice %arg5[%add3A_582, %dma_wait3A_586, %dma_wait3A_587] : memref<4096x50x128xf32, #tpu.memory_space<hbm>> -> memref<2x50x128xf32, #tpu.memory_space<hbm>>
        tpu.wait_dma2 semaphore(%arg30 : memref<!tpu.dma_semaphore, #tpu.memory_space<semaphore_mem>>) src(%arg14 : memref<2x50x128xf32, #tpu.memory_space<vmem>>) dst(%dma_wait3A_588 : memref<2x50x128xf32, #tpu.memory_space<hbm>>)
      } else {
      }
      %lt3A_354 = arith.constant 64 : i32
      %lt3A_355 = arith.cmpi slt, %add3A_348, %lt3A_354 : i32
      %convert_element_type3A_356 = arith.extui %lt3A_355 : i1 to i32
      %cond3A_357 = arith.constant 0 : i32
      %cond3A_358 = arith.cmpi ne, %convert_element_type3A_356, %cond3A_357 : i32
      scf.if %cond3A_358 {
        %mul3A_579 = arith.constant 2 : i32
        %mul3A_580 = arith.muli %add3A_348, %mul3A_579 : i32
        %add3A_581 = arith.constant 0 : i32
        %add3A_582 = arith.addi %mul3A_580, %add3A_581 : i32
        %dma_start3A_583 = arith.constant 0 : i32
        %dma_start3A_584 = arith.constant 0 : i32
        %dma_start3A_585 = arith.constant 0 : i32
        %dma_start3A_586 = tpu.memref_slice %arg14[%dma_start3A_583, %dma_start3A_584, %dma_start3A_585] : memref<2x50x128xf32, #tpu.memory_space<vmem>> -> memref<1x50x128xf32, #tpu.memory_space<vmem>>
        %dma_start3A_587 = tpu.memref_squeeze %dma_start3A_586 : memref<1x50x128xf32, #tpu.memory_space<vmem>> -> memref<50x128xf32, #tpu.memory_space<vmem>>
        %dma_start3A_588 = arith.constant 0 : i32
        %dma_start3A_589 = tpu.memref_slice %arg6[%add3A_582, %dma_start3A_588] : memref<128x50xi32, #tpu.memory_space<vmem>> -> memref<1x50xi32, #tpu.memory_space<vmem>>
        %dma_start3A_590 = tpu.memref_squeeze %dma_start3A_589 : memref<1x50xi32, #tpu.memory_space<vmem>> -> memref<50xi32, #tpu.memory_space<vmem>>
        %dma_start3A_591 = arith.constant 0 : i32
        %dma_start3A_592 = arith.constant 0 : i32
        %dma_start3A_593 = tpu.memref_slice %arg2[%dma_start3A_591, %dma_start3A_592] : memref<100000x128xf32, #tpu.memory_space<hbm>> -> memref<100000x128xf32, #tpu.memory_space<hbm>>
        tpu.enqueue_indirect_dma source(%dma_start3A_593 : memref<100000x128xf32, #tpu.memory_space<hbm>>) target(%dma_start3A_587 : memref<50x128xf32, #tpu.memory_space<vmem>>) offsets(%dma_start3A_590 : memref<50xi32, #tpu.memory_space<vmem>>) semaphore(%arg22 : memref<!tpu.dma_semaphore, #tpu.memory_space<semaphore_mem>>)
        %mul3A_594 = arith.constant 2 : i32
        %mul3A_595 = arith.muli %add3A_348, %mul3A_594 : i32
        %add3A_596 = arith.constant 1 : i32
        %add3A_597 = arith.addi %mul3A_595, %add3A_596 : i32
        %dma_start3A_598 = arith.constant 1 : i32
        %dma_start3A_599 = arith.constant 0 : i32
        %dma_start3A_600 = arith.constant 0 : i32
        %dma_start3A_601 = tpu.memref_slice %arg14[%dma_start3A_598, %dma_start3A_599, %dma_start3A_600] : memref<2x50x128xf32, #tpu.memory_space<vmem>> -> memref<1x50x128xf32, #tpu.memory_space<vmem>>
        %dma_start3A_602 = tpu.memref_squeeze %dma_start3A_601 : memref<1x50x128xf32, #tpu.memory_space<vmem>> -> memref<50x128xf32, #tpu.memory_space<vmem>>
        %dma_start3A_603 = arith.constant 0 : i32
        %dma_start3A_604 = tpu.memref_slice %arg6[%add3A_597, %dma_start3A_603] : memref<128x50xi32, #tpu.memory_space<vmem>> -> memref<1x50xi32, #tpu.memory_space<vmem>>
        %dma_start3A_605 = tpu.memref_squeeze %dma_start3A_604 : memref<1x50xi32, #tpu.memory_space<vmem>> -> memref<50xi32, #tpu.memory_space<vmem>>
        %dma_start3A_606 = arith.constant 0 : i32
        %dma_start3A_607 = arith.constant 0 : i32
        %dma_start3A_608 = tpu.memref_slice %arg2[%dma_start3A_606, %dma_start3A_607] : memref<100000x128xf32, #tpu.memory_space<hbm>> -> memref<100000x128xf32, #tpu.memory_space<hbm>>
        tpu.enqueue_indirect_dma source(%dma_start3A_608 : memref<100000x128xf32, #tpu.memory_space<hbm>>) target(%dma_start3A_602 : memref<50x128xf32, #tpu.memory_space<vmem>>) offsets(%dma_start3A_605 : memref<50xi32, #tpu.memory_space<vmem>>) semaphore(%arg22 : memref<!tpu.dma_semaphore, #tpu.memory_space<semaphore_mem>>)
      } else {
      }
      %mul3A_359 = arith.constant 8 : i32
      %mul3A_360 = arith.muli %add3A_142, %mul3A_359 : i32
      %add3A_361 = arith.constant 4 : i32
      %add3A_362 = arith.addi %mul3A_360, %add3A_361 : i32
      %mul3A_363 = arith.constant 2 : i32
      %mul3A_364 = arith.muli %add3A_362, %mul3A_363 : i32
      %add3A_365 = arith.constant 0 : i32
      %add3A_366 = arith.addi %mul3A_364, %add3A_365 : i32
      %dma_wait3A_367 = arith.constant 0 : i32
      %dma_wait3A_368 = arith.constant 0 : i32
      %dma_wait3A_369 = arith.constant 0 : i32
      %dma_wait3A_370 = tpu.memref_slice %arg11[%dma_wait3A_367, %dma_wait3A_368, %dma_wait3A_369] : memref<2x50x128xf32, #tpu.memory_space<vmem>> -> memref<1x50x128xf32, #tpu.memory_space<vmem>>
      %dma_wait3A_371 = tpu.memref_squeeze %dma_wait3A_370 : memref<1x50x128xf32, #tpu.memory_space<vmem>> -> memref<50x128xf32, #tpu.memory_space<vmem>>
      %dma_wait3A_372 = arith.constant 0 : i32
      %dma_wait3A_373 = tpu.memref_slice %arg6[%add3A_366, %dma_wait3A_372] : memref<128x50xi32, #tpu.memory_space<vmem>> -> memref<1x50xi32, #tpu.memory_space<vmem>>
      %dma_wait3A_374 = tpu.memref_squeeze %dma_wait3A_373 : memref<1x50xi32, #tpu.memory_space<vmem>> -> memref<50xi32, #tpu.memory_space<vmem>>
      %dma_wait3A_375 = arith.constant 0 : i32
      %dma_wait3A_376 = arith.constant 0 : i32
      %dma_wait3A_377 = tpu.memref_slice %arg2[%dma_wait3A_375, %dma_wait3A_376] : memref<100000x128xf32, #tpu.memory_space<hbm>> -> memref<100000x128xf32, #tpu.memory_space<hbm>>
      tpu.wait_indirect_dma semaphore(%arg19 : memref<!tpu.dma_semaphore, #tpu.memory_space<semaphore_mem>>) src(%dma_wait3A_377 : memref<100000x128xf32, #tpu.memory_space<hbm>>) dst(%dma_wait3A_371 : memref<50x128xf32, #tpu.memory_space<vmem>>)
      %mul3A_378 = arith.constant 2 : i32
      %mul3A_379 = arith.muli %add3A_362, %mul3A_378 : i32
      %add3A_380 = arith.constant 1 : i32
      %add3A_381 = arith.addi %mul3A_379, %add3A_380 : i32
      %dma_wait3A_382 = arith.constant 1 : i32
      %dma_wait3A_383 = arith.constant 0 : i32
      %dma_wait3A_384 = arith.constant 0 : i32
      %dma_wait3A_385 = tpu.memref_slice %arg11[%dma_wait3A_382, %dma_wait3A_383, %dma_wait3A_384] : memref<2x50x128xf32, #tpu.memory_space<vmem>> -> memref<1x50x128xf32, #tpu.memory_space<vmem>>
      %dma_wait3A_386 = tpu.memref_squeeze %dma_wait3A_385 : memref<1x50x128xf32, #tpu.memory_space<vmem>> -> memref<50x128xf32, #tpu.memory_space<vmem>>
      %dma_wait3A_387 = arith.constant 0 : i32
      %dma_wait3A_388 = tpu.memref_slice %arg6[%add3A_381, %dma_wait3A_387] : memref<128x50xi32, #tpu.memory_space<vmem>> -> memref<1x50xi32, #tpu.memory_space<vmem>>
      %dma_wait3A_389 = tpu.memref_squeeze %dma_wait3A_388 : memref<1x50xi32, #tpu.memory_space<vmem>> -> memref<50xi32, #tpu.memory_space<vmem>>
      %dma_wait3A_390 = arith.constant 0 : i32
      %dma_wait3A_391 = arith.constant 0 : i32
      %dma_wait3A_392 = tpu.memref_slice %arg2[%dma_wait3A_390, %dma_wait3A_391] : memref<100000x128xf32, #tpu.memory_space<hbm>> -> memref<100000x128xf32, #tpu.memory_space<hbm>>
      tpu.wait_indirect_dma semaphore(%arg19 : memref<!tpu.dma_semaphore, #tpu.memory_space<semaphore_mem>>) src(%dma_wait3A_392 : memref<100000x128xf32, #tpu.memory_space<hbm>>) dst(%dma_wait3A_386 : memref<50x128xf32, #tpu.memory_space<vmem>>)
      %mul3A_393 = arith.constant 2 : i32
      %mul3A_394 = arith.muli %add3A_362, %mul3A_393 : i32
      %add3A_395 = arith.addi %mul3A_2, %mul3A_394 : i32
      %dma_start3A_396 = arith.constant 0 : i32
      %dma_start3A_397 = arith.constant 0 : i32
      %dma_start3A_398 = tpu.memref_slice %arg5[%add3A_395, %dma_start3A_396, %dma_start3A_397] : memref<4096x50x128xf32, #tpu.memory_space<hbm>> -> memref<2x50x128xf32, #tpu.memory_space<hbm>>
      %dma_start3A_399 = arith.constant 0 : i32
      %dma_start3A_400 = arith.constant 0 : i32
      %dma_start3A_401 = tpu.memref_slice %arg5[%add3A_395, %dma_start3A_399, %dma_start3A_400] : memref<4096x50x128xf32, #tpu.memory_space<hbm>> -> memref<2x50x128xf32, #tpu.memory_space<hbm>>
      tpu.enqueue_dma source(%arg11 : memref<2x50x128xf32, #tpu.memory_space<vmem>>) target(%dma_start3A_401 : memref<2x50x128xf32, #tpu.memory_space<hbm>>) target_semaphore(%arg27 : memref<!tpu.dma_semaphore, #tpu.memory_space<semaphore_mem>>)
      %add3A_402 = arith.constant 4 : i32
      %add3A_403 = arith.addi %add3A_362, %add3A_402 : i32
      %ge3A_404 = arith.constant 4 : i32
      %ge3A_405 = arith.cmpi sge, %add3A_362, %ge3A_404 : i32
      %convert_element_type3A_406 = arith.extui %ge3A_405 : i1 to i32
      %cond3A_407 = arith.constant 0 : i32
      %cond3A_408 = arith.cmpi ne, %convert_element_type3A_406, %cond3A_407 : i32
      scf.if %cond3A_408 {
        %sub3A = arith.constant 4 : i32
        %sub3A_579 = arith.subi %add3A_362, %sub3A : i32
        %mul3A_580 = arith.constant 2 : i32
        %mul3A_581 = arith.muli %sub3A_579, %mul3A_580 : i32
        %add3A_582 = arith.addi %mul3A_2, %mul3A_581 : i32
        %dma_wait3A_583 = arith.constant 0 : i32
        %dma_wait3A_584 = arith.constant 0 : i32
        %dma_wait3A_585 = tpu.memref_slice %arg5[%add3A_582, %dma_wait3A_583, %dma_wait3A_584] : memref<4096x50x128xf32, #tpu.memory_space<hbm>> -> memref<2x50x128xf32, #tpu.memory_space<hbm>>
        %dma_wait3A_586 = arith.constant 0 : i32
        %dma_wait3A_587 = arith.constant 0 : i32
        %dma_wait3A_588 = tpu.memref_slice %arg5[%add3A_582, %dma_wait3A_586, %dma_wait3A_587] : memref<4096x50x128xf32, #tpu.memory_space<hbm>> -> memref<2x50x128xf32, #tpu.memory_space<hbm>>
        tpu.wait_dma2 semaphore(%arg23 : memref<!tpu.dma_semaphore, #tpu.memory_space<semaphore_mem>>) src(%arg7 : memref<2x50x128xf32, #tpu.memory_space<vmem>>) dst(%dma_wait3A_588 : memref<2x50x128xf32, #tpu.memory_space<hbm>>)
      } else {
      }
      %lt3A_409 = arith.constant 64 : i32
      %lt3A_410 = arith.cmpi slt, %add3A_403, %lt3A_409 : i32
      %convert_element_type3A_411 = arith.extui %lt3A_410 : i1 to i32
      %cond3A_412 = arith.constant 0 : i32
      %cond3A_413 = arith.cmpi ne, %convert_element_type3A_411, %cond3A_412 : i32
      scf.if %cond3A_413 {
        %mul3A_579 = arith.constant 2 : i32
        %mul3A_580 = arith.muli %add3A_403, %mul3A_579 : i32
        %add3A_581 = arith.constant 0 : i32
        %add3A_582 = arith.addi %mul3A_580, %add3A_581 : i32
        %dma_start3A_583 = arith.constant 0 : i32
        %dma_start3A_584 = arith.constant 0 : i32
        %dma_start3A_585 = arith.constant 0 : i32
        %dma_start3A_586 = tpu.memref_slice %arg7[%dma_start3A_583, %dma_start3A_584, %dma_start3A_585] : memref<2x50x128xf32, #tpu.memory_space<vmem>> -> memref<1x50x128xf32, #tpu.memory_space<vmem>>
        %dma_start3A_587 = tpu.memref_squeeze %dma_start3A_586 : memref<1x50x128xf32, #tpu.memory_space<vmem>> -> memref<50x128xf32, #tpu.memory_space<vmem>>
        %dma_start3A_588 = arith.constant 0 : i32
        %dma_start3A_589 = tpu.memref_slice %arg6[%add3A_582, %dma_start3A_588] : memref<128x50xi32, #tpu.memory_space<vmem>> -> memref<1x50xi32, #tpu.memory_space<vmem>>
        %dma_start3A_590 = tpu.memref_squeeze %dma_start3A_589 : memref<1x50xi32, #tpu.memory_space<vmem>> -> memref<50xi32, #tpu.memory_space<vmem>>
        %dma_start3A_591 = arith.constant 0 : i32
        %dma_start3A_592 = arith.constant 0 : i32
        %dma_start3A_593 = tpu.memref_slice %arg2[%dma_start3A_591, %dma_start3A_592] : memref<100000x128xf32, #tpu.memory_space<hbm>> -> memref<100000x128xf32, #tpu.memory_space<hbm>>
        tpu.enqueue_indirect_dma source(%dma_start3A_593 : memref<100000x128xf32, #tpu.memory_space<hbm>>) target(%dma_start3A_587 : memref<50x128xf32, #tpu.memory_space<vmem>>) offsets(%dma_start3A_590 : memref<50xi32, #tpu.memory_space<vmem>>) semaphore(%arg15 : memref<!tpu.dma_semaphore, #tpu.memory_space<semaphore_mem>>)
        %mul3A_594 = arith.constant 2 : i32
        %mul3A_595 = arith.muli %add3A_403, %mul3A_594 : i32
        %add3A_596 = arith.constant 1 : i32
        %add3A_597 = arith.addi %mul3A_595, %add3A_596 : i32
        %dma_start3A_598 = arith.constant 1 : i32
        %dma_start3A_599 = arith.constant 0 : i32
        %dma_start3A_600 = arith.constant 0 : i32
        %dma_start3A_601 = tpu.memref_slice %arg7[%dma_start3A_598, %dma_start3A_599, %dma_start3A_600] : memref<2x50x128xf32, #tpu.memory_space<vmem>> -> memref<1x50x128xf32, #tpu.memory_space<vmem>>
        %dma_start3A_602 = tpu.memref_squeeze %dma_start3A_601 : memref<1x50x128xf32, #tpu.memory_space<vmem>> -> memref<50x128xf32, #tpu.memory_space<vmem>>
        %dma_start3A_603 = arith.constant 0 : i32
        %dma_start3A_604 = tpu.memref_slice %arg6[%add3A_597, %dma_start3A_603] : memref<128x50xi32, #tpu.memory_space<vmem>> -> memref<1x50xi32, #tpu.memory_space<vmem>>
        %dma_start3A_605 = tpu.memref_squeeze %dma_start3A_604 : memref<1x50xi32, #tpu.memory_space<vmem>> -> memref<50xi32, #tpu.memory_space<vmem>>
        %dma_start3A_606 = arith.constant 0 : i32
        %dma_start3A_607 = arith.constant 0 : i32
        %dma_start3A_608 = tpu.memref_slice %arg2[%dma_start3A_606, %dma_start3A_607] : memref<100000x128xf32, #tpu.memory_space<hbm>> -> memref<100000x128xf32, #tpu.memory_space<hbm>>
        tpu.enqueue_indirect_dma source(%dma_start3A_608 : memref<100000x128xf32, #tpu.memory_space<hbm>>) target(%dma_start3A_602 : memref<50x128xf32, #tpu.memory_space<vmem>>) offsets(%dma_start3A_605 : memref<50xi32, #tpu.memory_space<vmem>>) semaphore(%arg15 : memref<!tpu.dma_semaphore, #tpu.memory_space<semaphore_mem>>)
      } else {
      }
      %mul3A_414 = arith.constant 8 : i32
      %mul3A_415 = arith.muli %add3A_142, %mul3A_414 : i32
      %add3A_416 = arith.constant 5 : i32
      %add3A_417 = arith.addi %mul3A_415, %add3A_416 : i32
      %mul3A_418 = arith.constant 2 : i32
      %mul3A_419 = arith.muli %add3A_417, %mul3A_418 : i32
      %add3A_420 = arith.constant 0 : i32
      %add3A_421 = arith.addi %mul3A_419, %add3A_420 : i32
      %dma_wait3A_422 = arith.constant 0 : i32
      %dma_wait3A_423 = arith.constant 0 : i32
      %dma_wait3A_424 = arith.constant 0 : i32
      %dma_wait3A_425 = tpu.memref_slice %arg12[%dma_wait3A_422, %dma_wait3A_423, %dma_wait3A_424] : memref<2x50x128xf32, #tpu.memory_space<vmem>> -> memref<1x50x128xf32, #tpu.memory_space<vmem>>
      %dma_wait3A_426 = tpu.memref_squeeze %dma_wait3A_425 : memref<1x50x128xf32, #tpu.memory_space<vmem>> -> memref<50x128xf32, #tpu.memory_space<vmem>>
      %dma_wait3A_427 = arith.constant 0 : i32
      %dma_wait3A_428 = tpu.memref_slice %arg6[%add3A_421, %dma_wait3A_427] : memref<128x50xi32, #tpu.memory_space<vmem>> -> memref<1x50xi32, #tpu.memory_space<vmem>>
      %dma_wait3A_429 = tpu.memref_squeeze %dma_wait3A_428 : memref<1x50xi32, #tpu.memory_space<vmem>> -> memref<50xi32, #tpu.memory_space<vmem>>
      %dma_wait3A_430 = arith.constant 0 : i32
      %dma_wait3A_431 = arith.constant 0 : i32
      %dma_wait3A_432 = tpu.memref_slice %arg2[%dma_wait3A_430, %dma_wait3A_431] : memref<100000x128xf32, #tpu.memory_space<hbm>> -> memref<100000x128xf32, #tpu.memory_space<hbm>>
      tpu.wait_indirect_dma semaphore(%arg20 : memref<!tpu.dma_semaphore, #tpu.memory_space<semaphore_mem>>) src(%dma_wait3A_432 : memref<100000x128xf32, #tpu.memory_space<hbm>>) dst(%dma_wait3A_426 : memref<50x128xf32, #tpu.memory_space<vmem>>)
      %mul3A_433 = arith.constant 2 : i32
      %mul3A_434 = arith.muli %add3A_417, %mul3A_433 : i32
      %add3A_435 = arith.constant 1 : i32
      %add3A_436 = arith.addi %mul3A_434, %add3A_435 : i32
      %dma_wait3A_437 = arith.constant 1 : i32
      %dma_wait3A_438 = arith.constant 0 : i32
      %dma_wait3A_439 = arith.constant 0 : i32
      %dma_wait3A_440 = tpu.memref_slice %arg12[%dma_wait3A_437, %dma_wait3A_438, %dma_wait3A_439] : memref<2x50x128xf32, #tpu.memory_space<vmem>> -> memref<1x50x128xf32, #tpu.memory_space<vmem>>
      %dma_wait3A_441 = tpu.memref_squeeze %dma_wait3A_440 : memref<1x50x128xf32, #tpu.memory_space<vmem>> -> memref<50x128xf32, #tpu.memory_space<vmem>>
      %dma_wait3A_442 = arith.constant 0 : i32
      %dma_wait3A_443 = tpu.memref_slice %arg6[%add3A_436, %dma_wait3A_442] : memref<128x50xi32, #tpu.memory_space<vmem>> -> memref<1x50xi32, #tpu.memory_space<vmem>>
      %dma_wait3A_444 = tpu.memref_squeeze %dma_wait3A_443 : memref<1x50xi32, #tpu.memory_space<vmem>> -> memref<50xi32, #tpu.memory_space<vmem>>
      %dma_wait3A_445 = arith.constant 0 : i32
      %dma_wait3A_446 = arith.constant 0 : i32
      %dma_wait3A_447 = tpu.memref_slice %arg2[%dma_wait3A_445, %dma_wait3A_446] : memref<100000x128xf32, #tpu.memory_space<hbm>> -> memref<100000x128xf32, #tpu.memory_space<hbm>>
      tpu.wait_indirect_dma semaphore(%arg20 : memref<!tpu.dma_semaphore, #tpu.memory_space<semaphore_mem>>) src(%dma_wait3A_447 : memref<100000x128xf32, #tpu.memory_space<hbm>>) dst(%dma_wait3A_441 : memref<50x128xf32, #tpu.memory_space<vmem>>)
      %mul3A_448 = arith.constant 2 : i32
      %mul3A_449 = arith.muli %add3A_417, %mul3A_448 : i32
      %add3A_450 = arith.addi %mul3A_2, %mul3A_449 : i32
      %dma_start3A_451 = arith.constant 0 : i32
      %dma_start3A_452 = arith.constant 0 : i32
      %dma_start3A_453 = tpu.memref_slice %arg5[%add3A_450, %dma_start3A_451, %dma_start3A_452] : memref<4096x50x128xf32, #tpu.memory_space<hbm>> -> memref<2x50x128xf32, #tpu.memory_space<hbm>>
      %dma_start3A_454 = arith.constant 0 : i32
      %dma_start3A_455 = arith.constant 0 : i32
      %dma_start3A_456 = tpu.memref_slice %arg5[%add3A_450, %dma_start3A_454, %dma_start3A_455] : memref<4096x50x128xf32, #tpu.memory_space<hbm>> -> memref<2x50x128xf32, #tpu.memory_space<hbm>>
      tpu.enqueue_dma source(%arg12 : memref<2x50x128xf32, #tpu.memory_space<vmem>>) target(%dma_start3A_456 : memref<2x50x128xf32, #tpu.memory_space<hbm>>) target_semaphore(%arg28 : memref<!tpu.dma_semaphore, #tpu.memory_space<semaphore_mem>>)
      %add3A_457 = arith.constant 4 : i32
      %add3A_458 = arith.addi %add3A_417, %add3A_457 : i32
      %ge3A_459 = arith.constant 4 : i32
      %ge3A_460 = arith.cmpi sge, %add3A_417, %ge3A_459 : i32
      %convert_element_type3A_461 = arith.extui %ge3A_460 : i1 to i32
      %cond3A_462 = arith.constant 0 : i32
      %cond3A_463 = arith.cmpi ne, %convert_element_type3A_461, %cond3A_462 : i32
      scf.if %cond3A_463 {
        %sub3A = arith.constant 4 : i32
        %sub3A_579 = arith.subi %add3A_417, %sub3A : i32
        %mul3A_580 = arith.constant 2 : i32
        %mul3A_581 = arith.muli %sub3A_579, %mul3A_580 : i32
        %add3A_582 = arith.addi %mul3A_2, %mul3A_581 : i32
        %dma_wait3A_583 = arith.constant 0 : i32
        %dma_wait3A_584 = arith.constant 0 : i32
        %dma_wait3A_585 = tpu.memref_slice %arg5[%add3A_582, %dma_wait3A_583, %dma_wait3A_584] : memref<4096x50x128xf32, #tpu.memory_space<hbm>> -> memref<2x50x128xf32, #tpu.memory_space<hbm>>
        %dma_wait3A_586 = arith.constant 0 : i32
        %dma_wait3A_587 = arith.constant 0 : i32
        %dma_wait3A_588 = tpu.memref_slice %arg5[%add3A_582, %dma_wait3A_586, %dma_wait3A_587] : memref<4096x50x128xf32, #tpu.memory_space<hbm>> -> memref<2x50x128xf32, #tpu.memory_space<hbm>>
        tpu.wait_dma2 semaphore(%arg24 : memref<!tpu.dma_semaphore, #tpu.memory_space<semaphore_mem>>) src(%arg8 : memref<2x50x128xf32, #tpu.memory_space<vmem>>) dst(%dma_wait3A_588 : memref<2x50x128xf32, #tpu.memory_space<hbm>>)
      } else {
      }
      %lt3A_464 = arith.constant 64 : i32
      %lt3A_465 = arith.cmpi slt, %add3A_458, %lt3A_464 : i32
      %convert_element_type3A_466 = arith.extui %lt3A_465 : i1 to i32
      %cond3A_467 = arith.constant 0 : i32
      %cond3A_468 = arith.cmpi ne, %convert_element_type3A_466, %cond3A_467 : i32
      scf.if %cond3A_468 {
        %mul3A_579 = arith.constant 2 : i32
        %mul3A_580 = arith.muli %add3A_458, %mul3A_579 : i32
        %add3A_581 = arith.constant 0 : i32
        %add3A_582 = arith.addi %mul3A_580, %add3A_581 : i32
        %dma_start3A_583 = arith.constant 0 : i32
        %dma_start3A_584 = arith.constant 0 : i32
        %dma_start3A_585 = arith.constant 0 : i32
        %dma_start3A_586 = tpu.memref_slice %arg8[%dma_start3A_583, %dma_start3A_584, %dma_start3A_585] : memref<2x50x128xf32, #tpu.memory_space<vmem>> -> memref<1x50x128xf32, #tpu.memory_space<vmem>>
        %dma_start3A_587 = tpu.memref_squeeze %dma_start3A_586 : memref<1x50x128xf32, #tpu.memory_space<vmem>> -> memref<50x128xf32, #tpu.memory_space<vmem>>
        %dma_start3A_588 = arith.constant 0 : i32
        %dma_start3A_589 = tpu.memref_slice %arg6[%add3A_582, %dma_start3A_588] : memref<128x50xi32, #tpu.memory_space<vmem>> -> memref<1x50xi32, #tpu.memory_space<vmem>>
        %dma_start3A_590 = tpu.memref_squeeze %dma_start3A_589 : memref<1x50xi32, #tpu.memory_space<vmem>> -> memref<50xi32, #tpu.memory_space<vmem>>
        %dma_start3A_591 = arith.constant 0 : i32
        %dma_start3A_592 = arith.constant 0 : i32
        %dma_start3A_593 = tpu.memref_slice %arg2[%dma_start3A_591, %dma_start3A_592] : memref<100000x128xf32, #tpu.memory_space<hbm>> -> memref<100000x128xf32, #tpu.memory_space<hbm>>
        tpu.enqueue_indirect_dma source(%dma_start3A_593 : memref<100000x128xf32, #tpu.memory_space<hbm>>) target(%dma_start3A_587 : memref<50x128xf32, #tpu.memory_space<vmem>>) offsets(%dma_start3A_590 : memref<50xi32, #tpu.memory_space<vmem>>) semaphore(%arg16 : memref<!tpu.dma_semaphore, #tpu.memory_space<semaphore_mem>>)
        %mul3A_594 = arith.constant 2 : i32
        %mul3A_595 = arith.muli %add3A_458, %mul3A_594 : i32
        %add3A_596 = arith.constant 1 : i32
        %add3A_597 = arith.addi %mul3A_595, %add3A_596 : i32
        %dma_start3A_598 = arith.constant 1 : i32
        %dma_start3A_599 = arith.constant 0 : i32
        %dma_start3A_600 = arith.constant 0 : i32
        %dma_start3A_601 = tpu.memref_slice %arg8[%dma_start3A_598, %dma_start3A_599, %dma_start3A_600] : memref<2x50x128xf32, #tpu.memory_space<vmem>> -> memref<1x50x128xf32, #tpu.memory_space<vmem>>
        %dma_start3A_602 = tpu.memref_squeeze %dma_start3A_601 : memref<1x50x128xf32, #tpu.memory_space<vmem>> -> memref<50x128xf32, #tpu.memory_space<vmem>>
        %dma_start3A_603 = arith.constant 0 : i32
        %dma_start3A_604 = tpu.memref_slice %arg6[%add3A_597, %dma_start3A_603] : memref<128x50xi32, #tpu.memory_space<vmem>> -> memref<1x50xi32, #tpu.memory_space<vmem>>
        %dma_start3A_605 = tpu.memref_squeeze %dma_start3A_604 : memref<1x50xi32, #tpu.memory_space<vmem>> -> memref<50xi32, #tpu.memory_space<vmem>>
        %dma_start3A_606 = arith.constant 0 : i32
        %dma_start3A_607 = arith.constant 0 : i32
        %dma_start3A_608 = tpu.memref_slice %arg2[%dma_start3A_606, %dma_start3A_607] : memref<100000x128xf32, #tpu.memory_space<hbm>> -> memref<100000x128xf32, #tpu.memory_space<hbm>>
        tpu.enqueue_indirect_dma source(%dma_start3A_608 : memref<100000x128xf32, #tpu.memory_space<hbm>>) target(%dma_start3A_602 : memref<50x128xf32, #tpu.memory_space<vmem>>) offsets(%dma_start3A_605 : memref<50xi32, #tpu.memory_space<vmem>>) semaphore(%arg16 : memref<!tpu.dma_semaphore, #tpu.memory_space<semaphore_mem>>)
      } else {
      }
      %mul3A_469 = arith.constant 8 : i32
      %mul3A_470 = arith.muli %add3A_142, %mul3A_469 : i32
      %add3A_471 = arith.constant 6 : i32
      %add3A_472 = arith.addi %mul3A_470, %add3A_471 : i32
      %mul3A_473 = arith.constant 2 : i32
      %mul3A_474 = arith.muli %add3A_472, %mul3A_473 : i32
      %add3A_475 = arith.constant 0 : i32
      %add3A_476 = arith.addi %mul3A_474, %add3A_475 : i32
      %dma_wait3A_477 = arith.constant 0 : i32
      %dma_wait3A_478 = arith.constant 0 : i32
      %dma_wait3A_479 = arith.constant 0 : i32
      %dma_wait3A_480 = tpu.memref_slice %arg13[%dma_wait3A_477, %dma_wait3A_478, %dma_wait3A_479] : memref<2x50x128xf32, #tpu.memory_space<vmem>> -> memref<1x50x128xf32, #tpu.memory_space<vmem>>
      %dma_wait3A_481 = tpu.memref_squeeze %dma_wait3A_480 : memref<1x50x128xf32, #tpu.memory_space<vmem>> -> memref<50x128xf32, #tpu.memory_space<vmem>>
      %dma_wait3A_482 = arith.constant 0 : i32
      %dma_wait3A_483 = tpu.memref_slice %arg6[%add3A_476, %dma_wait3A_482] : memref<128x50xi32, #tpu.memory_space<vmem>> -> memref<1x50xi32, #tpu.memory_space<vmem>>
      %dma_wait3A_484 = tpu.memref_squeeze %dma_wait3A_483 : memref<1x50xi32, #tpu.memory_space<vmem>> -> memref<50xi32, #tpu.memory_space<vmem>>
      %dma_wait3A_485 = arith.constant 0 : i32
      %dma_wait3A_486 = arith.constant 0 : i32
      %dma_wait3A_487 = tpu.memref_slice %arg2[%dma_wait3A_485, %dma_wait3A_486] : memref<100000x128xf32, #tpu.memory_space<hbm>> -> memref<100000x128xf32, #tpu.memory_space<hbm>>
      tpu.wait_indirect_dma semaphore(%arg21 : memref<!tpu.dma_semaphore, #tpu.memory_space<semaphore_mem>>) src(%dma_wait3A_487 : memref<100000x128xf32, #tpu.memory_space<hbm>>) dst(%dma_wait3A_481 : memref<50x128xf32, #tpu.memory_space<vmem>>)
      %mul3A_488 = arith.constant 2 : i32
      %mul3A_489 = arith.muli %add3A_472, %mul3A_488 : i32
      %add3A_490 = arith.constant 1 : i32
      %add3A_491 = arith.addi %mul3A_489, %add3A_490 : i32
      %dma_wait3A_492 = arith.constant 1 : i32
      %dma_wait3A_493 = arith.constant 0 : i32
      %dma_wait3A_494 = arith.constant 0 : i32
      %dma_wait3A_495 = tpu.memref_slice %arg13[%dma_wait3A_492, %dma_wait3A_493, %dma_wait3A_494] : memref<2x50x128xf32, #tpu.memory_space<vmem>> -> memref<1x50x128xf32, #tpu.memory_space<vmem>>
      %dma_wait3A_496 = tpu.memref_squeeze %dma_wait3A_495 : memref<1x50x128xf32, #tpu.memory_space<vmem>> -> memref<50x128xf32, #tpu.memory_space<vmem>>
      %dma_wait3A_497 = arith.constant 0 : i32
      %dma_wait3A_498 = tpu.memref_slice %arg6[%add3A_491, %dma_wait3A_497] : memref<128x50xi32, #tpu.memory_space<vmem>> -> memref<1x50xi32, #tpu.memory_space<vmem>>
      %dma_wait3A_499 = tpu.memref_squeeze %dma_wait3A_498 : memref<1x50xi32, #tpu.memory_space<vmem>> -> memref<50xi32, #tpu.memory_space<vmem>>
      %dma_wait3A_500 = arith.constant 0 : i32
      %dma_wait3A_501 = arith.constant 0 : i32
      %dma_wait3A_502 = tpu.memref_slice %arg2[%dma_wait3A_500, %dma_wait3A_501] : memref<100000x128xf32, #tpu.memory_space<hbm>> -> memref<100000x128xf32, #tpu.memory_space<hbm>>
      tpu.wait_indirect_dma semaphore(%arg21 : memref<!tpu.dma_semaphore, #tpu.memory_space<semaphore_mem>>) src(%dma_wait3A_502 : memref<100000x128xf32, #tpu.memory_space<hbm>>) dst(%dma_wait3A_496 : memref<50x128xf32, #tpu.memory_space<vmem>>)
      %mul3A_503 = arith.constant 2 : i32
      %mul3A_504 = arith.muli %add3A_472, %mul3A_503 : i32
      %add3A_505 = arith.addi %mul3A_2, %mul3A_504 : i32
      %dma_start3A_506 = arith.constant 0 : i32
      %dma_start3A_507 = arith.constant 0 : i32
      %dma_start3A_508 = tpu.memref_slice %arg5[%add3A_505, %dma_start3A_506, %dma_start3A_507] : memref<4096x50x128xf32, #tpu.memory_space<hbm>> -> memref<2x50x128xf32, #tpu.memory_space<hbm>>
      %dma_start3A_509 = arith.constant 0 : i32
      %dma_start3A_510 = arith.constant 0 : i32
      %dma_start3A_511 = tpu.memref_slice %arg5[%add3A_505, %dma_start3A_509, %dma_start3A_510] : memref<4096x50x128xf32, #tpu.memory_space<hbm>> -> memref<2x50x128xf32, #tpu.memory_space<hbm>>
      tpu.enqueue_dma source(%arg13 : memref<2x50x128xf32, #tpu.memory_space<vmem>>) target(%dma_start3A_511 : memref<2x50x128xf32, #tpu.memory_space<hbm>>) target_semaphore(%arg29 : memref<!tpu.dma_semaphore, #tpu.memory_space<semaphore_mem>>)
      %add3A_512 = arith.constant 4 : i32
      %add3A_513 = arith.addi %add3A_472, %add3A_512 : i32
      %ge3A_514 = arith.constant 4 : i32
      %ge3A_515 = arith.cmpi sge, %add3A_472, %ge3A_514 : i32
      %convert_element_type3A_516 = arith.extui %ge3A_515 : i1 to i32
      %cond3A_517 = arith.constant 0 : i32
      %cond3A_518 = arith.cmpi ne, %convert_element_type3A_516, %cond3A_517 : i32
      scf.if %cond3A_518 {
        %sub3A = arith.constant 4 : i32
        %sub3A_579 = arith.subi %add3A_472, %sub3A : i32
        %mul3A_580 = arith.constant 2 : i32
        %mul3A_581 = arith.muli %sub3A_579, %mul3A_580 : i32
        %add3A_582 = arith.addi %mul3A_2, %mul3A_581 : i32
        %dma_wait3A_583 = arith.constant 0 : i32
        %dma_wait3A_584 = arith.constant 0 : i32
        %dma_wait3A_585 = tpu.memref_slice %arg5[%add3A_582, %dma_wait3A_583, %dma_wait3A_584] : memref<4096x50x128xf32, #tpu.memory_space<hbm>> -> memref<2x50x128xf32, #tpu.memory_space<hbm>>
        %dma_wait3A_586 = arith.constant 0 : i32
        %dma_wait3A_587 = arith.constant 0 : i32
        %dma_wait3A_588 = tpu.memref_slice %arg5[%add3A_582, %dma_wait3A_586, %dma_wait3A_587] : memref<4096x50x128xf32, #tpu.memory_space<hbm>> -> memref<2x50x128xf32, #tpu.memory_space<hbm>>
        tpu.wait_dma2 semaphore(%arg25 : memref<!tpu.dma_semaphore, #tpu.memory_space<semaphore_mem>>) src(%arg9 : memref<2x50x128xf32, #tpu.memory_space<vmem>>) dst(%dma_wait3A_588 : memref<2x50x128xf32, #tpu.memory_space<hbm>>)
      } else {
      }
      %lt3A_519 = arith.constant 64 : i32
      %lt3A_520 = arith.cmpi slt, %add3A_513, %lt3A_519 : i32
      %convert_element_type3A_521 = arith.extui %lt3A_520 : i1 to i32
      %cond3A_522 = arith.constant 0 : i32
      %cond3A_523 = arith.cmpi ne, %convert_element_type3A_521, %cond3A_522 : i32
      scf.if %cond3A_523 {
        %mul3A_579 = arith.constant 2 : i32
        %mul3A_580 = arith.muli %add3A_513, %mul3A_579 : i32
        %add3A_581 = arith.constant 0 : i32
        %add3A_582 = arith.addi %mul3A_580, %add3A_581 : i32
        %dma_start3A_583 = arith.constant 0 : i32
        %dma_start3A_584 = arith.constant 0 : i32
        %dma_start3A_585 = arith.constant 0 : i32
        %dma_start3A_586 = tpu.memref_slice %arg9[%dma_start3A_583, %dma_start3A_584, %dma_start3A_585] : memref<2x50x128xf32, #tpu.memory_space<vmem>> -> memref<1x50x128xf32, #tpu.memory_space<vmem>>
        %dma_start3A_587 = tpu.memref_squeeze %dma_start3A_586 : memref<1x50x128xf32, #tpu.memory_space<vmem>> -> memref<50x128xf32, #tpu.memory_space<vmem>>
        %dma_start3A_588 = arith.constant 0 : i32
        %dma_start3A_589 = tpu.memref_slice %arg6[%add3A_582, %dma_start3A_588] : memref<128x50xi32, #tpu.memory_space<vmem>> -> memref<1x50xi32, #tpu.memory_space<vmem>>
        %dma_start3A_590 = tpu.memref_squeeze %dma_start3A_589 : memref<1x50xi32, #tpu.memory_space<vmem>> -> memref<50xi32, #tpu.memory_space<vmem>>
        %dma_start3A_591 = arith.constant 0 : i32
        %dma_start3A_592 = arith.constant 0 : i32
        %dma_start3A_593 = tpu.memref_slice %arg2[%dma_start3A_591, %dma_start3A_592] : memref<100000x128xf32, #tpu.memory_space<hbm>> -> memref<100000x128xf32, #tpu.memory_space<hbm>>
        tpu.enqueue_indirect_dma source(%dma_start3A_593 : memref<100000x128xf32, #tpu.memory_space<hbm>>) target(%dma_start3A_587 : memref<50x128xf32, #tpu.memory_space<vmem>>) offsets(%dma_start3A_590 : memref<50xi32, #tpu.memory_space<vmem>>) semaphore(%arg17 : memref<!tpu.dma_semaphore, #tpu.memory_space<semaphore_mem>>)
        %mul3A_594 = arith.constant 2 : i32
        %mul3A_595 = arith.muli %add3A_513, %mul3A_594 : i32
        %add3A_596 = arith.constant 1 : i32
        %add3A_597 = arith.addi %mul3A_595, %add3A_596 : i32
        %dma_start3A_598 = arith.constant 1 : i32
        %dma_start3A_599 = arith.constant 0 : i32
        %dma_start3A_600 = arith.constant 0 : i32
        %dma_start3A_601 = tpu.memref_slice %arg9[%dma_start3A_598, %dma_start3A_599, %dma_start3A_600] : memref<2x50x128xf32, #tpu.memory_space<vmem>> -> memref<1x50x128xf32, #tpu.memory_space<vmem>>
        %dma_start3A_602 = tpu.memref_squeeze %dma_start3A_601 : memref<1x50x128xf32, #tpu.memory_space<vmem>> -> memref<50x128xf32, #tpu.memory_space<vmem>>
        %dma_start3A_603 = arith.constant 0 : i32
        %dma_start3A_604 = tpu.memref_slice %arg6[%add3A_597, %dma_start3A_603] : memref<128x50xi32, #tpu.memory_space<vmem>> -> memref<1x50xi32, #tpu.memory_space<vmem>>
        %dma_start3A_605 = tpu.memref_squeeze %dma_start3A_604 : memref<1x50xi32, #tpu.memory_space<vmem>> -> memref<50xi32, #tpu.memory_space<vmem>>
        %dma_start3A_606 = arith.constant 0 : i32
        %dma_start3A_607 = arith.constant 0 : i32
        %dma_start3A_608 = tpu.memref_slice %arg2[%dma_start3A_606, %dma_start3A_607] : memref<100000x128xf32, #tpu.memory_space<hbm>> -> memref<100000x128xf32, #tpu.memory_space<hbm>>
        tpu.enqueue_indirect_dma source(%dma_start3A_608 : memref<100000x128xf32, #tpu.memory_space<hbm>>) target(%dma_start3A_602 : memref<50x128xf32, #tpu.memory_space<vmem>>) offsets(%dma_start3A_605 : memref<50xi32, #tpu.memory_space<vmem>>) semaphore(%arg17 : memref<!tpu.dma_semaphore, #tpu.memory_space<semaphore_mem>>)
      } else {
      }
      %mul3A_524 = arith.constant 8 : i32
      %mul3A_525 = arith.muli %add3A_142, %mul3A_524 : i32
      %add3A_526 = arith.constant 7 : i32
      %add3A_527 = arith.addi %mul3A_525, %add3A_526 : i32
      %mul3A_528 = arith.constant 2 : i32
      %mul3A_529 = arith.muli %add3A_527, %mul3A_528 : i32
      %add3A_530 = arith.constant 0 : i32
      %add3A_531 = arith.addi %mul3A_529, %add3A_530 : i32
      %dma_wait3A_532 = arith.constant 0 : i32
      %dma_wait3A_533 = arith.constant 0 : i32
      %dma_wait3A_534 = arith.constant 0 : i32
      %dma_wait3A_535 = tpu.memref_slice %arg14[%dma_wait3A_532, %dma_wait3A_533, %dma_wait3A_534] : memref<2x50x128xf32, #tpu.memory_space<vmem>> -> memref<1x50x128xf32, #tpu.memory_space<vmem>>
      %dma_wait3A_536 = tpu.memref_squeeze %dma_wait3A_535 : memref<1x50x128xf32, #tpu.memory_space<vmem>> -> memref<50x128xf32, #tpu.memory_space<vmem>>
      %dma_wait3A_537 = arith.constant 0 : i32
      %dma_wait3A_538 = tpu.memref_slice %arg6[%add3A_531, %dma_wait3A_537] : memref<128x50xi32, #tpu.memory_space<vmem>> -> memref<1x50xi32, #tpu.memory_space<vmem>>
      %dma_wait3A_539 = tpu.memref_squeeze %dma_wait3A_538 : memref<1x50xi32, #tpu.memory_space<vmem>> -> memref<50xi32, #tpu.memory_space<vmem>>
      %dma_wait3A_540 = arith.constant 0 : i32
      %dma_wait3A_541 = arith.constant 0 : i32
      %dma_wait3A_542 = tpu.memref_slice %arg2[%dma_wait3A_540, %dma_wait3A_541] : memref<100000x128xf32, #tpu.memory_space<hbm>> -> memref<100000x128xf32, #tpu.memory_space<hbm>>
      tpu.wait_indirect_dma semaphore(%arg22 : memref<!tpu.dma_semaphore, #tpu.memory_space<semaphore_mem>>) src(%dma_wait3A_542 : memref<100000x128xf32, #tpu.memory_space<hbm>>) dst(%dma_wait3A_536 : memref<50x128xf32, #tpu.memory_space<vmem>>)
      %mul3A_543 = arith.constant 2 : i32
      %mul3A_544 = arith.muli %add3A_527, %mul3A_543 : i32
      %add3A_545 = arith.constant 1 : i32
      %add3A_546 = arith.addi %mul3A_544, %add3A_545 : i32
      %dma_wait3A_547 = arith.constant 1 : i32
      %dma_wait3A_548 = arith.constant 0 : i32
      %dma_wait3A_549 = arith.constant 0 : i32
      %dma_wait3A_550 = tpu.memref_slice %arg14[%dma_wait3A_547, %dma_wait3A_548, %dma_wait3A_549] : memref<2x50x128xf32, #tpu.memory_space<vmem>> -> memref<1x50x128xf32, #tpu.memory_space<vmem>>
      %dma_wait3A_551 = tpu.memref_squeeze %dma_wait3A_550 : memref<1x50x128xf32, #tpu.memory_space<vmem>> -> memref<50x128xf32, #tpu.memory_space<vmem>>
      %dma_wait3A_552 = arith.constant 0 : i32
      %dma_wait3A_553 = tpu.memref_slice %arg6[%add3A_546, %dma_wait3A_552] : memref<128x50xi32, #tpu.memory_space<vmem>> -> memref<1x50xi32, #tpu.memory_space<vmem>>
      %dma_wait3A_554 = tpu.memref_squeeze %dma_wait3A_553 : memref<1x50xi32, #tpu.memory_space<vmem>> -> memref<50xi32, #tpu.memory_space<vmem>>
      %dma_wait3A_555 = arith.constant 0 : i32
      %dma_wait3A_556 = arith.constant 0 : i32
      %dma_wait3A_557 = tpu.memref_slice %arg2[%dma_wait3A_555, %dma_wait3A_556] : memref<100000x128xf32, #tpu.memory_space<hbm>> -> memref<100000x128xf32, #tpu.memory_space<hbm>>
      tpu.wait_indirect_dma semaphore(%arg22 : memref<!tpu.dma_semaphore, #tpu.memory_space<semaphore_mem>>) src(%dma_wait3A_557 : memref<100000x128xf32, #tpu.memory_space<hbm>>) dst(%dma_wait3A_551 : memref<50x128xf32, #tpu.memory_space<vmem>>)
      %mul3A_558 = arith.constant 2 : i32
      %mul3A_559 = arith.muli %add3A_527, %mul3A_558 : i32
      %add3A_560 = arith.addi %mul3A_2, %mul3A_559 : i32
      %dma_start3A_561 = arith.constant 0 : i32
      %dma_start3A_562 = arith.constant 0 : i32
      %dma_start3A_563 = tpu.memref_slice %arg5[%add3A_560, %dma_start3A_561, %dma_start3A_562] : memref<4096x50x128xf32, #tpu.memory_space<hbm>> -> memref<2x50x128xf32, #tpu.memory_space<hbm>>
      %dma_start3A_564 = arith.constant 0 : i32
      %dma_start3A_565 = arith.constant 0 : i32
      %dma_start3A_566 = tpu.memref_slice %arg5[%add3A_560, %dma_start3A_564, %dma_start3A_565] : memref<4096x50x128xf32, #tpu.memory_space<hbm>> -> memref<2x50x128xf32, #tpu.memory_space<hbm>>
      tpu.enqueue_dma source(%arg14 : memref<2x50x128xf32, #tpu.memory_space<vmem>>) target(%dma_start3A_566 : memref<2x50x128xf32, #tpu.memory_space<hbm>>) target_semaphore(%arg30 : memref<!tpu.dma_semaphore, #tpu.memory_space<semaphore_mem>>)
      %add3A_567 = arith.constant 4 : i32
      %add3A_568 = arith.addi %add3A_527, %add3A_567 : i32
      %ge3A_569 = arith.constant 4 : i32
      %ge3A_570 = arith.cmpi sge, %add3A_527, %ge3A_569 : i32
      %convert_element_type3A_571 = arith.extui %ge3A_570 : i1 to i32
      %cond3A_572 = arith.constant 0 : i32
      %cond3A_573 = arith.cmpi ne, %convert_element_type3A_571, %cond3A_572 : i32
      scf.if %cond3A_573 {
        %sub3A = arith.constant 4 : i32
        %sub3A_579 = arith.subi %add3A_527, %sub3A : i32
        %mul3A_580 = arith.constant 2 : i32
        %mul3A_581 = arith.muli %sub3A_579, %mul3A_580 : i32
        %add3A_582 = arith.addi %mul3A_2, %mul3A_581 : i32
        %dma_wait3A_583 = arith.constant 0 : i32
        %dma_wait3A_584 = arith.constant 0 : i32
        %dma_wait3A_585 = tpu.memref_slice %arg5[%add3A_582, %dma_wait3A_583, %dma_wait3A_584] : memref<4096x50x128xf32, #tpu.memory_space<hbm>> -> memref<2x50x128xf32, #tpu.memory_space<hbm>>
        %dma_wait3A_586 = arith.constant 0 : i32
        %dma_wait3A_587 = arith.constant 0 : i32
        %dma_wait3A_588 = tpu.memref_slice %arg5[%add3A_582, %dma_wait3A_586, %dma_wait3A_587] : memref<4096x50x128xf32, #tpu.memory_space<hbm>> -> memref<2x50x128xf32, #tpu.memory_space<hbm>>
        tpu.wait_dma2 semaphore(%arg26 : memref<!tpu.dma_semaphore, #tpu.memory_space<semaphore_mem>>) src(%arg10 : memref<2x50x128xf32, #tpu.memory_space<vmem>>) dst(%dma_wait3A_588 : memref<2x50x128xf32, #tpu.memory_space<hbm>>)
      } else {
      }
      %lt3A_574 = arith.constant 64 : i32
      %lt3A_575 = arith.cmpi slt, %add3A_568, %lt3A_574 : i32
      %convert_element_type3A_576 = arith.extui %lt3A_575 : i1 to i32
      %cond3A_577 = arith.constant 0 : i32
      %cond3A_578 = arith.cmpi ne, %convert_element_type3A_576, %cond3A_577 : i32
      scf.if %cond3A_578 {
        %mul3A_579 = arith.constant 2 : i32
        %mul3A_580 = arith.muli %add3A_568, %mul3A_579 : i32
        %add3A_581 = arith.constant 0 : i32
        %add3A_582 = arith.addi %mul3A_580, %add3A_581 : i32
        %dma_start3A_583 = arith.constant 0 : i32
        %dma_start3A_584 = arith.constant 0 : i32
        %dma_start3A_585 = arith.constant 0 : i32
        %dma_start3A_586 = tpu.memref_slice %arg10[%dma_start3A_583, %dma_start3A_584, %dma_start3A_585] : memref<2x50x128xf32, #tpu.memory_space<vmem>> -> memref<1x50x128xf32, #tpu.memory_space<vmem>>
        %dma_start3A_587 = tpu.memref_squeeze %dma_start3A_586 : memref<1x50x128xf32, #tpu.memory_space<vmem>> -> memref<50x128xf32, #tpu.memory_space<vmem>>
        %dma_start3A_588 = arith.constant 0 : i32
        %dma_start3A_589 = tpu.memref_slice %arg6[%add3A_582, %dma_start3A_588] : memref<128x50xi32, #tpu.memory_space<vmem>> -> memref<1x50xi32, #tpu.memory_space<vmem>>
        %dma_start3A_590 = tpu.memref_squeeze %dma_start3A_589 : memref<1x50xi32, #tpu.memory_space<vmem>> -> memref<50xi32, #tpu.memory_space<vmem>>
        %dma_start3A_591 = arith.constant 0 : i32
        %dma_start3A_592 = arith.constant 0 : i32
        %dma_start3A_593 = tpu.memref_slice %arg2[%dma_start3A_591, %dma_start3A_592] : memref<100000x128xf32, #tpu.memory_space<hbm>> -> memref<100000x128xf32, #tpu.memory_space<hbm>>
        tpu.enqueue_indirect_dma source(%dma_start3A_593 : memref<100000x128xf32, #tpu.memory_space<hbm>>) target(%dma_start3A_587 : memref<50x128xf32, #tpu.memory_space<vmem>>) offsets(%dma_start3A_590 : memref<50xi32, #tpu.memory_space<vmem>>) semaphore(%arg18 : memref<!tpu.dma_semaphore, #tpu.memory_space<semaphore_mem>>)
        %mul3A_594 = arith.constant 2 : i32
        %mul3A_595 = arith.muli %add3A_568, %mul3A_594 : i32
        %add3A_596 = arith.constant 1 : i32
        %add3A_597 = arith.addi %mul3A_595, %add3A_596 : i32
        %dma_start3A_598 = arith.constant 1 : i32
        %dma_start3A_599 = arith.constant 0 : i32
        %dma_start3A_600 = arith.constant 0 : i32
        %dma_start3A_601 = tpu.memref_slice %arg10[%dma_start3A_598, %dma_start3A_599, %dma_start3A_600] : memref<2x50x128xf32, #tpu.memory_space<vmem>> -> memref<1x50x128xf32, #tpu.memory_space<vmem>>
        %dma_start3A_602 = tpu.memref_squeeze %dma_start3A_601 : memref<1x50x128xf32, #tpu.memory_space<vmem>> -> memref<50x128xf32, #tpu.memory_space<vmem>>
        %dma_start3A_603 = arith.constant 0 : i32
        %dma_start3A_604 = tpu.memref_slice %arg6[%add3A_597, %dma_start3A_603] : memref<128x50xi32, #tpu.memory_space<vmem>> -> memref<1x50xi32, #tpu.memory_space<vmem>>
        %dma_start3A_605 = tpu.memref_squeeze %dma_start3A_604 : memref<1x50xi32, #tpu.memory_space<vmem>> -> memref<50xi32, #tpu.memory_space<vmem>>
        %dma_start3A_606 = arith.constant 0 : i32
        %dma_start3A_607 = arith.constant 0 : i32
        %dma_start3A_608 = tpu.memref_slice %arg2[%dma_start3A_606, %dma_start3A_607] : memref<100000x128xf32, #tpu.memory_space<hbm>> -> memref<100000x128xf32, #tpu.memory_space<hbm>>
        tpu.enqueue_indirect_dma source(%dma_start3A_608 : memref<100000x128xf32, #tpu.memory_space<hbm>>) target(%dma_start3A_602 : memref<50x128xf32, #tpu.memory_space<vmem>>) offsets(%dma_start3A_605 : memref<50xi32, #tpu.memory_space<vmem>>) semaphore(%arg18 : memref<!tpu.dma_semaphore, #tpu.memory_space<semaphore_mem>>)
      } else {
      }
    }
    %scan3A_101 = arith.constant 8 : i32
    %add3A_102 = arith.constant 120 : i32
    %add3A_103 = arith.addi %mul3A_2, %add3A_102 : i32
    %dma_wait3A = arith.constant 0 : i32
    %dma_wait3A_104 = arith.constant 0 : i32
    %dma_wait3A_105 = tpu.memref_slice %arg5[%add3A_103, %dma_wait3A, %dma_wait3A_104] : memref<4096x50x128xf32, #tpu.memory_space<hbm>> -> memref<2x50x128xf32, #tpu.memory_space<hbm>>
    %dma_wait3A_106 = arith.constant 0 : i32
    %dma_wait3A_107 = arith.constant 0 : i32
    %dma_wait3A_108 = tpu.memref_slice %arg5[%add3A_103, %dma_wait3A_106, %dma_wait3A_107] : memref<4096x50x128xf32, #tpu.memory_space<hbm>> -> memref<2x50x128xf32, #tpu.memory_space<hbm>>
    tpu.wait_dma2 semaphore(%arg27 : memref<!tpu.dma_semaphore, #tpu.memory_space<semaphore_mem>>) src(%arg11 : memref<2x50x128xf32, #tpu.memory_space<vmem>>) dst(%dma_wait3A_108 : memref<2x50x128xf32, #tpu.memory_space<hbm>>)
    %add3A_109 = arith.constant 122 : i32
    %add3A_110 = arith.addi %mul3A_2, %add3A_109 : i32
    %dma_wait3A_111 = arith.constant 0 : i32
    %dma_wait3A_112 = arith.constant 0 : i32
    %dma_wait3A_113 = tpu.memref_slice %arg5[%add3A_110, %dma_wait3A_111, %dma_wait3A_112] : memref<4096x50x128xf32, #tpu.memory_space<hbm>> -> memref<2x50x128xf32, #tpu.memory_space<hbm>>
    %dma_wait3A_114 = arith.constant 0 : i32
    %dma_wait3A_115 = arith.constant 0 : i32
    %dma_wait3A_116 = tpu.memref_slice %arg5[%add3A_110, %dma_wait3A_114, %dma_wait3A_115] : memref<4096x50x128xf32, #tpu.memory_space<hbm>> -> memref<2x50x128xf32, #tpu.memory_space<hbm>>
    tpu.wait_dma2 semaphore(%arg28 : memref<!tpu.dma_semaphore, #tpu.memory_space<semaphore_mem>>) src(%arg12 : memref<2x50x128xf32, #tpu.memory_space<vmem>>) dst(%dma_wait3A_116 : memref<2x50x128xf32, #tpu.memory_space<hbm>>)
    %add3A_117 = arith.constant 124 : i32
    %add3A_118 = arith.addi %mul3A_2, %add3A_117 : i32
    %dma_wait3A_119 = arith.constant 0 : i32
    %dma_wait3A_120 = arith.constant 0 : i32
    %dma_wait3A_121 = tpu.memref_slice %arg5[%add3A_118, %dma_wait3A_119, %dma_wait3A_120] : memref<4096x50x128xf32, #tpu.memory_space<hbm>> -> memref<2x50x128xf32, #tpu.memory_space<hbm>>
    %dma_wait3A_122 = arith.constant 0 : i32
    %dma_wait3A_123 = arith.constant 0 : i32
    %dma_wait3A_124 = tpu.memref_slice %arg5[%add3A_118, %dma_wait3A_122, %dma_wait3A_123] : memref<4096x50x128xf32, #tpu.memory_space<hbm>> -> memref<2x50x128xf32, #tpu.memory_space<hbm>>
    tpu.wait_dma2 semaphore(%arg29 : memref<!tpu.dma_semaphore, #tpu.memory_space<semaphore_mem>>) src(%arg13 : memref<2x50x128xf32, #tpu.memory_space<vmem>>) dst(%dma_wait3A_124 : memref<2x50x128xf32, #tpu.memory_space<hbm>>)
    %add3A_125 = arith.constant 126 : i32
    %add3A_126 = arith.addi %mul3A_2, %add3A_125 : i32
    %dma_wait3A_127 = arith.constant 0 : i32
    %dma_wait3A_128 = arith.constant 0 : i32
    %dma_wait3A_129 = tpu.memref_slice %arg5[%add3A_126, %dma_wait3A_127, %dma_wait3A_128] : memref<4096x50x128xf32, #tpu.memory_space<hbm>> -> memref<2x50x128xf32, #tpu.memory_space<hbm>>
    %dma_wait3A_130 = arith.constant 0 : i32
    %dma_wait3A_131 = arith.constant 0 : i32
    %dma_wait3A_132 = tpu.memref_slice %arg5[%add3A_126, %dma_wait3A_130, %dma_wait3A_131] : memref<4096x50x128xf32, #tpu.memory_space<hbm>> -> memref<2x50x128xf32, #tpu.memory_space<hbm>>
    tpu.wait_dma2 semaphore(%arg30 : memref<!tpu.dma_semaphore, #tpu.memory_space<semaphore_mem>>) src(%arg14 : memref<2x50x128xf32, #tpu.memory_space<vmem>>) dst(%dma_wait3A_132 : memref<2x50x128xf32, #tpu.memory_space<hbm>>)
    %scan3A_133 = arith.constant 0 : i32
    %scan3A_134 = arith.constant 128 : i32
    %scan3A_135 = arith.addi %scan3A_133, %scan3A_134 : i32
    %scan3A_136 = arith.constant 1 : i32
    scf.for %scan3A_138 = %scan3A_133 to %scan3A_135 step %scan3A_136  : i32 {
      %mul3A_139 = arith.constant 1 : i32
      %mul3A_140 = arith.muli %scan3A_138, %mul3A_139 : i32
      %add3A_141 = arith.constant 0 : i32
      %add3A_142 = arith.addi %add3A_141, %mul3A_140 : i32
      %get3A = arith.index_cast %add3A_142 : i32 to index
      %get3A_143 = arith.constant 0 : index
      %get3A_144 = tpu.vector_load %arg6[%get3A, %get3A_143] {strides = array<i32>} : memref<128x50xi32, #tpu.memory_space<vmem>>, vector<16xi32>,
      %get3A_145 = arith.index_cast %add3A_142 : i32 to index
      %get3A_146 = arith.constant 16 : index
      %get3A_147 = tpu.vector_load %arg6[%get3A_145, %get3A_146] {strides = array<i32>} : memref<128x50xi32, #tpu.memory_space<vmem>>, vector<16xi32>,
      %get3A_148 = arith.index_cast %add3A_142 : i32 to index
      %get3A_149 = arith.constant 32 : index
      %get3A_150 = tpu.vector_load %arg6[%get3A_148, %get3A_149] {strides = array<i32>} : memref<128x50xi32, #tpu.memory_space<vmem>>, vector<16xi32>,
      %get3A_151 = arith.index_cast %add3A_142 : i32 to index
      %get3A_152 = arith.constant 34 : index
      %get3A_153 = tpu.vector_load %arg6[%get3A_151, %get3A_152] {strides = array<i32>} : memref<128x50xi32, #tpu.memory_space<vmem>>, vector<16xi32>,
      %min3A = arith.minsi %get3A_144, %get3A_147 : vector<16xi32>
      %min3A_154 = arith.minsi %min3A, %get3A_150 : vector<16xi32>
      %min3A_155 = arith.minsi %min3A_154, %get3A_153 : vector<16xi32>
      %eq3A = arith.constant 0 : i32
      %eq3A_156 = vector.broadcast %eq3A : i32 to vector<16xi32>
      %eq3A_157 = arith.cmpi eq, %min3A_155, %eq3A_156 : vector<16xi32>
      %all_reduce_population_count3A = tpu.all_reduce %eq3A_157 {dim = 0 : i64, kind = #tpu.reduction_kind<sum>} : vector<16xi1> -> vector<16xi32>
      %slice3A = vector.extract_strided_slice %all_reduce_population_count3A {offsets = [0], sizes = [1], strides = [1]} : vector<16xi32> to vector<1xi32>
      %squeeze3A = vector.extract %slice3A[0] : i32 from vector<1xi32>
      %gt3A = arith.constant 0 : i32
      %gt3A_158 = arith.cmpi sgt, %squeeze3A, %gt3A : i32
      %convert_element_type3A = arith.extui %gt3A_158 : i1 to i32
      %cond3A = arith.constant 0 : i32
      %cond3A_159 = arith.cmpi ne, %convert_element_type3A, %cond3A : i32
      scf.if %cond3A_159 {
        %slice3A_160 = vector.extract_strided_slice %get3A_144 {offsets = [0], sizes = [1], strides = [1]} : vector<16xi32> to vector<1xi32>
        %squeeze3A_161 = vector.extract %slice3A_160[0] : i32 from vector<1xi32>
        %eq3A_162 = arith.constant 0 : i32
        %eq3A_163 = arith.cmpi eq, %squeeze3A_161, %eq3A_162 : i32
        %convert_element_type3A_164 = arith.extui %eq3A_163 : i1 to i32
        %cond3A_165 = arith.constant 0 : i32
        %cond3A_166 = arith.cmpi ne, %convert_element_type3A_164, %cond3A_165 : i32
        scf.if %cond3A_166 {
          %add3A_608 = arith.addi %mul3A_2, %add3A_142 : i32
          %run_scoped3A = arith.constant 0 : i32
          %run_scoped3A_609 = arith.constant 0 : i32
          "tpu.region"() ({
            %run_scoped3A_610 = tpu.sem_alloc : memref<!tpu.dma_semaphore, #tpu.memory_space<semaphore_mem>>
            %dma_start3A_611 = arith.constant 0 : i32
            %dma_start3A_612 = tpu.memref_slice %arg5[%add3A_608, %run_scoped3A_609, %dma_start3A_611] : memref<4096x50x128xf32, #tpu.memory_space<hbm>> -> memref<1x1x128xf32, #tpu.memory_space<hbm>>
            %dma_start3A_613 = tpu.memref_squeeze %dma_start3A_612 : memref<1x1x128xf32, #tpu.memory_space<hbm>> -> memref<128xf32, #tpu.memory_space<hbm>>
            %dma_start3A_614 = arith.constant 0 : i32
            %dma_start3A_615 = tpu.memref_slice %arg4[%run_scoped3A, %dma_start3A_614] : memref<8x128xf32, #tpu.memory_space<hbm>> -> memref<1x128xf32, #tpu.memory_space<hbm>>
            %dma_start3A_616 = tpu.memref_squeeze %dma_start3A_615 : memref<1x128xf32, #tpu.memory_space<hbm>> -> memref<128xf32, #tpu.memory_space<hbm>>
            tpu.enqueue_dma source(%dma_start3A_616 : memref<128xf32, #tpu.memory_space<hbm>>) target(%dma_start3A_613 : memref<128xf32, #tpu.memory_space<hbm>>) target_semaphore(%run_scoped3A_610 : memref<!tpu.dma_semaphore, #tpu.memory_space<semaphore_mem>>)
            %dma_wait3A_617 = arith.constant 0 : i32
            %dma_wait3A_618 = tpu.memref_slice %arg5[%add3A_608, %run_scoped3A_609, %dma_wait3A_617] : memref<4096x50x128xf32, #tpu.memory_space<hbm>> -> memref<1x1x128xf32, #tpu.memory_space<hbm>>
            %dma_wait3A_619 = tpu.memref_squeeze %dma_wait3A_618 : memref<1x1x128xf32, #tpu.memory_space<hbm>> -> memref<128xf32, #tpu.memory_space<hbm>>
            %dma_wait3A_620 = arith.constant 0 : i32
            %dma_wait3A_621 = tpu.memref_slice %arg4[%run_scoped3A, %dma_wait3A_620] : memref<8x128xf32, #tpu.memory_space<hbm>> -> memref<1x128xf32, #tpu.memory_space<hbm>>
            %dma_wait3A_622 = tpu.memref_squeeze %dma_wait3A_621 : memref<1x128xf32, #tpu.memory_space<hbm>> -> memref<128xf32, #tpu.memory_space<hbm>>
            tpu.wait_dma2 semaphore(%run_scoped3A_610 : memref<!tpu.dma_semaphore, #tpu.memory_space<semaphore_mem>>) src(%dma_wait3A_622 : memref<128xf32, #tpu.memory_space<hbm>>) dst(%dma_wait3A_619 : memref<128xf32, #tpu.memory_space<hbm>>)
            tpu.yield
          }) : () -> ()
        } else {
        }
        %slice3A_167 = vector.extract_strided_slice %get3A_144 {offsets = [1], sizes = [1], strides = [1]} : vector<16xi32> to vector<1xi32>
        %squeeze3A_168 = vector.extract %slice3A_167[0] : i32 from vector<1xi32>
        %eq3A_169 = arith.constant 0 : i32
        %eq3A_170 = arith.cmpi eq, %squeeze3A_168, %eq3A_169 : i32
        %convert_element_type3A_171 = arith.extui %eq3A_170 : i1 to i32
        %cond3A_172 = arith.constant 0 : i32
        %cond3A_173 = arith.cmpi ne, %convert_element_type3A_171, %cond3A_172 : i32
        scf.if %cond3A_173 {
          %add3A_608 = arith.addi %mul3A_2, %add3A_142 : i32
          %run_scoped3A = arith.constant 0 : i32
          %run_scoped3A_609 = arith.constant 1 : i32
          "tpu.region"() ({
            %run_scoped3A_610 = tpu.sem_alloc : memref<!tpu.dma_semaphore, #tpu.memory_space<semaphore_mem>>
            %dma_start3A_611 = arith.constant 0 : i32
            %dma_start3A_612 = tpu.memref_slice %arg5[%add3A_608, %run_scoped3A_609, %dma_start3A_611] : memref<4096x50x128xf32, #tpu.memory_space<hbm>> -> memref<1x1x128xf32, #tpu.memory_space<hbm>>
            %dma_start3A_613 = tpu.memref_squeeze %dma_start3A_612 : memref<1x1x128xf32, #tpu.memory_space<hbm>> -> memref<128xf32, #tpu.memory_space<hbm>>
            %dma_start3A_614 = arith.constant 0 : i32
            %dma_start3A_615 = tpu.memref_slice %arg4[%run_scoped3A, %dma_start3A_614] : memref<8x128xf32, #tpu.memory_space<hbm>> -> memref<1x128xf32, #tpu.memory_space<hbm>>
            %dma_start3A_616 = tpu.memref_squeeze %dma_start3A_615 : memref<1x128xf32, #tpu.memory_space<hbm>> -> memref<128xf32, #tpu.memory_space<hbm>>
            tpu.enqueue_dma source(%dma_start3A_616 : memref<128xf32, #tpu.memory_space<hbm>>) target(%dma_start3A_613 : memref<128xf32, #tpu.memory_space<hbm>>) target_semaphore(%run_scoped3A_610 : memref<!tpu.dma_semaphore, #tpu.memory_space<semaphore_mem>>)
            %dma_wait3A_617 = arith.constant 0 : i32
            %dma_wait3A_618 = tpu.memref_slice %arg5[%add3A_608, %run_scoped3A_609, %dma_wait3A_617] : memref<4096x50x128xf32, #tpu.memory_space<hbm>> -> memref<1x1x128xf32, #tpu.memory_space<hbm>>
            %dma_wait3A_619 = tpu.memref_squeeze %dma_wait3A_618 : memref<1x1x128xf32, #tpu.memory_space<hbm>> -> memref<128xf32, #tpu.memory_space<hbm>>
            %dma_wait3A_620 = arith.constant 0 : i32
            %dma_wait3A_621 = tpu.memref_slice %arg4[%run_scoped3A, %dma_wait3A_620] : memref<8x128xf32, #tpu.memory_space<hbm>> -> memref<1x128xf32, #tpu.memory_space<hbm>>
            %dma_wait3A_622 = tpu.memref_squeeze %dma_wait3A_621 : memref<1x128xf32, #tpu.memory_space<hbm>> -> memref<128xf32, #tpu.memory_space<hbm>>
            tpu.wait_dma2 semaphore(%run_scoped3A_610 : memref<!tpu.dma_semaphore, #tpu.memory_space<semaphore_mem>>) src(%dma_wait3A_622 : memref<128xf32, #tpu.memory_space<hbm>>) dst(%dma_wait3A_619 : memref<128xf32, #tpu.memory_space<hbm>>)
            tpu.yield
          }) : () -> ()
        } else {
        }
        %slice3A_174 = vector.extract_strided_slice %get3A_144 {offsets = [2], sizes = [1], strides = [1]} : vector<16xi32> to vector<1xi32>
        %squeeze3A_175 = vector.extract %slice3A_174[0] : i32 from vector<1xi32>
        %eq3A_176 = arith.constant 0 : i32
        %eq3A_177 = arith.cmpi eq, %squeeze3A_175, %eq3A_176 : i32
        %convert_element_type3A_178 = arith.extui %eq3A_177 : i1 to i32
        %cond3A_179 = arith.constant 0 : i32
        %cond3A_180 = arith.cmpi ne, %convert_element_type3A_178, %cond3A_179 : i32
        scf.if %cond3A_180 {
          %add3A_608 = arith.addi %mul3A_2, %add3A_142 : i32
          %run_scoped3A = arith.constant 0 : i32
          %run_scoped3A_609 = arith.constant 2 : i32
          "tpu.region"() ({
            %run_scoped3A_610 = tpu.sem_alloc : memref<!tpu.dma_semaphore, #tpu.memory_space<semaphore_mem>>
            %dma_start3A_611 = arith.constant 0 : i32
            %dma_start3A_612 = tpu.memref_slice %arg5[%add3A_608, %run_scoped3A_609, %dma_start3A_611] : memref<4096x50x128xf32, #tpu.memory_space<hbm>> -> memref<1x1x128xf32, #tpu.memory_space<hbm>>
            %dma_start3A_613 = tpu.memref_squeeze %dma_start3A_612 : memref<1x1x128xf32, #tpu.memory_space<hbm>> -> memref<128xf32, #tpu.memory_space<hbm>>
            %dma_start3A_614 = arith.constant 0 : i32
            %dma_start3A_615 = tpu.memref_slice %arg4[%run_scoped3A, %dma_start3A_614] : memref<8x128xf32, #tpu.memory_space<hbm>> -> memref<1x128xf32, #tpu.memory_space<hbm>>
            %dma_start3A_616 = tpu.memref_squeeze %dma_start3A_615 : memref<1x128xf32, #tpu.memory_space<hbm>> -> memref<128xf32, #tpu.memory_space<hbm>>
            tpu.enqueue_dma source(%dma_start3A_616 : memref<128xf32, #tpu.memory_space<hbm>>) target(%dma_start3A_613 : memref<128xf32, #tpu.memory_space<hbm>>) target_semaphore(%run_scoped3A_610 : memref<!tpu.dma_semaphore, #tpu.memory_space<semaphore_mem>>)
            %dma_wait3A_617 = arith.constant 0 : i32
            %dma_wait3A_618 = tpu.memref_slice %arg5[%add3A_608, %run_scoped3A_609, %dma_wait3A_617] : memref<4096x50x128xf32, #tpu.memory_space<hbm>> -> memref<1x1x128xf32, #tpu.memory_space<hbm>>
            %dma_wait3A_619 = tpu.memref_squeeze %dma_wait3A_618 : memref<1x1x128xf32, #tpu.memory_space<hbm>> -> memref<128xf32, #tpu.memory_space<hbm>>
            %dma_wait3A_620 = arith.constant 0 : i32
            %dma_wait3A_621 = tpu.memref_slice %arg4[%run_scoped3A, %dma_wait3A_620] : memref<8x128xf32, #tpu.memory_space<hbm>> -> memref<1x128xf32, #tpu.memory_space<hbm>>
            %dma_wait3A_622 = tpu.memref_squeeze %dma_wait3A_621 : memref<1x128xf32, #tpu.memory_space<hbm>> -> memref<128xf32, #tpu.memory_space<hbm>>
            tpu.wait_dma2 semaphore(%run_scoped3A_610 : memref<!tpu.dma_semaphore, #tpu.memory_space<semaphore_mem>>) src(%dma_wait3A_622 : memref<128xf32, #tpu.memory_space<hbm>>) dst(%dma_wait3A_619 : memref<128xf32, #tpu.memory_space<hbm>>)
            tpu.yield
          }) : () -> ()
        } else {
        }
        %slice3A_181 = vector.extract_strided_slice %get3A_144 {offsets = [3], sizes = [1], strides = [1]} : vector<16xi32> to vector<1xi32>
        %squeeze3A_182 = vector.extract %slice3A_181[0] : i32 from vector<1xi32>
        %eq3A_183 = arith.constant 0 : i32
        %eq3A_184 = arith.cmpi eq, %squeeze3A_182, %eq3A_183 : i32
        %convert_element_type3A_185 = arith.extui %eq3A_184 : i1 to i32
        %cond3A_186 = arith.constant 0 : i32
        %cond3A_187 = arith.cmpi ne, %convert_element_type3A_185, %cond3A_186 : i32
        scf.if %cond3A_187 {
          %add3A_608 = arith.addi %mul3A_2, %add3A_142 : i32
          %run_scoped3A = arith.constant 0 : i32
          %run_scoped3A_609 = arith.constant 3 : i32
          "tpu.region"() ({
            %run_scoped3A_610 = tpu.sem_alloc : memref<!tpu.dma_semaphore, #tpu.memory_space<semaphore_mem>>
            %dma_start3A_611 = arith.constant 0 : i32
            %dma_start3A_612 = tpu.memref_slice %arg5[%add3A_608, %run_scoped3A_609, %dma_start3A_611] : memref<4096x50x128xf32, #tpu.memory_space<hbm>> -> memref<1x1x128xf32, #tpu.memory_space<hbm>>
            %dma_start3A_613 = tpu.memref_squeeze %dma_start3A_612 : memref<1x1x128xf32, #tpu.memory_space<hbm>> -> memref<128xf32, #tpu.memory_space<hbm>>
            %dma_start3A_614 = arith.constant 0 : i32
            %dma_start3A_615 = tpu.memref_slice %arg4[%run_scoped3A, %dma_start3A_614] : memref<8x128xf32, #tpu.memory_space<hbm>> -> memref<1x128xf32, #tpu.memory_space<hbm>>
            %dma_start3A_616 = tpu.memref_squeeze %dma_start3A_615 : memref<1x128xf32, #tpu.memory_space<hbm>> -> memref<128xf32, #tpu.memory_space<hbm>>
            tpu.enqueue_dma source(%dma_start3A_616 : memref<128xf32, #tpu.memory_space<hbm>>) target(%dma_start3A_613 : memref<128xf32, #tpu.memory_space<hbm>>) target_semaphore(%run_scoped3A_610 : memref<!tpu.dma_semaphore, #tpu.memory_space<semaphore_mem>>)
            %dma_wait3A_617 = arith.constant 0 : i32
            %dma_wait3A_618 = tpu.memref_slice %arg5[%add3A_608, %run_scoped3A_609, %dma_wait3A_617] : memref<4096x50x128xf32, #tpu.memory_space<hbm>> -> memref<1x1x128xf32, #tpu.memory_space<hbm>>
            %dma_wait3A_619 = tpu.memref_squeeze %dma_wait3A_618 : memref<1x1x128xf32, #tpu.memory_space<hbm>> -> memref<128xf32, #tpu.memory_space<hbm>>
            %dma_wait3A_620 = arith.constant 0 : i32
            %dma_wait3A_621 = tpu.memref_slice %arg4[%run_scoped3A, %dma_wait3A_620] : memref<8x128xf32, #tpu.memory_space<hbm>> -> memref<1x128xf32, #tpu.memory_space<hbm>>
            %dma_wait3A_622 = tpu.memref_squeeze %dma_wait3A_621 : memref<1x128xf32, #tpu.memory_space<hbm>> -> memref<128xf32, #tpu.memory_space<hbm>>
            tpu.wait_dma2 semaphore(%run_scoped3A_610 : memref<!tpu.dma_semaphore, #tpu.memory_space<semaphore_mem>>) src(%dma_wait3A_622 : memref<128xf32, #tpu.memory_space<hbm>>) dst(%dma_wait3A_619 : memref<128xf32, #tpu.memory_space<hbm>>)
            tpu.yield
          }) : () -> ()
        } else {
        }
        %slice3A_188 = vector.extract_strided_slice %get3A_144 {offsets = [4], sizes = [1], strides = [1]} : vector<16xi32> to vector<1xi32>
        %squeeze3A_189 = vector.extract %slice3A_188[0] : i32 from vector<1xi32>
        %eq3A_190 = arith.constant 0 : i32
        %eq3A_191 = arith.cmpi eq, %squeeze3A_189, %eq3A_190 : i32
        %convert_element_type3A_192 = arith.extui %eq3A_191 : i1 to i32
        %cond3A_193 = arith.constant 0 : i32
        %cond3A_194 = arith.cmpi ne, %convert_element_type3A_192, %cond3A_193 : i32
        scf.if %cond3A_194 {
          %add3A_608 = arith.addi %mul3A_2, %add3A_142 : i32
          %run_scoped3A = arith.constant 0 : i32
          %run_scoped3A_609 = arith.constant 4 : i32
          "tpu.region"() ({
            %run_scoped3A_610 = tpu.sem_alloc : memref<!tpu.dma_semaphore, #tpu.memory_space<semaphore_mem>>
            %dma_start3A_611 = arith.constant 0 : i32
            %dma_start3A_612 = tpu.memref_slice %arg5[%add3A_608, %run_scoped3A_609, %dma_start3A_611] : memref<4096x50x128xf32, #tpu.memory_space<hbm>> -> memref<1x1x128xf32, #tpu.memory_space<hbm>>
            %dma_start3A_613 = tpu.memref_squeeze %dma_start3A_612 : memref<1x1x128xf32, #tpu.memory_space<hbm>> -> memref<128xf32, #tpu.memory_space<hbm>>
            %dma_start3A_614 = arith.constant 0 : i32
            %dma_start3A_615 = tpu.memref_slice %arg4[%run_scoped3A, %dma_start3A_614] : memref<8x128xf32, #tpu.memory_space<hbm>> -> memref<1x128xf32, #tpu.memory_space<hbm>>
            %dma_start3A_616 = tpu.memref_squeeze %dma_start3A_615 : memref<1x128xf32, #tpu.memory_space<hbm>> -> memref<128xf32, #tpu.memory_space<hbm>>
            tpu.enqueue_dma source(%dma_start3A_616 : memref<128xf32, #tpu.memory_space<hbm>>) target(%dma_start3A_613 : memref<128xf32, #tpu.memory_space<hbm>>) target_semaphore(%run_scoped3A_610 : memref<!tpu.dma_semaphore, #tpu.memory_space<semaphore_mem>>)
            %dma_wait3A_617 = arith.constant 0 : i32
            %dma_wait3A_618 = tpu.memref_slice %arg5[%add3A_608, %run_scoped3A_609, %dma_wait3A_617] : memref<4096x50x128xf32, #tpu.memory_space<hbm>> -> memref<1x1x128xf32, #tpu.memory_space<hbm>>
            %dma_wait3A_619 = tpu.memref_squeeze %dma_wait3A_618 : memref<1x1x128xf32, #tpu.memory_space<hbm>> -> memref<128xf32, #tpu.memory_space<hbm>>
            %dma_wait3A_620 = arith.constant 0 : i32
            %dma_wait3A_621 = tpu.memref_slice %arg4[%run_scoped3A, %dma_wait3A_620] : memref<8x128xf32, #tpu.memory_space<hbm>> -> memref<1x128xf32, #tpu.memory_space<hbm>>
            %dma_wait3A_622 = tpu.memref_squeeze %dma_wait3A_621 : memref<1x128xf32, #tpu.memory_space<hbm>> -> memref<128xf32, #tpu.memory_space<hbm>>
            tpu.wait_dma2 semaphore(%run_scoped3A_610 : memref<!tpu.dma_semaphore, #tpu.memory_space<semaphore_mem>>) src(%dma_wait3A_622 : memref<128xf32, #tpu.memory_space<hbm>>) dst(%dma_wait3A_619 : memref<128xf32, #tpu.memory_space<hbm>>)
            tpu.yield
          }) : () -> ()
        } else {
        }
        %slice3A_195 = vector.extract_strided_slice %get3A_144 {offsets = [5], sizes = [1], strides = [1]} : vector<16xi32> to vector<1xi32>
        %squeeze3A_196 = vector.extract %slice3A_195[0] : i32 from vector<1xi32>
        %eq3A_197 = arith.constant 0 : i32
        %eq3A_198 = arith.cmpi eq, %squeeze3A_196, %eq3A_197 : i32
        %convert_element_type3A_199 = arith.extui %eq3A_198 : i1 to i32
        %cond3A_200 = arith.constant 0 : i32
        %cond3A_201 = arith.cmpi ne, %convert_element_type3A_199, %cond3A_200 : i32
        scf.if %cond3A_201 {
          %add3A_608 = arith.addi %mul3A_2, %add3A_142 : i32
          %run_scoped3A = arith.constant 0 : i32
          %run_scoped3A_609 = arith.constant 5 : i32
          "tpu.region"() ({
            %run_scoped3A_610 = tpu.sem_alloc : memref<!tpu.dma_semaphore, #tpu.memory_space<semaphore_mem>>
            %dma_start3A_611 = arith.constant 0 : i32
            %dma_start3A_612 = tpu.memref_slice %arg5[%add3A_608, %run_scoped3A_609, %dma_start3A_611] : memref<4096x50x128xf32, #tpu.memory_space<hbm>> -> memref<1x1x128xf32, #tpu.memory_space<hbm>>
            %dma_start3A_613 = tpu.memref_squeeze %dma_start3A_612 : memref<1x1x128xf32, #tpu.memory_space<hbm>> -> memref<128xf32, #tpu.memory_space<hbm>>
            %dma_start3A_614 = arith.constant 0 : i32
            %dma_start3A_615 = tpu.memref_slice %arg4[%run_scoped3A, %dma_start3A_614] : memref<8x128xf32, #tpu.memory_space<hbm>> -> memref<1x128xf32, #tpu.memory_space<hbm>>
            %dma_start3A_616 = tpu.memref_squeeze %dma_start3A_615 : memref<1x128xf32, #tpu.memory_space<hbm>> -> memref<128xf32, #tpu.memory_space<hbm>>
            tpu.enqueue_dma source(%dma_start3A_616 : memref<128xf32, #tpu.memory_space<hbm>>) target(%dma_start3A_613 : memref<128xf32, #tpu.memory_space<hbm>>) target_semaphore(%run_scoped3A_610 : memref<!tpu.dma_semaphore, #tpu.memory_space<semaphore_mem>>)
            %dma_wait3A_617 = arith.constant 0 : i32
            %dma_wait3A_618 = tpu.memref_slice %arg5[%add3A_608, %run_scoped3A_609, %dma_wait3A_617] : memref<4096x50x128xf32, #tpu.memory_space<hbm>> -> memref<1x1x128xf32, #tpu.memory_space<hbm>>
            %dma_wait3A_619 = tpu.memref_squeeze %dma_wait3A_618 : memref<1x1x128xf32, #tpu.memory_space<hbm>> -> memref<128xf32, #tpu.memory_space<hbm>>
            %dma_wait3A_620 = arith.constant 0 : i32
            %dma_wait3A_621 = tpu.memref_slice %arg4[%run_scoped3A, %dma_wait3A_620] : memref<8x128xf32, #tpu.memory_space<hbm>> -> memref<1x128xf32, #tpu.memory_space<hbm>>
            %dma_wait3A_622 = tpu.memref_squeeze %dma_wait3A_621 : memref<1x128xf32, #tpu.memory_space<hbm>> -> memref<128xf32, #tpu.memory_space<hbm>>
            tpu.wait_dma2 semaphore(%run_scoped3A_610 : memref<!tpu.dma_semaphore, #tpu.memory_space<semaphore_mem>>) src(%dma_wait3A_622 : memref<128xf32, #tpu.memory_space<hbm>>) dst(%dma_wait3A_619 : memref<128xf32, #tpu.memory_space<hbm>>)
            tpu.yield
          }) : () -> ()
        } else {
        }
        %slice3A_202 = vector.extract_strided_slice %get3A_144 {offsets = [6], sizes = [1], strides = [1]} : vector<16xi32> to vector<1xi32>
        %squeeze3A_203 = vector.extract %slice3A_202[0] : i32 from vector<1xi32>
        %eq3A_204 = arith.constant 0 : i32
        %eq3A_205 = arith.cmpi eq, %squeeze3A_203, %eq3A_204 : i32
        %convert_element_type3A_206 = arith.extui %eq3A_205 : i1 to i32
        %cond3A_207 = arith.constant 0 : i32
        %cond3A_208 = arith.cmpi ne, %convert_element_type3A_206, %cond3A_207 : i32
        scf.if %cond3A_208 {
          %add3A_608 = arith.addi %mul3A_2, %add3A_142 : i32
          %run_scoped3A = arith.constant 0 : i32
          %run_scoped3A_609 = arith.constant 6 : i32
          "tpu.region"() ({
            %run_scoped3A_610 = tpu.sem_alloc : memref<!tpu.dma_semaphore, #tpu.memory_space<semaphore_mem>>
            %dma_start3A_611 = arith.constant 0 : i32
            %dma_start3A_612 = tpu.memref_slice %arg5[%add3A_608, %run_scoped3A_609, %dma_start3A_611] : memref<4096x50x128xf32, #tpu.memory_space<hbm>> -> memref<1x1x128xf32, #tpu.memory_space<hbm>>
            %dma_start3A_613 = tpu.memref_squeeze %dma_start3A_612 : memref<1x1x128xf32, #tpu.memory_space<hbm>> -> memref<128xf32, #tpu.memory_space<hbm>>
            %dma_start3A_614 = arith.constant 0 : i32
            %dma_start3A_615 = tpu.memref_slice %arg4[%run_scoped3A, %dma_start3A_614] : memref<8x128xf32, #tpu.memory_space<hbm>> -> memref<1x128xf32, #tpu.memory_space<hbm>>
            %dma_start3A_616 = tpu.memref_squeeze %dma_start3A_615 : memref<1x128xf32, #tpu.memory_space<hbm>> -> memref<128xf32, #tpu.memory_space<hbm>>
            tpu.enqueue_dma source(%dma_start3A_616 : memref<128xf32, #tpu.memory_space<hbm>>) target(%dma_start3A_613 : memref<128xf32, #tpu.memory_space<hbm>>) target_semaphore(%run_scoped3A_610 : memref<!tpu.dma_semaphore, #tpu.memory_space<semaphore_mem>>)
            %dma_wait3A_617 = arith.constant 0 : i32
            %dma_wait3A_618 = tpu.memref_slice %arg5[%add3A_608, %run_scoped3A_609, %dma_wait3A_617] : memref<4096x50x128xf32, #tpu.memory_space<hbm>> -> memref<1x1x128xf32, #tpu.memory_space<hbm>>
            %dma_wait3A_619 = tpu.memref_squeeze %dma_wait3A_618 : memref<1x1x128xf32, #tpu.memory_space<hbm>> -> memref<128xf32, #tpu.memory_space<hbm>>
            %dma_wait3A_620 = arith.constant 0 : i32
            %dma_wait3A_621 = tpu.memref_slice %arg4[%run_scoped3A, %dma_wait3A_620] : memref<8x128xf32, #tpu.memory_space<hbm>> -> memref<1x128xf32, #tpu.memory_space<hbm>>
            %dma_wait3A_622 = tpu.memref_squeeze %dma_wait3A_621 : memref<1x128xf32, #tpu.memory_space<hbm>> -> memref<128xf32, #tpu.memory_space<hbm>>
            tpu.wait_dma2 semaphore(%run_scoped3A_610 : memref<!tpu.dma_semaphore, #tpu.memory_space<semaphore_mem>>) src(%dma_wait3A_622 : memref<128xf32, #tpu.memory_space<hbm>>) dst(%dma_wait3A_619 : memref<128xf32, #tpu.memory_space<hbm>>)
            tpu.yield
          }) : () -> ()
        } else {
        }
        %slice3A_209 = vector.extract_strided_slice %get3A_144 {offsets = [7], sizes = [1], strides = [1]} : vector<16xi32> to vector<1xi32>
        %squeeze3A_210 = vector.extract %slice3A_209[0] : i32 from vector<1xi32>
        %eq3A_211 = arith.constant 0 : i32
        %eq3A_212 = arith.cmpi eq, %squeeze3A_210, %eq3A_211 : i32
        %convert_element_type3A_213 = arith.extui %eq3A_212 : i1 to i32
        %cond3A_214 = arith.constant 0 : i32
        %cond3A_215 = arith.cmpi ne, %convert_element_type3A_213, %cond3A_214 : i32
        scf.if %cond3A_215 {
          %add3A_608 = arith.addi %mul3A_2, %add3A_142 : i32
          %run_scoped3A = arith.constant 0 : i32
          %run_scoped3A_609 = arith.constant 7 : i32
          "tpu.region"() ({
            %run_scoped3A_610 = tpu.sem_alloc : memref<!tpu.dma_semaphore, #tpu.memory_space<semaphore_mem>>
            %dma_start3A_611 = arith.constant 0 : i32
            %dma_start3A_612 = tpu.memref_slice %arg5[%add3A_608, %run_scoped3A_609, %dma_start3A_611] : memref<4096x50x128xf32, #tpu.memory_space<hbm>> -> memref<1x1x128xf32, #tpu.memory_space<hbm>>
            %dma_start3A_613 = tpu.memref_squeeze %dma_start3A_612 : memref<1x1x128xf32, #tpu.memory_space<hbm>> -> memref<128xf32, #tpu.memory_space<hbm>>
            %dma_start3A_614 = arith.constant 0 : i32
            %dma_start3A_615 = tpu.memref_slice %arg4[%run_scoped3A, %dma_start3A_614] : memref<8x128xf32, #tpu.memory_space<hbm>> -> memref<1x128xf32, #tpu.memory_space<hbm>>
            %dma_start3A_616 = tpu.memref_squeeze %dma_start3A_615 : memref<1x128xf32, #tpu.memory_space<hbm>> -> memref<128xf32, #tpu.memory_space<hbm>>
            tpu.enqueue_dma source(%dma_start3A_616 : memref<128xf32, #tpu.memory_space<hbm>>) target(%dma_start3A_613 : memref<128xf32, #tpu.memory_space<hbm>>) target_semaphore(%run_scoped3A_610 : memref<!tpu.dma_semaphore, #tpu.memory_space<semaphore_mem>>)
            %dma_wait3A_617 = arith.constant 0 : i32
            %dma_wait3A_618 = tpu.memref_slice %arg5[%add3A_608, %run_scoped3A_609, %dma_wait3A_617] : memref<4096x50x128xf32, #tpu.memory_space<hbm>> -> memref<1x1x128xf32, #tpu.memory_space<hbm>>
            %dma_wait3A_619 = tpu.memref_squeeze %dma_wait3A_618 : memref<1x1x128xf32, #tpu.memory_space<hbm>> -> memref<128xf32, #tpu.memory_space<hbm>>
            %dma_wait3A_620 = arith.constant 0 : i32
            %dma_wait3A_621 = tpu.memref_slice %arg4[%run_scoped3A, %dma_wait3A_620] : memref<8x128xf32, #tpu.memory_space<hbm>> -> memref<1x128xf32, #tpu.memory_space<hbm>>
            %dma_wait3A_622 = tpu.memref_squeeze %dma_wait3A_621 : memref<1x128xf32, #tpu.memory_space<hbm>> -> memref<128xf32, #tpu.memory_space<hbm>>
            tpu.wait_dma2 semaphore(%run_scoped3A_610 : memref<!tpu.dma_semaphore, #tpu.memory_space<semaphore_mem>>) src(%dma_wait3A_622 : memref<128xf32, #tpu.memory_space<hbm>>) dst(%dma_wait3A_619 : memref<128xf32, #tpu.memory_space<hbm>>)
            tpu.yield
          }) : () -> ()
        } else {
        }
        %slice3A_216 = vector.extract_strided_slice %get3A_144 {offsets = [8], sizes = [1], strides = [1]} : vector<16xi32> to vector<1xi32>
        %squeeze3A_217 = vector.extract %slice3A_216[0] : i32 from vector<1xi32>
        %eq3A_218 = arith.constant 0 : i32
        %eq3A_219 = arith.cmpi eq, %squeeze3A_217, %eq3A_218 : i32
        %convert_element_type3A_220 = arith.extui %eq3A_219 : i1 to i32
        %cond3A_221 = arith.constant 0 : i32
        %cond3A_222 = arith.cmpi ne, %convert_element_type3A_220, %cond3A_221 : i32
        scf.if %cond3A_222 {
          %add3A_608 = arith.addi %mul3A_2, %add3A_142 : i32
          %run_scoped3A = arith.constant 0 : i32
          %run_scoped3A_609 = arith.constant 8 : i32
          "tpu.region"() ({
            %run_scoped3A_610 = tpu.sem_alloc : memref<!tpu.dma_semaphore, #tpu.memory_space<semaphore_mem>>
            %dma_start3A_611 = arith.constant 0 : i32
            %dma_start3A_612 = tpu.memref_slice %arg5[%add3A_608, %run_scoped3A_609, %dma_start3A_611] : memref<4096x50x128xf32, #tpu.memory_space<hbm>> -> memref<1x1x128xf32, #tpu.memory_space<hbm>>
            %dma_start3A_613 = tpu.memref_squeeze %dma_start3A_612 : memref<1x1x128xf32, #tpu.memory_space<hbm>> -> memref<128xf32, #tpu.memory_space<hbm>>
            %dma_start3A_614 = arith.constant 0 : i32
            %dma_start3A_615 = tpu.memref_slice %arg4[%run_scoped3A, %dma_start3A_614] : memref<8x128xf32, #tpu.memory_space<hbm>> -> memref<1x128xf32, #tpu.memory_space<hbm>>
            %dma_start3A_616 = tpu.memref_squeeze %dma_start3A_615 : memref<1x128xf32, #tpu.memory_space<hbm>> -> memref<128xf32, #tpu.memory_space<hbm>>
            tpu.enqueue_dma source(%dma_start3A_616 : memref<128xf32, #tpu.memory_space<hbm>>) target(%dma_start3A_613 : memref<128xf32, #tpu.memory_space<hbm>>) target_semaphore(%run_scoped3A_610 : memref<!tpu.dma_semaphore, #tpu.memory_space<semaphore_mem>>)
            %dma_wait3A_617 = arith.constant 0 : i32
            %dma_wait3A_618 = tpu.memref_slice %arg5[%add3A_608, %run_scoped3A_609, %dma_wait3A_617] : memref<4096x50x128xf32, #tpu.memory_space<hbm>> -> memref<1x1x128xf32, #tpu.memory_space<hbm>>
            %dma_wait3A_619 = tpu.memref_squeeze %dma_wait3A_618 : memref<1x1x128xf32, #tpu.memory_space<hbm>> -> memref<128xf32, #tpu.memory_space<hbm>>
            %dma_wait3A_620 = arith.constant 0 : i32
            %dma_wait3A_621 = tpu.memref_slice %arg4[%run_scoped3A, %dma_wait3A_620] : memref<8x128xf32, #tpu.memory_space<hbm>> -> memref<1x128xf32, #tpu.memory_space<hbm>>
            %dma_wait3A_622 = tpu.memref_squeeze %dma_wait3A_621 : memref<1x128xf32, #tpu.memory_space<hbm>> -> memref<128xf32, #tpu.memory_space<hbm>>
            tpu.wait_dma2 semaphore(%run_scoped3A_610 : memref<!tpu.dma_semaphore, #tpu.memory_space<semaphore_mem>>) src(%dma_wait3A_622 : memref<128xf32, #tpu.memory_space<hbm>>) dst(%dma_wait3A_619 : memref<128xf32, #tpu.memory_space<hbm>>)
            tpu.yield
          }) : () -> ()
        } else {
        }
        %slice3A_223 = vector.extract_strided_slice %get3A_144 {offsets = [9], sizes = [1], strides = [1]} : vector<16xi32> to vector<1xi32>
        %squeeze3A_224 = vector.extract %slice3A_223[0] : i32 from vector<1xi32>
        %eq3A_225 = arith.constant 0 : i32
        %eq3A_226 = arith.cmpi eq, %squeeze3A_224, %eq3A_225 : i32
        %convert_element_type3A_227 = arith.extui %eq3A_226 : i1 to i32
        %cond3A_228 = arith.constant 0 : i32
        %cond3A_229 = arith.cmpi ne, %convert_element_type3A_227, %cond3A_228 : i32
        scf.if %cond3A_229 {
          %add3A_608 = arith.addi %mul3A_2, %add3A_142 : i32
          %run_scoped3A = arith.constant 0 : i32
          %run_scoped3A_609 = arith.constant 9 : i32
          "tpu.region"() ({
            %run_scoped3A_610 = tpu.sem_alloc : memref<!tpu.dma_semaphore, #tpu.memory_space<semaphore_mem>>
            %dma_start3A_611 = arith.constant 0 : i32
            %dma_start3A_612 = tpu.memref_slice %arg5[%add3A_608, %run_scoped3A_609, %dma_start3A_611] : memref<4096x50x128xf32, #tpu.memory_space<hbm>> -> memref<1x1x128xf32, #tpu.memory_space<hbm>>
            %dma_start3A_613 = tpu.memref_squeeze %dma_start3A_612 : memref<1x1x128xf32, #tpu.memory_space<hbm>> -> memref<128xf32, #tpu.memory_space<hbm>>
            %dma_start3A_614 = arith.constant 0 : i32
            %dma_start3A_615 = tpu.memref_slice %arg4[%run_scoped3A, %dma_start3A_614] : memref<8x128xf32, #tpu.memory_space<hbm>> -> memref<1x128xf32, #tpu.memory_space<hbm>>
            %dma_start3A_616 = tpu.memref_squeeze %dma_start3A_615 : memref<1x128xf32, #tpu.memory_space<hbm>> -> memref<128xf32, #tpu.memory_space<hbm>>
            tpu.enqueue_dma source(%dma_start3A_616 : memref<128xf32, #tpu.memory_space<hbm>>) target(%dma_start3A_613 : memref<128xf32, #tpu.memory_space<hbm>>) target_semaphore(%run_scoped3A_610 : memref<!tpu.dma_semaphore, #tpu.memory_space<semaphore_mem>>)
            %dma_wait3A_617 = arith.constant 0 : i32
            %dma_wait3A_618 = tpu.memref_slice %arg5[%add3A_608, %run_scoped3A_609, %dma_wait3A_617] : memref<4096x50x128xf32, #tpu.memory_space<hbm>> -> memref<1x1x128xf32, #tpu.memory_space<hbm>>
            %dma_wait3A_619 = tpu.memref_squeeze %dma_wait3A_618 : memref<1x1x128xf32, #tpu.memory_space<hbm>> -> memref<128xf32, #tpu.memory_space<hbm>>
            %dma_wait3A_620 = arith.constant 0 : i32
            %dma_wait3A_621 = tpu.memref_slice %arg4[%run_scoped3A, %dma_wait3A_620] : memref<8x128xf32, #tpu.memory_space<hbm>> -> memref<1x128xf32, #tpu.memory_space<hbm>>
            %dma_wait3A_622 = tpu.memref_squeeze %dma_wait3A_621 : memref<1x128xf32, #tpu.memory_space<hbm>> -> memref<128xf32, #tpu.memory_space<hbm>>
            tpu.wait_dma2 semaphore(%run_scoped3A_610 : memref<!tpu.dma_semaphore, #tpu.memory_space<semaphore_mem>>) src(%dma_wait3A_622 : memref<128xf32, #tpu.memory_space<hbm>>) dst(%dma_wait3A_619 : memref<128xf32, #tpu.memory_space<hbm>>)
            tpu.yield
          }) : () -> ()
        } else {
        }
        %slice3A_230 = vector.extract_strided_slice %get3A_144 {offsets = [10], sizes = [1], strides = [1]} : vector<16xi32> to vector<1xi32>
        %squeeze3A_231 = vector.extract %slice3A_230[0] : i32 from vector<1xi32>
        %eq3A_232 = arith.constant 0 : i32
        %eq3A_233 = arith.cmpi eq, %squeeze3A_231, %eq3A_232 : i32
        %convert_element_type3A_234 = arith.extui %eq3A_233 : i1 to i32
        %cond3A_235 = arith.constant 0 : i32
        %cond3A_236 = arith.cmpi ne, %convert_element_type3A_234, %cond3A_235 : i32
        scf.if %cond3A_236 {
          %add3A_608 = arith.addi %mul3A_2, %add3A_142 : i32
          %run_scoped3A = arith.constant 0 : i32
          %run_scoped3A_609 = arith.constant 10 : i32
          "tpu.region"() ({
            %run_scoped3A_610 = tpu.sem_alloc : memref<!tpu.dma_semaphore, #tpu.memory_space<semaphore_mem>>
            %dma_start3A_611 = arith.constant 0 : i32
            %dma_start3A_612 = tpu.memref_slice %arg5[%add3A_608, %run_scoped3A_609, %dma_start3A_611] : memref<4096x50x128xf32, #tpu.memory_space<hbm>> -> memref<1x1x128xf32, #tpu.memory_space<hbm>>
            %dma_start3A_613 = tpu.memref_squeeze %dma_start3A_612 : memref<1x1x128xf32, #tpu.memory_space<hbm>> -> memref<128xf32, #tpu.memory_space<hbm>>
            %dma_start3A_614 = arith.constant 0 : i32
            %dma_start3A_615 = tpu.memref_slice %arg4[%run_scoped3A, %dma_start3A_614] : memref<8x128xf32, #tpu.memory_space<hbm>> -> memref<1x128xf32, #tpu.memory_space<hbm>>
            %dma_start3A_616 = tpu.memref_squeeze %dma_start3A_615 : memref<1x128xf32, #tpu.memory_space<hbm>> -> memref<128xf32, #tpu.memory_space<hbm>>
            tpu.enqueue_dma source(%dma_start3A_616 : memref<128xf32, #tpu.memory_space<hbm>>) target(%dma_start3A_613 : memref<128xf32, #tpu.memory_space<hbm>>) target_semaphore(%run_scoped3A_610 : memref<!tpu.dma_semaphore, #tpu.memory_space<semaphore_mem>>)
            %dma_wait3A_617 = arith.constant 0 : i32
            %dma_wait3A_618 = tpu.memref_slice %arg5[%add3A_608, %run_scoped3A_609, %dma_wait3A_617] : memref<4096x50x128xf32, #tpu.memory_space<hbm>> -> memref<1x1x128xf32, #tpu.memory_space<hbm>>
            %dma_wait3A_619 = tpu.memref_squeeze %dma_wait3A_618 : memref<1x1x128xf32, #tpu.memory_space<hbm>> -> memref<128xf32, #tpu.memory_space<hbm>>
            %dma_wait3A_620 = arith.constant 0 : i32
            %dma_wait3A_621 = tpu.memref_slice %arg4[%run_scoped3A, %dma_wait3A_620] : memref<8x128xf32, #tpu.memory_space<hbm>> -> memref<1x128xf32, #tpu.memory_space<hbm>>
            %dma_wait3A_622 = tpu.memref_squeeze %dma_wait3A_621 : memref<1x128xf32, #tpu.memory_space<hbm>> -> memref<128xf32, #tpu.memory_space<hbm>>
            tpu.wait_dma2 semaphore(%run_scoped3A_610 : memref<!tpu.dma_semaphore, #tpu.memory_space<semaphore_mem>>) src(%dma_wait3A_622 : memref<128xf32, #tpu.memory_space<hbm>>) dst(%dma_wait3A_619 : memref<128xf32, #tpu.memory_space<hbm>>)
            tpu.yield
          }) : () -> ()
        } else {
        }
        %slice3A_237 = vector.extract_strided_slice %get3A_144 {offsets = [11], sizes = [1], strides = [1]} : vector<16xi32> to vector<1xi32>
        %squeeze3A_238 = vector.extract %slice3A_237[0] : i32 from vector<1xi32>
        %eq3A_239 = arith.constant 0 : i32
        %eq3A_240 = arith.cmpi eq, %squeeze3A_238, %eq3A_239 : i32
        %convert_element_type3A_241 = arith.extui %eq3A_240 : i1 to i32
        %cond3A_242 = arith.constant 0 : i32
        %cond3A_243 = arith.cmpi ne, %convert_element_type3A_241, %cond3A_242 : i32
        scf.if %cond3A_243 {
          %add3A_608 = arith.addi %mul3A_2, %add3A_142 : i32
          %run_scoped3A = arith.constant 0 : i32
          %run_scoped3A_609 = arith.constant 11 : i32
          "tpu.region"() ({
            %run_scoped3A_610 = tpu.sem_alloc : memref<!tpu.dma_semaphore, #tpu.memory_space<semaphore_mem>>
            %dma_start3A_611 = arith.constant 0 : i32
            %dma_start3A_612 = tpu.memref_slice %arg5[%add3A_608, %run_scoped3A_609, %dma_start3A_611] : memref<4096x50x128xf32, #tpu.memory_space<hbm>> -> memref<1x1x128xf32, #tpu.memory_space<hbm>>
            %dma_start3A_613 = tpu.memref_squeeze %dma_start3A_612 : memref<1x1x128xf32, #tpu.memory_space<hbm>> -> memref<128xf32, #tpu.memory_space<hbm>>
            %dma_start3A_614 = arith.constant 0 : i32
            %dma_start3A_615 = tpu.memref_slice %arg4[%run_scoped3A, %dma_start3A_614] : memref<8x128xf32, #tpu.memory_space<hbm>> -> memref<1x128xf32, #tpu.memory_space<hbm>>
            %dma_start3A_616 = tpu.memref_squeeze %dma_start3A_615 : memref<1x128xf32, #tpu.memory_space<hbm>> -> memref<128xf32, #tpu.memory_space<hbm>>
            tpu.enqueue_dma source(%dma_start3A_616 : memref<128xf32, #tpu.memory_space<hbm>>) target(%dma_start3A_613 : memref<128xf32, #tpu.memory_space<hbm>>) target_semaphore(%run_scoped3A_610 : memref<!tpu.dma_semaphore, #tpu.memory_space<semaphore_mem>>)
            %dma_wait3A_617 = arith.constant 0 : i32
            %dma_wait3A_618 = tpu.memref_slice %arg5[%add3A_608, %run_scoped3A_609, %dma_wait3A_617] : memref<4096x50x128xf32, #tpu.memory_space<hbm>> -> memref<1x1x128xf32, #tpu.memory_space<hbm>>
            %dma_wait3A_619 = tpu.memref_squeeze %dma_wait3A_618 : memref<1x1x128xf32, #tpu.memory_space<hbm>> -> memref<128xf32, #tpu.memory_space<hbm>>
            %dma_wait3A_620 = arith.constant 0 : i32
            %dma_wait3A_621 = tpu.memref_slice %arg4[%run_scoped3A, %dma_wait3A_620] : memref<8x128xf32, #tpu.memory_space<hbm>> -> memref<1x128xf32, #tpu.memory_space<hbm>>
            %dma_wait3A_622 = tpu.memref_squeeze %dma_wait3A_621 : memref<1x128xf32, #tpu.memory_space<hbm>> -> memref<128xf32, #tpu.memory_space<hbm>>
            tpu.wait_dma2 semaphore(%run_scoped3A_610 : memref<!tpu.dma_semaphore, #tpu.memory_space<semaphore_mem>>) src(%dma_wait3A_622 : memref<128xf32, #tpu.memory_space<hbm>>) dst(%dma_wait3A_619 : memref<128xf32, #tpu.memory_space<hbm>>)
            tpu.yield
          }) : () -> ()
        } else {
        }
        %slice3A_244 = vector.extract_strided_slice %get3A_144 {offsets = [12], sizes = [1], strides = [1]} : vector<16xi32> to vector<1xi32>
        %squeeze3A_245 = vector.extract %slice3A_244[0] : i32 from vector<1xi32>
        %eq3A_246 = arith.constant 0 : i32
        %eq3A_247 = arith.cmpi eq, %squeeze3A_245, %eq3A_246 : i32
        %convert_element_type3A_248 = arith.extui %eq3A_247 : i1 to i32
        %cond3A_249 = arith.constant 0 : i32
        %cond3A_250 = arith.cmpi ne, %convert_element_type3A_248, %cond3A_249 : i32
        scf.if %cond3A_250 {
          %add3A_608 = arith.addi %mul3A_2, %add3A_142 : i32
          %run_scoped3A = arith.constant 0 : i32
          %run_scoped3A_609 = arith.constant 12 : i32
          "tpu.region"() ({
            %run_scoped3A_610 = tpu.sem_alloc : memref<!tpu.dma_semaphore, #tpu.memory_space<semaphore_mem>>
            %dma_start3A_611 = arith.constant 0 : i32
            %dma_start3A_612 = tpu.memref_slice %arg5[%add3A_608, %run_scoped3A_609, %dma_start3A_611] : memref<4096x50x128xf32, #tpu.memory_space<hbm>> -> memref<1x1x128xf32, #tpu.memory_space<hbm>>
            %dma_start3A_613 = tpu.memref_squeeze %dma_start3A_612 : memref<1x1x128xf32, #tpu.memory_space<hbm>> -> memref<128xf32, #tpu.memory_space<hbm>>
            %dma_start3A_614 = arith.constant 0 : i32
            %dma_start3A_615 = tpu.memref_slice %arg4[%run_scoped3A, %dma_start3A_614] : memref<8x128xf32, #tpu.memory_space<hbm>> -> memref<1x128xf32, #tpu.memory_space<hbm>>
            %dma_start3A_616 = tpu.memref_squeeze %dma_start3A_615 : memref<1x128xf32, #tpu.memory_space<hbm>> -> memref<128xf32, #tpu.memory_space<hbm>>
            tpu.enqueue_dma source(%dma_start3A_616 : memref<128xf32, #tpu.memory_space<hbm>>) target(%dma_start3A_613 : memref<128xf32, #tpu.memory_space<hbm>>) target_semaphore(%run_scoped3A_610 : memref<!tpu.dma_semaphore, #tpu.memory_space<semaphore_mem>>)
            %dma_wait3A_617 = arith.constant 0 : i32
            %dma_wait3A_618 = tpu.memref_slice %arg5[%add3A_608, %run_scoped3A_609, %dma_wait3A_617] : memref<4096x50x128xf32, #tpu.memory_space<hbm>> -> memref<1x1x128xf32, #tpu.memory_space<hbm>>
            %dma_wait3A_619 = tpu.memref_squeeze %dma_wait3A_618 : memref<1x1x128xf32, #tpu.memory_space<hbm>> -> memref<128xf32, #tpu.memory_space<hbm>>
            %dma_wait3A_620 = arith.constant 0 : i32
            %dma_wait3A_621 = tpu.memref_slice %arg4[%run_scoped3A, %dma_wait3A_620] : memref<8x128xf32, #tpu.memory_space<hbm>> -> memref<1x128xf32, #tpu.memory_space<hbm>>
            %dma_wait3A_622 = tpu.memref_squeeze %dma_wait3A_621 : memref<1x128xf32, #tpu.memory_space<hbm>> -> memref<128xf32, #tpu.memory_space<hbm>>
            tpu.wait_dma2 semaphore(%run_scoped3A_610 : memref<!tpu.dma_semaphore, #tpu.memory_space<semaphore_mem>>) src(%dma_wait3A_622 : memref<128xf32, #tpu.memory_space<hbm>>) dst(%dma_wait3A_619 : memref<128xf32, #tpu.memory_space<hbm>>)
            tpu.yield
          }) : () -> ()
        } else {
        }
        %slice3A_251 = vector.extract_strided_slice %get3A_144 {offsets = [13], sizes = [1], strides = [1]} : vector<16xi32> to vector<1xi32>
        %squeeze3A_252 = vector.extract %slice3A_251[0] : i32 from vector<1xi32>
        %eq3A_253 = arith.constant 0 : i32
        %eq3A_254 = arith.cmpi eq, %squeeze3A_252, %eq3A_253 : i32
        %convert_element_type3A_255 = arith.extui %eq3A_254 : i1 to i32
        %cond3A_256 = arith.constant 0 : i32
        %cond3A_257 = arith.cmpi ne, %convert_element_type3A_255, %cond3A_256 : i32
        scf.if %cond3A_257 {
          %add3A_608 = arith.addi %mul3A_2, %add3A_142 : i32
          %run_scoped3A = arith.constant 0 : i32
          %run_scoped3A_609 = arith.constant 13 : i32
          "tpu.region"() ({
            %run_scoped3A_610 = tpu.sem_alloc : memref<!tpu.dma_semaphore, #tpu.memory_space<semaphore_mem>>
            %dma_start3A_611 = arith.constant 0 : i32
            %dma_start3A_612 = tpu.memref_slice %arg5[%add3A_608, %run_scoped3A_609, %dma_start3A_611] : memref<4096x50x128xf32, #tpu.memory_space<hbm>> -> memref<1x1x128xf32, #tpu.memory_space<hbm>>
            %dma_start3A_613 = tpu.memref_squeeze %dma_start3A_612 : memref<1x1x128xf32, #tpu.memory_space<hbm>> -> memref<128xf32, #tpu.memory_space<hbm>>
            %dma_start3A_614 = arith.constant 0 : i32
            %dma_start3A_615 = tpu.memref_slice %arg4[%run_scoped3A, %dma_start3A_614] : memref<8x128xf32, #tpu.memory_space<hbm>> -> memref<1x128xf32, #tpu.memory_space<hbm>>
            %dma_start3A_616 = tpu.memref_squeeze %dma_start3A_615 : memref<1x128xf32, #tpu.memory_space<hbm>> -> memref<128xf32, #tpu.memory_space<hbm>>
            tpu.enqueue_dma source(%dma_start3A_616 : memref<128xf32, #tpu.memory_space<hbm>>) target(%dma_start3A_613 : memref<128xf32, #tpu.memory_space<hbm>>) target_semaphore(%run_scoped3A_610 : memref<!tpu.dma_semaphore, #tpu.memory_space<semaphore_mem>>)
            %dma_wait3A_617 = arith.constant 0 : i32
            %dma_wait3A_618 = tpu.memref_slice %arg5[%add3A_608, %run_scoped3A_609, %dma_wait3A_617] : memref<4096x50x128xf32, #tpu.memory_space<hbm>> -> memref<1x1x128xf32, #tpu.memory_space<hbm>>
            %dma_wait3A_619 = tpu.memref_squeeze %dma_wait3A_618 : memref<1x1x128xf32, #tpu.memory_space<hbm>> -> memref<128xf32, #tpu.memory_space<hbm>>
            %dma_wait3A_620 = arith.constant 0 : i32
            %dma_wait3A_621 = tpu.memref_slice %arg4[%run_scoped3A, %dma_wait3A_620] : memref<8x128xf32, #tpu.memory_space<hbm>> -> memref<1x128xf32, #tpu.memory_space<hbm>>
            %dma_wait3A_622 = tpu.memref_squeeze %dma_wait3A_621 : memref<1x128xf32, #tpu.memory_space<hbm>> -> memref<128xf32, #tpu.memory_space<hbm>>
            tpu.wait_dma2 semaphore(%run_scoped3A_610 : memref<!tpu.dma_semaphore, #tpu.memory_space<semaphore_mem>>) src(%dma_wait3A_622 : memref<128xf32, #tpu.memory_space<hbm>>) dst(%dma_wait3A_619 : memref<128xf32, #tpu.memory_space<hbm>>)
            tpu.yield
          }) : () -> ()
        } else {
        }
        %slice3A_258 = vector.extract_strided_slice %get3A_144 {offsets = [14], sizes = [1], strides = [1]} : vector<16xi32> to vector<1xi32>
        %squeeze3A_259 = vector.extract %slice3A_258[0] : i32 from vector<1xi32>
        %eq3A_260 = arith.constant 0 : i32
        %eq3A_261 = arith.cmpi eq, %squeeze3A_259, %eq3A_260 : i32
        %convert_element_type3A_262 = arith.extui %eq3A_261 : i1 to i32
        %cond3A_263 = arith.constant 0 : i32
        %cond3A_264 = arith.cmpi ne, %convert_element_type3A_262, %cond3A_263 : i32
        scf.if %cond3A_264 {
          %add3A_608 = arith.addi %mul3A_2, %add3A_142 : i32
          %run_scoped3A = arith.constant 0 : i32
          %run_scoped3A_609 = arith.constant 14 : i32
          "tpu.region"() ({
            %run_scoped3A_610 = tpu.sem_alloc : memref<!tpu.dma_semaphore, #tpu.memory_space<semaphore_mem>>
            %dma_start3A_611 = arith.constant 0 : i32
            %dma_start3A_612 = tpu.memref_slice %arg5[%add3A_608, %run_scoped3A_609, %dma_start3A_611] : memref<4096x50x128xf32, #tpu.memory_space<hbm>> -> memref<1x1x128xf32, #tpu.memory_space<hbm>>
            %dma_start3A_613 = tpu.memref_squeeze %dma_start3A_612 : memref<1x1x128xf32, #tpu.memory_space<hbm>> -> memref<128xf32, #tpu.memory_space<hbm>>
            %dma_start3A_614 = arith.constant 0 : i32
            %dma_start3A_615 = tpu.memref_slice %arg4[%run_scoped3A, %dma_start3A_614] : memref<8x128xf32, #tpu.memory_space<hbm>> -> memref<1x128xf32, #tpu.memory_space<hbm>>
            %dma_start3A_616 = tpu.memref_squeeze %dma_start3A_615 : memref<1x128xf32, #tpu.memory_space<hbm>> -> memref<128xf32, #tpu.memory_space<hbm>>
            tpu.enqueue_dma source(%dma_start3A_616 : memref<128xf32, #tpu.memory_space<hbm>>) target(%dma_start3A_613 : memref<128xf32, #tpu.memory_space<hbm>>) target_semaphore(%run_scoped3A_610 : memref<!tpu.dma_semaphore, #tpu.memory_space<semaphore_mem>>)
            %dma_wait3A_617 = arith.constant 0 : i32
            %dma_wait3A_618 = tpu.memref_slice %arg5[%add3A_608, %run_scoped3A_609, %dma_wait3A_617] : memref<4096x50x128xf32, #tpu.memory_space<hbm>> -> memref<1x1x128xf32, #tpu.memory_space<hbm>>
            %dma_wait3A_619 = tpu.memref_squeeze %dma_wait3A_618 : memref<1x1x128xf32, #tpu.memory_space<hbm>> -> memref<128xf32, #tpu.memory_space<hbm>>
            %dma_wait3A_620 = arith.constant 0 : i32
            %dma_wait3A_621 = tpu.memref_slice %arg4[%run_scoped3A, %dma_wait3A_620] : memref<8x128xf32, #tpu.memory_space<hbm>> -> memref<1x128xf32, #tpu.memory_space<hbm>>
            %dma_wait3A_622 = tpu.memref_squeeze %dma_wait3A_621 : memref<1x128xf32, #tpu.memory_space<hbm>> -> memref<128xf32, #tpu.memory_space<hbm>>
            tpu.wait_dma2 semaphore(%run_scoped3A_610 : memref<!tpu.dma_semaphore, #tpu.memory_space<semaphore_mem>>) src(%dma_wait3A_622 : memref<128xf32, #tpu.memory_space<hbm>>) dst(%dma_wait3A_619 : memref<128xf32, #tpu.memory_space<hbm>>)
            tpu.yield
          }) : () -> ()
        } else {
        }
        %slice3A_265 = vector.extract_strided_slice %get3A_144 {offsets = [15], sizes = [1], strides = [1]} : vector<16xi32> to vector<1xi32>
        %squeeze3A_266 = vector.extract %slice3A_265[0] : i32 from vector<1xi32>
        %eq3A_267 = arith.constant 0 : i32
        %eq3A_268 = arith.cmpi eq, %squeeze3A_266, %eq3A_267 : i32
        %convert_element_type3A_269 = arith.extui %eq3A_268 : i1 to i32
        %cond3A_270 = arith.constant 0 : i32
        %cond3A_271 = arith.cmpi ne, %convert_element_type3A_269, %cond3A_270 : i32
        scf.if %cond3A_271 {
          %add3A_608 = arith.addi %mul3A_2, %add3A_142 : i32
          %run_scoped3A = arith.constant 0 : i32
          %run_scoped3A_609 = arith.constant 15 : i32
          "tpu.region"() ({
            %run_scoped3A_610 = tpu.sem_alloc : memref<!tpu.dma_semaphore, #tpu.memory_space<semaphore_mem>>
            %dma_start3A_611 = arith.constant 0 : i32
            %dma_start3A_612 = tpu.memref_slice %arg5[%add3A_608, %run_scoped3A_609, %dma_start3A_611] : memref<4096x50x128xf32, #tpu.memory_space<hbm>> -> memref<1x1x128xf32, #tpu.memory_space<hbm>>
            %dma_start3A_613 = tpu.memref_squeeze %dma_start3A_612 : memref<1x1x128xf32, #tpu.memory_space<hbm>> -> memref<128xf32, #tpu.memory_space<hbm>>
            %dma_start3A_614 = arith.constant 0 : i32
            %dma_start3A_615 = tpu.memref_slice %arg4[%run_scoped3A, %dma_start3A_614] : memref<8x128xf32, #tpu.memory_space<hbm>> -> memref<1x128xf32, #tpu.memory_space<hbm>>
            %dma_start3A_616 = tpu.memref_squeeze %dma_start3A_615 : memref<1x128xf32, #tpu.memory_space<hbm>> -> memref<128xf32, #tpu.memory_space<hbm>>
            tpu.enqueue_dma source(%dma_start3A_616 : memref<128xf32, #tpu.memory_space<hbm>>) target(%dma_start3A_613 : memref<128xf32, #tpu.memory_space<hbm>>) target_semaphore(%run_scoped3A_610 : memref<!tpu.dma_semaphore, #tpu.memory_space<semaphore_mem>>)
            %dma_wait3A_617 = arith.constant 0 : i32
            %dma_wait3A_618 = tpu.memref_slice %arg5[%add3A_608, %run_scoped3A_609, %dma_wait3A_617] : memref<4096x50x128xf32, #tpu.memory_space<hbm>> -> memref<1x1x128xf32, #tpu.memory_space<hbm>>
            %dma_wait3A_619 = tpu.memref_squeeze %dma_wait3A_618 : memref<1x1x128xf32, #tpu.memory_space<hbm>> -> memref<128xf32, #tpu.memory_space<hbm>>
            %dma_wait3A_620 = arith.constant 0 : i32
            %dma_wait3A_621 = tpu.memref_slice %arg4[%run_scoped3A, %dma_wait3A_620] : memref<8x128xf32, #tpu.memory_space<hbm>> -> memref<1x128xf32, #tpu.memory_space<hbm>>
            %dma_wait3A_622 = tpu.memref_squeeze %dma_wait3A_621 : memref<1x128xf32, #tpu.memory_space<hbm>> -> memref<128xf32, #tpu.memory_space<hbm>>
            tpu.wait_dma2 semaphore(%run_scoped3A_610 : memref<!tpu.dma_semaphore, #tpu.memory_space<semaphore_mem>>) src(%dma_wait3A_622 : memref<128xf32, #tpu.memory_space<hbm>>) dst(%dma_wait3A_619 : memref<128xf32, #tpu.memory_space<hbm>>)
            tpu.yield
          }) : () -> ()
        } else {
        }
        %slice3A_272 = vector.extract_strided_slice %get3A_147 {offsets = [0], sizes = [1], strides = [1]} : vector<16xi32> to vector<1xi32>
        %squeeze3A_273 = vector.extract %slice3A_272[0] : i32 from vector<1xi32>
        %eq3A_274 = arith.constant 0 : i32
        %eq3A_275 = arith.cmpi eq, %squeeze3A_273, %eq3A_274 : i32
        %convert_element_type3A_276 = arith.extui %eq3A_275 : i1 to i32
        %cond3A_277 = arith.constant 0 : i32
        %cond3A_278 = arith.cmpi ne, %convert_element_type3A_276, %cond3A_277 : i32
        scf.if %cond3A_278 {
          %add3A_608 = arith.addi %mul3A_2, %add3A_142 : i32
          %run_scoped3A = arith.constant 0 : i32
          %run_scoped3A_609 = arith.constant 16 : i32
          "tpu.region"() ({
            %run_scoped3A_610 = tpu.sem_alloc : memref<!tpu.dma_semaphore, #tpu.memory_space<semaphore_mem>>
            %dma_start3A_611 = arith.constant 0 : i32
            %dma_start3A_612 = tpu.memref_slice %arg5[%add3A_608, %run_scoped3A_609, %dma_start3A_611] : memref<4096x50x128xf32, #tpu.memory_space<hbm>> -> memref<1x1x128xf32, #tpu.memory_space<hbm>>
            %dma_start3A_613 = tpu.memref_squeeze %dma_start3A_612 : memref<1x1x128xf32, #tpu.memory_space<hbm>> -> memref<128xf32, #tpu.memory_space<hbm>>
            %dma_start3A_614 = arith.constant 0 : i32
            %dma_start3A_615 = tpu.memref_slice %arg4[%run_scoped3A, %dma_start3A_614] : memref<8x128xf32, #tpu.memory_space<hbm>> -> memref<1x128xf32, #tpu.memory_space<hbm>>
            %dma_start3A_616 = tpu.memref_squeeze %dma_start3A_615 : memref<1x128xf32, #tpu.memory_space<hbm>> -> memref<128xf32, #tpu.memory_space<hbm>>
            tpu.enqueue_dma source(%dma_start3A_616 : memref<128xf32, #tpu.memory_space<hbm>>) target(%dma_start3A_613 : memref<128xf32, #tpu.memory_space<hbm>>) target_semaphore(%run_scoped3A_610 : memref<!tpu.dma_semaphore, #tpu.memory_space<semaphore_mem>>)
            %dma_wait3A_617 = arith.constant 0 : i32
            %dma_wait3A_618 = tpu.memref_slice %arg5[%add3A_608, %run_scoped3A_609, %dma_wait3A_617] : memref<4096x50x128xf32, #tpu.memory_space<hbm>> -> memref<1x1x128xf32, #tpu.memory_space<hbm>>
            %dma_wait3A_619 = tpu.memref_squeeze %dma_wait3A_618 : memref<1x1x128xf32, #tpu.memory_space<hbm>> -> memref<128xf32, #tpu.memory_space<hbm>>
            %dma_wait3A_620 = arith.constant 0 : i32
            %dma_wait3A_621 = tpu.memref_slice %arg4[%run_scoped3A, %dma_wait3A_620] : memref<8x128xf32, #tpu.memory_space<hbm>> -> memref<1x128xf32, #tpu.memory_space<hbm>>
            %dma_wait3A_622 = tpu.memref_squeeze %dma_wait3A_621 : memref<1x128xf32, #tpu.memory_space<hbm>> -> memref<128xf32, #tpu.memory_space<hbm>>
            tpu.wait_dma2 semaphore(%run_scoped3A_610 : memref<!tpu.dma_semaphore, #tpu.memory_space<semaphore_mem>>) src(%dma_wait3A_622 : memref<128xf32, #tpu.memory_space<hbm>>) dst(%dma_wait3A_619 : memref<128xf32, #tpu.memory_space<hbm>>)
            tpu.yield
          }) : () -> ()
        } else {
        }
        %slice3A_279 = vector.extract_strided_slice %get3A_147 {offsets = [1], sizes = [1], strides = [1]} : vector<16xi32> to vector<1xi32>
        %squeeze3A_280 = vector.extract %slice3A_279[0] : i32 from vector<1xi32>
        %eq3A_281 = arith.constant 0 : i32
        %eq3A_282 = arith.cmpi eq, %squeeze3A_280, %eq3A_281 : i32
        %convert_element_type3A_283 = arith.extui %eq3A_282 : i1 to i32
        %cond3A_284 = arith.constant 0 : i32
        %cond3A_285 = arith.cmpi ne, %convert_element_type3A_283, %cond3A_284 : i32
        scf.if %cond3A_285 {
          %add3A_608 = arith.addi %mul3A_2, %add3A_142 : i32
          %run_scoped3A = arith.constant 0 : i32
          %run_scoped3A_609 = arith.constant 17 : i32
          "tpu.region"() ({
            %run_scoped3A_610 = tpu.sem_alloc : memref<!tpu.dma_semaphore, #tpu.memory_space<semaphore_mem>>
            %dma_start3A_611 = arith.constant 0 : i32
            %dma_start3A_612 = tpu.memref_slice %arg5[%add3A_608, %run_scoped3A_609, %dma_start3A_611] : memref<4096x50x128xf32, #tpu.memory_space<hbm>> -> memref<1x1x128xf32, #tpu.memory_space<hbm>>
            %dma_start3A_613 = tpu.memref_squeeze %dma_start3A_612 : memref<1x1x128xf32, #tpu.memory_space<hbm>> -> memref<128xf32, #tpu.memory_space<hbm>>
            %dma_start3A_614 = arith.constant 0 : i32
            %dma_start3A_615 = tpu.memref_slice %arg4[%run_scoped3A, %dma_start3A_614] : memref<8x128xf32, #tpu.memory_space<hbm>> -> memref<1x128xf32, #tpu.memory_space<hbm>>
            %dma_start3A_616 = tpu.memref_squeeze %dma_start3A_615 : memref<1x128xf32, #tpu.memory_space<hbm>> -> memref<128xf32, #tpu.memory_space<hbm>>
            tpu.enqueue_dma source(%dma_start3A_616 : memref<128xf32, #tpu.memory_space<hbm>>) target(%dma_start3A_613 : memref<128xf32, #tpu.memory_space<hbm>>) target_semaphore(%run_scoped3A_610 : memref<!tpu.dma_semaphore, #tpu.memory_space<semaphore_mem>>)
            %dma_wait3A_617 = arith.constant 0 : i32
            %dma_wait3A_618 = tpu.memref_slice %arg5[%add3A_608, %run_scoped3A_609, %dma_wait3A_617] : memref<4096x50x128xf32, #tpu.memory_space<hbm>> -> memref<1x1x128xf32, #tpu.memory_space<hbm>>
            %dma_wait3A_619 = tpu.memref_squeeze %dma_wait3A_618 : memref<1x1x128xf32, #tpu.memory_space<hbm>> -> memref<128xf32, #tpu.memory_space<hbm>>
            %dma_wait3A_620 = arith.constant 0 : i32
            %dma_wait3A_621 = tpu.memref_slice %arg4[%run_scoped3A, %dma_wait3A_620] : memref<8x128xf32, #tpu.memory_space<hbm>> -> memref<1x128xf32, #tpu.memory_space<hbm>>
            %dma_wait3A_622 = tpu.memref_squeeze %dma_wait3A_621 : memref<1x128xf32, #tpu.memory_space<hbm>> -> memref<128xf32, #tpu.memory_space<hbm>>
            tpu.wait_dma2 semaphore(%run_scoped3A_610 : memref<!tpu.dma_semaphore, #tpu.memory_space<semaphore_mem>>) src(%dma_wait3A_622 : memref<128xf32, #tpu.memory_space<hbm>>) dst(%dma_wait3A_619 : memref<128xf32, #tpu.memory_space<hbm>>)
            tpu.yield
          }) : () -> ()
        } else {
        }
        %slice3A_286 = vector.extract_strided_slice %get3A_147 {offsets = [2], sizes = [1], strides = [1]} : vector<16xi32> to vector<1xi32>
        %squeeze3A_287 = vector.extract %slice3A_286[0] : i32 from vector<1xi32>
        %eq3A_288 = arith.constant 0 : i32
        %eq3A_289 = arith.cmpi eq, %squeeze3A_287, %eq3A_288 : i32
        %convert_element_type3A_290 = arith.extui %eq3A_289 : i1 to i32
        %cond3A_291 = arith.constant 0 : i32
        %cond3A_292 = arith.cmpi ne, %convert_element_type3A_290, %cond3A_291 : i32
        scf.if %cond3A_292 {
          %add3A_608 = arith.addi %mul3A_2, %add3A_142 : i32
          %run_scoped3A = arith.constant 0 : i32
          %run_scoped3A_609 = arith.constant 18 : i32
          "tpu.region"() ({
            %run_scoped3A_610 = tpu.sem_alloc : memref<!tpu.dma_semaphore, #tpu.memory_space<semaphore_mem>>
            %dma_start3A_611 = arith.constant 0 : i32
            %dma_start3A_612 = tpu.memref_slice %arg5[%add3A_608, %run_scoped3A_609, %dma_start3A_611] : memref<4096x50x128xf32, #tpu.memory_space<hbm>> -> memref<1x1x128xf32, #tpu.memory_space<hbm>>
            %dma_start3A_613 = tpu.memref_squeeze %dma_start3A_612 : memref<1x1x128xf32, #tpu.memory_space<hbm>> -> memref<128xf32, #tpu.memory_space<hbm>>
            %dma_start3A_614 = arith.constant 0 : i32
            %dma_start3A_615 = tpu.memref_slice %arg4[%run_scoped3A, %dma_start3A_614] : memref<8x128xf32, #tpu.memory_space<hbm>> -> memref<1x128xf32, #tpu.memory_space<hbm>>
            %dma_start3A_616 = tpu.memref_squeeze %dma_start3A_615 : memref<1x128xf32, #tpu.memory_space<hbm>> -> memref<128xf32, #tpu.memory_space<hbm>>
            tpu.enqueue_dma source(%dma_start3A_616 : memref<128xf32, #tpu.memory_space<hbm>>) target(%dma_start3A_613 : memref<128xf32, #tpu.memory_space<hbm>>) target_semaphore(%run_scoped3A_610 : memref<!tpu.dma_semaphore, #tpu.memory_space<semaphore_mem>>)
            %dma_wait3A_617 = arith.constant 0 : i32
            %dma_wait3A_618 = tpu.memref_slice %arg5[%add3A_608, %run_scoped3A_609, %dma_wait3A_617] : memref<4096x50x128xf32, #tpu.memory_space<hbm>> -> memref<1x1x128xf32, #tpu.memory_space<hbm>>
            %dma_wait3A_619 = tpu.memref_squeeze %dma_wait3A_618 : memref<1x1x128xf32, #tpu.memory_space<hbm>> -> memref<128xf32, #tpu.memory_space<hbm>>
            %dma_wait3A_620 = arith.constant 0 : i32
            %dma_wait3A_621 = tpu.memref_slice %arg4[%run_scoped3A, %dma_wait3A_620] : memref<8x128xf32, #tpu.memory_space<hbm>> -> memref<1x128xf32, #tpu.memory_space<hbm>>
            %dma_wait3A_622 = tpu.memref_squeeze %dma_wait3A_621 : memref<1x128xf32, #tpu.memory_space<hbm>> -> memref<128xf32, #tpu.memory_space<hbm>>
            tpu.wait_dma2 semaphore(%run_scoped3A_610 : memref<!tpu.dma_semaphore, #tpu.memory_space<semaphore_mem>>) src(%dma_wait3A_622 : memref<128xf32, #tpu.memory_space<hbm>>) dst(%dma_wait3A_619 : memref<128xf32, #tpu.memory_space<hbm>>)
            tpu.yield
          }) : () -> ()
        } else {
        }
        %slice3A_293 = vector.extract_strided_slice %get3A_147 {offsets = [3], sizes = [1], strides = [1]} : vector<16xi32> to vector<1xi32>
        %squeeze3A_294 = vector.extract %slice3A_293[0] : i32 from vector<1xi32>
        %eq3A_295 = arith.constant 0 : i32
        %eq3A_296 = arith.cmpi eq, %squeeze3A_294, %eq3A_295 : i32
        %convert_element_type3A_297 = arith.extui %eq3A_296 : i1 to i32
        %cond3A_298 = arith.constant 0 : i32
        %cond3A_299 = arith.cmpi ne, %convert_element_type3A_297, %cond3A_298 : i32
        scf.if %cond3A_299 {
          %add3A_608 = arith.addi %mul3A_2, %add3A_142 : i32
          %run_scoped3A = arith.constant 0 : i32
          %run_scoped3A_609 = arith.constant 19 : i32
          "tpu.region"() ({
            %run_scoped3A_610 = tpu.sem_alloc : memref<!tpu.dma_semaphore, #tpu.memory_space<semaphore_mem>>
            %dma_start3A_611 = arith.constant 0 : i32
            %dma_start3A_612 = tpu.memref_slice %arg5[%add3A_608, %run_scoped3A_609, %dma_start3A_611] : memref<4096x50x128xf32, #tpu.memory_space<hbm>> -> memref<1x1x128xf32, #tpu.memory_space<hbm>>
            %dma_start3A_613 = tpu.memref_squeeze %dma_start3A_612 : memref<1x1x128xf32, #tpu.memory_space<hbm>> -> memref<128xf32, #tpu.memory_space<hbm>>
            %dma_start3A_614 = arith.constant 0 : i32
            %dma_start3A_615 = tpu.memref_slice %arg4[%run_scoped3A, %dma_start3A_614] : memref<8x128xf32, #tpu.memory_space<hbm>> -> memref<1x128xf32, #tpu.memory_space<hbm>>
            %dma_start3A_616 = tpu.memref_squeeze %dma_start3A_615 : memref<1x128xf32, #tpu.memory_space<hbm>> -> memref<128xf32, #tpu.memory_space<hbm>>
            tpu.enqueue_dma source(%dma_start3A_616 : memref<128xf32, #tpu.memory_space<hbm>>) target(%dma_start3A_613 : memref<128xf32, #tpu.memory_space<hbm>>) target_semaphore(%run_scoped3A_610 : memref<!tpu.dma_semaphore, #tpu.memory_space<semaphore_mem>>)
            %dma_wait3A_617 = arith.constant 0 : i32
            %dma_wait3A_618 = tpu.memref_slice %arg5[%add3A_608, %run_scoped3A_609, %dma_wait3A_617] : memref<4096x50x128xf32, #tpu.memory_space<hbm>> -> memref<1x1x128xf32, #tpu.memory_space<hbm>>
            %dma_wait3A_619 = tpu.memref_squeeze %dma_wait3A_618 : memref<1x1x128xf32, #tpu.memory_space<hbm>> -> memref<128xf32, #tpu.memory_space<hbm>>
            %dma_wait3A_620 = arith.constant 0 : i32
            %dma_wait3A_621 = tpu.memref_slice %arg4[%run_scoped3A, %dma_wait3A_620] : memref<8x128xf32, #tpu.memory_space<hbm>> -> memref<1x128xf32, #tpu.memory_space<hbm>>
            %dma_wait3A_622 = tpu.memref_squeeze %dma_wait3A_621 : memref<1x128xf32, #tpu.memory_space<hbm>> -> memref<128xf32, #tpu.memory_space<hbm>>
            tpu.wait_dma2 semaphore(%run_scoped3A_610 : memref<!tpu.dma_semaphore, #tpu.memory_space<semaphore_mem>>) src(%dma_wait3A_622 : memref<128xf32, #tpu.memory_space<hbm>>) dst(%dma_wait3A_619 : memref<128xf32, #tpu.memory_space<hbm>>)
            tpu.yield
          }) : () -> ()
        } else {
        }
        %slice3A_300 = vector.extract_strided_slice %get3A_147 {offsets = [4], sizes = [1], strides = [1]} : vector<16xi32> to vector<1xi32>
        %squeeze3A_301 = vector.extract %slice3A_300[0] : i32 from vector<1xi32>
        %eq3A_302 = arith.constant 0 : i32
        %eq3A_303 = arith.cmpi eq, %squeeze3A_301, %eq3A_302 : i32
        %convert_element_type3A_304 = arith.extui %eq3A_303 : i1 to i32
        %cond3A_305 = arith.constant 0 : i32
        %cond3A_306 = arith.cmpi ne, %convert_element_type3A_304, %cond3A_305 : i32
        scf.if %cond3A_306 {
          %add3A_608 = arith.addi %mul3A_2, %add3A_142 : i32
          %run_scoped3A = arith.constant 0 : i32
          %run_scoped3A_609 = arith.constant 20 : i32
          "tpu.region"() ({
            %run_scoped3A_610 = tpu.sem_alloc : memref<!tpu.dma_semaphore, #tpu.memory_space<semaphore_mem>>
            %dma_start3A_611 = arith.constant 0 : i32
            %dma_start3A_612 = tpu.memref_slice %arg5[%add3A_608, %run_scoped3A_609, %dma_start3A_611] : memref<4096x50x128xf32, #tpu.memory_space<hbm>> -> memref<1x1x128xf32, #tpu.memory_space<hbm>>
            %dma_start3A_613 = tpu.memref_squeeze %dma_start3A_612 : memref<1x1x128xf32, #tpu.memory_space<hbm>> -> memref<128xf32, #tpu.memory_space<hbm>>
            %dma_start3A_614 = arith.constant 0 : i32
            %dma_start3A_615 = tpu.memref_slice %arg4[%run_scoped3A, %dma_start3A_614] : memref<8x128xf32, #tpu.memory_space<hbm>> -> memref<1x128xf32, #tpu.memory_space<hbm>>
            %dma_start3A_616 = tpu.memref_squeeze %dma_start3A_615 : memref<1x128xf32, #tpu.memory_space<hbm>> -> memref<128xf32, #tpu.memory_space<hbm>>
            tpu.enqueue_dma source(%dma_start3A_616 : memref<128xf32, #tpu.memory_space<hbm>>) target(%dma_start3A_613 : memref<128xf32, #tpu.memory_space<hbm>>) target_semaphore(%run_scoped3A_610 : memref<!tpu.dma_semaphore, #tpu.memory_space<semaphore_mem>>)
            %dma_wait3A_617 = arith.constant 0 : i32
            %dma_wait3A_618 = tpu.memref_slice %arg5[%add3A_608, %run_scoped3A_609, %dma_wait3A_617] : memref<4096x50x128xf32, #tpu.memory_space<hbm>> -> memref<1x1x128xf32, #tpu.memory_space<hbm>>
            %dma_wait3A_619 = tpu.memref_squeeze %dma_wait3A_618 : memref<1x1x128xf32, #tpu.memory_space<hbm>> -> memref<128xf32, #tpu.memory_space<hbm>>
            %dma_wait3A_620 = arith.constant 0 : i32
            %dma_wait3A_621 = tpu.memref_slice %arg4[%run_scoped3A, %dma_wait3A_620] : memref<8x128xf32, #tpu.memory_space<hbm>> -> memref<1x128xf32, #tpu.memory_space<hbm>>
            %dma_wait3A_622 = tpu.memref_squeeze %dma_wait3A_621 : memref<1x128xf32, #tpu.memory_space<hbm>> -> memref<128xf32, #tpu.memory_space<hbm>>
            tpu.wait_dma2 semaphore(%run_scoped3A_610 : memref<!tpu.dma_semaphore, #tpu.memory_space<semaphore_mem>>) src(%dma_wait3A_622 : memref<128xf32, #tpu.memory_space<hbm>>) dst(%dma_wait3A_619 : memref<128xf32, #tpu.memory_space<hbm>>)
            tpu.yield
          }) : () -> ()
        } else {
        }
        %slice3A_307 = vector.extract_strided_slice %get3A_147 {offsets = [5], sizes = [1], strides = [1]} : vector<16xi32> to vector<1xi32>
        %squeeze3A_308 = vector.extract %slice3A_307[0] : i32 from vector<1xi32>
        %eq3A_309 = arith.constant 0 : i32
        %eq3A_310 = arith.cmpi eq, %squeeze3A_308, %eq3A_309 : i32
        %convert_element_type3A_311 = arith.extui %eq3A_310 : i1 to i32
        %cond3A_312 = arith.constant 0 : i32
        %cond3A_313 = arith.cmpi ne, %convert_element_type3A_311, %cond3A_312 : i32
        scf.if %cond3A_313 {
          %add3A_608 = arith.addi %mul3A_2, %add3A_142 : i32
          %run_scoped3A = arith.constant 0 : i32
          %run_scoped3A_609 = arith.constant 21 : i32
          "tpu.region"() ({
            %run_scoped3A_610 = tpu.sem_alloc : memref<!tpu.dma_semaphore, #tpu.memory_space<semaphore_mem>>
            %dma_start3A_611 = arith.constant 0 : i32
            %dma_start3A_612 = tpu.memref_slice %arg5[%add3A_608, %run_scoped3A_609, %dma_start3A_611] : memref<4096x50x128xf32, #tpu.memory_space<hbm>> -> memref<1x1x128xf32, #tpu.memory_space<hbm>>
            %dma_start3A_613 = tpu.memref_squeeze %dma_start3A_612 : memref<1x1x128xf32, #tpu.memory_space<hbm>> -> memref<128xf32, #tpu.memory_space<hbm>>
            %dma_start3A_614 = arith.constant 0 : i32
            %dma_start3A_615 = tpu.memref_slice %arg4[%run_scoped3A, %dma_start3A_614] : memref<8x128xf32, #tpu.memory_space<hbm>> -> memref<1x128xf32, #tpu.memory_space<hbm>>
            %dma_start3A_616 = tpu.memref_squeeze %dma_start3A_615 : memref<1x128xf32, #tpu.memory_space<hbm>> -> memref<128xf32, #tpu.memory_space<hbm>>
            tpu.enqueue_dma source(%dma_start3A_616 : memref<128xf32, #tpu.memory_space<hbm>>) target(%dma_start3A_613 : memref<128xf32, #tpu.memory_space<hbm>>) target_semaphore(%run_scoped3A_610 : memref<!tpu.dma_semaphore, #tpu.memory_space<semaphore_mem>>)
            %dma_wait3A_617 = arith.constant 0 : i32
            %dma_wait3A_618 = tpu.memref_slice %arg5[%add3A_608, %run_scoped3A_609, %dma_wait3A_617] : memref<4096x50x128xf32, #tpu.memory_space<hbm>> -> memref<1x1x128xf32, #tpu.memory_space<hbm>>
            %dma_wait3A_619 = tpu.memref_squeeze %dma_wait3A_618 : memref<1x1x128xf32, #tpu.memory_space<hbm>> -> memref<128xf32, #tpu.memory_space<hbm>>
            %dma_wait3A_620 = arith.constant 0 : i32
            %dma_wait3A_621 = tpu.memref_slice %arg4[%run_scoped3A, %dma_wait3A_620] : memref<8x128xf32, #tpu.memory_space<hbm>> -> memref<1x128xf32, #tpu.memory_space<hbm>>
            %dma_wait3A_622 = tpu.memref_squeeze %dma_wait3A_621 : memref<1x128xf32, #tpu.memory_space<hbm>> -> memref<128xf32, #tpu.memory_space<hbm>>
            tpu.wait_dma2 semaphore(%run_scoped3A_610 : memref<!tpu.dma_semaphore, #tpu.memory_space<semaphore_mem>>) src(%dma_wait3A_622 : memref<128xf32, #tpu.memory_space<hbm>>) dst(%dma_wait3A_619 : memref<128xf32, #tpu.memory_space<hbm>>)
            tpu.yield
          }) : () -> ()
        } else {
        }
        %slice3A_314 = vector.extract_strided_slice %get3A_147 {offsets = [6], sizes = [1], strides = [1]} : vector<16xi32> to vector<1xi32>
        %squeeze3A_315 = vector.extract %slice3A_314[0] : i32 from vector<1xi32>
        %eq3A_316 = arith.constant 0 : i32
        %eq3A_317 = arith.cmpi eq, %squeeze3A_315, %eq3A_316 : i32
        %convert_element_type3A_318 = arith.extui %eq3A_317 : i1 to i32
        %cond3A_319 = arith.constant 0 : i32
        %cond3A_320 = arith.cmpi ne, %convert_element_type3A_318, %cond3A_319 : i32
        scf.if %cond3A_320 {
          %add3A_608 = arith.addi %mul3A_2, %add3A_142 : i32
          %run_scoped3A = arith.constant 0 : i32
          %run_scoped3A_609 = arith.constant 22 : i32
          "tpu.region"() ({
            %run_scoped3A_610 = tpu.sem_alloc : memref<!tpu.dma_semaphore, #tpu.memory_space<semaphore_mem>>
            %dma_start3A_611 = arith.constant 0 : i32
            %dma_start3A_612 = tpu.memref_slice %arg5[%add3A_608, %run_scoped3A_609, %dma_start3A_611] : memref<4096x50x128xf32, #tpu.memory_space<hbm>> -> memref<1x1x128xf32, #tpu.memory_space<hbm>>
            %dma_start3A_613 = tpu.memref_squeeze %dma_start3A_612 : memref<1x1x128xf32, #tpu.memory_space<hbm>> -> memref<128xf32, #tpu.memory_space<hbm>>
            %dma_start3A_614 = arith.constant 0 : i32
            %dma_start3A_615 = tpu.memref_slice %arg4[%run_scoped3A, %dma_start3A_614] : memref<8x128xf32, #tpu.memory_space<hbm>> -> memref<1x128xf32, #tpu.memory_space<hbm>>
            %dma_start3A_616 = tpu.memref_squeeze %dma_start3A_615 : memref<1x128xf32, #tpu.memory_space<hbm>> -> memref<128xf32, #tpu.memory_space<hbm>>
            tpu.enqueue_dma source(%dma_start3A_616 : memref<128xf32, #tpu.memory_space<hbm>>) target(%dma_start3A_613 : memref<128xf32, #tpu.memory_space<hbm>>) target_semaphore(%run_scoped3A_610 : memref<!tpu.dma_semaphore, #tpu.memory_space<semaphore_mem>>)
            %dma_wait3A_617 = arith.constant 0 : i32
            %dma_wait3A_618 = tpu.memref_slice %arg5[%add3A_608, %run_scoped3A_609, %dma_wait3A_617] : memref<4096x50x128xf32, #tpu.memory_space<hbm>> -> memref<1x1x128xf32, #tpu.memory_space<hbm>>
            %dma_wait3A_619 = tpu.memref_squeeze %dma_wait3A_618 : memref<1x1x128xf32, #tpu.memory_space<hbm>> -> memref<128xf32, #tpu.memory_space<hbm>>
            %dma_wait3A_620 = arith.constant 0 : i32
            %dma_wait3A_621 = tpu.memref_slice %arg4[%run_scoped3A, %dma_wait3A_620] : memref<8x128xf32, #tpu.memory_space<hbm>> -> memref<1x128xf32, #tpu.memory_space<hbm>>
            %dma_wait3A_622 = tpu.memref_squeeze %dma_wait3A_621 : memref<1x128xf32, #tpu.memory_space<hbm>> -> memref<128xf32, #tpu.memory_space<hbm>>
            tpu.wait_dma2 semaphore(%run_scoped3A_610 : memref<!tpu.dma_semaphore, #tpu.memory_space<semaphore_mem>>) src(%dma_wait3A_622 : memref<128xf32, #tpu.memory_space<hbm>>) dst(%dma_wait3A_619 : memref<128xf32, #tpu.memory_space<hbm>>)
            tpu.yield
          }) : () -> ()
        } else {
        }
        %slice3A_321 = vector.extract_strided_slice %get3A_147 {offsets = [7], sizes = [1], strides = [1]} : vector<16xi32> to vector<1xi32>
        %squeeze3A_322 = vector.extract %slice3A_321[0] : i32 from vector<1xi32>
        %eq3A_323 = arith.constant 0 : i32
        %eq3A_324 = arith.cmpi eq, %squeeze3A_322, %eq3A_323 : i32
        %convert_element_type3A_325 = arith.extui %eq3A_324 : i1 to i32
        %cond3A_326 = arith.constant 0 : i32
        %cond3A_327 = arith.cmpi ne, %convert_element_type3A_325, %cond3A_326 : i32
        scf.if %cond3A_327 {
          %add3A_608 = arith.addi %mul3A_2, %add3A_142 : i32
          %run_scoped3A = arith.constant 0 : i32
          %run_scoped3A_609 = arith.constant 23 : i32
          "tpu.region"() ({
            %run_scoped3A_610 = tpu.sem_alloc : memref<!tpu.dma_semaphore, #tpu.memory_space<semaphore_mem>>
            %dma_start3A_611 = arith.constant 0 : i32
            %dma_start3A_612 = tpu.memref_slice %arg5[%add3A_608, %run_scoped3A_609, %dma_start3A_611] : memref<4096x50x128xf32, #tpu.memory_space<hbm>> -> memref<1x1x128xf32, #tpu.memory_space<hbm>>
            %dma_start3A_613 = tpu.memref_squeeze %dma_start3A_612 : memref<1x1x128xf32, #tpu.memory_space<hbm>> -> memref<128xf32, #tpu.memory_space<hbm>>
            %dma_start3A_614 = arith.constant 0 : i32
            %dma_start3A_615 = tpu.memref_slice %arg4[%run_scoped3A, %dma_start3A_614] : memref<8x128xf32, #tpu.memory_space<hbm>> -> memref<1x128xf32, #tpu.memory_space<hbm>>
            %dma_start3A_616 = tpu.memref_squeeze %dma_start3A_615 : memref<1x128xf32, #tpu.memory_space<hbm>> -> memref<128xf32, #tpu.memory_space<hbm>>
            tpu.enqueue_dma source(%dma_start3A_616 : memref<128xf32, #tpu.memory_space<hbm>>) target(%dma_start3A_613 : memref<128xf32, #tpu.memory_space<hbm>>) target_semaphore(%run_scoped3A_610 : memref<!tpu.dma_semaphore, #tpu.memory_space<semaphore_mem>>)
            %dma_wait3A_617 = arith.constant 0 : i32
            %dma_wait3A_618 = tpu.memref_slice %arg5[%add3A_608, %run_scoped3A_609, %dma_wait3A_617] : memref<4096x50x128xf32, #tpu.memory_space<hbm>> -> memref<1x1x128xf32, #tpu.memory_space<hbm>>
            %dma_wait3A_619 = tpu.memref_squeeze %dma_wait3A_618 : memref<1x1x128xf32, #tpu.memory_space<hbm>> -> memref<128xf32, #tpu.memory_space<hbm>>
            %dma_wait3A_620 = arith.constant 0 : i32
            %dma_wait3A_621 = tpu.memref_slice %arg4[%run_scoped3A, %dma_wait3A_620] : memref<8x128xf32, #tpu.memory_space<hbm>> -> memref<1x128xf32, #tpu.memory_space<hbm>>
            %dma_wait3A_622 = tpu.memref_squeeze %dma_wait3A_621 : memref<1x128xf32, #tpu.memory_space<hbm>> -> memref<128xf32, #tpu.memory_space<hbm>>
            tpu.wait_dma2 semaphore(%run_scoped3A_610 : memref<!tpu.dma_semaphore, #tpu.memory_space<semaphore_mem>>) src(%dma_wait3A_622 : memref<128xf32, #tpu.memory_space<hbm>>) dst(%dma_wait3A_619 : memref<128xf32, #tpu.memory_space<hbm>>)
            tpu.yield
          }) : () -> ()
        } else {
        }
        %slice3A_328 = vector.extract_strided_slice %get3A_147 {offsets = [8], sizes = [1], strides = [1]} : vector<16xi32> to vector<1xi32>
        %squeeze3A_329 = vector.extract %slice3A_328[0] : i32 from vector<1xi32>
        %eq3A_330 = arith.constant 0 : i32
        %eq3A_331 = arith.cmpi eq, %squeeze3A_329, %eq3A_330 : i32
        %convert_element_type3A_332 = arith.extui %eq3A_331 : i1 to i32
        %cond3A_333 = arith.constant 0 : i32
        %cond3A_334 = arith.cmpi ne, %convert_element_type3A_332, %cond3A_333 : i32
        scf.if %cond3A_334 {
          %add3A_608 = arith.addi %mul3A_2, %add3A_142 : i32
          %run_scoped3A = arith.constant 0 : i32
          %run_scoped3A_609 = arith.constant 24 : i32
          "tpu.region"() ({
            %run_scoped3A_610 = tpu.sem_alloc : memref<!tpu.dma_semaphore, #tpu.memory_space<semaphore_mem>>
            %dma_start3A_611 = arith.constant 0 : i32
            %dma_start3A_612 = tpu.memref_slice %arg5[%add3A_608, %run_scoped3A_609, %dma_start3A_611] : memref<4096x50x128xf32, #tpu.memory_space<hbm>> -> memref<1x1x128xf32, #tpu.memory_space<hbm>>
            %dma_start3A_613 = tpu.memref_squeeze %dma_start3A_612 : memref<1x1x128xf32, #tpu.memory_space<hbm>> -> memref<128xf32, #tpu.memory_space<hbm>>
            %dma_start3A_614 = arith.constant 0 : i32
            %dma_start3A_615 = tpu.memref_slice %arg4[%run_scoped3A, %dma_start3A_614] : memref<8x128xf32, #tpu.memory_space<hbm>> -> memref<1x128xf32, #tpu.memory_space<hbm>>
            %dma_start3A_616 = tpu.memref_squeeze %dma_start3A_615 : memref<1x128xf32, #tpu.memory_space<hbm>> -> memref<128xf32, #tpu.memory_space<hbm>>
            tpu.enqueue_dma source(%dma_start3A_616 : memref<128xf32, #tpu.memory_space<hbm>>) target(%dma_start3A_613 : memref<128xf32, #tpu.memory_space<hbm>>) target_semaphore(%run_scoped3A_610 : memref<!tpu.dma_semaphore, #tpu.memory_space<semaphore_mem>>)
            %dma_wait3A_617 = arith.constant 0 : i32
            %dma_wait3A_618 = tpu.memref_slice %arg5[%add3A_608, %run_scoped3A_609, %dma_wait3A_617] : memref<4096x50x128xf32, #tpu.memory_space<hbm>> -> memref<1x1x128xf32, #tpu.memory_space<hbm>>
            %dma_wait3A_619 = tpu.memref_squeeze %dma_wait3A_618 : memref<1x1x128xf32, #tpu.memory_space<hbm>> -> memref<128xf32, #tpu.memory_space<hbm>>
            %dma_wait3A_620 = arith.constant 0 : i32
            %dma_wait3A_621 = tpu.memref_slice %arg4[%run_scoped3A, %dma_wait3A_620] : memref<8x128xf32, #tpu.memory_space<hbm>> -> memref<1x128xf32, #tpu.memory_space<hbm>>
            %dma_wait3A_622 = tpu.memref_squeeze %dma_wait3A_621 : memref<1x128xf32, #tpu.memory_space<hbm>> -> memref<128xf32, #tpu.memory_space<hbm>>
            tpu.wait_dma2 semaphore(%run_scoped3A_610 : memref<!tpu.dma_semaphore, #tpu.memory_space<semaphore_mem>>) src(%dma_wait3A_622 : memref<128xf32, #tpu.memory_space<hbm>>) dst(%dma_wait3A_619 : memref<128xf32, #tpu.memory_space<hbm>>)
            tpu.yield
          }) : () -> ()
        } else {
        }
        %slice3A_335 = vector.extract_strided_slice %get3A_147 {offsets = [9], sizes = [1], strides = [1]} : vector<16xi32> to vector<1xi32>
        %squeeze3A_336 = vector.extract %slice3A_335[0] : i32 from vector<1xi32>
        %eq3A_337 = arith.constant 0 : i32
        %eq3A_338 = arith.cmpi eq, %squeeze3A_336, %eq3A_337 : i32
        %convert_element_type3A_339 = arith.extui %eq3A_338 : i1 to i32
        %cond3A_340 = arith.constant 0 : i32
        %cond3A_341 = arith.cmpi ne, %convert_element_type3A_339, %cond3A_340 : i32
        scf.if %cond3A_341 {
          %add3A_608 = arith.addi %mul3A_2, %add3A_142 : i32
          %run_scoped3A = arith.constant 0 : i32
          %run_scoped3A_609 = arith.constant 25 : i32
          "tpu.region"() ({
            %run_scoped3A_610 = tpu.sem_alloc : memref<!tpu.dma_semaphore, #tpu.memory_space<semaphore_mem>>
            %dma_start3A_611 = arith.constant 0 : i32
            %dma_start3A_612 = tpu.memref_slice %arg5[%add3A_608, %run_scoped3A_609, %dma_start3A_611] : memref<4096x50x128xf32, #tpu.memory_space<hbm>> -> memref<1x1x128xf32, #tpu.memory_space<hbm>>
            %dma_start3A_613 = tpu.memref_squeeze %dma_start3A_612 : memref<1x1x128xf32, #tpu.memory_space<hbm>> -> memref<128xf32, #tpu.memory_space<hbm>>
            %dma_start3A_614 = arith.constant 0 : i32
            %dma_start3A_615 = tpu.memref_slice %arg4[%run_scoped3A, %dma_start3A_614] : memref<8x128xf32, #tpu.memory_space<hbm>> -> memref<1x128xf32, #tpu.memory_space<hbm>>
            %dma_start3A_616 = tpu.memref_squeeze %dma_start3A_615 : memref<1x128xf32, #tpu.memory_space<hbm>> -> memref<128xf32, #tpu.memory_space<hbm>>
            tpu.enqueue_dma source(%dma_start3A_616 : memref<128xf32, #tpu.memory_space<hbm>>) target(%dma_start3A_613 : memref<128xf32, #tpu.memory_space<hbm>>) target_semaphore(%run_scoped3A_610 : memref<!tpu.dma_semaphore, #tpu.memory_space<semaphore_mem>>)
            %dma_wait3A_617 = arith.constant 0 : i32
            %dma_wait3A_618 = tpu.memref_slice %arg5[%add3A_608, %run_scoped3A_609, %dma_wait3A_617] : memref<4096x50x128xf32, #tpu.memory_space<hbm>> -> memref<1x1x128xf32, #tpu.memory_space<hbm>>
            %dma_wait3A_619 = tpu.memref_squeeze %dma_wait3A_618 : memref<1x1x128xf32, #tpu.memory_space<hbm>> -> memref<128xf32, #tpu.memory_space<hbm>>
            %dma_wait3A_620 = arith.constant 0 : i32
            %dma_wait3A_621 = tpu.memref_slice %arg4[%run_scoped3A, %dma_wait3A_620] : memref<8x128xf32, #tpu.memory_space<hbm>> -> memref<1x128xf32, #tpu.memory_space<hbm>>
            %dma_wait3A_622 = tpu.memref_squeeze %dma_wait3A_621 : memref<1x128xf32, #tpu.memory_space<hbm>> -> memref<128xf32, #tpu.memory_space<hbm>>
            tpu.wait_dma2 semaphore(%run_scoped3A_610 : memref<!tpu.dma_semaphore, #tpu.memory_space<semaphore_mem>>) src(%dma_wait3A_622 : memref<128xf32, #tpu.memory_space<hbm>>) dst(%dma_wait3A_619 : memref<128xf32, #tpu.memory_space<hbm>>)
            tpu.yield
          }) : () -> ()
        } else {
        }
        %slice3A_342 = vector.extract_strided_slice %get3A_147 {offsets = [10], sizes = [1], strides = [1]} : vector<16xi32> to vector<1xi32>
        %squeeze3A_343 = vector.extract %slice3A_342[0] : i32 from vector<1xi32>
        %eq3A_344 = arith.constant 0 : i32
        %eq3A_345 = arith.cmpi eq, %squeeze3A_343, %eq3A_344 : i32
        %convert_element_type3A_346 = arith.extui %eq3A_345 : i1 to i32
        %cond3A_347 = arith.constant 0 : i32
        %cond3A_348 = arith.cmpi ne, %convert_element_type3A_346, %cond3A_347 : i32
        scf.if %cond3A_348 {
          %add3A_608 = arith.addi %mul3A_2, %add3A_142 : i32
          %run_scoped3A = arith.constant 0 : i32
          %run_scoped3A_609 = arith.constant 26 : i32
          "tpu.region"() ({
            %run_scoped3A_610 = tpu.sem_alloc : memref<!tpu.dma_semaphore, #tpu.memory_space<semaphore_mem>>
            %dma_start3A_611 = arith.constant 0 : i32
            %dma_start3A_612 = tpu.memref_slice %arg5[%add3A_608, %run_scoped3A_609, %dma_start3A_611] : memref<4096x50x128xf32, #tpu.memory_space<hbm>> -> memref<1x1x128xf32, #tpu.memory_space<hbm>>
            %dma_start3A_613 = tpu.memref_squeeze %dma_start3A_612 : memref<1x1x128xf32, #tpu.memory_space<hbm>> -> memref<128xf32, #tpu.memory_space<hbm>>
            %dma_start3A_614 = arith.constant 0 : i32
            %dma_start3A_615 = tpu.memref_slice %arg4[%run_scoped3A, %dma_start3A_614] : memref<8x128xf32, #tpu.memory_space<hbm>> -> memref<1x128xf32, #tpu.memory_space<hbm>>
            %dma_start3A_616 = tpu.memref_squeeze %dma_start3A_615 : memref<1x128xf32, #tpu.memory_space<hbm>> -> memref<128xf32, #tpu.memory_space<hbm>>
            tpu.enqueue_dma source(%dma_start3A_616 : memref<128xf32, #tpu.memory_space<hbm>>) target(%dma_start3A_613 : memref<128xf32, #tpu.memory_space<hbm>>) target_semaphore(%run_scoped3A_610 : memref<!tpu.dma_semaphore, #tpu.memory_space<semaphore_mem>>)
            %dma_wait3A_617 = arith.constant 0 : i32
            %dma_wait3A_618 = tpu.memref_slice %arg5[%add3A_608, %run_scoped3A_609, %dma_wait3A_617] : memref<4096x50x128xf32, #tpu.memory_space<hbm>> -> memref<1x1x128xf32, #tpu.memory_space<hbm>>
            %dma_wait3A_619 = tpu.memref_squeeze %dma_wait3A_618 : memref<1x1x128xf32, #tpu.memory_space<hbm>> -> memref<128xf32, #tpu.memory_space<hbm>>
            %dma_wait3A_620 = arith.constant 0 : i32
            %dma_wait3A_621 = tpu.memref_slice %arg4[%run_scoped3A, %dma_wait3A_620] : memref<8x128xf32, #tpu.memory_space<hbm>> -> memref<1x128xf32, #tpu.memory_space<hbm>>
            %dma_wait3A_622 = tpu.memref_squeeze %dma_wait3A_621 : memref<1x128xf32, #tpu.memory_space<hbm>> -> memref<128xf32, #tpu.memory_space<hbm>>
            tpu.wait_dma2 semaphore(%run_scoped3A_610 : memref<!tpu.dma_semaphore, #tpu.memory_space<semaphore_mem>>) src(%dma_wait3A_622 : memref<128xf32, #tpu.memory_space<hbm>>) dst(%dma_wait3A_619 : memref<128xf32, #tpu.memory_space<hbm>>)
            tpu.yield
          }) : () -> ()
        } else {
        }
        %slice3A_349 = vector.extract_strided_slice %get3A_147 {offsets = [11], sizes = [1], strides = [1]} : vector<16xi32> to vector<1xi32>
        %squeeze3A_350 = vector.extract %slice3A_349[0] : i32 from vector<1xi32>
        %eq3A_351 = arith.constant 0 : i32
        %eq3A_352 = arith.cmpi eq, %squeeze3A_350, %eq3A_351 : i32
        %convert_element_type3A_353 = arith.extui %eq3A_352 : i1 to i32
        %cond3A_354 = arith.constant 0 : i32
        %cond3A_355 = arith.cmpi ne, %convert_element_type3A_353, %cond3A_354 : i32
        scf.if %cond3A_355 {
          %add3A_608 = arith.addi %mul3A_2, %add3A_142 : i32
          %run_scoped3A = arith.constant 0 : i32
          %run_scoped3A_609 = arith.constant 27 : i32
          "tpu.region"() ({
            %run_scoped3A_610 = tpu.sem_alloc : memref<!tpu.dma_semaphore, #tpu.memory_space<semaphore_mem>>
            %dma_start3A_611 = arith.constant 0 : i32
            %dma_start3A_612 = tpu.memref_slice %arg5[%add3A_608, %run_scoped3A_609, %dma_start3A_611] : memref<4096x50x128xf32, #tpu.memory_space<hbm>> -> memref<1x1x128xf32, #tpu.memory_space<hbm>>
            %dma_start3A_613 = tpu.memref_squeeze %dma_start3A_612 : memref<1x1x128xf32, #tpu.memory_space<hbm>> -> memref<128xf32, #tpu.memory_space<hbm>>
            %dma_start3A_614 = arith.constant 0 : i32
            %dma_start3A_615 = tpu.memref_slice %arg4[%run_scoped3A, %dma_start3A_614] : memref<8x128xf32, #tpu.memory_space<hbm>> -> memref<1x128xf32, #tpu.memory_space<hbm>>
            %dma_start3A_616 = tpu.memref_squeeze %dma_start3A_615 : memref<1x128xf32, #tpu.memory_space<hbm>> -> memref<128xf32, #tpu.memory_space<hbm>>
            tpu.enqueue_dma source(%dma_start3A_616 : memref<128xf32, #tpu.memory_space<hbm>>) target(%dma_start3A_613 : memref<128xf32, #tpu.memory_space<hbm>>) target_semaphore(%run_scoped3A_610 : memref<!tpu.dma_semaphore, #tpu.memory_space<semaphore_mem>>)
            %dma_wait3A_617 = arith.constant 0 : i32
            %dma_wait3A_618 = tpu.memref_slice %arg5[%add3A_608, %run_scoped3A_609, %dma_wait3A_617] : memref<4096x50x128xf32, #tpu.memory_space<hbm>> -> memref<1x1x128xf32, #tpu.memory_space<hbm>>
            %dma_wait3A_619 = tpu.memref_squeeze %dma_wait3A_618 : memref<1x1x128xf32, #tpu.memory_space<hbm>> -> memref<128xf32, #tpu.memory_space<hbm>>
            %dma_wait3A_620 = arith.constant 0 : i32
            %dma_wait3A_621 = tpu.memref_slice %arg4[%run_scoped3A, %dma_wait3A_620] : memref<8x128xf32, #tpu.memory_space<hbm>> -> memref<1x128xf32, #tpu.memory_space<hbm>>
            %dma_wait3A_622 = tpu.memref_squeeze %dma_wait3A_621 : memref<1x128xf32, #tpu.memory_space<hbm>> -> memref<128xf32, #tpu.memory_space<hbm>>
            tpu.wait_dma2 semaphore(%run_scoped3A_610 : memref<!tpu.dma_semaphore, #tpu.memory_space<semaphore_mem>>) src(%dma_wait3A_622 : memref<128xf32, #tpu.memory_space<hbm>>) dst(%dma_wait3A_619 : memref<128xf32, #tpu.memory_space<hbm>>)
            tpu.yield
          }) : () -> ()
        } else {
        }
        %slice3A_356 = vector.extract_strided_slice %get3A_147 {offsets = [12], sizes = [1], strides = [1]} : vector<16xi32> to vector<1xi32>
        %squeeze3A_357 = vector.extract %slice3A_356[0] : i32 from vector<1xi32>
        %eq3A_358 = arith.constant 0 : i32
        %eq3A_359 = arith.cmpi eq, %squeeze3A_357, %eq3A_358 : i32
        %convert_element_type3A_360 = arith.extui %eq3A_359 : i1 to i32
        %cond3A_361 = arith.constant 0 : i32
        %cond3A_362 = arith.cmpi ne, %convert_element_type3A_360, %cond3A_361 : i32
        scf.if %cond3A_362 {
          %add3A_608 = arith.addi %mul3A_2, %add3A_142 : i32
          %run_scoped3A = arith.constant 0 : i32
          %run_scoped3A_609 = arith.constant 28 : i32
          "tpu.region"() ({
            %run_scoped3A_610 = tpu.sem_alloc : memref<!tpu.dma_semaphore, #tpu.memory_space<semaphore_mem>>
            %dma_start3A_611 = arith.constant 0 : i32
            %dma_start3A_612 = tpu.memref_slice %arg5[%add3A_608, %run_scoped3A_609, %dma_start3A_611] : memref<4096x50x128xf32, #tpu.memory_space<hbm>> -> memref<1x1x128xf32, #tpu.memory_space<hbm>>
            %dma_start3A_613 = tpu.memref_squeeze %dma_start3A_612 : memref<1x1x128xf32, #tpu.memory_space<hbm>> -> memref<128xf32, #tpu.memory_space<hbm>>
            %dma_start3A_614 = arith.constant 0 : i32
            %dma_start3A_615 = tpu.memref_slice %arg4[%run_scoped3A, %dma_start3A_614] : memref<8x128xf32, #tpu.memory_space<hbm>> -> memref<1x128xf32, #tpu.memory_space<hbm>>
            %dma_start3A_616 = tpu.memref_squeeze %dma_start3A_615 : memref<1x128xf32, #tpu.memory_space<hbm>> -> memref<128xf32, #tpu.memory_space<hbm>>
            tpu.enqueue_dma source(%dma_start3A_616 : memref<128xf32, #tpu.memory_space<hbm>>) target(%dma_start3A_613 : memref<128xf32, #tpu.memory_space<hbm>>) target_semaphore(%run_scoped3A_610 : memref<!tpu.dma_semaphore, #tpu.memory_space<semaphore_mem>>)
            %dma_wait3A_617 = arith.constant 0 : i32
            %dma_wait3A_618 = tpu.memref_slice %arg5[%add3A_608, %run_scoped3A_609, %dma_wait3A_617] : memref<4096x50x128xf32, #tpu.memory_space<hbm>> -> memref<1x1x128xf32, #tpu.memory_space<hbm>>
            %dma_wait3A_619 = tpu.memref_squeeze %dma_wait3A_618 : memref<1x1x128xf32, #tpu.memory_space<hbm>> -> memref<128xf32, #tpu.memory_space<hbm>>
            %dma_wait3A_620 = arith.constant 0 : i32
            %dma_wait3A_621 = tpu.memref_slice %arg4[%run_scoped3A, %dma_wait3A_620] : memref<8x128xf32, #tpu.memory_space<hbm>> -> memref<1x128xf32, #tpu.memory_space<hbm>>
            %dma_wait3A_622 = tpu.memref_squeeze %dma_wait3A_621 : memref<1x128xf32, #tpu.memory_space<hbm>> -> memref<128xf32, #tpu.memory_space<hbm>>
            tpu.wait_dma2 semaphore(%run_scoped3A_610 : memref<!tpu.dma_semaphore, #tpu.memory_space<semaphore_mem>>) src(%dma_wait3A_622 : memref<128xf32, #tpu.memory_space<hbm>>) dst(%dma_wait3A_619 : memref<128xf32, #tpu.memory_space<hbm>>)
            tpu.yield
          }) : () -> ()
        } else {
        }
        %slice3A_363 = vector.extract_strided_slice %get3A_147 {offsets = [13], sizes = [1], strides = [1]} : vector<16xi32> to vector<1xi32>
        %squeeze3A_364 = vector.extract %slice3A_363[0] : i32 from vector<1xi32>
        %eq3A_365 = arith.constant 0 : i32
        %eq3A_366 = arith.cmpi eq, %squeeze3A_364, %eq3A_365 : i32
        %convert_element_type3A_367 = arith.extui %eq3A_366 : i1 to i32
        %cond3A_368 = arith.constant 0 : i32
        %cond3A_369 = arith.cmpi ne, %convert_element_type3A_367, %cond3A_368 : i32
        scf.if %cond3A_369 {
          %add3A_608 = arith.addi %mul3A_2, %add3A_142 : i32
          %run_scoped3A = arith.constant 0 : i32
          %run_scoped3A_609 = arith.constant 29 : i32
          "tpu.region"() ({
            %run_scoped3A_610 = tpu.sem_alloc : memref<!tpu.dma_semaphore, #tpu.memory_space<semaphore_mem>>
            %dma_start3A_611 = arith.constant 0 : i32
            %dma_start3A_612 = tpu.memref_slice %arg5[%add3A_608, %run_scoped3A_609, %dma_start3A_611] : memref<4096x50x128xf32, #tpu.memory_space<hbm>> -> memref<1x1x128xf32, #tpu.memory_space<hbm>>
            %dma_start3A_613 = tpu.memref_squeeze %dma_start3A_612 : memref<1x1x128xf32, #tpu.memory_space<hbm>> -> memref<128xf32, #tpu.memory_space<hbm>>
            %dma_start3A_614 = arith.constant 0 : i32
            %dma_start3A_615 = tpu.memref_slice %arg4[%run_scoped3A, %dma_start3A_614] : memref<8x128xf32, #tpu.memory_space<hbm>> -> memref<1x128xf32, #tpu.memory_space<hbm>>
            %dma_start3A_616 = tpu.memref_squeeze %dma_start3A_615 : memref<1x128xf32, #tpu.memory_space<hbm>> -> memref<128xf32, #tpu.memory_space<hbm>>
            tpu.enqueue_dma source(%dma_start3A_616 : memref<128xf32, #tpu.memory_space<hbm>>) target(%dma_start3A_613 : memref<128xf32, #tpu.memory_space<hbm>>) target_semaphore(%run_scoped3A_610 : memref<!tpu.dma_semaphore, #tpu.memory_space<semaphore_mem>>)
            %dma_wait3A_617 = arith.constant 0 : i32
            %dma_wait3A_618 = tpu.memref_slice %arg5[%add3A_608, %run_scoped3A_609, %dma_wait3A_617] : memref<4096x50x128xf32, #tpu.memory_space<hbm>> -> memref<1x1x128xf32, #tpu.memory_space<hbm>>
            %dma_wait3A_619 = tpu.memref_squeeze %dma_wait3A_618 : memref<1x1x128xf32, #tpu.memory_space<hbm>> -> memref<128xf32, #tpu.memory_space<hbm>>
            %dma_wait3A_620 = arith.constant 0 : i32
            %dma_wait3A_621 = tpu.memref_slice %arg4[%run_scoped3A, %dma_wait3A_620] : memref<8x128xf32, #tpu.memory_space<hbm>> -> memref<1x128xf32, #tpu.memory_space<hbm>>
            %dma_wait3A_622 = tpu.memref_squeeze %dma_wait3A_621 : memref<1x128xf32, #tpu.memory_space<hbm>> -> memref<128xf32, #tpu.memory_space<hbm>>
            tpu.wait_dma2 semaphore(%run_scoped3A_610 : memref<!tpu.dma_semaphore, #tpu.memory_space<semaphore_mem>>) src(%dma_wait3A_622 : memref<128xf32, #tpu.memory_space<hbm>>) dst(%dma_wait3A_619 : memref<128xf32, #tpu.memory_space<hbm>>)
            tpu.yield
          }) : () -> ()
        } else {
        }
        %slice3A_370 = vector.extract_strided_slice %get3A_147 {offsets = [14], sizes = [1], strides = [1]} : vector<16xi32> to vector<1xi32>
        %squeeze3A_371 = vector.extract %slice3A_370[0] : i32 from vector<1xi32>
        %eq3A_372 = arith.constant 0 : i32
        %eq3A_373 = arith.cmpi eq, %squeeze3A_371, %eq3A_372 : i32
        %convert_element_type3A_374 = arith.extui %eq3A_373 : i1 to i32
        %cond3A_375 = arith.constant 0 : i32
        %cond3A_376 = arith.cmpi ne, %convert_element_type3A_374, %cond3A_375 : i32
        scf.if %cond3A_376 {
          %add3A_608 = arith.addi %mul3A_2, %add3A_142 : i32
          %run_scoped3A = arith.constant 0 : i32
          %run_scoped3A_609 = arith.constant 30 : i32
          "tpu.region"() ({
            %run_scoped3A_610 = tpu.sem_alloc : memref<!tpu.dma_semaphore, #tpu.memory_space<semaphore_mem>>
            %dma_start3A_611 = arith.constant 0 : i32
            %dma_start3A_612 = tpu.memref_slice %arg5[%add3A_608, %run_scoped3A_609, %dma_start3A_611] : memref<4096x50x128xf32, #tpu.memory_space<hbm>> -> memref<1x1x128xf32, #tpu.memory_space<hbm>>
            %dma_start3A_613 = tpu.memref_squeeze %dma_start3A_612 : memref<1x1x128xf32, #tpu.memory_space<hbm>> -> memref<128xf32, #tpu.memory_space<hbm>>
            %dma_start3A_614 = arith.constant 0 : i32
            %dma_start3A_615 = tpu.memref_slice %arg4[%run_scoped3A, %dma_start3A_614] : memref<8x128xf32, #tpu.memory_space<hbm>> -> memref<1x128xf32, #tpu.memory_space<hbm>>
            %dma_start3A_616 = tpu.memref_squeeze %dma_start3A_615 : memref<1x128xf32, #tpu.memory_space<hbm>> -> memref<128xf32, #tpu.memory_space<hbm>>
            tpu.enqueue_dma source(%dma_start3A_616 : memref<128xf32, #tpu.memory_space<hbm>>) target(%dma_start3A_613 : memref<128xf32, #tpu.memory_space<hbm>>) target_semaphore(%run_scoped3A_610 : memref<!tpu.dma_semaphore, #tpu.memory_space<semaphore_mem>>)
            %dma_wait3A_617 = arith.constant 0 : i32
            %dma_wait3A_618 = tpu.memref_slice %arg5[%add3A_608, %run_scoped3A_609, %dma_wait3A_617] : memref<4096x50x128xf32, #tpu.memory_space<hbm>> -> memref<1x1x128xf32, #tpu.memory_space<hbm>>
            %dma_wait3A_619 = tpu.memref_squeeze %dma_wait3A_618 : memref<1x1x128xf32, #tpu.memory_space<hbm>> -> memref<128xf32, #tpu.memory_space<hbm>>
            %dma_wait3A_620 = arith.constant 0 : i32
            %dma_wait3A_621 = tpu.memref_slice %arg4[%run_scoped3A, %dma_wait3A_620] : memref<8x128xf32, #tpu.memory_space<hbm>> -> memref<1x128xf32, #tpu.memory_space<hbm>>
            %dma_wait3A_622 = tpu.memref_squeeze %dma_wait3A_621 : memref<1x128xf32, #tpu.memory_space<hbm>> -> memref<128xf32, #tpu.memory_space<hbm>>
            tpu.wait_dma2 semaphore(%run_scoped3A_610 : memref<!tpu.dma_semaphore, #tpu.memory_space<semaphore_mem>>) src(%dma_wait3A_622 : memref<128xf32, #tpu.memory_space<hbm>>) dst(%dma_wait3A_619 : memref<128xf32, #tpu.memory_space<hbm>>)
            tpu.yield
          }) : () -> ()
        } else {
        }
        %slice3A_377 = vector.extract_strided_slice %get3A_147 {offsets = [15], sizes = [1], strides = [1]} : vector<16xi32> to vector<1xi32>
        %squeeze3A_378 = vector.extract %slice3A_377[0] : i32 from vector<1xi32>
        %eq3A_379 = arith.constant 0 : i32
        %eq3A_380 = arith.cmpi eq, %squeeze3A_378, %eq3A_379 : i32
        %convert_element_type3A_381 = arith.extui %eq3A_380 : i1 to i32
        %cond3A_382 = arith.constant 0 : i32
        %cond3A_383 = arith.cmpi ne, %convert_element_type3A_381, %cond3A_382 : i32
        scf.if %cond3A_383 {
          %add3A_608 = arith.addi %mul3A_2, %add3A_142 : i32
          %run_scoped3A = arith.constant 0 : i32
          %run_scoped3A_609 = arith.constant 31 : i32
          "tpu.region"() ({
            %run_scoped3A_610 = tpu.sem_alloc : memref<!tpu.dma_semaphore, #tpu.memory_space<semaphore_mem>>
            %dma_start3A_611 = arith.constant 0 : i32
            %dma_start3A_612 = tpu.memref_slice %arg5[%add3A_608, %run_scoped3A_609, %dma_start3A_611] : memref<4096x50x128xf32, #tpu.memory_space<hbm>> -> memref<1x1x128xf32, #tpu.memory_space<hbm>>
            %dma_start3A_613 = tpu.memref_squeeze %dma_start3A_612 : memref<1x1x128xf32, #tpu.memory_space<hbm>> -> memref<128xf32, #tpu.memory_space<hbm>>
            %dma_start3A_614 = arith.constant 0 : i32
            %dma_start3A_615 = tpu.memref_slice %arg4[%run_scoped3A, %dma_start3A_614] : memref<8x128xf32, #tpu.memory_space<hbm>> -> memref<1x128xf32, #tpu.memory_space<hbm>>
            %dma_start3A_616 = tpu.memref_squeeze %dma_start3A_615 : memref<1x128xf32, #tpu.memory_space<hbm>> -> memref<128xf32, #tpu.memory_space<hbm>>
            tpu.enqueue_dma source(%dma_start3A_616 : memref<128xf32, #tpu.memory_space<hbm>>) target(%dma_start3A_613 : memref<128xf32, #tpu.memory_space<hbm>>) target_semaphore(%run_scoped3A_610 : memref<!tpu.dma_semaphore, #tpu.memory_space<semaphore_mem>>)
            %dma_wait3A_617 = arith.constant 0 : i32
            %dma_wait3A_618 = tpu.memref_slice %arg5[%add3A_608, %run_scoped3A_609, %dma_wait3A_617] : memref<4096x50x128xf32, #tpu.memory_space<hbm>> -> memref<1x1x128xf32, #tpu.memory_space<hbm>>
            %dma_wait3A_619 = tpu.memref_squeeze %dma_wait3A_618 : memref<1x1x128xf32, #tpu.memory_space<hbm>> -> memref<128xf32, #tpu.memory_space<hbm>>
            %dma_wait3A_620 = arith.constant 0 : i32
            %dma_wait3A_621 = tpu.memref_slice %arg4[%run_scoped3A, %dma_wait3A_620] : memref<8x128xf32, #tpu.memory_space<hbm>> -> memref<1x128xf32, #tpu.memory_space<hbm>>
            %dma_wait3A_622 = tpu.memref_squeeze %dma_wait3A_621 : memref<1x128xf32, #tpu.memory_space<hbm>> -> memref<128xf32, #tpu.memory_space<hbm>>
            tpu.wait_dma2 semaphore(%run_scoped3A_610 : memref<!tpu.dma_semaphore, #tpu.memory_space<semaphore_mem>>) src(%dma_wait3A_622 : memref<128xf32, #tpu.memory_space<hbm>>) dst(%dma_wait3A_619 : memref<128xf32, #tpu.memory_space<hbm>>)
            tpu.yield
          }) : () -> ()
        } else {
        }
        %slice3A_384 = vector.extract_strided_slice %get3A_150 {offsets = [0], sizes = [1], strides = [1]} : vector<16xi32> to vector<1xi32>
        %squeeze3A_385 = vector.extract %slice3A_384[0] : i32 from vector<1xi32>
        %eq3A_386 = arith.constant 0 : i32
        %eq3A_387 = arith.cmpi eq, %squeeze3A_385, %eq3A_386 : i32
        %convert_element_type3A_388 = arith.extui %eq3A_387 : i1 to i32
        %cond3A_389 = arith.constant 0 : i32
        %cond3A_390 = arith.cmpi ne, %convert_element_type3A_388, %cond3A_389 : i32
        scf.if %cond3A_390 {
          %add3A_608 = arith.addi %mul3A_2, %add3A_142 : i32
          %run_scoped3A = arith.constant 0 : i32
          %run_scoped3A_609 = arith.constant 32 : i32
          "tpu.region"() ({
            %run_scoped3A_610 = tpu.sem_alloc : memref<!tpu.dma_semaphore, #tpu.memory_space<semaphore_mem>>
            %dma_start3A_611 = arith.constant 0 : i32
            %dma_start3A_612 = tpu.memref_slice %arg5[%add3A_608, %run_scoped3A_609, %dma_start3A_611] : memref<4096x50x128xf32, #tpu.memory_space<hbm>> -> memref<1x1x128xf32, #tpu.memory_space<hbm>>
            %dma_start3A_613 = tpu.memref_squeeze %dma_start3A_612 : memref<1x1x128xf32, #tpu.memory_space<hbm>> -> memref<128xf32, #tpu.memory_space<hbm>>
            %dma_start3A_614 = arith.constant 0 : i32
            %dma_start3A_615 = tpu.memref_slice %arg4[%run_scoped3A, %dma_start3A_614] : memref<8x128xf32, #tpu.memory_space<hbm>> -> memref<1x128xf32, #tpu.memory_space<hbm>>
            %dma_start3A_616 = tpu.memref_squeeze %dma_start3A_615 : memref<1x128xf32, #tpu.memory_space<hbm>> -> memref<128xf32, #tpu.memory_space<hbm>>
            tpu.enqueue_dma source(%dma_start3A_616 : memref<128xf32, #tpu.memory_space<hbm>>) target(%dma_start3A_613 : memref<128xf32, #tpu.memory_space<hbm>>) target_semaphore(%run_scoped3A_610 : memref<!tpu.dma_semaphore, #tpu.memory_space<semaphore_mem>>)
            %dma_wait3A_617 = arith.constant 0 : i32
            %dma_wait3A_618 = tpu.memref_slice %arg5[%add3A_608, %run_scoped3A_609, %dma_wait3A_617] : memref<4096x50x128xf32, #tpu.memory_space<hbm>> -> memref<1x1x128xf32, #tpu.memory_space<hbm>>
            %dma_wait3A_619 = tpu.memref_squeeze %dma_wait3A_618 : memref<1x1x128xf32, #tpu.memory_space<hbm>> -> memref<128xf32, #tpu.memory_space<hbm>>
            %dma_wait3A_620 = arith.constant 0 : i32
            %dma_wait3A_621 = tpu.memref_slice %arg4[%run_scoped3A, %dma_wait3A_620] : memref<8x128xf32, #tpu.memory_space<hbm>> -> memref<1x128xf32, #tpu.memory_space<hbm>>
            %dma_wait3A_622 = tpu.memref_squeeze %dma_wait3A_621 : memref<1x128xf32, #tpu.memory_space<hbm>> -> memref<128xf32, #tpu.memory_space<hbm>>
            tpu.wait_dma2 semaphore(%run_scoped3A_610 : memref<!tpu.dma_semaphore, #tpu.memory_space<semaphore_mem>>) src(%dma_wait3A_622 : memref<128xf32, #tpu.memory_space<hbm>>) dst(%dma_wait3A_619 : memref<128xf32, #tpu.memory_space<hbm>>)
            tpu.yield
          }) : () -> ()
        } else {
        }
        %slice3A_391 = vector.extract_strided_slice %get3A_150 {offsets = [1], sizes = [1], strides = [1]} : vector<16xi32> to vector<1xi32>
        %squeeze3A_392 = vector.extract %slice3A_391[0] : i32 from vector<1xi32>
        %eq3A_393 = arith.constant 0 : i32
        %eq3A_394 = arith.cmpi eq, %squeeze3A_392, %eq3A_393 : i32
        %convert_element_type3A_395 = arith.extui %eq3A_394 : i1 to i32
        %cond3A_396 = arith.constant 0 : i32
        %cond3A_397 = arith.cmpi ne, %convert_element_type3A_395, %cond3A_396 : i32
        scf.if %cond3A_397 {
          %add3A_608 = arith.addi %mul3A_2, %add3A_142 : i32
          %run_scoped3A = arith.constant 0 : i32
          %run_scoped3A_609 = arith.constant 33 : i32
          "tpu.region"() ({
            %run_scoped3A_610 = tpu.sem_alloc : memref<!tpu.dma_semaphore, #tpu.memory_space<semaphore_mem>>
            %dma_start3A_611 = arith.constant 0 : i32
            %dma_start3A_612 = tpu.memref_slice %arg5[%add3A_608, %run_scoped3A_609, %dma_start3A_611] : memref<4096x50x128xf32, #tpu.memory_space<hbm>> -> memref<1x1x128xf32, #tpu.memory_space<hbm>>
            %dma_start3A_613 = tpu.memref_squeeze %dma_start3A_612 : memref<1x1x128xf32, #tpu.memory_space<hbm>> -> memref<128xf32, #tpu.memory_space<hbm>>
            %dma_start3A_614 = arith.constant 0 : i32
            %dma_start3A_615 = tpu.memref_slice %arg4[%run_scoped3A, %dma_start3A_614] : memref<8x128xf32, #tpu.memory_space<hbm>> -> memref<1x128xf32, #tpu.memory_space<hbm>>
            %dma_start3A_616 = tpu.memref_squeeze %dma_start3A_615 : memref<1x128xf32, #tpu.memory_space<hbm>> -> memref<128xf32, #tpu.memory_space<hbm>>
            tpu.enqueue_dma source(%dma_start3A_616 : memref<128xf32, #tpu.memory_space<hbm>>) target(%dma_start3A_613 : memref<128xf32, #tpu.memory_space<hbm>>) target_semaphore(%run_scoped3A_610 : memref<!tpu.dma_semaphore, #tpu.memory_space<semaphore_mem>>)
            %dma_wait3A_617 = arith.constant 0 : i32
            %dma_wait3A_618 = tpu.memref_slice %arg5[%add3A_608, %run_scoped3A_609, %dma_wait3A_617] : memref<4096x50x128xf32, #tpu.memory_space<hbm>> -> memref<1x1x128xf32, #tpu.memory_space<hbm>>
            %dma_wait3A_619 = tpu.memref_squeeze %dma_wait3A_618 : memref<1x1x128xf32, #tpu.memory_space<hbm>> -> memref<128xf32, #tpu.memory_space<hbm>>
            %dma_wait3A_620 = arith.constant 0 : i32
            %dma_wait3A_621 = tpu.memref_slice %arg4[%run_scoped3A, %dma_wait3A_620] : memref<8x128xf32, #tpu.memory_space<hbm>> -> memref<1x128xf32, #tpu.memory_space<hbm>>
            %dma_wait3A_622 = tpu.memref_squeeze %dma_wait3A_621 : memref<1x128xf32, #tpu.memory_space<hbm>> -> memref<128xf32, #tpu.memory_space<hbm>>
            tpu.wait_dma2 semaphore(%run_scoped3A_610 : memref<!tpu.dma_semaphore, #tpu.memory_space<semaphore_mem>>) src(%dma_wait3A_622 : memref<128xf32, #tpu.memory_space<hbm>>) dst(%dma_wait3A_619 : memref<128xf32, #tpu.memory_space<hbm>>)
            tpu.yield
          }) : () -> ()
        } else {
        }
        %slice3A_398 = vector.extract_strided_slice %get3A_150 {offsets = [2], sizes = [1], strides = [1]} : vector<16xi32> to vector<1xi32>
        %squeeze3A_399 = vector.extract %slice3A_398[0] : i32 from vector<1xi32>
        %eq3A_400 = arith.constant 0 : i32
        %eq3A_401 = arith.cmpi eq, %squeeze3A_399, %eq3A_400 : i32
        %convert_element_type3A_402 = arith.extui %eq3A_401 : i1 to i32
        %cond3A_403 = arith.constant 0 : i32
        %cond3A_404 = arith.cmpi ne, %convert_element_type3A_402, %cond3A_403 : i32
        scf.if %cond3A_404 {
          %add3A_608 = arith.addi %mul3A_2, %add3A_142 : i32
          %run_scoped3A = arith.constant 0 : i32
          %run_scoped3A_609 = arith.constant 34 : i32
          "tpu.region"() ({
            %run_scoped3A_610 = tpu.sem_alloc : memref<!tpu.dma_semaphore, #tpu.memory_space<semaphore_mem>>
            %dma_start3A_611 = arith.constant 0 : i32
            %dma_start3A_612 = tpu.memref_slice %arg5[%add3A_608, %run_scoped3A_609, %dma_start3A_611] : memref<4096x50x128xf32, #tpu.memory_space<hbm>> -> memref<1x1x128xf32, #tpu.memory_space<hbm>>
            %dma_start3A_613 = tpu.memref_squeeze %dma_start3A_612 : memref<1x1x128xf32, #tpu.memory_space<hbm>> -> memref<128xf32, #tpu.memory_space<hbm>>
            %dma_start3A_614 = arith.constant 0 : i32
            %dma_start3A_615 = tpu.memref_slice %arg4[%run_scoped3A, %dma_start3A_614] : memref<8x128xf32, #tpu.memory_space<hbm>> -> memref<1x128xf32, #tpu.memory_space<hbm>>
            %dma_start3A_616 = tpu.memref_squeeze %dma_start3A_615 : memref<1x128xf32, #tpu.memory_space<hbm>> -> memref<128xf32, #tpu.memory_space<hbm>>
            tpu.enqueue_dma source(%dma_start3A_616 : memref<128xf32, #tpu.memory_space<hbm>>) target(%dma_start3A_613 : memref<128xf32, #tpu.memory_space<hbm>>) target_semaphore(%run_scoped3A_610 : memref<!tpu.dma_semaphore, #tpu.memory_space<semaphore_mem>>)
            %dma_wait3A_617 = arith.constant 0 : i32
            %dma_wait3A_618 = tpu.memref_slice %arg5[%add3A_608, %run_scoped3A_609, %dma_wait3A_617] : memref<4096x50x128xf32, #tpu.memory_space<hbm>> -> memref<1x1x128xf32, #tpu.memory_space<hbm>>
            %dma_wait3A_619 = tpu.memref_squeeze %dma_wait3A_618 : memref<1x1x128xf32, #tpu.memory_space<hbm>> -> memref<128xf32, #tpu.memory_space<hbm>>
            %dma_wait3A_620 = arith.constant 0 : i32
            %dma_wait3A_621 = tpu.memref_slice %arg4[%run_scoped3A, %dma_wait3A_620] : memref<8x128xf32, #tpu.memory_space<hbm>> -> memref<1x128xf32, #tpu.memory_space<hbm>>
            %dma_wait3A_622 = tpu.memref_squeeze %dma_wait3A_621 : memref<1x128xf32, #tpu.memory_space<hbm>> -> memref<128xf32, #tpu.memory_space<hbm>>
            tpu.wait_dma2 semaphore(%run_scoped3A_610 : memref<!tpu.dma_semaphore, #tpu.memory_space<semaphore_mem>>) src(%dma_wait3A_622 : memref<128xf32, #tpu.memory_space<hbm>>) dst(%dma_wait3A_619 : memref<128xf32, #tpu.memory_space<hbm>>)
            tpu.yield
          }) : () -> ()
        } else {
        }
        %slice3A_405 = vector.extract_strided_slice %get3A_150 {offsets = [3], sizes = [1], strides = [1]} : vector<16xi32> to vector<1xi32>
        %squeeze3A_406 = vector.extract %slice3A_405[0] : i32 from vector<1xi32>
        %eq3A_407 = arith.constant 0 : i32
        %eq3A_408 = arith.cmpi eq, %squeeze3A_406, %eq3A_407 : i32
        %convert_element_type3A_409 = arith.extui %eq3A_408 : i1 to i32
        %cond3A_410 = arith.constant 0 : i32
        %cond3A_411 = arith.cmpi ne, %convert_element_type3A_409, %cond3A_410 : i32
        scf.if %cond3A_411 {
          %add3A_608 = arith.addi %mul3A_2, %add3A_142 : i32
          %run_scoped3A = arith.constant 0 : i32
          %run_scoped3A_609 = arith.constant 35 : i32
          "tpu.region"() ({
            %run_scoped3A_610 = tpu.sem_alloc : memref<!tpu.dma_semaphore, #tpu.memory_space<semaphore_mem>>
            %dma_start3A_611 = arith.constant 0 : i32
            %dma_start3A_612 = tpu.memref_slice %arg5[%add3A_608, %run_scoped3A_609, %dma_start3A_611] : memref<4096x50x128xf32, #tpu.memory_space<hbm>> -> memref<1x1x128xf32, #tpu.memory_space<hbm>>
            %dma_start3A_613 = tpu.memref_squeeze %dma_start3A_612 : memref<1x1x128xf32, #tpu.memory_space<hbm>> -> memref<128xf32, #tpu.memory_space<hbm>>
            %dma_start3A_614 = arith.constant 0 : i32
            %dma_start3A_615 = tpu.memref_slice %arg4[%run_scoped3A, %dma_start3A_614] : memref<8x128xf32, #tpu.memory_space<hbm>> -> memref<1x128xf32, #tpu.memory_space<hbm>>
            %dma_start3A_616 = tpu.memref_squeeze %dma_start3A_615 : memref<1x128xf32, #tpu.memory_space<hbm>> -> memref<128xf32, #tpu.memory_space<hbm>>
            tpu.enqueue_dma source(%dma_start3A_616 : memref<128xf32, #tpu.memory_space<hbm>>) target(%dma_start3A_613 : memref<128xf32, #tpu.memory_space<hbm>>) target_semaphore(%run_scoped3A_610 : memref<!tpu.dma_semaphore, #tpu.memory_space<semaphore_mem>>)
            %dma_wait3A_617 = arith.constant 0 : i32
            %dma_wait3A_618 = tpu.memref_slice %arg5[%add3A_608, %run_scoped3A_609, %dma_wait3A_617] : memref<4096x50x128xf32, #tpu.memory_space<hbm>> -> memref<1x1x128xf32, #tpu.memory_space<hbm>>
            %dma_wait3A_619 = tpu.memref_squeeze %dma_wait3A_618 : memref<1x1x128xf32, #tpu.memory_space<hbm>> -> memref<128xf32, #tpu.memory_space<hbm>>
            %dma_wait3A_620 = arith.constant 0 : i32
            %dma_wait3A_621 = tpu.memref_slice %arg4[%run_scoped3A, %dma_wait3A_620] : memref<8x128xf32, #tpu.memory_space<hbm>> -> memref<1x128xf32, #tpu.memory_space<hbm>>
            %dma_wait3A_622 = tpu.memref_squeeze %dma_wait3A_621 : memref<1x128xf32, #tpu.memory_space<hbm>> -> memref<128xf32, #tpu.memory_space<hbm>>
            tpu.wait_dma2 semaphore(%run_scoped3A_610 : memref<!tpu.dma_semaphore, #tpu.memory_space<semaphore_mem>>) src(%dma_wait3A_622 : memref<128xf32, #tpu.memory_space<hbm>>) dst(%dma_wait3A_619 : memref<128xf32, #tpu.memory_space<hbm>>)
            tpu.yield
          }) : () -> ()
        } else {
        }
        %slice3A_412 = vector.extract_strided_slice %get3A_150 {offsets = [4], sizes = [1], strides = [1]} : vector<16xi32> to vector<1xi32>
        %squeeze3A_413 = vector.extract %slice3A_412[0] : i32 from vector<1xi32>
        %eq3A_414 = arith.constant 0 : i32
        %eq3A_415 = arith.cmpi eq, %squeeze3A_413, %eq3A_414 : i32
        %convert_element_type3A_416 = arith.extui %eq3A_415 : i1 to i32
        %cond3A_417 = arith.constant 0 : i32
        %cond3A_418 = arith.cmpi ne, %convert_element_type3A_416, %cond3A_417 : i32
        scf.if %cond3A_418 {
          %add3A_608 = arith.addi %mul3A_2, %add3A_142 : i32
          %run_scoped3A = arith.constant 0 : i32
          %run_scoped3A_609 = arith.constant 36 : i32
          "tpu.region"() ({
            %run_scoped3A_610 = tpu.sem_alloc : memref<!tpu.dma_semaphore, #tpu.memory_space<semaphore_mem>>
            %dma_start3A_611 = arith.constant 0 : i32
            %dma_start3A_612 = tpu.memref_slice %arg5[%add3A_608, %run_scoped3A_609, %dma_start3A_611] : memref<4096x50x128xf32, #tpu.memory_space<hbm>> -> memref<1x1x128xf32, #tpu.memory_space<hbm>>
            %dma_start3A_613 = tpu.memref_squeeze %dma_start3A_612 : memref<1x1x128xf32, #tpu.memory_space<hbm>> -> memref<128xf32, #tpu.memory_space<hbm>>
            %dma_start3A_614 = arith.constant 0 : i32
            %dma_start3A_615 = tpu.memref_slice %arg4[%run_scoped3A, %dma_start3A_614] : memref<8x128xf32, #tpu.memory_space<hbm>> -> memref<1x128xf32, #tpu.memory_space<hbm>>
            %dma_start3A_616 = tpu.memref_squeeze %dma_start3A_615 : memref<1x128xf32, #tpu.memory_space<hbm>> -> memref<128xf32, #tpu.memory_space<hbm>>
            tpu.enqueue_dma source(%dma_start3A_616 : memref<128xf32, #tpu.memory_space<hbm>>) target(%dma_start3A_613 : memref<128xf32, #tpu.memory_space<hbm>>) target_semaphore(%run_scoped3A_610 : memref<!tpu.dma_semaphore, #tpu.memory_space<semaphore_mem>>)
            %dma_wait3A_617 = arith.constant 0 : i32
            %dma_wait3A_618 = tpu.memref_slice %arg5[%add3A_608, %run_scoped3A_609, %dma_wait3A_617] : memref<4096x50x128xf32, #tpu.memory_space<hbm>> -> memref<1x1x128xf32, #tpu.memory_space<hbm>>
            %dma_wait3A_619 = tpu.memref_squeeze %dma_wait3A_618 : memref<1x1x128xf32, #tpu.memory_space<hbm>> -> memref<128xf32, #tpu.memory_space<hbm>>
            %dma_wait3A_620 = arith.constant 0 : i32
            %dma_wait3A_621 = tpu.memref_slice %arg4[%run_scoped3A, %dma_wait3A_620] : memref<8x128xf32, #tpu.memory_space<hbm>> -> memref<1x128xf32, #tpu.memory_space<hbm>>
            %dma_wait3A_622 = tpu.memref_squeeze %dma_wait3A_621 : memref<1x128xf32, #tpu.memory_space<hbm>> -> memref<128xf32, #tpu.memory_space<hbm>>
            tpu.wait_dma2 semaphore(%run_scoped3A_610 : memref<!tpu.dma_semaphore, #tpu.memory_space<semaphore_mem>>) src(%dma_wait3A_622 : memref<128xf32, #tpu.memory_space<hbm>>) dst(%dma_wait3A_619 : memref<128xf32, #tpu.memory_space<hbm>>)
            tpu.yield
          }) : () -> ()
        } else {
        }
        %slice3A_419 = vector.extract_strided_slice %get3A_150 {offsets = [5], sizes = [1], strides = [1]} : vector<16xi32> to vector<1xi32>
        %squeeze3A_420 = vector.extract %slice3A_419[0] : i32 from vector<1xi32>
        %eq3A_421 = arith.constant 0 : i32
        %eq3A_422 = arith.cmpi eq, %squeeze3A_420, %eq3A_421 : i32
        %convert_element_type3A_423 = arith.extui %eq3A_422 : i1 to i32
        %cond3A_424 = arith.constant 0 : i32
        %cond3A_425 = arith.cmpi ne, %convert_element_type3A_423, %cond3A_424 : i32
        scf.if %cond3A_425 {
          %add3A_608 = arith.addi %mul3A_2, %add3A_142 : i32
          %run_scoped3A = arith.constant 0 : i32
          %run_scoped3A_609 = arith.constant 37 : i32
          "tpu.region"() ({
            %run_scoped3A_610 = tpu.sem_alloc : memref<!tpu.dma_semaphore, #tpu.memory_space<semaphore_mem>>
            %dma_start3A_611 = arith.constant 0 : i32
            %dma_start3A_612 = tpu.memref_slice %arg5[%add3A_608, %run_scoped3A_609, %dma_start3A_611] : memref<4096x50x128xf32, #tpu.memory_space<hbm>> -> memref<1x1x128xf32, #tpu.memory_space<hbm>>
            %dma_start3A_613 = tpu.memref_squeeze %dma_start3A_612 : memref<1x1x128xf32, #tpu.memory_space<hbm>> -> memref<128xf32, #tpu.memory_space<hbm>>
            %dma_start3A_614 = arith.constant 0 : i32
            %dma_start3A_615 = tpu.memref_slice %arg4[%run_scoped3A, %dma_start3A_614] : memref<8x128xf32, #tpu.memory_space<hbm>> -> memref<1x128xf32, #tpu.memory_space<hbm>>
            %dma_start3A_616 = tpu.memref_squeeze %dma_start3A_615 : memref<1x128xf32, #tpu.memory_space<hbm>> -> memref<128xf32, #tpu.memory_space<hbm>>
            tpu.enqueue_dma source(%dma_start3A_616 : memref<128xf32, #tpu.memory_space<hbm>>) target(%dma_start3A_613 : memref<128xf32, #tpu.memory_space<hbm>>) target_semaphore(%run_scoped3A_610 : memref<!tpu.dma_semaphore, #tpu.memory_space<semaphore_mem>>)
            %dma_wait3A_617 = arith.constant 0 : i32
            %dma_wait3A_618 = tpu.memref_slice %arg5[%add3A_608, %run_scoped3A_609, %dma_wait3A_617] : memref<4096x50x128xf32, #tpu.memory_space<hbm>> -> memref<1x1x128xf32, #tpu.memory_space<hbm>>
            %dma_wait3A_619 = tpu.memref_squeeze %dma_wait3A_618 : memref<1x1x128xf32, #tpu.memory_space<hbm>> -> memref<128xf32, #tpu.memory_space<hbm>>
            %dma_wait3A_620 = arith.constant 0 : i32
            %dma_wait3A_621 = tpu.memref_slice %arg4[%run_scoped3A, %dma_wait3A_620] : memref<8x128xf32, #tpu.memory_space<hbm>> -> memref<1x128xf32, #tpu.memory_space<hbm>>
            %dma_wait3A_622 = tpu.memref_squeeze %dma_wait3A_621 : memref<1x128xf32, #tpu.memory_space<hbm>> -> memref<128xf32, #tpu.memory_space<hbm>>
            tpu.wait_dma2 semaphore(%run_scoped3A_610 : memref<!tpu.dma_semaphore, #tpu.memory_space<semaphore_mem>>) src(%dma_wait3A_622 : memref<128xf32, #tpu.memory_space<hbm>>) dst(%dma_wait3A_619 : memref<128xf32, #tpu.memory_space<hbm>>)
            tpu.yield
          }) : () -> ()
        } else {
        }
        %slice3A_426 = vector.extract_strided_slice %get3A_150 {offsets = [6], sizes = [1], strides = [1]} : vector<16xi32> to vector<1xi32>
        %squeeze3A_427 = vector.extract %slice3A_426[0] : i32 from vector<1xi32>
        %eq3A_428 = arith.constant 0 : i32
        %eq3A_429 = arith.cmpi eq, %squeeze3A_427, %eq3A_428 : i32
        %convert_element_type3A_430 = arith.extui %eq3A_429 : i1 to i32
        %cond3A_431 = arith.constant 0 : i32
        %cond3A_432 = arith.cmpi ne, %convert_element_type3A_430, %cond3A_431 : i32
        scf.if %cond3A_432 {
          %add3A_608 = arith.addi %mul3A_2, %add3A_142 : i32
          %run_scoped3A = arith.constant 0 : i32
          %run_scoped3A_609 = arith.constant 38 : i32
          "tpu.region"() ({
            %run_scoped3A_610 = tpu.sem_alloc : memref<!tpu.dma_semaphore, #tpu.memory_space<semaphore_mem>>
            %dma_start3A_611 = arith.constant 0 : i32
            %dma_start3A_612 = tpu.memref_slice %arg5[%add3A_608, %run_scoped3A_609, %dma_start3A_611] : memref<4096x50x128xf32, #tpu.memory_space<hbm>> -> memref<1x1x128xf32, #tpu.memory_space<hbm>>
            %dma_start3A_613 = tpu.memref_squeeze %dma_start3A_612 : memref<1x1x128xf32, #tpu.memory_space<hbm>> -> memref<128xf32, #tpu.memory_space<hbm>>
            %dma_start3A_614 = arith.constant 0 : i32
            %dma_start3A_615 = tpu.memref_slice %arg4[%run_scoped3A, %dma_start3A_614] : memref<8x128xf32, #tpu.memory_space<hbm>> -> memref<1x128xf32, #tpu.memory_space<hbm>>
            %dma_start3A_616 = tpu.memref_squeeze %dma_start3A_615 : memref<1x128xf32, #tpu.memory_space<hbm>> -> memref<128xf32, #tpu.memory_space<hbm>>
            tpu.enqueue_dma source(%dma_start3A_616 : memref<128xf32, #tpu.memory_space<hbm>>) target(%dma_start3A_613 : memref<128xf32, #tpu.memory_space<hbm>>) target_semaphore(%run_scoped3A_610 : memref<!tpu.dma_semaphore, #tpu.memory_space<semaphore_mem>>)
            %dma_wait3A_617 = arith.constant 0 : i32
            %dma_wait3A_618 = tpu.memref_slice %arg5[%add3A_608, %run_scoped3A_609, %dma_wait3A_617] : memref<4096x50x128xf32, #tpu.memory_space<hbm>> -> memref<1x1x128xf32, #tpu.memory_space<hbm>>
            %dma_wait3A_619 = tpu.memref_squeeze %dma_wait3A_618 : memref<1x1x128xf32, #tpu.memory_space<hbm>> -> memref<128xf32, #tpu.memory_space<hbm>>
            %dma_wait3A_620 = arith.constant 0 : i32
            %dma_wait3A_621 = tpu.memref_slice %arg4[%run_scoped3A, %dma_wait3A_620] : memref<8x128xf32, #tpu.memory_space<hbm>> -> memref<1x128xf32, #tpu.memory_space<hbm>>
            %dma_wait3A_622 = tpu.memref_squeeze %dma_wait3A_621 : memref<1x128xf32, #tpu.memory_space<hbm>> -> memref<128xf32, #tpu.memory_space<hbm>>
            tpu.wait_dma2 semaphore(%run_scoped3A_610 : memref<!tpu.dma_semaphore, #tpu.memory_space<semaphore_mem>>) src(%dma_wait3A_622 : memref<128xf32, #tpu.memory_space<hbm>>) dst(%dma_wait3A_619 : memref<128xf32, #tpu.memory_space<hbm>>)
            tpu.yield
          }) : () -> ()
        } else {
        }
        %slice3A_433 = vector.extract_strided_slice %get3A_150 {offsets = [7], sizes = [1], strides = [1]} : vector<16xi32> to vector<1xi32>
        %squeeze3A_434 = vector.extract %slice3A_433[0] : i32 from vector<1xi32>
        %eq3A_435 = arith.constant 0 : i32
        %eq3A_436 = arith.cmpi eq, %squeeze3A_434, %eq3A_435 : i32
        %convert_element_type3A_437 = arith.extui %eq3A_436 : i1 to i32
        %cond3A_438 = arith.constant 0 : i32
        %cond3A_439 = arith.cmpi ne, %convert_element_type3A_437, %cond3A_438 : i32
        scf.if %cond3A_439 {
          %add3A_608 = arith.addi %mul3A_2, %add3A_142 : i32
          %run_scoped3A = arith.constant 0 : i32
          %run_scoped3A_609 = arith.constant 39 : i32
          "tpu.region"() ({
            %run_scoped3A_610 = tpu.sem_alloc : memref<!tpu.dma_semaphore, #tpu.memory_space<semaphore_mem>>
            %dma_start3A_611 = arith.constant 0 : i32
            %dma_start3A_612 = tpu.memref_slice %arg5[%add3A_608, %run_scoped3A_609, %dma_start3A_611] : memref<4096x50x128xf32, #tpu.memory_space<hbm>> -> memref<1x1x128xf32, #tpu.memory_space<hbm>>
            %dma_start3A_613 = tpu.memref_squeeze %dma_start3A_612 : memref<1x1x128xf32, #tpu.memory_space<hbm>> -> memref<128xf32, #tpu.memory_space<hbm>>
            %dma_start3A_614 = arith.constant 0 : i32
            %dma_start3A_615 = tpu.memref_slice %arg4[%run_scoped3A, %dma_start3A_614] : memref<8x128xf32, #tpu.memory_space<hbm>> -> memref<1x128xf32, #tpu.memory_space<hbm>>
            %dma_start3A_616 = tpu.memref_squeeze %dma_start3A_615 : memref<1x128xf32, #tpu.memory_space<hbm>> -> memref<128xf32, #tpu.memory_space<hbm>>
            tpu.enqueue_dma source(%dma_start3A_616 : memref<128xf32, #tpu.memory_space<hbm>>) target(%dma_start3A_613 : memref<128xf32, #tpu.memory_space<hbm>>) target_semaphore(%run_scoped3A_610 : memref<!tpu.dma_semaphore, #tpu.memory_space<semaphore_mem>>)
            %dma_wait3A_617 = arith.constant 0 : i32
            %dma_wait3A_618 = tpu.memref_slice %arg5[%add3A_608, %run_scoped3A_609, %dma_wait3A_617] : memref<4096x50x128xf32, #tpu.memory_space<hbm>> -> memref<1x1x128xf32, #tpu.memory_space<hbm>>
            %dma_wait3A_619 = tpu.memref_squeeze %dma_wait3A_618 : memref<1x1x128xf32, #tpu.memory_space<hbm>> -> memref<128xf32, #tpu.memory_space<hbm>>
            %dma_wait3A_620 = arith.constant 0 : i32
            %dma_wait3A_621 = tpu.memref_slice %arg4[%run_scoped3A, %dma_wait3A_620] : memref<8x128xf32, #tpu.memory_space<hbm>> -> memref<1x128xf32, #tpu.memory_space<hbm>>
            %dma_wait3A_622 = tpu.memref_squeeze %dma_wait3A_621 : memref<1x128xf32, #tpu.memory_space<hbm>> -> memref<128xf32, #tpu.memory_space<hbm>>
            tpu.wait_dma2 semaphore(%run_scoped3A_610 : memref<!tpu.dma_semaphore, #tpu.memory_space<semaphore_mem>>) src(%dma_wait3A_622 : memref<128xf32, #tpu.memory_space<hbm>>) dst(%dma_wait3A_619 : memref<128xf32, #tpu.memory_space<hbm>>)
            tpu.yield
          }) : () -> ()
        } else {
        }
        %slice3A_440 = vector.extract_strided_slice %get3A_150 {offsets = [8], sizes = [1], strides = [1]} : vector<16xi32> to vector<1xi32>
        %squeeze3A_441 = vector.extract %slice3A_440[0] : i32 from vector<1xi32>
        %eq3A_442 = arith.constant 0 : i32
        %eq3A_443 = arith.cmpi eq, %squeeze3A_441, %eq3A_442 : i32
        %convert_element_type3A_444 = arith.extui %eq3A_443 : i1 to i32
        %cond3A_445 = arith.constant 0 : i32
        %cond3A_446 = arith.cmpi ne, %convert_element_type3A_444, %cond3A_445 : i32
        scf.if %cond3A_446 {
          %add3A_608 = arith.addi %mul3A_2, %add3A_142 : i32
          %run_scoped3A = arith.constant 0 : i32
          %run_scoped3A_609 = arith.constant 40 : i32
          "tpu.region"() ({
            %run_scoped3A_610 = tpu.sem_alloc : memref<!tpu.dma_semaphore, #tpu.memory_space<semaphore_mem>>
            %dma_start3A_611 = arith.constant 0 : i32
            %dma_start3A_612 = tpu.memref_slice %arg5[%add3A_608, %run_scoped3A_609, %dma_start3A_611] : memref<4096x50x128xf32, #tpu.memory_space<hbm>> -> memref<1x1x128xf32, #tpu.memory_space<hbm>>
            %dma_start3A_613 = tpu.memref_squeeze %dma_start3A_612 : memref<1x1x128xf32, #tpu.memory_space<hbm>> -> memref<128xf32, #tpu.memory_space<hbm>>
            %dma_start3A_614 = arith.constant 0 : i32
            %dma_start3A_615 = tpu.memref_slice %arg4[%run_scoped3A, %dma_start3A_614] : memref<8x128xf32, #tpu.memory_space<hbm>> -> memref<1x128xf32, #tpu.memory_space<hbm>>
            %dma_start3A_616 = tpu.memref_squeeze %dma_start3A_615 : memref<1x128xf32, #tpu.memory_space<hbm>> -> memref<128xf32, #tpu.memory_space<hbm>>
            tpu.enqueue_dma source(%dma_start3A_616 : memref<128xf32, #tpu.memory_space<hbm>>) target(%dma_start3A_613 : memref<128xf32, #tpu.memory_space<hbm>>) target_semaphore(%run_scoped3A_610 : memref<!tpu.dma_semaphore, #tpu.memory_space<semaphore_mem>>)
            %dma_wait3A_617 = arith.constant 0 : i32
            %dma_wait3A_618 = tpu.memref_slice %arg5[%add3A_608, %run_scoped3A_609, %dma_wait3A_617] : memref<4096x50x128xf32, #tpu.memory_space<hbm>> -> memref<1x1x128xf32, #tpu.memory_space<hbm>>
            %dma_wait3A_619 = tpu.memref_squeeze %dma_wait3A_618 : memref<1x1x128xf32, #tpu.memory_space<hbm>> -> memref<128xf32, #tpu.memory_space<hbm>>
            %dma_wait3A_620 = arith.constant 0 : i32
            %dma_wait3A_621 = tpu.memref_slice %arg4[%run_scoped3A, %dma_wait3A_620] : memref<8x128xf32, #tpu.memory_space<hbm>> -> memref<1x128xf32, #tpu.memory_space<hbm>>
            %dma_wait3A_622 = tpu.memref_squeeze %dma_wait3A_621 : memref<1x128xf32, #tpu.memory_space<hbm>> -> memref<128xf32, #tpu.memory_space<hbm>>
            tpu.wait_dma2 semaphore(%run_scoped3A_610 : memref<!tpu.dma_semaphore, #tpu.memory_space<semaphore_mem>>) src(%dma_wait3A_622 : memref<128xf32, #tpu.memory_space<hbm>>) dst(%dma_wait3A_619 : memref<128xf32, #tpu.memory_space<hbm>>)
            tpu.yield
          }) : () -> ()
        } else {
        }
        %slice3A_447 = vector.extract_strided_slice %get3A_150 {offsets = [9], sizes = [1], strides = [1]} : vector<16xi32> to vector<1xi32>
        %squeeze3A_448 = vector.extract %slice3A_447[0] : i32 from vector<1xi32>
        %eq3A_449 = arith.constant 0 : i32
        %eq3A_450 = arith.cmpi eq, %squeeze3A_448, %eq3A_449 : i32
        %convert_element_type3A_451 = arith.extui %eq3A_450 : i1 to i32
        %cond3A_452 = arith.constant 0 : i32
        %cond3A_453 = arith.cmpi ne, %convert_element_type3A_451, %cond3A_452 : i32
        scf.if %cond3A_453 {
          %add3A_608 = arith.addi %mul3A_2, %add3A_142 : i32
          %run_scoped3A = arith.constant 0 : i32
          %run_scoped3A_609 = arith.constant 41 : i32
          "tpu.region"() ({
            %run_scoped3A_610 = tpu.sem_alloc : memref<!tpu.dma_semaphore, #tpu.memory_space<semaphore_mem>>
            %dma_start3A_611 = arith.constant 0 : i32
            %dma_start3A_612 = tpu.memref_slice %arg5[%add3A_608, %run_scoped3A_609, %dma_start3A_611] : memref<4096x50x128xf32, #tpu.memory_space<hbm>> -> memref<1x1x128xf32, #tpu.memory_space<hbm>>
            %dma_start3A_613 = tpu.memref_squeeze %dma_start3A_612 : memref<1x1x128xf32, #tpu.memory_space<hbm>> -> memref<128xf32, #tpu.memory_space<hbm>>
            %dma_start3A_614 = arith.constant 0 : i32
            %dma_start3A_615 = tpu.memref_slice %arg4[%run_scoped3A, %dma_start3A_614] : memref<8x128xf32, #tpu.memory_space<hbm>> -> memref<1x128xf32, #tpu.memory_space<hbm>>
            %dma_start3A_616 = tpu.memref_squeeze %dma_start3A_615 : memref<1x128xf32, #tpu.memory_space<hbm>> -> memref<128xf32, #tpu.memory_space<hbm>>
            tpu.enqueue_dma source(%dma_start3A_616 : memref<128xf32, #tpu.memory_space<hbm>>) target(%dma_start3A_613 : memref<128xf32, #tpu.memory_space<hbm>>) target_semaphore(%run_scoped3A_610 : memref<!tpu.dma_semaphore, #tpu.memory_space<semaphore_mem>>)
            %dma_wait3A_617 = arith.constant 0 : i32
            %dma_wait3A_618 = tpu.memref_slice %arg5[%add3A_608, %run_scoped3A_609, %dma_wait3A_617] : memref<4096x50x128xf32, #tpu.memory_space<hbm>> -> memref<1x1x128xf32, #tpu.memory_space<hbm>>
            %dma_wait3A_619 = tpu.memref_squeeze %dma_wait3A_618 : memref<1x1x128xf32, #tpu.memory_space<hbm>> -> memref<128xf32, #tpu.memory_space<hbm>>
            %dma_wait3A_620 = arith.constant 0 : i32
            %dma_wait3A_621 = tpu.memref_slice %arg4[%run_scoped3A, %dma_wait3A_620] : memref<8x128xf32, #tpu.memory_space<hbm>> -> memref<1x128xf32, #tpu.memory_space<hbm>>
            %dma_wait3A_622 = tpu.memref_squeeze %dma_wait3A_621 : memref<1x128xf32, #tpu.memory_space<hbm>> -> memref<128xf32, #tpu.memory_space<hbm>>
            tpu.wait_dma2 semaphore(%run_scoped3A_610 : memref<!tpu.dma_semaphore, #tpu.memory_space<semaphore_mem>>) src(%dma_wait3A_622 : memref<128xf32, #tpu.memory_space<hbm>>) dst(%dma_wait3A_619 : memref<128xf32, #tpu.memory_space<hbm>>)
            tpu.yield
          }) : () -> ()
        } else {
        }
        %slice3A_454 = vector.extract_strided_slice %get3A_150 {offsets = [10], sizes = [1], strides = [1]} : vector<16xi32> to vector<1xi32>
        %squeeze3A_455 = vector.extract %slice3A_454[0] : i32 from vector<1xi32>
        %eq3A_456 = arith.constant 0 : i32
        %eq3A_457 = arith.cmpi eq, %squeeze3A_455, %eq3A_456 : i32
        %convert_element_type3A_458 = arith.extui %eq3A_457 : i1 to i32
        %cond3A_459 = arith.constant 0 : i32
        %cond3A_460 = arith.cmpi ne, %convert_element_type3A_458, %cond3A_459 : i32
        scf.if %cond3A_460 {
          %add3A_608 = arith.addi %mul3A_2, %add3A_142 : i32
          %run_scoped3A = arith.constant 0 : i32
          %run_scoped3A_609 = arith.constant 42 : i32
          "tpu.region"() ({
            %run_scoped3A_610 = tpu.sem_alloc : memref<!tpu.dma_semaphore, #tpu.memory_space<semaphore_mem>>
            %dma_start3A_611 = arith.constant 0 : i32
            %dma_start3A_612 = tpu.memref_slice %arg5[%add3A_608, %run_scoped3A_609, %dma_start3A_611] : memref<4096x50x128xf32, #tpu.memory_space<hbm>> -> memref<1x1x128xf32, #tpu.memory_space<hbm>>
            %dma_start3A_613 = tpu.memref_squeeze %dma_start3A_612 : memref<1x1x128xf32, #tpu.memory_space<hbm>> -> memref<128xf32, #tpu.memory_space<hbm>>
            %dma_start3A_614 = arith.constant 0 : i32
            %dma_start3A_615 = tpu.memref_slice %arg4[%run_scoped3A, %dma_start3A_614] : memref<8x128xf32, #tpu.memory_space<hbm>> -> memref<1x128xf32, #tpu.memory_space<hbm>>
            %dma_start3A_616 = tpu.memref_squeeze %dma_start3A_615 : memref<1x128xf32, #tpu.memory_space<hbm>> -> memref<128xf32, #tpu.memory_space<hbm>>
            tpu.enqueue_dma source(%dma_start3A_616 : memref<128xf32, #tpu.memory_space<hbm>>) target(%dma_start3A_613 : memref<128xf32, #tpu.memory_space<hbm>>) target_semaphore(%run_scoped3A_610 : memref<!tpu.dma_semaphore, #tpu.memory_space<semaphore_mem>>)
            %dma_wait3A_617 = arith.constant 0 : i32
            %dma_wait3A_618 = tpu.memref_slice %arg5[%add3A_608, %run_scoped3A_609, %dma_wait3A_617] : memref<4096x50x128xf32, #tpu.memory_space<hbm>> -> memref<1x1x128xf32, #tpu.memory_space<hbm>>
            %dma_wait3A_619 = tpu.memref_squeeze %dma_wait3A_618 : memref<1x1x128xf32, #tpu.memory_space<hbm>> -> memref<128xf32, #tpu.memory_space<hbm>>
            %dma_wait3A_620 = arith.constant 0 : i32
            %dma_wait3A_621 = tpu.memref_slice %arg4[%run_scoped3A, %dma_wait3A_620] : memref<8x128xf32, #tpu.memory_space<hbm>> -> memref<1x128xf32, #tpu.memory_space<hbm>>
            %dma_wait3A_622 = tpu.memref_squeeze %dma_wait3A_621 : memref<1x128xf32, #tpu.memory_space<hbm>> -> memref<128xf32, #tpu.memory_space<hbm>>
            tpu.wait_dma2 semaphore(%run_scoped3A_610 : memref<!tpu.dma_semaphore, #tpu.memory_space<semaphore_mem>>) src(%dma_wait3A_622 : memref<128xf32, #tpu.memory_space<hbm>>) dst(%dma_wait3A_619 : memref<128xf32, #tpu.memory_space<hbm>>)
            tpu.yield
          }) : () -> ()
        } else {
        }
        %slice3A_461 = vector.extract_strided_slice %get3A_150 {offsets = [11], sizes = [1], strides = [1]} : vector<16xi32> to vector<1xi32>
        %squeeze3A_462 = vector.extract %slice3A_461[0] : i32 from vector<1xi32>
        %eq3A_463 = arith.constant 0 : i32
        %eq3A_464 = arith.cmpi eq, %squeeze3A_462, %eq3A_463 : i32
        %convert_element_type3A_465 = arith.extui %eq3A_464 : i1 to i32
        %cond3A_466 = arith.constant 0 : i32
        %cond3A_467 = arith.cmpi ne, %convert_element_type3A_465, %cond3A_466 : i32
        scf.if %cond3A_467 {
          %add3A_608 = arith.addi %mul3A_2, %add3A_142 : i32
          %run_scoped3A = arith.constant 0 : i32
          %run_scoped3A_609 = arith.constant 43 : i32
          "tpu.region"() ({
            %run_scoped3A_610 = tpu.sem_alloc : memref<!tpu.dma_semaphore, #tpu.memory_space<semaphore_mem>>
            %dma_start3A_611 = arith.constant 0 : i32
            %dma_start3A_612 = tpu.memref_slice %arg5[%add3A_608, %run_scoped3A_609, %dma_start3A_611] : memref<4096x50x128xf32, #tpu.memory_space<hbm>> -> memref<1x1x128xf32, #tpu.memory_space<hbm>>
            %dma_start3A_613 = tpu.memref_squeeze %dma_start3A_612 : memref<1x1x128xf32, #tpu.memory_space<hbm>> -> memref<128xf32, #tpu.memory_space<hbm>>
            %dma_start3A_614 = arith.constant 0 : i32
            %dma_start3A_615 = tpu.memref_slice %arg4[%run_scoped3A, %dma_start3A_614] : memref<8x128xf32, #tpu.memory_space<hbm>> -> memref<1x128xf32, #tpu.memory_space<hbm>>
            %dma_start3A_616 = tpu.memref_squeeze %dma_start3A_615 : memref<1x128xf32, #tpu.memory_space<hbm>> -> memref<128xf32, #tpu.memory_space<hbm>>
            tpu.enqueue_dma source(%dma_start3A_616 : memref<128xf32, #tpu.memory_space<hbm>>) target(%dma_start3A_613 : memref<128xf32, #tpu.memory_space<hbm>>) target_semaphore(%run_scoped3A_610 : memref<!tpu.dma_semaphore, #tpu.memory_space<semaphore_mem>>)
            %dma_wait3A_617 = arith.constant 0 : i32
            %dma_wait3A_618 = tpu.memref_slice %arg5[%add3A_608, %run_scoped3A_609, %dma_wait3A_617] : memref<4096x50x128xf32, #tpu.memory_space<hbm>> -> memref<1x1x128xf32, #tpu.memory_space<hbm>>
            %dma_wait3A_619 = tpu.memref_squeeze %dma_wait3A_618 : memref<1x1x128xf32, #tpu.memory_space<hbm>> -> memref<128xf32, #tpu.memory_space<hbm>>
            %dma_wait3A_620 = arith.constant 0 : i32
            %dma_wait3A_621 = tpu.memref_slice %arg4[%run_scoped3A, %dma_wait3A_620] : memref<8x128xf32, #tpu.memory_space<hbm>> -> memref<1x128xf32, #tpu.memory_space<hbm>>
            %dma_wait3A_622 = tpu.memref_squeeze %dma_wait3A_621 : memref<1x128xf32, #tpu.memory_space<hbm>> -> memref<128xf32, #tpu.memory_space<hbm>>
            tpu.wait_dma2 semaphore(%run_scoped3A_610 : memref<!tpu.dma_semaphore, #tpu.memory_space<semaphore_mem>>) src(%dma_wait3A_622 : memref<128xf32, #tpu.memory_space<hbm>>) dst(%dma_wait3A_619 : memref<128xf32, #tpu.memory_space<hbm>>)
            tpu.yield
          }) : () -> ()
        } else {
        }
        %slice3A_468 = vector.extract_strided_slice %get3A_150 {offsets = [12], sizes = [1], strides = [1]} : vector<16xi32> to vector<1xi32>
        %squeeze3A_469 = vector.extract %slice3A_468[0] : i32 from vector<1xi32>
        %eq3A_470 = arith.constant 0 : i32
        %eq3A_471 = arith.cmpi eq, %squeeze3A_469, %eq3A_470 : i32
        %convert_element_type3A_472 = arith.extui %eq3A_471 : i1 to i32
        %cond3A_473 = arith.constant 0 : i32
        %cond3A_474 = arith.cmpi ne, %convert_element_type3A_472, %cond3A_473 : i32
        scf.if %cond3A_474 {
          %add3A_608 = arith.addi %mul3A_2, %add3A_142 : i32
          %run_scoped3A = arith.constant 0 : i32
          %run_scoped3A_609 = arith.constant 44 : i32
          "tpu.region"() ({
            %run_scoped3A_610 = tpu.sem_alloc : memref<!tpu.dma_semaphore, #tpu.memory_space<semaphore_mem>>
            %dma_start3A_611 = arith.constant 0 : i32
            %dma_start3A_612 = tpu.memref_slice %arg5[%add3A_608, %run_scoped3A_609, %dma_start3A_611] : memref<4096x50x128xf32, #tpu.memory_space<hbm>> -> memref<1x1x128xf32, #tpu.memory_space<hbm>>
            %dma_start3A_613 = tpu.memref_squeeze %dma_start3A_612 : memref<1x1x128xf32, #tpu.memory_space<hbm>> -> memref<128xf32, #tpu.memory_space<hbm>>
            %dma_start3A_614 = arith.constant 0 : i32
            %dma_start3A_615 = tpu.memref_slice %arg4[%run_scoped3A, %dma_start3A_614] : memref<8x128xf32, #tpu.memory_space<hbm>> -> memref<1x128xf32, #tpu.memory_space<hbm>>
            %dma_start3A_616 = tpu.memref_squeeze %dma_start3A_615 : memref<1x128xf32, #tpu.memory_space<hbm>> -> memref<128xf32, #tpu.memory_space<hbm>>
            tpu.enqueue_dma source(%dma_start3A_616 : memref<128xf32, #tpu.memory_space<hbm>>) target(%dma_start3A_613 : memref<128xf32, #tpu.memory_space<hbm>>) target_semaphore(%run_scoped3A_610 : memref<!tpu.dma_semaphore, #tpu.memory_space<semaphore_mem>>)
            %dma_wait3A_617 = arith.constant 0 : i32
            %dma_wait3A_618 = tpu.memref_slice %arg5[%add3A_608, %run_scoped3A_609, %dma_wait3A_617] : memref<4096x50x128xf32, #tpu.memory_space<hbm>> -> memref<1x1x128xf32, #tpu.memory_space<hbm>>
            %dma_wait3A_619 = tpu.memref_squeeze %dma_wait3A_618 : memref<1x1x128xf32, #tpu.memory_space<hbm>> -> memref<128xf32, #tpu.memory_space<hbm>>
            %dma_wait3A_620 = arith.constant 0 : i32
            %dma_wait3A_621 = tpu.memref_slice %arg4[%run_scoped3A, %dma_wait3A_620] : memref<8x128xf32, #tpu.memory_space<hbm>> -> memref<1x128xf32, #tpu.memory_space<hbm>>
            %dma_wait3A_622 = tpu.memref_squeeze %dma_wait3A_621 : memref<1x128xf32, #tpu.memory_space<hbm>> -> memref<128xf32, #tpu.memory_space<hbm>>
            tpu.wait_dma2 semaphore(%run_scoped3A_610 : memref<!tpu.dma_semaphore, #tpu.memory_space<semaphore_mem>>) src(%dma_wait3A_622 : memref<128xf32, #tpu.memory_space<hbm>>) dst(%dma_wait3A_619 : memref<128xf32, #tpu.memory_space<hbm>>)
            tpu.yield
          }) : () -> ()
        } else {
        }
        %slice3A_475 = vector.extract_strided_slice %get3A_150 {offsets = [13], sizes = [1], strides = [1]} : vector<16xi32> to vector<1xi32>
        %squeeze3A_476 = vector.extract %slice3A_475[0] : i32 from vector<1xi32>
        %eq3A_477 = arith.constant 0 : i32
        %eq3A_478 = arith.cmpi eq, %squeeze3A_476, %eq3A_477 : i32
        %convert_element_type3A_479 = arith.extui %eq3A_478 : i1 to i32
        %cond3A_480 = arith.constant 0 : i32
        %cond3A_481 = arith.cmpi ne, %convert_element_type3A_479, %cond3A_480 : i32
        scf.if %cond3A_481 {
          %add3A_608 = arith.addi %mul3A_2, %add3A_142 : i32
          %run_scoped3A = arith.constant 0 : i32
          %run_scoped3A_609 = arith.constant 45 : i32
          "tpu.region"() ({
            %run_scoped3A_610 = tpu.sem_alloc : memref<!tpu.dma_semaphore, #tpu.memory_space<semaphore_mem>>
            %dma_start3A_611 = arith.constant 0 : i32
            %dma_start3A_612 = tpu.memref_slice %arg5[%add3A_608, %run_scoped3A_609, %dma_start3A_611] : memref<4096x50x128xf32, #tpu.memory_space<hbm>> -> memref<1x1x128xf32, #tpu.memory_space<hbm>>
            %dma_start3A_613 = tpu.memref_squeeze %dma_start3A_612 : memref<1x1x128xf32, #tpu.memory_space<hbm>> -> memref<128xf32, #tpu.memory_space<hbm>>
            %dma_start3A_614 = arith.constant 0 : i32
            %dma_start3A_615 = tpu.memref_slice %arg4[%run_scoped3A, %dma_start3A_614] : memref<8x128xf32, #tpu.memory_space<hbm>> -> memref<1x128xf32, #tpu.memory_space<hbm>>
            %dma_start3A_616 = tpu.memref_squeeze %dma_start3A_615 : memref<1x128xf32, #tpu.memory_space<hbm>> -> memref<128xf32, #tpu.memory_space<hbm>>
            tpu.enqueue_dma source(%dma_start3A_616 : memref<128xf32, #tpu.memory_space<hbm>>) target(%dma_start3A_613 : memref<128xf32, #tpu.memory_space<hbm>>) target_semaphore(%run_scoped3A_610 : memref<!tpu.dma_semaphore, #tpu.memory_space<semaphore_mem>>)
            %dma_wait3A_617 = arith.constant 0 : i32
            %dma_wait3A_618 = tpu.memref_slice %arg5[%add3A_608, %run_scoped3A_609, %dma_wait3A_617] : memref<4096x50x128xf32, #tpu.memory_space<hbm>> -> memref<1x1x128xf32, #tpu.memory_space<hbm>>
            %dma_wait3A_619 = tpu.memref_squeeze %dma_wait3A_618 : memref<1x1x128xf32, #tpu.memory_space<hbm>> -> memref<128xf32, #tpu.memory_space<hbm>>
            %dma_wait3A_620 = arith.constant 0 : i32
            %dma_wait3A_621 = tpu.memref_slice %arg4[%run_scoped3A, %dma_wait3A_620] : memref<8x128xf32, #tpu.memory_space<hbm>> -> memref<1x128xf32, #tpu.memory_space<hbm>>
            %dma_wait3A_622 = tpu.memref_squeeze %dma_wait3A_621 : memref<1x128xf32, #tpu.memory_space<hbm>> -> memref<128xf32, #tpu.memory_space<hbm>>
            tpu.wait_dma2 semaphore(%run_scoped3A_610 : memref<!tpu.dma_semaphore, #tpu.memory_space<semaphore_mem>>) src(%dma_wait3A_622 : memref<128xf32, #tpu.memory_space<hbm>>) dst(%dma_wait3A_619 : memref<128xf32, #tpu.memory_space<hbm>>)
            tpu.yield
          }) : () -> ()
        } else {
        }
        %slice3A_482 = vector.extract_strided_slice %get3A_150 {offsets = [14], sizes = [1], strides = [1]} : vector<16xi32> to vector<1xi32>
        %squeeze3A_483 = vector.extract %slice3A_482[0] : i32 from vector<1xi32>
        %eq3A_484 = arith.constant 0 : i32
        %eq3A_485 = arith.cmpi eq, %squeeze3A_483, %eq3A_484 : i32
        %convert_element_type3A_486 = arith.extui %eq3A_485 : i1 to i32
        %cond3A_487 = arith.constant 0 : i32
        %cond3A_488 = arith.cmpi ne, %convert_element_type3A_486, %cond3A_487 : i32
        scf.if %cond3A_488 {
          %add3A_608 = arith.addi %mul3A_2, %add3A_142 : i32
          %run_scoped3A = arith.constant 0 : i32
          %run_scoped3A_609 = arith.constant 46 : i32
          "tpu.region"() ({
            %run_scoped3A_610 = tpu.sem_alloc : memref<!tpu.dma_semaphore, #tpu.memory_space<semaphore_mem>>
            %dma_start3A_611 = arith.constant 0 : i32
            %dma_start3A_612 = tpu.memref_slice %arg5[%add3A_608, %run_scoped3A_609, %dma_start3A_611] : memref<4096x50x128xf32, #tpu.memory_space<hbm>> -> memref<1x1x128xf32, #tpu.memory_space<hbm>>
            %dma_start3A_613 = tpu.memref_squeeze %dma_start3A_612 : memref<1x1x128xf32, #tpu.memory_space<hbm>> -> memref<128xf32, #tpu.memory_space<hbm>>
            %dma_start3A_614 = arith.constant 0 : i32
            %dma_start3A_615 = tpu.memref_slice %arg4[%run_scoped3A, %dma_start3A_614] : memref<8x128xf32, #tpu.memory_space<hbm>> -> memref<1x128xf32, #tpu.memory_space<hbm>>
            %dma_start3A_616 = tpu.memref_squeeze %dma_start3A_615 : memref<1x128xf32, #tpu.memory_space<hbm>> -> memref<128xf32, #tpu.memory_space<hbm>>
            tpu.enqueue_dma source(%dma_start3A_616 : memref<128xf32, #tpu.memory_space<hbm>>) target(%dma_start3A_613 : memref<128xf32, #tpu.memory_space<hbm>>) target_semaphore(%run_scoped3A_610 : memref<!tpu.dma_semaphore, #tpu.memory_space<semaphore_mem>>)
            %dma_wait3A_617 = arith.constant 0 : i32
            %dma_wait3A_618 = tpu.memref_slice %arg5[%add3A_608, %run_scoped3A_609, %dma_wait3A_617] : memref<4096x50x128xf32, #tpu.memory_space<hbm>> -> memref<1x1x128xf32, #tpu.memory_space<hbm>>
            %dma_wait3A_619 = tpu.memref_squeeze %dma_wait3A_618 : memref<1x1x128xf32, #tpu.memory_space<hbm>> -> memref<128xf32, #tpu.memory_space<hbm>>
            %dma_wait3A_620 = arith.constant 0 : i32
            %dma_wait3A_621 = tpu.memref_slice %arg4[%run_scoped3A, %dma_wait3A_620] : memref<8x128xf32, #tpu.memory_space<hbm>> -> memref<1x128xf32, #tpu.memory_space<hbm>>
            %dma_wait3A_622 = tpu.memref_squeeze %dma_wait3A_621 : memref<1x128xf32, #tpu.memory_space<hbm>> -> memref<128xf32, #tpu.memory_space<hbm>>
            tpu.wait_dma2 semaphore(%run_scoped3A_610 : memref<!tpu.dma_semaphore, #tpu.memory_space<semaphore_mem>>) src(%dma_wait3A_622 : memref<128xf32, #tpu.memory_space<hbm>>) dst(%dma_wait3A_619 : memref<128xf32, #tpu.memory_space<hbm>>)
            tpu.yield
          }) : () -> ()
        } else {
        }
        %slice3A_489 = vector.extract_strided_slice %get3A_150 {offsets = [15], sizes = [1], strides = [1]} : vector<16xi32> to vector<1xi32>
        %squeeze3A_490 = vector.extract %slice3A_489[0] : i32 from vector<1xi32>
        %eq3A_491 = arith.constant 0 : i32
        %eq3A_492 = arith.cmpi eq, %squeeze3A_490, %eq3A_491 : i32
        %convert_element_type3A_493 = arith.extui %eq3A_492 : i1 to i32
        %cond3A_494 = arith.constant 0 : i32
        %cond3A_495 = arith.cmpi ne, %convert_element_type3A_493, %cond3A_494 : i32
        scf.if %cond3A_495 {
          %add3A_608 = arith.addi %mul3A_2, %add3A_142 : i32
          %run_scoped3A = arith.constant 0 : i32
          %run_scoped3A_609 = arith.constant 47 : i32
          "tpu.region"() ({
            %run_scoped3A_610 = tpu.sem_alloc : memref<!tpu.dma_semaphore, #tpu.memory_space<semaphore_mem>>
            %dma_start3A_611 = arith.constant 0 : i32
            %dma_start3A_612 = tpu.memref_slice %arg5[%add3A_608, %run_scoped3A_609, %dma_start3A_611] : memref<4096x50x128xf32, #tpu.memory_space<hbm>> -> memref<1x1x128xf32, #tpu.memory_space<hbm>>
            %dma_start3A_613 = tpu.memref_squeeze %dma_start3A_612 : memref<1x1x128xf32, #tpu.memory_space<hbm>> -> memref<128xf32, #tpu.memory_space<hbm>>
            %dma_start3A_614 = arith.constant 0 : i32
            %dma_start3A_615 = tpu.memref_slice %arg4[%run_scoped3A, %dma_start3A_614] : memref<8x128xf32, #tpu.memory_space<hbm>> -> memref<1x128xf32, #tpu.memory_space<hbm>>
            %dma_start3A_616 = tpu.memref_squeeze %dma_start3A_615 : memref<1x128xf32, #tpu.memory_space<hbm>> -> memref<128xf32, #tpu.memory_space<hbm>>
            tpu.enqueue_dma source(%dma_start3A_616 : memref<128xf32, #tpu.memory_space<hbm>>) target(%dma_start3A_613 : memref<128xf32, #tpu.memory_space<hbm>>) target_semaphore(%run_scoped3A_610 : memref<!tpu.dma_semaphore, #tpu.memory_space<semaphore_mem>>)
            %dma_wait3A_617 = arith.constant 0 : i32
            %dma_wait3A_618 = tpu.memref_slice %arg5[%add3A_608, %run_scoped3A_609, %dma_wait3A_617] : memref<4096x50x128xf32, #tpu.memory_space<hbm>> -> memref<1x1x128xf32, #tpu.memory_space<hbm>>
            %dma_wait3A_619 = tpu.memref_squeeze %dma_wait3A_618 : memref<1x1x128xf32, #tpu.memory_space<hbm>> -> memref<128xf32, #tpu.memory_space<hbm>>
            %dma_wait3A_620 = arith.constant 0 : i32
            %dma_wait3A_621 = tpu.memref_slice %arg4[%run_scoped3A, %dma_wait3A_620] : memref<8x128xf32, #tpu.memory_space<hbm>> -> memref<1x128xf32, #tpu.memory_space<hbm>>
            %dma_wait3A_622 = tpu.memref_squeeze %dma_wait3A_621 : memref<1x128xf32, #tpu.memory_space<hbm>> -> memref<128xf32, #tpu.memory_space<hbm>>
            tpu.wait_dma2 semaphore(%run_scoped3A_610 : memref<!tpu.dma_semaphore, #tpu.memory_space<semaphore_mem>>) src(%dma_wait3A_622 : memref<128xf32, #tpu.memory_space<hbm>>) dst(%dma_wait3A_619 : memref<128xf32, #tpu.memory_space<hbm>>)
            tpu.yield
          }) : () -> ()
        } else {
        }
        %slice3A_496 = vector.extract_strided_slice %get3A_153 {offsets = [0], sizes = [1], strides = [1]} : vector<16xi32> to vector<1xi32>
        %squeeze3A_497 = vector.extract %slice3A_496[0] : i32 from vector<1xi32>
        %eq3A_498 = arith.constant 0 : i32
        %eq3A_499 = arith.cmpi eq, %squeeze3A_497, %eq3A_498 : i32
        %convert_element_type3A_500 = arith.extui %eq3A_499 : i1 to i32
        %cond3A_501 = arith.constant 0 : i32
        %cond3A_502 = arith.cmpi ne, %convert_element_type3A_500, %cond3A_501 : i32
        scf.if %cond3A_502 {
          %add3A_608 = arith.addi %mul3A_2, %add3A_142 : i32
          %run_scoped3A = arith.constant 0 : i32
          %run_scoped3A_609 = arith.constant 34 : i32
          "tpu.region"() ({
            %run_scoped3A_610 = tpu.sem_alloc : memref<!tpu.dma_semaphore, #tpu.memory_space<semaphore_mem>>
            %dma_start3A_611 = arith.constant 0 : i32
            %dma_start3A_612 = tpu.memref_slice %arg5[%add3A_608, %run_scoped3A_609, %dma_start3A_611] : memref<4096x50x128xf32, #tpu.memory_space<hbm>> -> memref<1x1x128xf32, #tpu.memory_space<hbm>>
            %dma_start3A_613 = tpu.memref_squeeze %dma_start3A_612 : memref<1x1x128xf32, #tpu.memory_space<hbm>> -> memref<128xf32, #tpu.memory_space<hbm>>
            %dma_start3A_614 = arith.constant 0 : i32
            %dma_start3A_615 = tpu.memref_slice %arg4[%run_scoped3A, %dma_start3A_614] : memref<8x128xf32, #tpu.memory_space<hbm>> -> memref<1x128xf32, #tpu.memory_space<hbm>>
            %dma_start3A_616 = tpu.memref_squeeze %dma_start3A_615 : memref<1x128xf32, #tpu.memory_space<hbm>> -> memref<128xf32, #tpu.memory_space<hbm>>
            tpu.enqueue_dma source(%dma_start3A_616 : memref<128xf32, #tpu.memory_space<hbm>>) target(%dma_start3A_613 : memref<128xf32, #tpu.memory_space<hbm>>) target_semaphore(%run_scoped3A_610 : memref<!tpu.dma_semaphore, #tpu.memory_space<semaphore_mem>>)
            %dma_wait3A_617 = arith.constant 0 : i32
            %dma_wait3A_618 = tpu.memref_slice %arg5[%add3A_608, %run_scoped3A_609, %dma_wait3A_617] : memref<4096x50x128xf32, #tpu.memory_space<hbm>> -> memref<1x1x128xf32, #tpu.memory_space<hbm>>
            %dma_wait3A_619 = tpu.memref_squeeze %dma_wait3A_618 : memref<1x1x128xf32, #tpu.memory_space<hbm>> -> memref<128xf32, #tpu.memory_space<hbm>>
            %dma_wait3A_620 = arith.constant 0 : i32
            %dma_wait3A_621 = tpu.memref_slice %arg4[%run_scoped3A, %dma_wait3A_620] : memref<8x128xf32, #tpu.memory_space<hbm>> -> memref<1x128xf32, #tpu.memory_space<hbm>>
            %dma_wait3A_622 = tpu.memref_squeeze %dma_wait3A_621 : memref<1x128xf32, #tpu.memory_space<hbm>> -> memref<128xf32, #tpu.memory_space<hbm>>
            tpu.wait_dma2 semaphore(%run_scoped3A_610 : memref<!tpu.dma_semaphore, #tpu.memory_space<semaphore_mem>>) src(%dma_wait3A_622 : memref<128xf32, #tpu.memory_space<hbm>>) dst(%dma_wait3A_619 : memref<128xf32, #tpu.memory_space<hbm>>)
            tpu.yield
          }) : () -> ()
        } else {
        }
        %slice3A_503 = vector.extract_strided_slice %get3A_153 {offsets = [1], sizes = [1], strides = [1]} : vector<16xi32> to vector<1xi32>
        %squeeze3A_504 = vector.extract %slice3A_503[0] : i32 from vector<1xi32>
        %eq3A_505 = arith.constant 0 : i32
        %eq3A_506 = arith.cmpi eq, %squeeze3A_504, %eq3A_505 : i32
        %convert_element_type3A_507 = arith.extui %eq3A_506 : i1 to i32
        %cond3A_508 = arith.constant 0 : i32
        %cond3A_509 = arith.cmpi ne, %convert_element_type3A_507, %cond3A_508 : i32
        scf.if %cond3A_509 {
          %add3A_608 = arith.addi %mul3A_2, %add3A_142 : i32
          %run_scoped3A = arith.constant 0 : i32
          %run_scoped3A_609 = arith.constant 35 : i32
          "tpu.region"() ({
            %run_scoped3A_610 = tpu.sem_alloc : memref<!tpu.dma_semaphore, #tpu.memory_space<semaphore_mem>>
            %dma_start3A_611 = arith.constant 0 : i32
            %dma_start3A_612 = tpu.memref_slice %arg5[%add3A_608, %run_scoped3A_609, %dma_start3A_611] : memref<4096x50x128xf32, #tpu.memory_space<hbm>> -> memref<1x1x128xf32, #tpu.memory_space<hbm>>
            %dma_start3A_613 = tpu.memref_squeeze %dma_start3A_612 : memref<1x1x128xf32, #tpu.memory_space<hbm>> -> memref<128xf32, #tpu.memory_space<hbm>>
            %dma_start3A_614 = arith.constant 0 : i32
            %dma_start3A_615 = tpu.memref_slice %arg4[%run_scoped3A, %dma_start3A_614] : memref<8x128xf32, #tpu.memory_space<hbm>> -> memref<1x128xf32, #tpu.memory_space<hbm>>
            %dma_start3A_616 = tpu.memref_squeeze %dma_start3A_615 : memref<1x128xf32, #tpu.memory_space<hbm>> -> memref<128xf32, #tpu.memory_space<hbm>>
            tpu.enqueue_dma source(%dma_start3A_616 : memref<128xf32, #tpu.memory_space<hbm>>) target(%dma_start3A_613 : memref<128xf32, #tpu.memory_space<hbm>>) target_semaphore(%run_scoped3A_610 : memref<!tpu.dma_semaphore, #tpu.memory_space<semaphore_mem>>)
            %dma_wait3A_617 = arith.constant 0 : i32
            %dma_wait3A_618 = tpu.memref_slice %arg5[%add3A_608, %run_scoped3A_609, %dma_wait3A_617] : memref<4096x50x128xf32, #tpu.memory_space<hbm>> -> memref<1x1x128xf32, #tpu.memory_space<hbm>>
            %dma_wait3A_619 = tpu.memref_squeeze %dma_wait3A_618 : memref<1x1x128xf32, #tpu.memory_space<hbm>> -> memref<128xf32, #tpu.memory_space<hbm>>
            %dma_wait3A_620 = arith.constant 0 : i32
            %dma_wait3A_621 = tpu.memref_slice %arg4[%run_scoped3A, %dma_wait3A_620] : memref<8x128xf32, #tpu.memory_space<hbm>> -> memref<1x128xf32, #tpu.memory_space<hbm>>
            %dma_wait3A_622 = tpu.memref_squeeze %dma_wait3A_621 : memref<1x128xf32, #tpu.memory_space<hbm>> -> memref<128xf32, #tpu.memory_space<hbm>>
            tpu.wait_dma2 semaphore(%run_scoped3A_610 : memref<!tpu.dma_semaphore, #tpu.memory_space<semaphore_mem>>) src(%dma_wait3A_622 : memref<128xf32, #tpu.memory_space<hbm>>) dst(%dma_wait3A_619 : memref<128xf32, #tpu.memory_space<hbm>>)
            tpu.yield
          }) : () -> ()
        } else {
        }
        %slice3A_510 = vector.extract_strided_slice %get3A_153 {offsets = [2], sizes = [1], strides = [1]} : vector<16xi32> to vector<1xi32>
        %squeeze3A_511 = vector.extract %slice3A_510[0] : i32 from vector<1xi32>
        %eq3A_512 = arith.constant 0 : i32
        %eq3A_513 = arith.cmpi eq, %squeeze3A_511, %eq3A_512 : i32
        %convert_element_type3A_514 = arith.extui %eq3A_513 : i1 to i32
        %cond3A_515 = arith.constant 0 : i32
        %cond3A_516 = arith.cmpi ne, %convert_element_type3A_514, %cond3A_515 : i32
        scf.if %cond3A_516 {
          %add3A_608 = arith.addi %mul3A_2, %add3A_142 : i32
          %run_scoped3A = arith.constant 0 : i32
          %run_scoped3A_609 = arith.constant 36 : i32
          "tpu.region"() ({
            %run_scoped3A_610 = tpu.sem_alloc : memref<!tpu.dma_semaphore, #tpu.memory_space<semaphore_mem>>
            %dma_start3A_611 = arith.constant 0 : i32
            %dma_start3A_612 = tpu.memref_slice %arg5[%add3A_608, %run_scoped3A_609, %dma_start3A_611] : memref<4096x50x128xf32, #tpu.memory_space<hbm>> -> memref<1x1x128xf32, #tpu.memory_space<hbm>>
            %dma_start3A_613 = tpu.memref_squeeze %dma_start3A_612 : memref<1x1x128xf32, #tpu.memory_space<hbm>> -> memref<128xf32, #tpu.memory_space<hbm>>
            %dma_start3A_614 = arith.constant 0 : i32
            %dma_start3A_615 = tpu.memref_slice %arg4[%run_scoped3A, %dma_start3A_614] : memref<8x128xf32, #tpu.memory_space<hbm>> -> memref<1x128xf32, #tpu.memory_space<hbm>>
            %dma_start3A_616 = tpu.memref_squeeze %dma_start3A_615 : memref<1x128xf32, #tpu.memory_space<hbm>> -> memref<128xf32, #tpu.memory_space<hbm>>
            tpu.enqueue_dma source(%dma_start3A_616 : memref<128xf32, #tpu.memory_space<hbm>>) target(%dma_start3A_613 : memref<128xf32, #tpu.memory_space<hbm>>) target_semaphore(%run_scoped3A_610 : memref<!tpu.dma_semaphore, #tpu.memory_space<semaphore_mem>>)
            %dma_wait3A_617 = arith.constant 0 : i32
            %dma_wait3A_618 = tpu.memref_slice %arg5[%add3A_608, %run_scoped3A_609, %dma_wait3A_617] : memref<4096x50x128xf32, #tpu.memory_space<hbm>> -> memref<1x1x128xf32, #tpu.memory_space<hbm>>
            %dma_wait3A_619 = tpu.memref_squeeze %dma_wait3A_618 : memref<1x1x128xf32, #tpu.memory_space<hbm>> -> memref<128xf32, #tpu.memory_space<hbm>>
            %dma_wait3A_620 = arith.constant 0 : i32
            %dma_wait3A_621 = tpu.memref_slice %arg4[%run_scoped3A, %dma_wait3A_620] : memref<8x128xf32, #tpu.memory_space<hbm>> -> memref<1x128xf32, #tpu.memory_space<hbm>>
            %dma_wait3A_622 = tpu.memref_squeeze %dma_wait3A_621 : memref<1x128xf32, #tpu.memory_space<hbm>> -> memref<128xf32, #tpu.memory_space<hbm>>
            tpu.wait_dma2 semaphore(%run_scoped3A_610 : memref<!tpu.dma_semaphore, #tpu.memory_space<semaphore_mem>>) src(%dma_wait3A_622 : memref<128xf32, #tpu.memory_space<hbm>>) dst(%dma_wait3A_619 : memref<128xf32, #tpu.memory_space<hbm>>)
            tpu.yield
          }) : () -> ()
        } else {
        }
        %slice3A_517 = vector.extract_strided_slice %get3A_153 {offsets = [3], sizes = [1], strides = [1]} : vector<16xi32> to vector<1xi32>
        %squeeze3A_518 = vector.extract %slice3A_517[0] : i32 from vector<1xi32>
        %eq3A_519 = arith.constant 0 : i32
        %eq3A_520 = arith.cmpi eq, %squeeze3A_518, %eq3A_519 : i32
        %convert_element_type3A_521 = arith.extui %eq3A_520 : i1 to i32
        %cond3A_522 = arith.constant 0 : i32
        %cond3A_523 = arith.cmpi ne, %convert_element_type3A_521, %cond3A_522 : i32
        scf.if %cond3A_523 {
          %add3A_608 = arith.addi %mul3A_2, %add3A_142 : i32
          %run_scoped3A = arith.constant 0 : i32
          %run_scoped3A_609 = arith.constant 37 : i32
          "tpu.region"() ({
            %run_scoped3A_610 = tpu.sem_alloc : memref<!tpu.dma_semaphore, #tpu.memory_space<semaphore_mem>>
            %dma_start3A_611 = arith.constant 0 : i32
            %dma_start3A_612 = tpu.memref_slice %arg5[%add3A_608, %run_scoped3A_609, %dma_start3A_611] : memref<4096x50x128xf32, #tpu.memory_space<hbm>> -> memref<1x1x128xf32, #tpu.memory_space<hbm>>
            %dma_start3A_613 = tpu.memref_squeeze %dma_start3A_612 : memref<1x1x128xf32, #tpu.memory_space<hbm>> -> memref<128xf32, #tpu.memory_space<hbm>>
            %dma_start3A_614 = arith.constant 0 : i32
            %dma_start3A_615 = tpu.memref_slice %arg4[%run_scoped3A, %dma_start3A_614] : memref<8x128xf32, #tpu.memory_space<hbm>> -> memref<1x128xf32, #tpu.memory_space<hbm>>
            %dma_start3A_616 = tpu.memref_squeeze %dma_start3A_615 : memref<1x128xf32, #tpu.memory_space<hbm>> -> memref<128xf32, #tpu.memory_space<hbm>>
            tpu.enqueue_dma source(%dma_start3A_616 : memref<128xf32, #tpu.memory_space<hbm>>) target(%dma_start3A_613 : memref<128xf32, #tpu.memory_space<hbm>>) target_semaphore(%run_scoped3A_610 : memref<!tpu.dma_semaphore, #tpu.memory_space<semaphore_mem>>)
            %dma_wait3A_617 = arith.constant 0 : i32
            %dma_wait3A_618 = tpu.memref_slice %arg5[%add3A_608, %run_scoped3A_609, %dma_wait3A_617] : memref<4096x50x128xf32, #tpu.memory_space<hbm>> -> memref<1x1x128xf32, #tpu.memory_space<hbm>>
            %dma_wait3A_619 = tpu.memref_squeeze %dma_wait3A_618 : memref<1x1x128xf32, #tpu.memory_space<hbm>> -> memref<128xf32, #tpu.memory_space<hbm>>
            %dma_wait3A_620 = arith.constant 0 : i32
            %dma_wait3A_621 = tpu.memref_slice %arg4[%run_scoped3A, %dma_wait3A_620] : memref<8x128xf32, #tpu.memory_space<hbm>> -> memref<1x128xf32, #tpu.memory_space<hbm>>
            %dma_wait3A_622 = tpu.memref_squeeze %dma_wait3A_621 : memref<1x128xf32, #tpu.memory_space<hbm>> -> memref<128xf32, #tpu.memory_space<hbm>>
            tpu.wait_dma2 semaphore(%run_scoped3A_610 : memref<!tpu.dma_semaphore, #tpu.memory_space<semaphore_mem>>) src(%dma_wait3A_622 : memref<128xf32, #tpu.memory_space<hbm>>) dst(%dma_wait3A_619 : memref<128xf32, #tpu.memory_space<hbm>>)
            tpu.yield
          }) : () -> ()
        } else {
        }
        %slice3A_524 = vector.extract_strided_slice %get3A_153 {offsets = [4], sizes = [1], strides = [1]} : vector<16xi32> to vector<1xi32>
        %squeeze3A_525 = vector.extract %slice3A_524[0] : i32 from vector<1xi32>
        %eq3A_526 = arith.constant 0 : i32
        %eq3A_527 = arith.cmpi eq, %squeeze3A_525, %eq3A_526 : i32
        %convert_element_type3A_528 = arith.extui %eq3A_527 : i1 to i32
        %cond3A_529 = arith.constant 0 : i32
        %cond3A_530 = arith.cmpi ne, %convert_element_type3A_528, %cond3A_529 : i32
        scf.if %cond3A_530 {
          %add3A_608 = arith.addi %mul3A_2, %add3A_142 : i32
          %run_scoped3A = arith.constant 0 : i32
          %run_scoped3A_609 = arith.constant 38 : i32
          "tpu.region"() ({
            %run_scoped3A_610 = tpu.sem_alloc : memref<!tpu.dma_semaphore, #tpu.memory_space<semaphore_mem>>
            %dma_start3A_611 = arith.constant 0 : i32
            %dma_start3A_612 = tpu.memref_slice %arg5[%add3A_608, %run_scoped3A_609, %dma_start3A_611] : memref<4096x50x128xf32, #tpu.memory_space<hbm>> -> memref<1x1x128xf32, #tpu.memory_space<hbm>>
            %dma_start3A_613 = tpu.memref_squeeze %dma_start3A_612 : memref<1x1x128xf32, #tpu.memory_space<hbm>> -> memref<128xf32, #tpu.memory_space<hbm>>
            %dma_start3A_614 = arith.constant 0 : i32
            %dma_start3A_615 = tpu.memref_slice %arg4[%run_scoped3A, %dma_start3A_614] : memref<8x128xf32, #tpu.memory_space<hbm>> -> memref<1x128xf32, #tpu.memory_space<hbm>>
            %dma_start3A_616 = tpu.memref_squeeze %dma_start3A_615 : memref<1x128xf32, #tpu.memory_space<hbm>> -> memref<128xf32, #tpu.memory_space<hbm>>
            tpu.enqueue_dma source(%dma_start3A_616 : memref<128xf32, #tpu.memory_space<hbm>>) target(%dma_start3A_613 : memref<128xf32, #tpu.memory_space<hbm>>) target_semaphore(%run_scoped3A_610 : memref<!tpu.dma_semaphore, #tpu.memory_space<semaphore_mem>>)
            %dma_wait3A_617 = arith.constant 0 : i32
            %dma_wait3A_618 = tpu.memref_slice %arg5[%add3A_608, %run_scoped3A_609, %dma_wait3A_617] : memref<4096x50x128xf32, #tpu.memory_space<hbm>> -> memref<1x1x128xf32, #tpu.memory_space<hbm>>
            %dma_wait3A_619 = tpu.memref_squeeze %dma_wait3A_618 : memref<1x1x128xf32, #tpu.memory_space<hbm>> -> memref<128xf32, #tpu.memory_space<hbm>>
            %dma_wait3A_620 = arith.constant 0 : i32
            %dma_wait3A_621 = tpu.memref_slice %arg4[%run_scoped3A, %dma_wait3A_620] : memref<8x128xf32, #tpu.memory_space<hbm>> -> memref<1x128xf32, #tpu.memory_space<hbm>>
            %dma_wait3A_622 = tpu.memref_squeeze %dma_wait3A_621 : memref<1x128xf32, #tpu.memory_space<hbm>> -> memref<128xf32, #tpu.memory_space<hbm>>
            tpu.wait_dma2 semaphore(%run_scoped3A_610 : memref<!tpu.dma_semaphore, #tpu.memory_space<semaphore_mem>>) src(%dma_wait3A_622 : memref<128xf32, #tpu.memory_space<hbm>>) dst(%dma_wait3A_619 : memref<128xf32, #tpu.memory_space<hbm>>)
            tpu.yield
          }) : () -> ()
        } else {
        }
        %slice3A_531 = vector.extract_strided_slice %get3A_153 {offsets = [5], sizes = [1], strides = [1]} : vector<16xi32> to vector<1xi32>
        %squeeze3A_532 = vector.extract %slice3A_531[0] : i32 from vector<1xi32>
        %eq3A_533 = arith.constant 0 : i32
        %eq3A_534 = arith.cmpi eq, %squeeze3A_532, %eq3A_533 : i32
        %convert_element_type3A_535 = arith.extui %eq3A_534 : i1 to i32
        %cond3A_536 = arith.constant 0 : i32
        %cond3A_537 = arith.cmpi ne, %convert_element_type3A_535, %cond3A_536 : i32
        scf.if %cond3A_537 {
          %add3A_608 = arith.addi %mul3A_2, %add3A_142 : i32
          %run_scoped3A = arith.constant 0 : i32
          %run_scoped3A_609 = arith.constant 39 : i32
          "tpu.region"() ({
            %run_scoped3A_610 = tpu.sem_alloc : memref<!tpu.dma_semaphore, #tpu.memory_space<semaphore_mem>>
            %dma_start3A_611 = arith.constant 0 : i32
            %dma_start3A_612 = tpu.memref_slice %arg5[%add3A_608, %run_scoped3A_609, %dma_start3A_611] : memref<4096x50x128xf32, #tpu.memory_space<hbm>> -> memref<1x1x128xf32, #tpu.memory_space<hbm>>
            %dma_start3A_613 = tpu.memref_squeeze %dma_start3A_612 : memref<1x1x128xf32, #tpu.memory_space<hbm>> -> memref<128xf32, #tpu.memory_space<hbm>>
            %dma_start3A_614 = arith.constant 0 : i32
            %dma_start3A_615 = tpu.memref_slice %arg4[%run_scoped3A, %dma_start3A_614] : memref<8x128xf32, #tpu.memory_space<hbm>> -> memref<1x128xf32, #tpu.memory_space<hbm>>
            %dma_start3A_616 = tpu.memref_squeeze %dma_start3A_615 : memref<1x128xf32, #tpu.memory_space<hbm>> -> memref<128xf32, #tpu.memory_space<hbm>>
            tpu.enqueue_dma source(%dma_start3A_616 : memref<128xf32, #tpu.memory_space<hbm>>) target(%dma_start3A_613 : memref<128xf32, #tpu.memory_space<hbm>>) target_semaphore(%run_scoped3A_610 : memref<!tpu.dma_semaphore, #tpu.memory_space<semaphore_mem>>)
            %dma_wait3A_617 = arith.constant 0 : i32
            %dma_wait3A_618 = tpu.memref_slice %arg5[%add3A_608, %run_scoped3A_609, %dma_wait3A_617] : memref<4096x50x128xf32, #tpu.memory_space<hbm>> -> memref<1x1x128xf32, #tpu.memory_space<hbm>>
            %dma_wait3A_619 = tpu.memref_squeeze %dma_wait3A_618 : memref<1x1x128xf32, #tpu.memory_space<hbm>> -> memref<128xf32, #tpu.memory_space<hbm>>
            %dma_wait3A_620 = arith.constant 0 : i32
            %dma_wait3A_621 = tpu.memref_slice %arg4[%run_scoped3A, %dma_wait3A_620] : memref<8x128xf32, #tpu.memory_space<hbm>> -> memref<1x128xf32, #tpu.memory_space<hbm>>
            %dma_wait3A_622 = tpu.memref_squeeze %dma_wait3A_621 : memref<1x128xf32, #tpu.memory_space<hbm>> -> memref<128xf32, #tpu.memory_space<hbm>>
            tpu.wait_dma2 semaphore(%run_scoped3A_610 : memref<!tpu.dma_semaphore, #tpu.memory_space<semaphore_mem>>) src(%dma_wait3A_622 : memref<128xf32, #tpu.memory_space<hbm>>) dst(%dma_wait3A_619 : memref<128xf32, #tpu.memory_space<hbm>>)
            tpu.yield
          }) : () -> ()
        } else {
        }
        %slice3A_538 = vector.extract_strided_slice %get3A_153 {offsets = [6], sizes = [1], strides = [1]} : vector<16xi32> to vector<1xi32>
        %squeeze3A_539 = vector.extract %slice3A_538[0] : i32 from vector<1xi32>
        %eq3A_540 = arith.constant 0 : i32
        %eq3A_541 = arith.cmpi eq, %squeeze3A_539, %eq3A_540 : i32
        %convert_element_type3A_542 = arith.extui %eq3A_541 : i1 to i32
        %cond3A_543 = arith.constant 0 : i32
        %cond3A_544 = arith.cmpi ne, %convert_element_type3A_542, %cond3A_543 : i32
        scf.if %cond3A_544 {
          %add3A_608 = arith.addi %mul3A_2, %add3A_142 : i32
          %run_scoped3A = arith.constant 0 : i32
          %run_scoped3A_609 = arith.constant 40 : i32
          "tpu.region"() ({
            %run_scoped3A_610 = tpu.sem_alloc : memref<!tpu.dma_semaphore, #tpu.memory_space<semaphore_mem>>
            %dma_start3A_611 = arith.constant 0 : i32
            %dma_start3A_612 = tpu.memref_slice %arg5[%add3A_608, %run_scoped3A_609, %dma_start3A_611] : memref<4096x50x128xf32, #tpu.memory_space<hbm>> -> memref<1x1x128xf32, #tpu.memory_space<hbm>>
            %dma_start3A_613 = tpu.memref_squeeze %dma_start3A_612 : memref<1x1x128xf32, #tpu.memory_space<hbm>> -> memref<128xf32, #tpu.memory_space<hbm>>
            %dma_start3A_614 = arith.constant 0 : i32
            %dma_start3A_615 = tpu.memref_slice %arg4[%run_scoped3A, %dma_start3A_614] : memref<8x128xf32, #tpu.memory_space<hbm>> -> memref<1x128xf32, #tpu.memory_space<hbm>>
            %dma_start3A_616 = tpu.memref_squeeze %dma_start3A_615 : memref<1x128xf32, #tpu.memory_space<hbm>> -> memref<128xf32, #tpu.memory_space<hbm>>
            tpu.enqueue_dma source(%dma_start3A_616 : memref<128xf32, #tpu.memory_space<hbm>>) target(%dma_start3A_613 : memref<128xf32, #tpu.memory_space<hbm>>) target_semaphore(%run_scoped3A_610 : memref<!tpu.dma_semaphore, #tpu.memory_space<semaphore_mem>>)
            %dma_wait3A_617 = arith.constant 0 : i32
            %dma_wait3A_618 = tpu.memref_slice %arg5[%add3A_608, %run_scoped3A_609, %dma_wait3A_617] : memref<4096x50x128xf32, #tpu.memory_space<hbm>> -> memref<1x1x128xf32, #tpu.memory_space<hbm>>
            %dma_wait3A_619 = tpu.memref_squeeze %dma_wait3A_618 : memref<1x1x128xf32, #tpu.memory_space<hbm>> -> memref<128xf32, #tpu.memory_space<hbm>>
            %dma_wait3A_620 = arith.constant 0 : i32
            %dma_wait3A_621 = tpu.memref_slice %arg4[%run_scoped3A, %dma_wait3A_620] : memref<8x128xf32, #tpu.memory_space<hbm>> -> memref<1x128xf32, #tpu.memory_space<hbm>>
            %dma_wait3A_622 = tpu.memref_squeeze %dma_wait3A_621 : memref<1x128xf32, #tpu.memory_space<hbm>> -> memref<128xf32, #tpu.memory_space<hbm>>
            tpu.wait_dma2 semaphore(%run_scoped3A_610 : memref<!tpu.dma_semaphore, #tpu.memory_space<semaphore_mem>>) src(%dma_wait3A_622 : memref<128xf32, #tpu.memory_space<hbm>>) dst(%dma_wait3A_619 : memref<128xf32, #tpu.memory_space<hbm>>)
            tpu.yield
          }) : () -> ()
        } else {
        }
        %slice3A_545 = vector.extract_strided_slice %get3A_153 {offsets = [7], sizes = [1], strides = [1]} : vector<16xi32> to vector<1xi32>
        %squeeze3A_546 = vector.extract %slice3A_545[0] : i32 from vector<1xi32>
        %eq3A_547 = arith.constant 0 : i32
        %eq3A_548 = arith.cmpi eq, %squeeze3A_546, %eq3A_547 : i32
        %convert_element_type3A_549 = arith.extui %eq3A_548 : i1 to i32
        %cond3A_550 = arith.constant 0 : i32
        %cond3A_551 = arith.cmpi ne, %convert_element_type3A_549, %cond3A_550 : i32
        scf.if %cond3A_551 {
          %add3A_608 = arith.addi %mul3A_2, %add3A_142 : i32
          %run_scoped3A = arith.constant 0 : i32
          %run_scoped3A_609 = arith.constant 41 : i32
          "tpu.region"() ({
            %run_scoped3A_610 = tpu.sem_alloc : memref<!tpu.dma_semaphore, #tpu.memory_space<semaphore_mem>>
            %dma_start3A_611 = arith.constant 0 : i32
            %dma_start3A_612 = tpu.memref_slice %arg5[%add3A_608, %run_scoped3A_609, %dma_start3A_611] : memref<4096x50x128xf32, #tpu.memory_space<hbm>> -> memref<1x1x128xf32, #tpu.memory_space<hbm>>
            %dma_start3A_613 = tpu.memref_squeeze %dma_start3A_612 : memref<1x1x128xf32, #tpu.memory_space<hbm>> -> memref<128xf32, #tpu.memory_space<hbm>>
            %dma_start3A_614 = arith.constant 0 : i32
            %dma_start3A_615 = tpu.memref_slice %arg4[%run_scoped3A, %dma_start3A_614] : memref<8x128xf32, #tpu.memory_space<hbm>> -> memref<1x128xf32, #tpu.memory_space<hbm>>
            %dma_start3A_616 = tpu.memref_squeeze %dma_start3A_615 : memref<1x128xf32, #tpu.memory_space<hbm>> -> memref<128xf32, #tpu.memory_space<hbm>>
            tpu.enqueue_dma source(%dma_start3A_616 : memref<128xf32, #tpu.memory_space<hbm>>) target(%dma_start3A_613 : memref<128xf32, #tpu.memory_space<hbm>>) target_semaphore(%run_scoped3A_610 : memref<!tpu.dma_semaphore, #tpu.memory_space<semaphore_mem>>)
            %dma_wait3A_617 = arith.constant 0 : i32
            %dma_wait3A_618 = tpu.memref_slice %arg5[%add3A_608, %run_scoped3A_609, %dma_wait3A_617] : memref<4096x50x128xf32, #tpu.memory_space<hbm>> -> memref<1x1x128xf32, #tpu.memory_space<hbm>>
            %dma_wait3A_619 = tpu.memref_squeeze %dma_wait3A_618 : memref<1x1x128xf32, #tpu.memory_space<hbm>> -> memref<128xf32, #tpu.memory_space<hbm>>
            %dma_wait3A_620 = arith.constant 0 : i32
            %dma_wait3A_621 = tpu.memref_slice %arg4[%run_scoped3A, %dma_wait3A_620] : memref<8x128xf32, #tpu.memory_space<hbm>> -> memref<1x128xf32, #tpu.memory_space<hbm>>
            %dma_wait3A_622 = tpu.memref_squeeze %dma_wait3A_621 : memref<1x128xf32, #tpu.memory_space<hbm>> -> memref<128xf32, #tpu.memory_space<hbm>>
            tpu.wait_dma2 semaphore(%run_scoped3A_610 : memref<!tpu.dma_semaphore, #tpu.memory_space<semaphore_mem>>) src(%dma_wait3A_622 : memref<128xf32, #tpu.memory_space<hbm>>) dst(%dma_wait3A_619 : memref<128xf32, #tpu.memory_space<hbm>>)
            tpu.yield
          }) : () -> ()
        } else {
        }
        %slice3A_552 = vector.extract_strided_slice %get3A_153 {offsets = [8], sizes = [1], strides = [1]} : vector<16xi32> to vector<1xi32>
        %squeeze3A_553 = vector.extract %slice3A_552[0] : i32 from vector<1xi32>
        %eq3A_554 = arith.constant 0 : i32
        %eq3A_555 = arith.cmpi eq, %squeeze3A_553, %eq3A_554 : i32
        %convert_element_type3A_556 = arith.extui %eq3A_555 : i1 to i32
        %cond3A_557 = arith.constant 0 : i32
        %cond3A_558 = arith.cmpi ne, %convert_element_type3A_556, %cond3A_557 : i32
        scf.if %cond3A_558 {
          %add3A_608 = arith.addi %mul3A_2, %add3A_142 : i32
          %run_scoped3A = arith.constant 0 : i32
          %run_scoped3A_609 = arith.constant 42 : i32
          "tpu.region"() ({
            %run_scoped3A_610 = tpu.sem_alloc : memref<!tpu.dma_semaphore, #tpu.memory_space<semaphore_mem>>
            %dma_start3A_611 = arith.constant 0 : i32
            %dma_start3A_612 = tpu.memref_slice %arg5[%add3A_608, %run_scoped3A_609, %dma_start3A_611] : memref<4096x50x128xf32, #tpu.memory_space<hbm>> -> memref<1x1x128xf32, #tpu.memory_space<hbm>>
            %dma_start3A_613 = tpu.memref_squeeze %dma_start3A_612 : memref<1x1x128xf32, #tpu.memory_space<hbm>> -> memref<128xf32, #tpu.memory_space<hbm>>
            %dma_start3A_614 = arith.constant 0 : i32
            %dma_start3A_615 = tpu.memref_slice %arg4[%run_scoped3A, %dma_start3A_614] : memref<8x128xf32, #tpu.memory_space<hbm>> -> memref<1x128xf32, #tpu.memory_space<hbm>>
            %dma_start3A_616 = tpu.memref_squeeze %dma_start3A_615 : memref<1x128xf32, #tpu.memory_space<hbm>> -> memref<128xf32, #tpu.memory_space<hbm>>
            tpu.enqueue_dma source(%dma_start3A_616 : memref<128xf32, #tpu.memory_space<hbm>>) target(%dma_start3A_613 : memref<128xf32, #tpu.memory_space<hbm>>) target_semaphore(%run_scoped3A_610 : memref<!tpu.dma_semaphore, #tpu.memory_space<semaphore_mem>>)
            %dma_wait3A_617 = arith.constant 0 : i32
            %dma_wait3A_618 = tpu.memref_slice %arg5[%add3A_608, %run_scoped3A_609, %dma_wait3A_617] : memref<4096x50x128xf32, #tpu.memory_space<hbm>> -> memref<1x1x128xf32, #tpu.memory_space<hbm>>
            %dma_wait3A_619 = tpu.memref_squeeze %dma_wait3A_618 : memref<1x1x128xf32, #tpu.memory_space<hbm>> -> memref<128xf32, #tpu.memory_space<hbm>>
            %dma_wait3A_620 = arith.constant 0 : i32
            %dma_wait3A_621 = tpu.memref_slice %arg4[%run_scoped3A, %dma_wait3A_620] : memref<8x128xf32, #tpu.memory_space<hbm>> -> memref<1x128xf32, #tpu.memory_space<hbm>>
            %dma_wait3A_622 = tpu.memref_squeeze %dma_wait3A_621 : memref<1x128xf32, #tpu.memory_space<hbm>> -> memref<128xf32, #tpu.memory_space<hbm>>
            tpu.wait_dma2 semaphore(%run_scoped3A_610 : memref<!tpu.dma_semaphore, #tpu.memory_space<semaphore_mem>>) src(%dma_wait3A_622 : memref<128xf32, #tpu.memory_space<hbm>>) dst(%dma_wait3A_619 : memref<128xf32, #tpu.memory_space<hbm>>)
            tpu.yield
          }) : () -> ()
        } else {
        }
        %slice3A_559 = vector.extract_strided_slice %get3A_153 {offsets = [9], sizes = [1], strides = [1]} : vector<16xi32> to vector<1xi32>
        %squeeze3A_560 = vector.extract %slice3A_559[0] : i32 from vector<1xi32>
        %eq3A_561 = arith.constant 0 : i32
        %eq3A_562 = arith.cmpi eq, %squeeze3A_560, %eq3A_561 : i32
        %convert_element_type3A_563 = arith.extui %eq3A_562 : i1 to i32
        %cond3A_564 = arith.constant 0 : i32
        %cond3A_565 = arith.cmpi ne, %convert_element_type3A_563, %cond3A_564 : i32
        scf.if %cond3A_565 {
          %add3A_608 = arith.addi %mul3A_2, %add3A_142 : i32
          %run_scoped3A = arith.constant 0 : i32
          %run_scoped3A_609 = arith.constant 43 : i32
          "tpu.region"() ({
            %run_scoped3A_610 = tpu.sem_alloc : memref<!tpu.dma_semaphore, #tpu.memory_space<semaphore_mem>>
            %dma_start3A_611 = arith.constant 0 : i32
            %dma_start3A_612 = tpu.memref_slice %arg5[%add3A_608, %run_scoped3A_609, %dma_start3A_611] : memref<4096x50x128xf32, #tpu.memory_space<hbm>> -> memref<1x1x128xf32, #tpu.memory_space<hbm>>
            %dma_start3A_613 = tpu.memref_squeeze %dma_start3A_612 : memref<1x1x128xf32, #tpu.memory_space<hbm>> -> memref<128xf32, #tpu.memory_space<hbm>>
            %dma_start3A_614 = arith.constant 0 : i32
            %dma_start3A_615 = tpu.memref_slice %arg4[%run_scoped3A, %dma_start3A_614] : memref<8x128xf32, #tpu.memory_space<hbm>> -> memref<1x128xf32, #tpu.memory_space<hbm>>
            %dma_start3A_616 = tpu.memref_squeeze %dma_start3A_615 : memref<1x128xf32, #tpu.memory_space<hbm>> -> memref<128xf32, #tpu.memory_space<hbm>>
            tpu.enqueue_dma source(%dma_start3A_616 : memref<128xf32, #tpu.memory_space<hbm>>) target(%dma_start3A_613 : memref<128xf32, #tpu.memory_space<hbm>>) target_semaphore(%run_scoped3A_610 : memref<!tpu.dma_semaphore, #tpu.memory_space<semaphore_mem>>)
            %dma_wait3A_617 = arith.constant 0 : i32
            %dma_wait3A_618 = tpu.memref_slice %arg5[%add3A_608, %run_scoped3A_609, %dma_wait3A_617] : memref<4096x50x128xf32, #tpu.memory_space<hbm>> -> memref<1x1x128xf32, #tpu.memory_space<hbm>>
            %dma_wait3A_619 = tpu.memref_squeeze %dma_wait3A_618 : memref<1x1x128xf32, #tpu.memory_space<hbm>> -> memref<128xf32, #tpu.memory_space<hbm>>
            %dma_wait3A_620 = arith.constant 0 : i32
            %dma_wait3A_621 = tpu.memref_slice %arg4[%run_scoped3A, %dma_wait3A_620] : memref<8x128xf32, #tpu.memory_space<hbm>> -> memref<1x128xf32, #tpu.memory_space<hbm>>
            %dma_wait3A_622 = tpu.memref_squeeze %dma_wait3A_621 : memref<1x128xf32, #tpu.memory_space<hbm>> -> memref<128xf32, #tpu.memory_space<hbm>>
            tpu.wait_dma2 semaphore(%run_scoped3A_610 : memref<!tpu.dma_semaphore, #tpu.memory_space<semaphore_mem>>) src(%dma_wait3A_622 : memref<128xf32, #tpu.memory_space<hbm>>) dst(%dma_wait3A_619 : memref<128xf32, #tpu.memory_space<hbm>>)
            tpu.yield
          }) : () -> ()
        } else {
        }
        %slice3A_566 = vector.extract_strided_slice %get3A_153 {offsets = [10], sizes = [1], strides = [1]} : vector<16xi32> to vector<1xi32>
        %squeeze3A_567 = vector.extract %slice3A_566[0] : i32 from vector<1xi32>
        %eq3A_568 = arith.constant 0 : i32
        %eq3A_569 = arith.cmpi eq, %squeeze3A_567, %eq3A_568 : i32
        %convert_element_type3A_570 = arith.extui %eq3A_569 : i1 to i32
        %cond3A_571 = arith.constant 0 : i32
        %cond3A_572 = arith.cmpi ne, %convert_element_type3A_570, %cond3A_571 : i32
        scf.if %cond3A_572 {
          %add3A_608 = arith.addi %mul3A_2, %add3A_142 : i32
          %run_scoped3A = arith.constant 0 : i32
          %run_scoped3A_609 = arith.constant 44 : i32
          "tpu.region"() ({
            %run_scoped3A_610 = tpu.sem_alloc : memref<!tpu.dma_semaphore, #tpu.memory_space<semaphore_mem>>
            %dma_start3A_611 = arith.constant 0 : i32
            %dma_start3A_612 = tpu.memref_slice %arg5[%add3A_608, %run_scoped3A_609, %dma_start3A_611] : memref<4096x50x128xf32, #tpu.memory_space<hbm>> -> memref<1x1x128xf32, #tpu.memory_space<hbm>>
            %dma_start3A_613 = tpu.memref_squeeze %dma_start3A_612 : memref<1x1x128xf32, #tpu.memory_space<hbm>> -> memref<128xf32, #tpu.memory_space<hbm>>
            %dma_start3A_614 = arith.constant 0 : i32
            %dma_start3A_615 = tpu.memref_slice %arg4[%run_scoped3A, %dma_start3A_614] : memref<8x128xf32, #tpu.memory_space<hbm>> -> memref<1x128xf32, #tpu.memory_space<hbm>>
            %dma_start3A_616 = tpu.memref_squeeze %dma_start3A_615 : memref<1x128xf32, #tpu.memory_space<hbm>> -> memref<128xf32, #tpu.memory_space<hbm>>
            tpu.enqueue_dma source(%dma_start3A_616 : memref<128xf32, #tpu.memory_space<hbm>>) target(%dma_start3A_613 : memref<128xf32, #tpu.memory_space<hbm>>) target_semaphore(%run_scoped3A_610 : memref<!tpu.dma_semaphore, #tpu.memory_space<semaphore_mem>>)
            %dma_wait3A_617 = arith.constant 0 : i32
            %dma_wait3A_618 = tpu.memref_slice %arg5[%add3A_608, %run_scoped3A_609, %dma_wait3A_617] : memref<4096x50x128xf32, #tpu.memory_space<hbm>> -> memref<1x1x128xf32, #tpu.memory_space<hbm>>
            %dma_wait3A_619 = tpu.memref_squeeze %dma_wait3A_618 : memref<1x1x128xf32, #tpu.memory_space<hbm>> -> memref<128xf32, #tpu.memory_space<hbm>>
            %dma_wait3A_620 = arith.constant 0 : i32
            %dma_wait3A_621 = tpu.memref_slice %arg4[%run_scoped3A, %dma_wait3A_620] : memref<8x128xf32, #tpu.memory_space<hbm>> -> memref<1x128xf32, #tpu.memory_space<hbm>>
            %dma_wait3A_622 = tpu.memref_squeeze %dma_wait3A_621 : memref<1x128xf32, #tpu.memory_space<hbm>> -> memref<128xf32, #tpu.memory_space<hbm>>
            tpu.wait_dma2 semaphore(%run_scoped3A_610 : memref<!tpu.dma_semaphore, #tpu.memory_space<semaphore_mem>>) src(%dma_wait3A_622 : memref<128xf32, #tpu.memory_space<hbm>>) dst(%dma_wait3A_619 : memref<128xf32, #tpu.memory_space<hbm>>)
            tpu.yield
          }) : () -> ()
        } else {
        }
        %slice3A_573 = vector.extract_strided_slice %get3A_153 {offsets = [11], sizes = [1], strides = [1]} : vector<16xi32> to vector<1xi32>
        %squeeze3A_574 = vector.extract %slice3A_573[0] : i32 from vector<1xi32>
        %eq3A_575 = arith.constant 0 : i32
        %eq3A_576 = arith.cmpi eq, %squeeze3A_574, %eq3A_575 : i32
        %convert_element_type3A_577 = arith.extui %eq3A_576 : i1 to i32
        %cond3A_578 = arith.constant 0 : i32
        %cond3A_579 = arith.cmpi ne, %convert_element_type3A_577, %cond3A_578 : i32
        scf.if %cond3A_579 {
          %add3A_608 = arith.addi %mul3A_2, %add3A_142 : i32
          %run_scoped3A = arith.constant 0 : i32
          %run_scoped3A_609 = arith.constant 45 : i32
          "tpu.region"() ({
            %run_scoped3A_610 = tpu.sem_alloc : memref<!tpu.dma_semaphore, #tpu.memory_space<semaphore_mem>>
            %dma_start3A_611 = arith.constant 0 : i32
            %dma_start3A_612 = tpu.memref_slice %arg5[%add3A_608, %run_scoped3A_609, %dma_start3A_611] : memref<4096x50x128xf32, #tpu.memory_space<hbm>> -> memref<1x1x128xf32, #tpu.memory_space<hbm>>
            %dma_start3A_613 = tpu.memref_squeeze %dma_start3A_612 : memref<1x1x128xf32, #tpu.memory_space<hbm>> -> memref<128xf32, #tpu.memory_space<hbm>>
            %dma_start3A_614 = arith.constant 0 : i32
            %dma_start3A_615 = tpu.memref_slice %arg4[%run_scoped3A, %dma_start3A_614] : memref<8x128xf32, #tpu.memory_space<hbm>> -> memref<1x128xf32, #tpu.memory_space<hbm>>
            %dma_start3A_616 = tpu.memref_squeeze %dma_start3A_615 : memref<1x128xf32, #tpu.memory_space<hbm>> -> memref<128xf32, #tpu.memory_space<hbm>>
            tpu.enqueue_dma source(%dma_start3A_616 : memref<128xf32, #tpu.memory_space<hbm>>) target(%dma_start3A_613 : memref<128xf32, #tpu.memory_space<hbm>>) target_semaphore(%run_scoped3A_610 : memref<!tpu.dma_semaphore, #tpu.memory_space<semaphore_mem>>)
            %dma_wait3A_617 = arith.constant 0 : i32
            %dma_wait3A_618 = tpu.memref_slice %arg5[%add3A_608, %run_scoped3A_609, %dma_wait3A_617] : memref<4096x50x128xf32, #tpu.memory_space<hbm>> -> memref<1x1x128xf32, #tpu.memory_space<hbm>>
            %dma_wait3A_619 = tpu.memref_squeeze %dma_wait3A_618 : memref<1x1x128xf32, #tpu.memory_space<hbm>> -> memref<128xf32, #tpu.memory_space<hbm>>
            %dma_wait3A_620 = arith.constant 0 : i32
            %dma_wait3A_621 = tpu.memref_slice %arg4[%run_scoped3A, %dma_wait3A_620] : memref<8x128xf32, #tpu.memory_space<hbm>> -> memref<1x128xf32, #tpu.memory_space<hbm>>
            %dma_wait3A_622 = tpu.memref_squeeze %dma_wait3A_621 : memref<1x128xf32, #tpu.memory_space<hbm>> -> memref<128xf32, #tpu.memory_space<hbm>>
            tpu.wait_dma2 semaphore(%run_scoped3A_610 : memref<!tpu.dma_semaphore, #tpu.memory_space<semaphore_mem>>) src(%dma_wait3A_622 : memref<128xf32, #tpu.memory_space<hbm>>) dst(%dma_wait3A_619 : memref<128xf32, #tpu.memory_space<hbm>>)
            tpu.yield
          }) : () -> ()
        } else {
        }
        %slice3A_580 = vector.extract_strided_slice %get3A_153 {offsets = [12], sizes = [1], strides = [1]} : vector<16xi32> to vector<1xi32>
        %squeeze3A_581 = vector.extract %slice3A_580[0] : i32 from vector<1xi32>
        %eq3A_582 = arith.constant 0 : i32
        %eq3A_583 = arith.cmpi eq, %squeeze3A_581, %eq3A_582 : i32
        %convert_element_type3A_584 = arith.extui %eq3A_583 : i1 to i32
        %cond3A_585 = arith.constant 0 : i32
        %cond3A_586 = arith.cmpi ne, %convert_element_type3A_584, %cond3A_585 : i32
        scf.if %cond3A_586 {
          %add3A_608 = arith.addi %mul3A_2, %add3A_142 : i32
          %run_scoped3A = arith.constant 0 : i32
          %run_scoped3A_609 = arith.constant 46 : i32
          "tpu.region"() ({
            %run_scoped3A_610 = tpu.sem_alloc : memref<!tpu.dma_semaphore, #tpu.memory_space<semaphore_mem>>
            %dma_start3A_611 = arith.constant 0 : i32
            %dma_start3A_612 = tpu.memref_slice %arg5[%add3A_608, %run_scoped3A_609, %dma_start3A_611] : memref<4096x50x128xf32, #tpu.memory_space<hbm>> -> memref<1x1x128xf32, #tpu.memory_space<hbm>>
            %dma_start3A_613 = tpu.memref_squeeze %dma_start3A_612 : memref<1x1x128xf32, #tpu.memory_space<hbm>> -> memref<128xf32, #tpu.memory_space<hbm>>
            %dma_start3A_614 = arith.constant 0 : i32
            %dma_start3A_615 = tpu.memref_slice %arg4[%run_scoped3A, %dma_start3A_614] : memref<8x128xf32, #tpu.memory_space<hbm>> -> memref<1x128xf32, #tpu.memory_space<hbm>>
            %dma_start3A_616 = tpu.memref_squeeze %dma_start3A_615 : memref<1x128xf32, #tpu.memory_space<hbm>> -> memref<128xf32, #tpu.memory_space<hbm>>
            tpu.enqueue_dma source(%dma_start3A_616 : memref<128xf32, #tpu.memory_space<hbm>>) target(%dma_start3A_613 : memref<128xf32, #tpu.memory_space<hbm>>) target_semaphore(%run_scoped3A_610 : memref<!tpu.dma_semaphore, #tpu.memory_space<semaphore_mem>>)
            %dma_wait3A_617 = arith.constant 0 : i32
            %dma_wait3A_618 = tpu.memref_slice %arg5[%add3A_608, %run_scoped3A_609, %dma_wait3A_617] : memref<4096x50x128xf32, #tpu.memory_space<hbm>> -> memref<1x1x128xf32, #tpu.memory_space<hbm>>
            %dma_wait3A_619 = tpu.memref_squeeze %dma_wait3A_618 : memref<1x1x128xf32, #tpu.memory_space<hbm>> -> memref<128xf32, #tpu.memory_space<hbm>>
            %dma_wait3A_620 = arith.constant 0 : i32
            %dma_wait3A_621 = tpu.memref_slice %arg4[%run_scoped3A, %dma_wait3A_620] : memref<8x128xf32, #tpu.memory_space<hbm>> -> memref<1x128xf32, #tpu.memory_space<hbm>>
            %dma_wait3A_622 = tpu.memref_squeeze %dma_wait3A_621 : memref<1x128xf32, #tpu.memory_space<hbm>> -> memref<128xf32, #tpu.memory_space<hbm>>
            tpu.wait_dma2 semaphore(%run_scoped3A_610 : memref<!tpu.dma_semaphore, #tpu.memory_space<semaphore_mem>>) src(%dma_wait3A_622 : memref<128xf32, #tpu.memory_space<hbm>>) dst(%dma_wait3A_619 : memref<128xf32, #tpu.memory_space<hbm>>)
            tpu.yield
          }) : () -> ()
        } else {
        }
        %slice3A_587 = vector.extract_strided_slice %get3A_153 {offsets = [13], sizes = [1], strides = [1]} : vector<16xi32> to vector<1xi32>
        %squeeze3A_588 = vector.extract %slice3A_587[0] : i32 from vector<1xi32>
        %eq3A_589 = arith.constant 0 : i32
        %eq3A_590 = arith.cmpi eq, %squeeze3A_588, %eq3A_589 : i32
        %convert_element_type3A_591 = arith.extui %eq3A_590 : i1 to i32
        %cond3A_592 = arith.constant 0 : i32
        %cond3A_593 = arith.cmpi ne, %convert_element_type3A_591, %cond3A_592 : i32
        scf.if %cond3A_593 {
          %add3A_608 = arith.addi %mul3A_2, %add3A_142 : i32
          %run_scoped3A = arith.constant 0 : i32
          %run_scoped3A_609 = arith.constant 47 : i32
          "tpu.region"() ({
            %run_scoped3A_610 = tpu.sem_alloc : memref<!tpu.dma_semaphore, #tpu.memory_space<semaphore_mem>>
            %dma_start3A_611 = arith.constant 0 : i32
            %dma_start3A_612 = tpu.memref_slice %arg5[%add3A_608, %run_scoped3A_609, %dma_start3A_611] : memref<4096x50x128xf32, #tpu.memory_space<hbm>> -> memref<1x1x128xf32, #tpu.memory_space<hbm>>
            %dma_start3A_613 = tpu.memref_squeeze %dma_start3A_612 : memref<1x1x128xf32, #tpu.memory_space<hbm>> -> memref<128xf32, #tpu.memory_space<hbm>>
            %dma_start3A_614 = arith.constant 0 : i32
            %dma_start3A_615 = tpu.memref_slice %arg4[%run_scoped3A, %dma_start3A_614] : memref<8x128xf32, #tpu.memory_space<hbm>> -> memref<1x128xf32, #tpu.memory_space<hbm>>
            %dma_start3A_616 = tpu.memref_squeeze %dma_start3A_615 : memref<1x128xf32, #tpu.memory_space<hbm>> -> memref<128xf32, #tpu.memory_space<hbm>>
            tpu.enqueue_dma source(%dma_start3A_616 : memref<128xf32, #tpu.memory_space<hbm>>) target(%dma_start3A_613 : memref<128xf32, #tpu.memory_space<hbm>>) target_semaphore(%run_scoped3A_610 : memref<!tpu.dma_semaphore, #tpu.memory_space<semaphore_mem>>)
            %dma_wait3A_617 = arith.constant 0 : i32
            %dma_wait3A_618 = tpu.memref_slice %arg5[%add3A_608, %run_scoped3A_609, %dma_wait3A_617] : memref<4096x50x128xf32, #tpu.memory_space<hbm>> -> memref<1x1x128xf32, #tpu.memory_space<hbm>>
            %dma_wait3A_619 = tpu.memref_squeeze %dma_wait3A_618 : memref<1x1x128xf32, #tpu.memory_space<hbm>> -> memref<128xf32, #tpu.memory_space<hbm>>
            %dma_wait3A_620 = arith.constant 0 : i32
            %dma_wait3A_621 = tpu.memref_slice %arg4[%run_scoped3A, %dma_wait3A_620] : memref<8x128xf32, #tpu.memory_space<hbm>> -> memref<1x128xf32, #tpu.memory_space<hbm>>
            %dma_wait3A_622 = tpu.memref_squeeze %dma_wait3A_621 : memref<1x128xf32, #tpu.memory_space<hbm>> -> memref<128xf32, #tpu.memory_space<hbm>>
            tpu.wait_dma2 semaphore(%run_scoped3A_610 : memref<!tpu.dma_semaphore, #tpu.memory_space<semaphore_mem>>) src(%dma_wait3A_622 : memref<128xf32, #tpu.memory_space<hbm>>) dst(%dma_wait3A_619 : memref<128xf32, #tpu.memory_space<hbm>>)
            tpu.yield
          }) : () -> ()
        } else {
        }
        %slice3A_594 = vector.extract_strided_slice %get3A_153 {offsets = [14], sizes = [1], strides = [1]} : vector<16xi32> to vector<1xi32>
        %squeeze3A_595 = vector.extract %slice3A_594[0] : i32 from vector<1xi32>
        %eq3A_596 = arith.constant 0 : i32
        %eq3A_597 = arith.cmpi eq, %squeeze3A_595, %eq3A_596 : i32
        %convert_element_type3A_598 = arith.extui %eq3A_597 : i1 to i32
        %cond3A_599 = arith.constant 0 : i32
        %cond3A_600 = arith.cmpi ne, %convert_element_type3A_598, %cond3A_599 : i32
        scf.if %cond3A_600 {
          %add3A_608 = arith.addi %mul3A_2, %add3A_142 : i32
          %run_scoped3A = arith.constant 0 : i32
          %run_scoped3A_609 = arith.constant 48 : i32
          "tpu.region"() ({
            %run_scoped3A_610 = tpu.sem_alloc : memref<!tpu.dma_semaphore, #tpu.memory_space<semaphore_mem>>
            %dma_start3A_611 = arith.constant 0 : i32
            %dma_start3A_612 = tpu.memref_slice %arg5[%add3A_608, %run_scoped3A_609, %dma_start3A_611] : memref<4096x50x128xf32, #tpu.memory_space<hbm>> -> memref<1x1x128xf32, #tpu.memory_space<hbm>>
            %dma_start3A_613 = tpu.memref_squeeze %dma_start3A_612 : memref<1x1x128xf32, #tpu.memory_space<hbm>> -> memref<128xf32, #tpu.memory_space<hbm>>
            %dma_start3A_614 = arith.constant 0 : i32
            %dma_start3A_615 = tpu.memref_slice %arg4[%run_scoped3A, %dma_start3A_614] : memref<8x128xf32, #tpu.memory_space<hbm>> -> memref<1x128xf32, #tpu.memory_space<hbm>>
            %dma_start3A_616 = tpu.memref_squeeze %dma_start3A_615 : memref<1x128xf32, #tpu.memory_space<hbm>> -> memref<128xf32, #tpu.memory_space<hbm>>
            tpu.enqueue_dma source(%dma_start3A_616 : memref<128xf32, #tpu.memory_space<hbm>>) target(%dma_start3A_613 : memref<128xf32, #tpu.memory_space<hbm>>) target_semaphore(%run_scoped3A_610 : memref<!tpu.dma_semaphore, #tpu.memory_space<semaphore_mem>>)
            %dma_wait3A_617 = arith.constant 0 : i32
            %dma_wait3A_618 = tpu.memref_slice %arg5[%add3A_608, %run_scoped3A_609, %dma_wait3A_617] : memref<4096x50x128xf32, #tpu.memory_space<hbm>> -> memref<1x1x128xf32, #tpu.memory_space<hbm>>
            %dma_wait3A_619 = tpu.memref_squeeze %dma_wait3A_618 : memref<1x1x128xf32, #tpu.memory_space<hbm>> -> memref<128xf32, #tpu.memory_space<hbm>>
            %dma_wait3A_620 = arith.constant 0 : i32
            %dma_wait3A_621 = tpu.memref_slice %arg4[%run_scoped3A, %dma_wait3A_620] : memref<8x128xf32, #tpu.memory_space<hbm>> -> memref<1x128xf32, #tpu.memory_space<hbm>>
            %dma_wait3A_622 = tpu.memref_squeeze %dma_wait3A_621 : memref<1x128xf32, #tpu.memory_space<hbm>> -> memref<128xf32, #tpu.memory_space<hbm>>
            tpu.wait_dma2 semaphore(%run_scoped3A_610 : memref<!tpu.dma_semaphore, #tpu.memory_space<semaphore_mem>>) src(%dma_wait3A_622 : memref<128xf32, #tpu.memory_space<hbm>>) dst(%dma_wait3A_619 : memref<128xf32, #tpu.memory_space<hbm>>)
            tpu.yield
          }) : () -> ()
        } else {
        }
        %slice3A_601 = vector.extract_strided_slice %get3A_153 {offsets = [15], sizes = [1], strides = [1]} : vector<16xi32> to vector<1xi32>
        %squeeze3A_602 = vector.extract %slice3A_601[0] : i32 from vector<1xi32>
        %eq3A_603 = arith.constant 0 : i32
        %eq3A_604 = arith.cmpi eq, %squeeze3A_602, %eq3A_603 : i32
        %convert_element_type3A_605 = arith.extui %eq3A_604 : i1 to i32
        %cond3A_606 = arith.constant 0 : i32
        %cond3A_607 = arith.cmpi ne, %convert_element_type3A_605, %cond3A_606 : i32
        scf.if %cond3A_607 {
          %add3A_608 = arith.addi %mul3A_2, %add3A_142 : i32
          %run_scoped3A = arith.constant 0 : i32
          %run_scoped3A_609 = arith.constant 49 : i32
          "tpu.region"() ({
            %run_scoped3A_610 = tpu.sem_alloc : memref<!tpu.dma_semaphore, #tpu.memory_space<semaphore_mem>>
            %dma_start3A_611 = arith.constant 0 : i32
            %dma_start3A_612 = tpu.memref_slice %arg5[%add3A_608, %run_scoped3A_609, %dma_start3A_611] : memref<4096x50x128xf32, #tpu.memory_space<hbm>> -> memref<1x1x128xf32, #tpu.memory_space<hbm>>
            %dma_start3A_613 = tpu.memref_squeeze %dma_start3A_612 : memref<1x1x128xf32, #tpu.memory_space<hbm>> -> memref<128xf32, #tpu.memory_space<hbm>>
            %dma_start3A_614 = arith.constant 0 : i32
            %dma_start3A_615 = tpu.memref_slice %arg4[%run_scoped3A, %dma_start3A_614] : memref<8x128xf32, #tpu.memory_space<hbm>> -> memref<1x128xf32, #tpu.memory_space<hbm>>
            %dma_start3A_616 = tpu.memref_squeeze %dma_start3A_615 : memref<1x128xf32, #tpu.memory_space<hbm>> -> memref<128xf32, #tpu.memory_space<hbm>>
            tpu.enqueue_dma source(%dma_start3A_616 : memref<128xf32, #tpu.memory_space<hbm>>) target(%dma_start3A_613 : memref<128xf32, #tpu.memory_space<hbm>>) target_semaphore(%run_scoped3A_610 : memref<!tpu.dma_semaphore, #tpu.memory_space<semaphore_mem>>)
            %dma_wait3A_617 = arith.constant 0 : i32
            %dma_wait3A_618 = tpu.memref_slice %arg5[%add3A_608, %run_scoped3A_609, %dma_wait3A_617] : memref<4096x50x128xf32, #tpu.memory_space<hbm>> -> memref<1x1x128xf32, #tpu.memory_space<hbm>>
            %dma_wait3A_619 = tpu.memref_squeeze %dma_wait3A_618 : memref<1x1x128xf32, #tpu.memory_space<hbm>> -> memref<128xf32, #tpu.memory_space<hbm>>
            %dma_wait3A_620 = arith.constant 0 : i32
            %dma_wait3A_621 = tpu.memref_slice %arg4[%run_scoped3A, %dma_wait3A_620] : memref<8x128xf32, #tpu.memory_space<hbm>> -> memref<1x128xf32, #tpu.memory_space<hbm>>
            %dma_wait3A_622 = tpu.memref_squeeze %dma_wait3A_621 : memref<1x128xf32, #tpu.memory_space<hbm>> -> memref<128xf32, #tpu.memory_space<hbm>>
            tpu.wait_dma2 semaphore(%run_scoped3A_610 : memref<!tpu.dma_semaphore, #tpu.memory_space<semaphore_mem>>) src(%dma_wait3A_622 : memref<128xf32, #tpu.memory_space<hbm>>) dst(%dma_wait3A_619 : memref<128xf32, #tpu.memory_space<hbm>>)
            tpu.yield
          }) : () -> ()
        } else {
        }
      } else {
      }
    }
    %scan3A_137 = arith.constant 128 : i32
    return
  }
}

</mosaic_0001>

<sc_bundles>
// kernel: kernel.3.cloned.1.call-start
scs
__scs_entry_jumppad:
0x0: {  	(pc) =	sbr.rel $0x88, $3  }
0x1: {  	(tag) =	ssettag $0x0;
	lr =	simm.s32 $0x1  }
0x2: {  	[smem:$0x3F9F] =	sst lr;
	_ =	strace $0xD0000000  }
0x3: {  	_ = 	snop  }
0x4: {  	_ = 	snop  }
0x5: {  	_ = 	snop  }
0x6: {  	_ = 	snop  }
0x7: {  	_ = 	snop  }
__scs_overlays_trampoline_lowered:
0x8: {  	[smem:$0x3FAE] =	sst s0  }
0x9: {  	[smem:$0x3FAF] =	sst s1  }
0xa: {  	[smem:$0x3FB0] =	sst s2  }
0xb: {  	[smem:$0x3FB1] =	sst s3  }
0xc: {  	[smem:$0x3FB2] =	sst s4  }
0xd: {  	[smem:$0x3FB3] =	sst s5  }
0xe: {  	[smem:$0x3FB4] =	sst s6  }
0xf: {  	[smem:$0x3FB5] =	sst s7  }
0x10: {  	[smem:$0x3FB6] =	sst s8  }
0x11: {  	[smem:$0x3FB7] =	sst s9;
	s0 =	simm.s32 @!p0 $0x0  }
0x12: {  	s1 =	sld [smem:$0x3F9D];
	s0 =	simm.s32 @p0 $0x1  }
0x13: {  	[smem:$0x3FB8] =	sst s0;
	s0 =	simm.s32 @!p1 $0x0  }
0x14: {  	s2 =	sld [smem:$0x3F9C];
	s0 =	simm.s32 @p1 $0x1  }
0x15: {  	[smem:$0x3FB9] =	sst s0;
	s0 =	simm.s32 @!p2 $0x0  }
0x16: {  	s3 =	sld [smem:$0x3FDB];
	s0 =	simm.s32 @p2 $0x1  }
0x17: {  	s4 =	simm.s32 $0x1BF5;
	[smem:$0x3FBB] =	sst s0  }
0x18: {  	s0 =	sld [smem:$0x3F9E];
	_ =	swait.ge [sflag:s4], $0x0  }
0x19: {  	s7 =	sld [smem:$0x3F9F]  }
0x1a: {  	s8 =	sadd.s32 $0xFFFFE003, lr  }
0x1b: {  	s9 =	sadd.s32 $0xFFFFFEF7, lr;
	s5 =	simm.s32 $0xFFFFFFFF;
	p2 =	slt.u32 s8, $0xFFFFF086  }
0x1c: {  	p1 =	slt.u32 s9, $0xF7A;
	s5 =	simm.s32 @!p2 $0x0  }
0x1d: {  	s5 =	simm.s32 @p1 $0x1;
	p0 =	seq.s32 s7, s2  }
0x1e: {  	s7 =	smul.u32 @!p0 $0xF7A, s2;
	p2 =	seq.s32 @!p0 s5, $0x0  }
0x1f: {  	s9 =	smul.u32 $0xF7A, s1;
	s8 =	simm.s32 @!p0 $0x1BF5;
	p2 =	por !p2, p0  }
0x20: {  	[sflag:s8] =	ssyncset.s32 @!p0 $0xFFFFF086;
	s6 =	sadd.s32 @!p0 s3, s7;
	s7 =	simm.s32 @!p0 $0x108  }
0x21: {  	s3 =	sadd.s32 s3, s9;
	s6 =	sadd.s32 @!p0 $0x88, s6;
	s7 =	simm.s32 @p2 $0x1082  }
0x22: {  	[simem:s7], [sflag:s8] =	dma.local @!p0 [hbm:s6], $0xF7A  }
0x23: {  	s9 =	sor.u32 $0xD0000000, s2;
	s6 =	simm.s32 $0x108;
	_ =	swait.ge @!p0 [sflag:s8], $0x0  }
0x24: {  	s3 =	sadd.s32 $0x88, s3;
	s6 =	simm.s32 @!p1 $0x1082;
	[sflag:s4] =	ssyncset.s32 $0xFFFFF086  }
0x25: {  	[simem:s6], [sflag:s4] =	dma.local [hbm:s3], $0xF7A  }
0x26: {  	[smem:$0x3F9F] =	sst s1;
	(tag) =	ssettag s2;
	_ =	strace s9  }
0x27: {  	s1 =	sld [smem:$0x3FAF]  }
0x28: {  	s2 =	sld [smem:$0x3FB0]  }
0x29: {  	s4 =	sld [smem:$0x3FB2]  }
0x2a: {  	p0 =	seq.s32 s5, $0x0;
	s5 =	sld [smem:$0x3FB3]  }
0x2b: {  	s6 =	sld [smem:$0x3FB4]  }
0x2c: {  	s7 =	sld [smem:$0x3FB5]  }
0x2d: {  	s3 =	simm.s32 $0x108;
	s8 =	sld [smem:$0x3FB6]  }
0x2e: {  	s3 =	simm.s32 @!p0 $0x1082;
	s9 =	sld [smem:$0x3FB7]  }
0x2f: {  	lr =	sadd.s32 s0, s3;
	s0 =	sld [smem:$0x3FAE]  }
0x30: {  	s3 =	sld [smem:$0x3FB1]  }
0x31: {  	[smem:$0x3FBA] =	sst s10  }
0x32: {  	s10 =	sld [smem:$0x3FB8];
	_ =	sdelay $0x3  }
0x33: {  	p0 =	seq.s32 s10, $0x1;
	s10 =	sld [smem:$0x3FBA];
	_ =	sdelay $0x3  }
0x34: {  	[smem:$0x3FBA] =	sst s10  }
0x35: {  	s10 =	sld [smem:$0x3FB9];
	_ =	sdelay $0x3  }
0x36: {  	p1 =	seq.s32 s10, $0x1;
	s10 =	sld [smem:$0x3FBA];
	_ =	sdelay $0x3  }
0x37: {  	[smem:$0x3FBA] =	sst s10  }
0x38: {  	s10 =	sld [smem:$0x3FBB]  }
0x39: {  	_ = 	snop;
	(pc) =	sbr.ind lr, $3  }
0x3a: {  	_ = 	snop  }
0x3b: {  	_ = 	snop  }
0x3c: {  	p2 =	seq.s32 s10, $0x1;
	s10 =	sld [smem:$0x3FBA]  }
0x3d: {  	_ =	shalt  }
0x3e: {  	_ =	shalt  }
0x3f: {  	_ =	shalt  }
0x40: {  	_ =	shalt  }
0x41: {  	_ =	shalt  }
0x42: {  	_ =	shalt  }
0x43: {  	_ =	shalt  }
0x44: {  	_ =	shalt  }
0x45: {  	_ =	shalt  }
0x46: {  	_ =	shalt  }
0x47: {  	_ =	shalt  }
0x48: {  	_ =	shalt  }
0x49: {  	_ =	shalt  }
0x4a: {  	_ =	shalt  }
0x4b: {  	_ =	shalt  }
0x4c: {  	_ =	shalt  }
0x4d: {  	_ =	shalt  }
0x4e: {  	_ =	shalt  }
0x4f: {  	_ =	shalt  }
0x50: {  	_ =	shalt  }
0x51: {  	_ =	shalt  }
0x52: {  	_ =	shalt  }
0x53: {  	_ =	shalt  }
0x54: {  	_ =	shalt  }
0x55: {  	_ =	shalt  }
0x56: {  	_ =	shalt  }
0x57: {  	_ =	shalt  }
0x58: {  	_ =	shalt  }
0x59: {  	_ =	shalt  }
0x5a: {  	_ =	shalt  }
0x5b: {  	_ =	shalt  }
0x5c: {  	_ =	shalt  }
0x5d: {  	_ =	shalt  }
0x5e: {  	_ =	shalt  }
0x5f: {  	_ =	shalt  }
0x60: {  	_ =	shalt  }
0x61: {  	_ =	shalt  }
0x62: {  	_ =	shalt  }
0x63: {  	_ =	shalt  }
0x64: {  	_ =	shalt  }
0x65: {  	_ =	shalt  }
0x66: {  	_ =	shalt  }
0x67: {  	_ =	shalt  }
0x68: {  	_ =	shalt  }
0x69: {  	_ =	shalt  }
0x6a: {  	_ =	shalt  }
0x6b: {  	_ =	shalt  }
0x6c: {  	_ =	shalt  }
0x6d: {  	_ =	shalt  }
0x6e: {  	_ =	shalt  }
0x6f: {  	_ =	shalt  }
0x70: {  	_ =	shalt  }
0x71: {  	_ =	shalt  }
0x72: {  	_ =	shalt  }
0x73: {  	_ =	shalt  }
0x74: {  	_ =	shalt  }
0x75: {  	_ =	shalt  }
0x76: {  	_ =	shalt  }
0x77: {  	_ =	shalt  }
0x78: {  	_ =	shalt  }
0x79: {  	_ =	shalt  }
0x7a: {  	_ =	shalt  }
0x7b: {  	_ =	shalt  }
0x7c: {  	_ =	shalt  }
0x7d: {  	_ =	shalt  }
0x7e: {  	_ =	shalt  }
0x7f: {  	_ =	shalt  }
0x80: {  	_ =	shalt  }
0x81: {  	_ =	shalt  }
0x82: {  	_ =	shalt  }
0x83: {  	_ =	shalt  }
0x84: {  	_ =	shalt  }
0x85: {  	_ =	shalt  }
0x86: {  	_ =	shalt  }
0x87: {  	_ =	shalt  }
.Lfunc_end0:
.L_simem_size_0:
called_computation_lowered:
.L_overlay_start_0:
0x88: {  	s2 =	sld [smem:$0x3FD9]  }
0x89: {  	s3 =	sld [smem:$0x3FFE];
	_ =	sdelay $0x1  }
0x8a: {  	s1 =	srdreg.scid  }
0x8b: {  	s0 =	sand.u32 $0x1, s1  }
0x8c: {  	s17 =	sshll.u32 s0, $0xA;
	s2 =	sadd.s32 s3, s2  }
0x8d: {  	s2 =	sadd.s32 s2, s17  }
0x8e: {  	[smem:$0x3FC6] =	sst s2  }
0x8f: {  	_ = 	snop  }
0x90: {  	s2 =	sld [smem:$0x3FC9]  }
0x91: {  	s18 =	sld [smem:$0x3FD0];
	(tm) =	ssettm $0x1  }
0x92: {  	s4 =	sld [smem:$0x3FFB];
	_ =	sdelay $0x3  }
0x93: {  	_ =	strace s4  }
0x94: {  	s4 =	sld [smem:$0x3FFC];
	_ =	sdelay $0x3  }
0x95: {  	_ =	strace s4  }
0x96: {  	s4 =	sld [smem:$0x3FFD];
	_ =	sdelay $0x3  }
0x97: {  	_ =	strace s4  }
0x98: {  	_ =	strace $0x8FFFFFFF  }
0x99: {  	s19 =	sld [smem:$0x3FDB];
	_ =	sdelay $0x1  }
0x9a: {  	s5 =	simm.s32 $_scs_section_size  }
0x9b: {  	s6 =	simm.s32 $_size__tile_overlayer_lowered;
	s7 =	simm.s32 $_tile_overlayer_lowered  }
0x9c: {  	s22 =	simm.s32 $0x1BFF;
	s21 =	sshll.u32 s7, $0x1;
	s4 =	sadd.s32 s5, s19  }
0x9d: {  	s8 =	simm.s32 $0x0;
	s20 =	sshll.u32 s6, $0x1;
	s6 =	sadd.s32 s21, s4  }
0x9e: {  	[timem:s8], [sflag:s22] =	dma.local [hbm:s6], s20  }
0x9f: {  	_ =	swait.ge [sflag:s22], s20  }
0xa0: {  	s5 =	ssub.s32 $0x0, s20;
	[sflag:s22] =	ssyncset.done $0x0  }
0xa1: {  	[sflag:s22] =	ssyncadd.s32 s5;
	_ =	sdelay $0x1  }
0xa2: {  	s23 =	simm.s32 $0x1B8B  }
0xa3: {  	_ =	swait.ge [sflag:s23], $0x1  }
0xa4: {  	[sflag:s23] =	ssyncset.done $0x0  }
0xa5: {  	s25 =	simm.s32 $0x1B8E;
	s24 =	sld [smem:$0x3FFE];
	[sflag:s23] =	ssyncadd.s32 $0xFFFFFFFF  }
0xa6: {  	s26 =	simm.s32 $execute0_lowered;
	[smem:$0x3FD2] =	sst s25  }
0xa7: {  	s6 =	sshll.u32 s26, $0x1;
	_ =	strace $0x80000046;
	[dreg:$0x1] =	wrdreg $0xFFFFFFFF  }
0xa8: {  	s28 =	simm.s32 $_size_execute0_lowered;
	s4 =	sadd.s32 s4, s6;
	[dreg:$0x0] =	wrdreg $0x0  }
0xa9: {  	s6 =	sshll.u32 s28, $0x1;
	[dreg:$0x2] =	wrdreg s4  }
0xaa: {  	[dreg:$0x3] =	wrdreg s6  }
0xab: {  	[dreg:$0x4] =	wrdreg $0xC0  }
0xac: {  	_ =	task [dreg:s8], $0x5FFFF  }
0xad: {  	[dreg:$0x1] =	wrdreg $0xFFFFFFFF  }
0xae: {  	[dreg:$0x0] =	wrdreg $0x60  }
0xaf: {  	[dreg:$0x2] =	wrdreg s2  }
0xb0: {  	[dreg:$0x3] =	wrdreg s18  }
0xb1: {  	[dreg:$0x4] =	wrdreg s24  }
0xb2: {  	[dreg:$0x5] =	wrdreg $0x9  }
0xb3: {  	_ =	task.clear_ibuf [dreg:s8], $0x6FFFF;
	_ =	strace $0x90000046  }
0xb4: {  	s29 =	simm.s32 $0x9;
	_ =	strace $0x80000048  }
0xb5: {  	_ =	swait.ge [sflag:s29], $0x1  }
0xb6: {  	[sflag:s29] =	ssyncadd.s32 $0xFFFFFFFF  }
0xb7: {  	_ =	strace $0x90000048  }
0xb8: {  	_ =	sfence  }
0xb9: {  	s30 =	sld [smem:$0x0];
	_ =	sdelay $0x2  }
0xba: {  	s31 =	sshll.u32 s1, $0xD;
	s1 =	sshrl.u32 s1, $0x2  }
0xbb: {  	s3 =	sand.u32 $0x4000, s31;
	s1 =	sadd.s32 s1, s30  }
0xbc: {  	s0 =	sor.u32 s3, s0;
	s1 =	sshll.u32 s1, $0x11  }
0xbd: {  	s0 =	sor.u32 s1, s0  }
0xbe: {  	s0 =	sadd.s32 $0x8F2B, s0  }
0xbf: {  	[sflag:s0] =	ssyncadd.remote.s32 $0x1  }
0xc0: {  	_ =	sfence.sel $0xFFFF  }
0xc1: {  	[dreg:$0x0] =	wrdreg $0xFFFFFFFF;
	(pc) =	sbr.abs _section_cstart, $3  }
0xc2: {  	[dreg:$0x1] =	wrdreg $0xFFFFFFFF  }
0xc3: {  	_ =	task.clear_ibuf [dreg:s8], $0x2FFFF;
	_ =	strace $0x9FFFFFFF  }
0xc4: {  	(tm) =	ssettm $0x7FFFFFFF  }
0xc5: {  	_ =	shalt  }
tec
execute0_lowered:
.L_overlay_start_1:
0x0: {  	(tag) =	ssettag $0x1  }
0x1: {  	s3 =	rddreg [dreg:$0x1]  }
0x2: {  	s2 =	rddreg [dreg:$0x2];
	s4 =	srdreg.scid;
	s1 =	simm.s32 $0x0  }
0x3: {  	s0 =	stileid.u32;
	s28 =	simm.s32 $0x2;
	s31 =	simm.s32 $0x3  }
0x4: {  	s30 =	simm.s32 $0x6;
	s6 =	sand.u32 $0x1, s4;
	s7 =	smul.u32 $0x1C0000, s0  }
0x5: {  	[smem:$0x7FF] =	sst s1;
	s5 =	sadd.s32 $0x600, s2;
	s10 =	smul.u32 $0x38000, s0  }
0x6: {  	s19 =	sshll.u32 s0, $0xC;
	s4 =	ssub.s32 $0x2, s6;
	s9 =	smul.u32 $0xE0000, s6  }
0x7: {  	s11 =	sshll.u32 s6, $0xB;
	s12 =	smul.u32 $0x1C000, s6;
	s8 =	sshrl.u32 s4, $0x1  }
0x8: {  	s20 =	sor.u32 s11, s19;
	s21 =	sadd.s32 s10, s5;
	s6 =	sadd.s32 s9, s7  }
0x9: {  	s4 =	ssub.s32 s4, s8;
	s3 =	sadd.s32 s3, s20;
	s9 =	sor.u32 $0x1880, s6  }
0xa: {  	[dreg:$0x4] =	wrdreg s3;
	s3 =	sadd.s32 s12, s21;
	s23 =	sor.u32 $0x1800, s6  }
0xb: {  	s24 =	sor.u32 $0x1780, s6;
	s25 =	sor.u32 $0x400, s6;
	s10 =	sor.u32 $0x580, s6  }
0xc: {  	s13 =	sor.u32 $0x600, s6;
	s14 =	sor.u32 $0x680, s6;
	s15 =	sor.u32 $0x700, s6  }
0xd: {  	s18 =	sor.u32 $0x780, s6;
	s19 =	sor.u32 $0x800, s6;
	s20 =	sor.u32 $0x880, s6  }
0xe: {  	s22 =	sshrl.u32 s9, $0x3;
	s8 =	sshrl.u32 s24, $0x3;
	s29 =	sshrl.u32 s25, $0x3  }
0xf: {  	s9 =	sor.u32 $0x500, s6;
	s12 =	sshrl.u32 s10, $0x3;
	s17 =	sshrl.u32 s15, $0x3  }
0x10: {  	s24 =	sor.u32 $0x980, s6;
	s25 =	sor.u32 $0xA00, s6;
	s10 =	sor.u32 $0xB80, s6  }
0x11: {  	s15 =	sor.u32 $0xD00, s6;
	s7 =	sadd.s32 s22, s5;
	s26 =	sadd.s32 s8, s5  }
0x12: {  	s8 =	sor.u32 $0x480, s6;
	[dreg:$0x5] =	wrdreg s7;
	s7 =	sshrl.u32 s23, $0x3  }
0x13: {  	s22 =	sshrl.u32 s20, $0x3;
	[dreg:$0x7] =	wrdreg s26;
	s7 =	sadd.s32 s7, s5  }
0x14: {  	s20 =	sor.u32 $0xE80, s6;
	s23 =	sor.u32 $0x900, s6;
	[dreg:$0x6] =	wrdreg s7  }
0x15: {  	s7 =	sadd.s32 s29, s5;
	s29 =	sshrl.u32 s25, $0x3;
	s25 =	sor.u32 $0x1000, s6  }
0x16: {  	[dreg:$0x8] =	wrdreg s7;
	s7 =	sshrl.u32 s8, $0x3;
	s8 =	sshrl.u32 s9, $0x3  }
0x17: {  	s9 =	sor.u32 $0xB00, s6;
	s7 =	sadd.s32 s7, s5;
	s11 =	sadd.s32 s8, s5  }
0x18: {  	s8 =	sshrl.u32 s14, $0x3;
	s14 =	sor.u32 $0xC80, s6;
	[dreg:$0x9] =	wrdreg s7  }
0x19: {  	[dreg:$0xa] =	wrdreg s11;
	s7 =	sadd.s32 s12, s5;
	s16 =	sadd.s32 s8, s5  }
0x1a: {  	s8 =	sshrl.u32 s19, $0x3;
	s12 =	sshrl.u32 s10, $0x3;
	s19 =	sor.u32 $0xE00, s6  }
0x1b: {  	s10 =	sor.u32 $0x1180, s6;
	[dreg:$0xb] =	wrdreg s7;
	s7 =	sshrl.u32 s13, $0x3  }
0x1c: {  	[dreg:$0xd] =	wrdreg s16;
	s21 =	sadd.s32 s8, s5;
	s8 =	sshrl.u32 s24, $0x3  }
0x1d: {  	s13 =	sor.u32 $0xC00, s6;
	s7 =	sadd.s32 s7, s5;
	[dreg:$0x10] =	wrdreg s21  }
0x1e: {  	s24 =	sor.u32 $0xF80, s6;
	[dreg:$0xc] =	wrdreg s7;
	s7 =	sadd.s32 s17, s5  }
0x1f: {  	s26 =	sadd.s32 s8, s5;
	[dreg:$0xe] =	wrdreg s7;
	s7 =	sshrl.u32 s18, $0x3  }
0x20: {  	s8 =	sor.u32 $0xA80, s6;
	[dreg:$0x13] =	wrdreg s26;
	s7 =	sadd.s32 s7, s5  }
0x21: {  	s17 =	sshrl.u32 s15, $0x3;
	[dreg:$0xf] =	wrdreg s7;
	s7 =	sadd.s32 s22, s5  }
0x22: {  	s15 =	sor.u32 $0x1300, s6;
	[dreg:$0x11] =	wrdreg s7;
	s7 =	sshrl.u32 s23, $0x3  }
0x23: {  	s18 =	sor.u32 $0xD80, s6;
	s22 =	sshrl.u32 s20, $0x3;
	s7 =	sadd.s32 s7, s5  }
0x24: {  	s23 =	sor.u32 $0xF00, s6;
	[dreg:$0x12] =	wrdreg s7;
	s7 =	sadd.s32 s29, s5  }
0x25: {  	s29 =	sshrl.u32 s25, $0x3;
	[dreg:$0x14] =	wrdreg s7;
	s7 =	sshrl.u32 s8, $0x3  }
0x26: {  	s8 =	sshrl.u32 s9, $0x3;
	s9 =	sor.u32 $0x1100, s6;
	s7 =	sadd.s32 s7, s5  }
0x27: {  	s11 =	sadd.s32 s8, s5;
	s8 =	sshrl.u32 s14, $0x3;
	[dreg:$0x15] =	wrdreg s7  }
0x28: {  	s14 =	sor.u32 $0x1280, s6;
	[dreg:$0x16] =	wrdreg s11;
	s7 =	sadd.s32 s12, s5  }
0x29: {  	s16 =	sadd.s32 s8, s5;
	s8 =	sshrl.u32 s19, $0x3;
	[dreg:$0x17] =	wrdreg s7  }
0x2a: {  	s7 =	sshrl.u32 s13, $0x3;
	[dreg:$0x19] =	wrdreg s16;
	s21 =	sadd.s32 s8, s5  }
0x2b: {  	s12 =	sshrl.u32 s10, $0x3;
	s7 =	sadd.s32 s7, s5;
	[dreg:$0x1c] =	wrdreg s21  }
0x2c: {  	s8 =	sshrl.u32 s24, $0x3;
	[dreg:$0x18] =	wrdreg s7;
	s7 =	sadd.s32 s17, s5  }
0x2d: {  	s26 =	sadd.s32 s8, s5;
	[dreg:$0x1a] =	wrdreg s7;
	s7 =	sshrl.u32 s18, $0x3  }
0x2e: {  	s19 =	sor.u32 $0x1400, s6;
	[dreg:$0x1f] =	wrdreg s26;
	s7 =	sadd.s32 s7, s5  }
0x2f: {  	s13 =	sor.u32 $0x1200, s6;
	[dreg:$0x1b] =	wrdreg s7;
	s7 =	sadd.s32 s22, s5  }
0x30: {  	s8 =	sor.u32 $0x1080, s6;
	[dreg:$0x1d] =	wrdreg s7;
	s7 =	sshrl.u32 s23, $0x3  }
0x31: {  	s17 =	sshrl.u32 s15, $0x3;
	s26 =	sor.u32 $0x1680, s6;
	s7 =	sadd.s32 s7, s5  }
0x32: {  	s18 =	sor.u32 $0x1380, s6;
	[dreg:$0x1e] =	wrdreg s7;
	s7 =	sadd.s32 s29, s5  }
0x33: {  	s22 =	sor.u32 $0x1500, s6;
	[smem:$0x7EE] =	sst s7;
	s7 =	sshrl.u32 s8, $0x3  }
0x34: {  	s23 =	sor.u32 $0x1580, s6;
	s8 =	sshrl.u32 s9, $0x3;
	s7 =	sadd.s32 s7, s5  }
0x35: {  	s29 =	smax.u32 s4, $0x1;
	s11 =	sadd.s32 s8, s5;
	[smem:$0x7EF] =	sst s7  }
0x36: {  	s8 =	sshrl.u32 s14, $0x3;
	[smem:$0x7F0] =	sst s11;
	s7 =	sadd.s32 s12, s5  }
0x37: {  	s4 =	simm.s32 $0x7;
	s16 =	sadd.s32 s8, s5;
	[smem:$0x7F1] =	sst s7  }
0x38: {  	s8 =	sshrl.u32 s19, $0x3;
	s7 =	sshrl.u32 s13, $0x3;
	[smem:$0x7F3] =	sst s16  }
0x39: {  	s13 =	sor.u32 $0x1480, s6;
	s20 =	sadd.s32 s8, s5;
	s8 =	sshrl.u32 s23, $0x3  }
0x3a: {  	s16 =	sor.u32 $0x1600, s6;
	s7 =	sadd.s32 s7, s5;
	[smem:$0x7F6] =	sst s20  }
0x3b: {  	s6 =	sor.u32 $0x1700, s6;
	[smem:$0x7F2] =	sst s7;
	s7 =	sadd.s32 s17, s5  }
0x3c: {  	s24 =	sadd.s32 s8, s5;
	[smem:$0x7F4] =	sst s7;
	s7 =	sshrl.u32 s18, $0x3  }
0x3d: {  	s21 =	sshrl.u32 s13, $0x3;
	[smem:$0x7F9] =	sst s24;
	s7 =	sadd.s32 s7, s5  }
0x3e: {  	s25 =	sshrl.u32 s16, $0x3;
	[smem:$0x7F5] =	sst s7;
	s7 =	sadd.s32 s21, s5  }
0x3f: {  	s6 =	sshrl.u32 s6, $0x3;
	[smem:$0x7F7] =	sst s7;
	s7 =	sshrl.u32 s22, $0x3  }
0x40: {  	s20 =	sadd.s32 $0x400, s2;
	s17 =	rddreg [dreg:$0x0];
	s7 =	sadd.s32 s7, s5  }
0x41: {  	s13 =	simm.s32 $0x10400;
	[smem:$0x7F8] =	sst s7;
	s7 =	sadd.s32 s25, s5  }
.Ltmp0:
0x42: {  	[smem:$0x7FA] =	sst s7;
	s7 =	sshrl.u32 s26, $0x3;
	(pc) =	sbr.rel .LBB2_1-.Ltmp0, $4  }
0x43: {  	s21 =	simm.s32 $0x32;
	s22 =	simm.s32 $0x4;
	s7 =	sadd.s32 s7, s5  }
0x44: {  	s25 =	simm.s32 $0x8;
	s5 =	sadd.s32 s6, s5;
	[smem:$0x7FB] =	sst s7  }
0x45: {  	s26 =	simm.s32 $0x5;
	s6 =	simm.s32 $0xE800;
	[smem:$0x7FC] =	sst s5  }
0x46: {  	s5 =	simm.s32 $0x0;
	_ =	strace $0x80000047;
	[smem:$0x7FD] =	sst s29  }
.LBB2_8:
0x47: {  	s5 =	sld [smem:$0x7ED]  }
0x48: {  	s2 =	sld [smem:$0x7FD];
	_ =	sdelay $0x1  }
0x49: {  	s5 =	sadd.s32 $0x1, s5  }
0x4a: {  	p0 =	sne.s32 s5, s2  }
.Ltmp1:
0x4b: {  	_ = 	snop;
	(pc) =	sbr.rel @!p0 .LBB2_9-.Ltmp1, $1  }
0x4c: {  	_ =	sdelay $0x3  }
.LBB2_1:
0x4d: {  	[smem:$0x7ED] =	sst s5  }
0x4e: {  	s7 =	rddreg [dreg:$0x4];
	s2 =	simm.s32 $0x11  }
0x4f: {  	[tilespmem:s1], [sflag:$0x11] =	stream.linear.gather [hbm4b:s7+s1], $0x4000, $0x38;
	v63 =	vld [tilespmem:$0x0]  }
0x50: {  	_ =	swait.ge [sflag:s2], $0x4000  }
0x51: {  	[sflag:s2] =	ssyncset.done $0x0  }
0x52: {  	s8 =	simm.s32 $0x4000;
	[sflag:s2] =	ssyncadd.s32 $0xFFFFC000  }
0x53: {  	[tilespmem:s8], [sflag:$0x1] =	stream.indirect.gather [hbm4b:s17+s21], $0x80, s1, s21, $0xb8;
	v63 =	vld [tilespmem:$0x0]  }
0x54: {  	s9 =	simm.s32 $0x80;
	s10 =	simm.s32 $0x5C00  }
0x55: {  	[tilespmem:s10], [sflag:$0x1] =	stream.indirect.gather [hbm4b:s17+s21], $0x80, s9, s21, $0xb8;
	v63 =	vld [tilespmem:$0x0]  }
0x56: {  	s11 =	simm.s32 $0x100;
	s12 =	simm.s32 $0x7800  }
0x57: {  	[tilespmem:s12], [sflag:$0x2] =	stream.indirect.gather [hbm4b:s17+s21], $0x80, s11, s21, $0xb8;
	v63 =	vld [tilespmem:$0x0]  }
0x58: {  	s14 =	simm.s32 $0x180;
	s15 =	simm.s32 $0x9400  }
0x59: {  	[tilespmem:s15], [sflag:$0x2] =	stream.indirect.gather [hbm4b:s17+s21], $0x80, s14, s21, $0xb8;
	v63 =	vld [tilespmem:$0x0]  }
0x5a: {  	s16 =	simm.s32 $0x200;
	s18 =	simm.s32 $0xB000  }
0x5b: {  	[tilespmem:s18], [sflag:$0x3] =	stream.indirect.gather [hbm4b:s17+s21], $0x80, s16, s21, $0xb8;
	v63 =	vld [tilespmem:$0x0]  }
0x5c: {  	s19 =	simm.s32 $0x280;
	s23 =	simm.s32 $0xCC00  }
0x5d: {  	[tilespmem:s23], [sflag:$0x3] =	stream.indirect.gather [hbm4b:s17+s21], $0x80, s19, s21, $0xb8;
	v63 =	vld [tilespmem:$0x0]  }
0x5e: {  	s24 =	simm.s32 $0x300  }
0x5f: {  	[tilespmem:s6], [sflag:$0x4] =	stream.indirect.gather [hbm4b:s17+s21], $0x80, s24, s21, $0xb8;
	v63 =	vld [tilespmem:$0x0]  }
0x60: {  	s29 =	simm.s32 $0x380;
	s5 =	smov.u32 s3;
	s7 =	simm.s32 $0x0  }
0x61: {  	[tilespmem:s13], [sflag:$0x4] =	stream.indirect.gather [hbm4b:s17+s21], $0x80, s29, s21, $0xb8;
	v63 =	vld [tilespmem:$0x0]  }
.LBB2_2:
0x62: {  	s2 =	simm.s32 $0x1  }
0x63: {  	_ =	swait.ge [sflag:s2], $0x1900  }
0x64: {  	[sflag:s2] =	ssyncset.done $0x0  }
0x65: {  	[sflag:s2] =	ssyncadd.s32 $0xFFFFE700  }
0x66: {  	_ =	swait.ge [sflag:s2], $0x1900  }
0x67: {  	[sflag:s2] =	ssyncset.done $0x0  }
0x68: {  	s16 =	simm.s32 $0x4000;
	p0 =	seq.s32 s7, $0x0;
	[sflag:s2] =	ssyncadd.s32 $0xFFFFE700  }
0x69: {  	[hbm4b:s5+s1] =	stream.linear.scatter [tilespmem:s16], [sflag:$0x9], $0x1900, $0x38;
	v63 =	vld [tilespmem:$0x0]  }
0x6a: {  	s8 =	sadd.s32 $0x380, s5;
	s18 =	simm.s32 $0x5C00;
	s9 =	simm.s32 @!p0 $0xD  }
0x6b: {  	[hbm4b:s8+s1] =	stream.linear.scatter [tilespmem:s18], [sflag:$0x9], $0x1900, $0x38;
	v63 =	vld [tilespmem:$0x0]  }
0x6c: {  	_ =	swait.ge @!p0 [sflag:s9], $0x3200  }
0x6d: {  	s8 =	sshra.s32 s7, $0x2;
	[sflag:s9] =	ssyncset.done @!p0 $0x0  }
0x6e: {  	s10 =	simm.s32 $0x12000;
	s19 =	sadd.s32 $0x400, s8;
	[sflag:s9] =	ssyncadd.s32 @!p0 $0xFFFFCE00  }
0x6f: {  	[tilespmem:s10], [sflag:$0x5] =	stream.indirect.gather [hbm4b:s17+s21], $0x80, s19, s21, $0xb8;
	v63 =	vld [tilespmem:$0x0]  }
0x70: {  	s11 =	simm.s32 $0x13C00;
	s23 =	sadd.s32 $0x480, s8  }
0x71: {  	[tilespmem:s11], [sflag:$0x5] =	stream.indirect.gather [hbm4b:s17+s21], $0x80, s23, s21, $0xb8;
	v63 =	vld [tilespmem:$0x0]  }
0x72: {  	_ =	swait.ge [sflag:s28], $0x1900  }
0x73: {  	[sflag:s28] =	ssyncset.done $0x0  }
0x74: {  	[sflag:s28] =	ssyncadd.s32 $0xFFFFE700  }
0x75: {  	_ =	swait.ge [sflag:s28], $0x1900  }
0x76: {  	[sflag:s28] =	ssyncset.done $0x0  }
0x77: {  	s24 =	sadd.s32 $0x700, s5;
	s29 =	simm.s32 $0x7800;
	[sflag:s28] =	ssyncadd.s32 $0xFFFFE700  }
0x78: {  	[hbm4b:s24+s1] =	stream.linear.scatter [tilespmem:s29], [sflag:$0xA], $0x1900, $0x38;
	v63 =	vld [tilespmem:$0x0]  }
0x79: {  	s12 =	sadd.s32 $0xA80, s5;
	s14 =	simm.s32 $0x9400;
	s9 =	simm.s32 @!p0 $0xE  }
0x7a: {  	[hbm4b:s12+s1] =	stream.linear.scatter [tilespmem:s14], [sflag:$0xA], $0x1900, $0x38;
	v63 =	vld [tilespmem:$0x0]  }
0x7b: {  	_ =	swait.ge @!p0 [sflag:s9], $0x3200  }
0x7c: {  	[sflag:s9] =	ssyncset.done @!p0 $0x0  }
0x7d: {  	s15 =	sadd.s32 $0x500, s8;
	s14 =	simm.s32 $0x15800;
	[sflag:s9] =	ssyncadd.s32 @!p0 $0xFFFFCE00  }
0x7e: {  	[tilespmem:s14], [sflag:$0x6] =	stream.indirect.gather [hbm4b:s17+s21], $0x80, s15, s21, $0xb8;
	v63 =	vld [tilespmem:$0x0]  }
0x7f: {  	s16 =	sadd.s32 $0x580, s8;
	s15 =	simm.s32 $0x17400  }
0x80: {  	[tilespmem:s15], [sflag:$0x6] =	stream.indirect.gather [hbm4b:s17+s21], $0x80, s16, s21, $0xb8;
	v63 =	vld [tilespmem:$0x0]  }
0x81: {  	_ =	swait.ge [sflag:s31], $0x1900  }
0x82: {  	[sflag:s31] =	ssyncset.done $0x0  }
0x83: {  	[sflag:s31] =	ssyncadd.s32 $0xFFFFE700  }
0x84: {  	_ =	swait.ge [sflag:s31], $0x1900  }
0x85: {  	[sflag:s31] =	ssyncset.done $0x0  }
0x86: {  	s18 =	sadd.s32 $0xE00, s5;
	s19 =	simm.s32 $0xB000;
	[sflag:s31] =	ssyncadd.s32 $0xFFFFE700  }
0x87: {  	[hbm4b:s18+s1] =	stream.linear.scatter [tilespmem:s19], [sflag:$0xB], $0x1900, $0x38;
	v63 =	vld [tilespmem:$0x0]  }
0x88: {  	s23 =	sadd.s32 $0x1180, s5;
	s24 =	simm.s32 $0xCC00;
	s9 =	simm.s32 @!p0 $0xF  }
0x89: {  	[hbm4b:s23+s1] =	stream.linear.scatter [tilespmem:s24], [sflag:$0xB], $0x1900, $0x38;
	v63 =	vld [tilespmem:$0x0]  }
0x8a: {  	_ =	swait.ge @!p0 [sflag:s9], $0x3200  }
0x8b: {  	[sflag:s9] =	ssyncset.done @!p0 $0x0  }
0x8c: {  	s2 =	simm.s32 $0x19000;
	s29 =	sadd.s32 $0x600, s8;
	[sflag:s9] =	ssyncadd.s32 @!p0 $0xFFFFCE00  }
0x8d: {  	[tilespmem:s2], [sflag:$0x7] =	stream.indirect.gather [hbm4b:s17+s21], $0x80, s29, s21, $0xb8;
	v63 =	vld [tilespmem:$0x0]  }
0x8e: {  	s12 =	sadd.s32 $0x680, s8;
	s16 =	simm.s32 $0x1AC00  }
0x8f: {  	[tilespmem:s16], [sflag:$0x7] =	stream.indirect.gather [hbm4b:s17+s21], $0x80, s12, s21, $0xb8;
	v63 =	vld [tilespmem:$0x0]  }
0x90: {  	_ =	swait.ge [sflag:s22], $0x1900  }
0x91: {  	[sflag:s22] =	ssyncset.done $0x0  }
0x92: {  	[sflag:s22] =	ssyncadd.s32 $0xFFFFE700  }
0x93: {  	_ =	swait.ge [sflag:s22], $0x1900  }
0x94: {  	[sflag:s22] =	ssyncset.done $0x0  }
0x95: {  	s18 =	sadd.s32 $0x1500, s5;
	[sflag:s22] =	ssyncadd.s32 $0xFFFFE700  }
0x96: {  	[hbm4b:s18+s1] =	stream.linear.scatter [tilespmem:s6], [sflag:$0xC], $0x1900, $0x38;
	v63 =	vld [tilespmem:$0x0]  }
0x97: {  	s19 =	sadd.s32 $0x1880, s5;
	s9 =	simm.s32 @!p0 $0x10  }
0x98: {  	[hbm4b:s19+s1] =	stream.linear.scatter [tilespmem:s13], [sflag:$0xC], $0x1900, $0x38;
	v63 =	vld [tilespmem:$0x0]  }
0x99: {  	_ =	swait.ge @!p0 [sflag:s9], $0x3200  }
0x9a: {  	[sflag:s9] =	ssyncset.done @!p0 $0x0  }
0x9b: {  	s23 =	sadd.s32 $0x700, s8;
	s18 =	simm.s32 $0x1C800;
	[sflag:s9] =	ssyncadd.s32 @!p0 $0xFFFFCE00  }
0x9c: {  	[tilespmem:s18], [sflag:$0x8] =	stream.indirect.gather [hbm4b:s17+s21], $0x80, s23, s21, $0xb8;
	v63 =	vld [tilespmem:$0x0]  }
0x9d: {  	s24 =	sadd.s32 $0x780, s8;
	s19 =	simm.s32 $0x1E400  }
0x9e: {  	[tilespmem:s19], [sflag:$0x8] =	stream.indirect.gather [hbm4b:s17+s21], $0x80, s24, s21, $0xb8;
	v63 =	vld [tilespmem:$0x0]  }
0x9f: {  	_ =	swait.ge [sflag:s26], $0x1900  }
0xa0: {  	[sflag:s26] =	ssyncset.done $0x0  }
0xa1: {  	[sflag:s26] =	ssyncadd.s32 $0xFFFFE700  }
0xa2: {  	_ =	swait.ge [sflag:s26], $0x1900  }
0xa3: {  	[sflag:s26] =	ssyncset.done $0x0  }
0xa4: {  	s29 =	sadd.s32 $0x1C00, s5;
	[sflag:s26] =	ssyncadd.s32 $0xFFFFE700  }
0xa5: {  	[hbm4b:s29+s1] =	stream.linear.scatter [tilespmem:s10], [sflag:$0xD], $0x1900, $0x38;
	v63 =	vld [tilespmem:$0x0]  }
0xa6: {  	s12 =	sadd.s32 $0x1F80, s5;
	p0 =	seq.s32 s7, $0xE000;
	s23 =	simm.s32 $0x9  }
0xa7: {  	[hbm4b:s12+s1] =	stream.linear.scatter [tilespmem:s11], [sflag:$0xD], $0x1900, $0x38;
	v63 =	vld [tilespmem:$0x0]  }
0xa8: {  	s9 =	sshra.s32 @!p0 s7, $0x2;
	_ =	swait.ge [sflag:s23], $0x3200  }
0xa9: {  	s10 =	sadd.s32 @!p0 $0x800, s9;
	[sflag:s23] =	ssyncset.done $0x0  }
0xaa: {  	s11 =	simm.s32 @!p0 $0x32;
	s12 =	simm.s32 @!p0 $0x4000;
	[sflag:s23] =	ssyncadd.s32 $0xFFFFCE00  }
0xab: {  	[tilespmem:s12], [sflag:$0x1] =	stream.indirect.gather @!p0 [hbm4b:s17+s11], $0x80, s10, s11, $0xb8;
	v63 =	vld [tilespmem:$0x0]  }
0xac: {  	s10 =	sadd.s32 @!p0 $0x880, s9;
	s12 =	simm.s32 @!p0 $0x5C00  }
0xad: {  	[tilespmem:s12], [sflag:$0x1] =	stream.indirect.gather @!p0 [hbm4b:s17+s11], $0x80, s10, s11, $0xb8;
	v63 =	vld [tilespmem:$0x0]  }
0xae: {  	_ =	swait.ge [sflag:s30], $0x1900  }
0xaf: {  	[sflag:s30] =	ssyncset.done $0x0  }
0xb0: {  	[sflag:s30] =	ssyncadd.s32 $0xFFFFE700  }
0xb1: {  	_ =	swait.ge [sflag:s30], $0x1900  }
0xb2: {  	[sflag:s30] =	ssyncset.done $0x0  }
0xb3: {  	s24 =	sadd.s32 $0x2300, s5;
	[sflag:s30] =	ssyncadd.s32 $0xFFFFE700  }
0xb4: {  	[hbm4b:s24+s1] =	stream.linear.scatter [tilespmem:s14], [sflag:$0xE], $0x1900, $0x38;
	v63 =	vld [tilespmem:$0x0]  }
0xb5: {  	s29 =	sadd.s32 $0x2680, s5;
	s12 =	simm.s32 $0xA  }
0xb6: {  	[hbm4b:s29+s1] =	stream.linear.scatter [tilespmem:s15], [sflag:$0xE], $0x1900, $0x38;
	v63 =	vld [tilespmem:$0x0]  }
0xb7: {  	_ =	swait.ge [sflag:s12], $0x3200  }
0xb8: {  	[sflag:s12] =	ssyncset.done $0x0  }
0xb9: {  	s10 =	sadd.s32 @!p0 $0x900, s9;
	[sflag:s12] =	ssyncadd.s32 $0xFFFFCE00;
	s12 =	simm.s32 @!p0 $0x7800  }
0xba: {  	[tilespmem:s12], [sflag:$0x2] =	stream.indirect.gather @!p0 [hbm4b:s17+s11], $0x80, s10, s11, $0xb8;
	v63 =	vld [tilespmem:$0x0]  }
0xbb: {  	s10 =	sadd.s32 @!p0 $0x980, s9;
	s12 =	simm.s32 @!p0 $0x9400  }
0xbc: {  	[tilespmem:s12], [sflag:$0x2] =	stream.indirect.gather @!p0 [hbm4b:s17+s11], $0x80, s10, s11, $0xb8;
	v63 =	vld [tilespmem:$0x0]  }
0xbd: {  	_ =	swait.ge [sflag:s4], $0x1900  }
0xbe: {  	[sflag:s4] =	ssyncset.done $0x0  }
0xbf: {  	[sflag:s4] =	ssyncadd.s32 $0xFFFFE700  }
0xc0: {  	_ =	swait.ge [sflag:s4], $0x1900  }
0xc1: {  	[sflag:s4] =	ssyncset.done $0x0  }
0xc2: {  	s14 =	sadd.s32 $0x2A00, s5;
	[sflag:s4] =	ssyncadd.s32 $0xFFFFE700  }
0xc3: {  	[hbm4b:s14+s1] =	stream.linear.scatter [tilespmem:s2], [sflag:$0xF], $0x1900, $0x38;
	v63 =	vld [tilespmem:$0x0]  }
0xc4: {  	s15 =	sadd.s32 $0x2D80, s5  }
0xc5: {  	[hbm4b:s15+s1] =	stream.linear.scatter [tilespmem:s16], [sflag:$0xF], $0x1900, $0x38;
	v63 =	vld [tilespmem:$0x0]  }
0xc6: {  	s16 =	simm.s32 $0xB  }
0xc7: {  	_ =	swait.ge [sflag:s16], $0x3200  }
0xc8: {  	[sflag:s16] =	ssyncset.done $0x0  }
0xc9: {  	s10 =	sadd.s32 @!p0 $0xA00, s9;
	s12 =	simm.s32 @!p0 $0xB000;
	[sflag:s16] =	ssyncadd.s32 $0xFFFFCE00  }
0xca: {  	[tilespmem:s12], [sflag:$0x3] =	stream.indirect.gather @!p0 [hbm4b:s17+s11], $0x80, s10, s11, $0xb8;
	v63 =	vld [tilespmem:$0x0]  }
0xcb: {  	s9 =	sadd.s32 @!p0 $0xA80, s9;
	s10 =	simm.s32 @!p0 $0xCC00  }
0xcc: {  	[tilespmem:s10], [sflag:$0x3] =	stream.indirect.gather @!p0 [hbm4b:s17+s11], $0x80, s9, s11, $0xb8;
	v63 =	vld [tilespmem:$0x0]  }
0xcd: {  	_ =	swait.ge [sflag:s25], $0x1900  }
0xce: {  	[sflag:s25] =	ssyncset.done $0x0  }
0xcf: {  	[sflag:s25] =	ssyncadd.s32 $0xFFFFE700  }
0xd0: {  	_ =	swait.ge [sflag:s25], $0x1900  }
0xd1: {  	[sflag:s25] =	ssyncset.done $0x0  }
0xd2: {  	s23 =	sadd.s32 $0x3100, s5;
	[sflag:s25] =	ssyncadd.s32 $0xFFFFE700  }
0xd3: {  	[hbm4b:s23+s1] =	stream.linear.scatter [tilespmem:s18], [sflag:$0x10], $0x1900, $0x38;
	v63 =	vld [tilespmem:$0x0]  }
.Ltmp2:
0xd4: {  	s24 =	sadd.s32 $0x3480, s5;
	s29 =	simm.s32 $0xC;
	(pc) =	sbr.rel @p0 .LBB2_4-.Ltmp2, $4  }
0xd5: {  	[hbm4b:s24+s1] =	stream.linear.scatter [tilespmem:s19], [sflag:$0x10], $0x1900, $0x38;
	v63 =	vld [tilespmem:$0x0]  }
0xd6: {  	_ =	swait.ge [sflag:s29], $0x3200  }
0xd7: {  	[sflag:s29] =	ssyncset.done $0x0  }
0xd8: {  	[sflag:s29] =	ssyncadd.s32 $0xFFFFCE00  }
.Ltmp3:
0xd9: {  	(pc) =	sbr.rel .LBB2_2-.Ltmp3, $4  }
0xda: {  	s9 =	sadd.s32 $0xB00, s8  }
0xdb: {  	[tilespmem:s6], [sflag:$0x4] =	stream.indirect.gather [hbm4b:s17+s21], $0x80, s9, s21, $0xb8;
	v63 =	vld [tilespmem:$0x0]  }
0xdc: {  	s29 =	sadd.s32 $0xB80, s8;
	s7 =	sadd.s32 $0x2000, s7;
	s5 =	sadd.s32 $0x3800, s5  }
0xdd: {  	[tilespmem:s13], [sflag:$0x4] =	stream.indirect.gather [hbm4b:s17+s21], $0x80, s29, s21, $0xb8;
	v63 =	vld [tilespmem:$0x0]  }
.LBB2_4:
0xde: {  	s2 =	simm.s32 $0xD  }
0xdf: {  	_ =	swait.ge [sflag:s2], $0x3200  }
0xe0: {  	[sflag:s2] =	ssyncset.done $0x0  }
0xe1: {  	s23 =	simm.s32 $0xE;
	[sflag:s2] =	ssyncadd.s32 $0xFFFFCE00  }
0xe2: {  	_ =	swait.ge [sflag:s23], $0x3200  }
0xe3: {  	[sflag:s23] =	ssyncset.done $0x0  }
0xe4: {  	s24 =	simm.s32 $0xF;
	[sflag:s23] =	ssyncadd.s32 $0xFFFFCE00  }
0xe5: {  	_ =	swait.ge [sflag:s24], $0x3200  }
.Ltmp4:
0xe6: {  	[sflag:s24] =	ssyncset.done $0x0;
	(pc) =	sbr.rel .LBB2_5-.Ltmp4, $4  }
0xe7: {  	s29 =	simm.s32 $0x10;
	[sflag:s24] =	ssyncadd.s32 $0xFFFFCE00  }
0xe8: {  	_ =	swait.ge [sflag:s29], $0x3200  }
0xe9: {  	[sflag:s29] =	ssyncset.done $0x0  }
0xea: {  	s5 =	simm.s32 $0x0;
	s7 =	simm.s32 $0x20;
	[sflag:s29] =	ssyncadd.s32 $0xFFFFCE00  }
.LBB2_7:
0xeb: {  	s5 =	sadd.s32 $0x380, s5  }
0xec: {  	p0 =	sne.s32 s5, $0x1C000  }
.Ltmp5:
0xed: {  	_ = 	snop;
	(pc) =	sbr.rel @!p0 .LBB2_8-.Ltmp5, $2  }
0xee: {  	_ =	sdelay $0x2  }
0xef: {  	s7 =	sadd.s32 $0x80, s7  }
.LBB2_5:
0xf0: {  	v3 =	vld [tilespmem:s7+$0xFFFFFFE0]  }
0xf1: {  	v2 =	vld [tilespmem:s7+$0xFFFFFFF0];
	_ =	sdelay $0x1  }
0xf2: {  	v1 =	vld [tilespmem:s7+$0x0];
	_ =	sdelay $0x1  }
0xf3: {  	v0 =	vld [tilespmem:s7+$0x2]  }
0xf4: {  	vm0 =	vlt.s32 v3, v2  }
0xf5: {  	v4 =	vsel vm0, v3, v2  }
0xf6: {  	vm0 =	vlt.s32 v4, v1  }
0xf7: {  	v4 =	vsel vm0, v4, v1  }
0xf8: {  	vm0 =	vlt.s32 v4, v0  }
0xf9: {  	v4 =	vsel vm0, v4, v0  }
0xfa: {  	vm0 =	veq.s32 v4, $0x0  }
0xfb: {  	v4 =	vmpcnt.ones.xlane vm0;
	_ =	sdelay $0x1  }
0xfc: {  	(v2sf) =	vpush v4, $0x0;
	_ =	sdelay $0xe  }
0xfd: {  	s8 =	spop (v2sf)  }
0xfe: {  	p0 =	slt.s32 s8, $0x1  }
.Ltmp6:
0xff: {  	_ = 	snop;
	(pc) =	sbr.rel @p0 .LBB2_7-.Ltmp6, $1  }
0x100: {  	_ =	sdelay $0x3  }
0x101: {  	(v2sf) =	vpush v3, $0x0;
	_ =	sdelay $0xe  }
0x102: {  	s8 =	spop (v2sf)  }
0x103: {  	p1 =	sne.s32 s8, $0x0  }
0x104: {  	s8 =	sshll.u32 @!p1 s0, $0x6  }
0x105: {  	s9 =	sadd.s32 @!p1 s5, s3;
	s8 =	sor.u32 @!p1 $0x1C12, s8  }
0x106: {  	[hbm:s9], [sflag:s8] =	dma.local @!p1 [hbm:s20], $0x10  }
0x107: {  	s8 =	simm.s32 @!p1 $0x12  }
0x108: {  	_ =	swait.ge @!p1 [sflag:s8], $0x10  }
0x109: {  	(v2sf) =	vpush v3, $0x1;
	_ =	sdelay $0xe  }
0x10a: {  	s2 =	spop (v2sf)  }
0x10b: {  	p0 =	sne.s32 s2, $0x0  }
0x10c: {  	[sflag:s8] =	ssyncset.done @!p1 $0x0;
	s9 =	sadd.s32 @!p0 s5, s3;
	s10 =	sshll.u32 @!p0 s0, $0x6  }
0x10d: {  	[sflag:s8] =	ssyncadd.s32 @!p1 $0xFFFFFFF0;
	s8 =	sadd.s32 @!p0 $0x10, s9;
	s9 =	sor.u32 @!p0 $0x1C12, s10  }
0x10e: {  	[hbm:s8], [sflag:s9] =	dma.local @!p0 [hbm:s20], $0x10  }
0x10f: {  	s8 =	simm.s32 @!p0 $0x12  }
0x110: {  	_ =	swait.ge @!p0 [sflag:s8], $0x10  }
0x111: {  	(v2sf) =	vpush v3, $0x2;
	_ =	sdelay $0xe  }
0x112: {  	s6 =	spop (v2sf)  }
0x113: {  	p1 =	sne.s32 s6, $0x0  }
0x114: {  	[sflag:s8] =	ssyncset.done @!p0 $0x0;
	s9 =	sadd.s32 @!p1 s5, s3;
	s10 =	sshll.u32 @!p1 s0, $0x6  }
0x115: {  	[sflag:s8] =	ssyncadd.s32 @!p0 $0xFFFFFFF0;
	s8 =	sadd.s32 @!p1 $0x20, s9;
	s9 =	sor.u32 @!p1 $0x1C12, s10  }
0x116: {  	[hbm:s8], [sflag:s9] =	dma.local @!p1 [hbm:s20], $0x10  }
0x117: {  	s8 =	simm.s32 @!p1 $0x12  }
0x118: {  	_ =	swait.ge @!p1 [sflag:s8], $0x10  }
0x119: {  	(v2sf) =	vpush v3, $0x3;
	_ =	sdelay $0xe  }
0x11a: {  	s10 =	spop (v2sf)  }
0x11b: {  	p0 =	sne.s32 s10, $0x0  }
0x11c: {  	[sflag:s8] =	ssyncset.done @!p1 $0x0;
	s9 =	sadd.s32 @!p0 s5, s3;
	s10 =	sshll.u32 @!p0 s0, $0x6  }
0x11d: {  	[sflag:s8] =	ssyncadd.s32 @!p1 $0xFFFFFFF0;
	s8 =	sadd.s32 @!p0 $0x30, s9;
	s9 =	sor.u32 @!p0 $0x1C12, s10  }
0x11e: {  	[hbm:s8], [sflag:s9] =	dma.local @!p0 [hbm:s20], $0x10  }
0x11f: {  	s8 =	simm.s32 @!p0 $0x12  }
0x120: {  	_ =	swait.ge @!p0 [sflag:s8], $0x10  }
0x121: {  	(v2sf) =	vpush v3, $0x4;
	_ =	sdelay $0xe  }
0x122: {  	s11 =	spop (v2sf)  }
0x123: {  	p1 =	sne.s32 s11, $0x0  }
0x124: {  	[sflag:s8] =	ssyncset.done @!p0 $0x0;
	s9 =	sadd.s32 @!p1 s5, s3;
	s10 =	sshll.u32 @!p1 s0, $0x6  }
0x125: {  	[sflag:s8] =	ssyncadd.s32 @!p0 $0xFFFFFFF0;
	s8 =	sadd.s32 @!p1 $0x40, s9;
	s9 =	sor.u32 @!p1 $0x1C12, s10  }
0x126: {  	[hbm:s8], [sflag:s9] =	dma.local @!p1 [hbm:s20], $0x10  }
0x127: {  	s8 =	simm.s32 @!p1 $0x12  }
0x128: {  	_ =	swait.ge @!p1 [sflag:s8], $0x10  }
0x129: {  	(v2sf) =	vpush v3, $0x5;
	_ =	sdelay $0xe  }
0x12a: {  	s12 =	spop (v2sf)  }
0x12b: {  	p0 =	sne.s32 s12, $0x0  }
0x12c: {  	[sflag:s8] =	ssyncset.done @!p1 $0x0;
	s9 =	sadd.s32 @!p0 s5, s3;
	s10 =	sshll.u32 @!p0 s0, $0x6  }
0x12d: {  	[sflag:s8] =	ssyncadd.s32 @!p1 $0xFFFFFFF0;
	s8 =	sadd.s32 @!p0 $0x50, s9;
	s9 =	sor.u32 @!p0 $0x1C12, s10  }
0x12e: {  	[hbm:s8], [sflag:s9] =	dma.local @!p0 [hbm:s20], $0x10  }
0x12f: {  	s8 =	simm.s32 @!p0 $0x12  }
0x130: {  	_ =	swait.ge @!p0 [sflag:s8], $0x10  }
0x131: {  	(v2sf) =	vpush v3, $0x6;
	_ =	sdelay $0xe  }
0x132: {  	s13 =	spop (v2sf)  }
0x133: {  	p1 =	sne.s32 s13, $0x0  }
0x134: {  	[sflag:s8] =	ssyncset.done @!p0 $0x0;
	s9 =	sadd.s32 @!p1 s5, s3;
	s10 =	sshll.u32 @!p1 s0, $0x6  }
0x135: {  	[sflag:s8] =	ssyncadd.s32 @!p0 $0xFFFFFFF0;
	s8 =	sadd.s32 @!p1 $0x60, s9;
	s9 =	sor.u32 @!p1 $0x1C12, s10  }
0x136: {  	[hbm:s8], [sflag:s9] =	dma.local @!p1 [hbm:s20], $0x10  }
0x137: {  	s8 =	simm.s32 @!p1 $0x12  }
0x138: {  	_ =	swait.ge @!p1 [sflag:s8], $0x10  }
0x139: {  	(v2sf) =	vpush v3, $0x7;
	_ =	sdelay $0xe  }
0x13a: {  	s14 =	spop (v2sf)  }
0x13b: {  	p0 =	sne.s32 s14, $0x0  }
0x13c: {  	[sflag:s8] =	ssyncset.done @!p1 $0x0;
	s9 =	sadd.s32 @!p0 s5, s3;
	s10 =	sshll.u32 @!p0 s0, $0x6  }
0x13d: {  	[sflag:s8] =	ssyncadd.s32 @!p1 $0xFFFFFFF0;
	s8 =	sadd.s32 @!p0 $0x70, s9;
	s9 =	sor.u32 @!p0 $0x1C12, s10  }
0x13e: {  	[hbm:s8], [sflag:s9] =	dma.local @!p0 [hbm:s20], $0x10  }
0x13f: {  	s8 =	simm.s32 @!p0 $0x12  }
0x140: {  	_ =	swait.ge @!p0 [sflag:s8], $0x10  }
0x141: {  	(v2sf) =	vpush v3, $0x8;
	_ =	sdelay $0xe  }
0x142: {  	s15 =	spop (v2sf)  }
0x143: {  	[sflag:s8] =	ssyncset.done @!p0 $0x0;
	p1 =	sne.s32 s15, $0x0  }
0x144: {  	[sflag:s8] =	ssyncadd.s32 @!p0 $0xFFFFFFF0;
	s8 =	rddreg [dreg:$0x8];
	s9 =	sshll.u32 @!p1 s0, $0x6  }
0x145: {  	s8 =	sadd.s32 @!p1 s5, s8;
	s9 =	sor.u32 @!p1 $0x1C12, s9  }
0x146: {  	[hbm:s8], [sflag:s9] =	dma.local @!p1 [hbm:s20], $0x10  }
0x147: {  	s8 =	simm.s32 @!p1 $0x12  }
0x148: {  	_ =	swait.ge @!p1 [sflag:s8], $0x10  }
0x149: {  	(v2sf) =	vpush v3, $0x9;
	_ =	sdelay $0xe  }
0x14a: {  	s16 =	spop (v2sf)  }
0x14b: {  	[sflag:s8] =	ssyncset.done @!p1 $0x0;
	p0 =	sne.s32 s16, $0x0  }
0x14c: {  	[sflag:s8] =	ssyncadd.s32 @!p1 $0xFFFFFFF0;
	s8 =	rddreg [dreg:$0x9];
	s9 =	sshll.u32 @!p0 s0, $0x6  }
0x14d: {  	s8 =	sadd.s32 @!p0 s5, s8;
	s9 =	sor.u32 @!p0 $0x1C12, s9  }
0x14e: {  	[hbm:s8], [sflag:s9] =	dma.local @!p0 [hbm:s20], $0x10  }
0x14f: {  	s8 =	simm.s32 @!p0 $0x12  }
0x150: {  	_ =	swait.ge @!p0 [sflag:s8], $0x10  }
0x151: {  	(v2sf) =	vpush v3, $0xA;
	_ =	sdelay $0xe  }
0x152: {  	s18 =	spop (v2sf)  }
0x153: {  	[sflag:s8] =	ssyncset.done @!p0 $0x0;
	p1 =	sne.s32 s18, $0x0  }
0x154: {  	[sflag:s8] =	ssyncadd.s32 @!p0 $0xFFFFFFF0;
	s8 =	rddreg [dreg:$0xa];
	s9 =	sshll.u32 @!p1 s0, $0x6  }
0x155: {  	s8 =	sadd.s32 @!p1 s5, s8;
	s9 =	sor.u32 @!p1 $0x1C12, s9  }
0x156: {  	[hbm:s8], [sflag:s9] =	dma.local @!p1 [hbm:s20], $0x10  }
0x157: {  	s8 =	simm.s32 @!p1 $0x12  }
0x158: {  	_ =	swait.ge @!p1 [sflag:s8], $0x10  }
0x159: {  	(v2sf) =	vpush v3, $0xB;
	_ =	sdelay $0xe  }
0x15a: {  	s19 =	spop (v2sf)  }
0x15b: {  	[sflag:s8] =	ssyncset.done @!p1 $0x0;
	p0 =	sne.s32 s19, $0x0  }
0x15c: {  	[sflag:s8] =	ssyncadd.s32 @!p1 $0xFFFFFFF0;
	s8 =	rddreg [dreg:$0xb];
	s9 =	sshll.u32 @!p0 s0, $0x6  }
0x15d: {  	s8 =	sadd.s32 @!p0 s5, s8;
	s9 =	sor.u32 @!p0 $0x1C12, s9  }
0x15e: {  	[hbm:s8], [sflag:s9] =	dma.local @!p0 [hbm:s20], $0x10  }
0x15f: {  	s8 =	simm.s32 @!p0 $0x12  }
0x160: {  	_ =	swait.ge @!p0 [sflag:s8], $0x10  }
0x161: {  	(v2sf) =	vpush v3, $0xC;
	_ =	sdelay $0xe  }
0x162: {  	s23 =	spop (v2sf)  }
0x163: {  	[sflag:s8] =	ssyncset.done @!p0 $0x0;
	p1 =	sne.s32 s23, $0x0  }
0x164: {  	[sflag:s8] =	ssyncadd.s32 @!p0 $0xFFFFFFF0;
	s8 =	rddreg [dreg:$0xc];
	s9 =	sshll.u32 @!p1 s0, $0x6  }
0x165: {  	s8 =	sadd.s32 @!p1 s5, s8;
	s9 =	sor.u32 @!p1 $0x1C12, s9  }
0x166: {  	[hbm:s8], [sflag:s9] =	dma.local @!p1 [hbm:s20], $0x10  }
0x167: {  	s8 =	simm.s32 @!p1 $0x12  }
0x168: {  	_ =	swait.ge @!p1 [sflag:s8], $0x10  }
0x169: {  	(v2sf) =	vpush v3, $0xD;
	_ =	sdelay $0xe  }
0x16a: {  	s24 =	spop (v2sf)  }
0x16b: {  	[sflag:s8] =	ssyncset.done @!p1 $0x0;
	p0 =	sne.s32 s24, $0x0  }
0x16c: {  	[sflag:s8] =	ssyncadd.s32 @!p1 $0xFFFFFFF0;
	s8 =	rddreg [dreg:$0xd];
	s9 =	sshll.u32 @!p0 s0, $0x6  }
0x16d: {  	s8 =	sadd.s32 @!p0 s5, s8;
	s9 =	sor.u32 @!p0 $0x1C12, s9  }
0x16e: {  	[hbm:s8], [sflag:s9] =	dma.local @!p0 [hbm:s20], $0x10  }
0x16f: {  	s8 =	simm.s32 @!p0 $0x12  }
0x170: {  	_ =	swait.ge @!p0 [sflag:s8], $0x10  }
0x171: {  	(v2sf) =	vpush v3, $0xE;
	_ =	sdelay $0xe  }
0x172: {  	s29 =	spop (v2sf)  }
0x173: {  	[sflag:s8] =	ssyncset.done @!p0 $0x0;
	p1 =	sne.s32 s29, $0x0  }
0x174: {  	[sflag:s8] =	ssyncadd.s32 @!p0 $0xFFFFFFF0;
	s8 =	rddreg [dreg:$0xe];
	s9 =	sshll.u32 @!p1 s0, $0x6  }
0x175: {  	s8 =	sadd.s32 @!p1 s5, s8;
	s9 =	sor.u32 @!p1 $0x1C12, s9  }
0x176: {  	[hbm:s8], [sflag:s9] =	dma.local @!p1 [hbm:s20], $0x10  }
0x177: {  	s8 =	simm.s32 @!p1 $0x12  }
0x178: {  	_ =	swait.ge @!p1 [sflag:s8], $0x10  }
0x179: {  	(v2sf) =	vpush v3, $0xF;
	_ =	sdelay $0xe  }
0x17a: {  	s2 =	spop (v2sf)  }
0x17b: {  	[sflag:s8] =	ssyncset.done @!p1 $0x0;
	p0 =	sne.s32 s2, $0x0  }
0x17c: {  	[sflag:s8] =	ssyncadd.s32 @!p1 $0xFFFFFFF0;
	s8 =	rddreg [dreg:$0xf];
	s9 =	sshll.u32 @!p0 s0, $0x6  }
0x17d: {  	s8 =	sadd.s32 @!p0 s5, s8;
	s9 =	sor.u32 @!p0 $0x1C12, s9  }
0x17e: {  	[hbm:s8], [sflag:s9] =	dma.local @!p0 [hbm:s20], $0x10  }
0x17f: {  	s8 =	simm.s32 @!p0 $0x12  }
0x180: {  	_ =	swait.ge @!p0 [sflag:s8], $0x10  }
0x181: {  	(v2sf) =	vpush v2, $0x0;
	_ =	sdelay $0xe  }
0x182: {  	s6 =	spop (v2sf)  }
0x183: {  	[sflag:s8] =	ssyncset.done @!p0 $0x0;
	p1 =	sne.s32 s6, $0x0  }
0x184: {  	[sflag:s8] =	ssyncadd.s32 @!p0 $0xFFFFFFF0;
	s8 =	rddreg [dreg:$0x10];
	s9 =	sshll.u32 @!p1 s0, $0x6  }
0x185: {  	s8 =	sadd.s32 @!p1 s5, s8;
	s9 =	sor.u32 @!p1 $0x1C12, s9  }
0x186: {  	[hbm:s8], [sflag:s9] =	dma.local @!p1 [hbm:s20], $0x10  }
0x187: {  	s8 =	simm.s32 @!p1 $0x12  }
0x188: {  	_ =	swait.ge @!p1 [sflag:s8], $0x10  }
0x189: {  	(v2sf) =	vpush v2, $0x1;
	_ =	sdelay $0xe  }
0x18a: {  	s10 =	spop (v2sf)  }
0x18b: {  	[sflag:s8] =	ssyncset.done @!p1 $0x0;
	p0 =	sne.s32 s10, $0x0  }
0x18c: {  	[sflag:s8] =	ssyncadd.s32 @!p1 $0xFFFFFFF0;
	s8 =	rddreg [dreg:$0x11];
	s9 =	sshll.u32 @!p0 s0, $0x6  }
0x18d: {  	s8 =	sadd.s32 @!p0 s5, s8;
	s9 =	sor.u32 @!p0 $0x1C12, s9  }
0x18e: {  	[hbm:s8], [sflag:s9] =	dma.local @!p0 [hbm:s20], $0x10  }
0x18f: {  	s8 =	simm.s32 @!p0 $0x12  }
0x190: {  	_ =	swait.ge @!p0 [sflag:s8], $0x10  }
0x191: {  	(v2sf) =	vpush v2, $0x2;
	_ =	sdelay $0xe  }
0x192: {  	s11 =	spop (v2sf)  }
0x193: {  	[sflag:s8] =	ssyncset.done @!p0 $0x0;
	p1 =	sne.s32 s11, $0x0  }
0x194: {  	[sflag:s8] =	ssyncadd.s32 @!p0 $0xFFFFFFF0;
	s8 =	rddreg [dreg:$0x12];
	s9 =	sshll.u32 @!p1 s0, $0x6  }
0x195: {  	s8 =	sadd.s32 @!p1 s5, s8;
	s9 =	sor.u32 @!p1 $0x1C12, s9  }
0x196: {  	[hbm:s8], [sflag:s9] =	dma.local @!p1 [hbm:s20], $0x10  }
0x197: {  	s8 =	simm.s32 @!p1 $0x12  }
0x198: {  	_ =	swait.ge @!p1 [sflag:s8], $0x10  }
0x199: {  	(v2sf) =	vpush v2, $0x3;
	_ =	sdelay $0xe  }
0x19a: {  	s12 =	spop (v2sf)  }
0x19b: {  	[sflag:s8] =	ssyncset.done @!p1 $0x0;
	p0 =	sne.s32 s12, $0x0  }
0x19c: {  	[sflag:s8] =	ssyncadd.s32 @!p1 $0xFFFFFFF0;
	s8 =	rddreg [dreg:$0x13];
	s9 =	sshll.u32 @!p0 s0, $0x6  }
0x19d: {  	s8 =	sadd.s32 @!p0 s5, s8;
	s9 =	sor.u32 @!p0 $0x1C12, s9  }
0x19e: {  	[hbm:s8], [sflag:s9] =	dma.local @!p0 [hbm:s20], $0x10  }
0x19f: {  	s8 =	simm.s32 @!p0 $0x12  }
0x1a0: {  	_ =	swait.ge @!p0 [sflag:s8], $0x10  }
0x1a1: {  	(v2sf) =	vpush v2, $0x4;
	_ =	sdelay $0xe  }
0x1a2: {  	s13 =	spop (v2sf)  }
0x1a3: {  	[sflag:s8] =	ssyncset.done @!p0 $0x0;
	p1 =	sne.s32 s13, $0x0  }
0x1a4: {  	[sflag:s8] =	ssyncadd.s32 @!p0 $0xFFFFFFF0;
	s8 =	rddreg [dreg:$0x14];
	s9 =	sshll.u32 @!p1 s0, $0x6  }
0x1a5: {  	s8 =	sadd.s32 @!p1 s5, s8;
	s9 =	sor.u32 @!p1 $0x1C12, s9  }
0x1a6: {  	[hbm:s8], [sflag:s9] =	dma.local @!p1 [hbm:s20], $0x10  }
0x1a7: {  	s8 =	simm.s32 @!p1 $0x12  }
0x1a8: {  	_ =	swait.ge @!p1 [sflag:s8], $0x10  }
0x1a9: {  	(v2sf) =	vpush v2, $0x5;
	_ =	sdelay $0xe  }
0x1aa: {  	s14 =	spop (v2sf)  }
0x1ab: {  	[sflag:s8] =	ssyncset.done @!p1 $0x0;
	p0 =	sne.s32 s14, $0x0  }
0x1ac: {  	[sflag:s8] =	ssyncadd.s32 @!p1 $0xFFFFFFF0;
	s8 =	rddreg [dreg:$0x15];
	s9 =	sshll.u32 @!p0 s0, $0x6  }
0x1ad: {  	s8 =	sadd.s32 @!p0 s5, s8;
	s9 =	sor.u32 @!p0 $0x1C12, s9  }
0x1ae: {  	[hbm:s8], [sflag:s9] =	dma.local @!p0 [hbm:s20], $0x10  }
0x1af: {  	s8 =	simm.s32 @!p0 $0x12  }
0x1b0: {  	_ =	swait.ge @!p0 [sflag:s8], $0x10  }
0x1b1: {  	(v2sf) =	vpush v2, $0x6;
	_ =	sdelay $0xe  }
0x1b2: {  	s15 =	spop (v2sf)  }
0x1b3: {  	[sflag:s8] =	ssyncset.done @!p0 $0x0;
	p1 =	sne.s32 s15, $0x0  }
0x1b4: {  	[sflag:s8] =	ssyncadd.s32 @!p0 $0xFFFFFFF0;
	s8 =	rddreg [dreg:$0x16];
	s9 =	sshll.u32 @!p1 s0, $0x6  }
0x1b5: {  	s8 =	sadd.s32 @!p1 s5, s8;
	s9 =	sor.u32 @!p1 $0x1C12, s9  }
0x1b6: {  	[hbm:s8], [sflag:s9] =	dma.local @!p1 [hbm:s20], $0x10  }
0x1b7: {  	s8 =	simm.s32 @!p1 $0x12  }
0x1b8: {  	_ =	swait.ge @!p1 [sflag:s8], $0x10  }
0x1b9: {  	(v2sf) =	vpush v2, $0x7;
	_ =	sdelay $0xe  }
0x1ba: {  	s16 =	spop (v2sf)  }
0x1bb: {  	[sflag:s8] =	ssyncset.done @!p1 $0x0;
	p0 =	sne.s32 s16, $0x0  }
0x1bc: {  	[sflag:s8] =	ssyncadd.s32 @!p1 $0xFFFFFFF0;
	s8 =	rddreg [dreg:$0x17];
	s9 =	sshll.u32 @!p0 s0, $0x6  }
0x1bd: {  	s8 =	sadd.s32 @!p0 s5, s8;
	s9 =	sor.u32 @!p0 $0x1C12, s9  }
0x1be: {  	[hbm:s8], [sflag:s9] =	dma.local @!p0 [hbm:s20], $0x10  }
0x1bf: {  	s8 =	simm.s32 @!p0 $0x12  }
0x1c0: {  	_ =	swait.ge @!p0 [sflag:s8], $0x10  }
0x1c1: {  	(v2sf) =	vpush v2, $0x8;
	_ =	sdelay $0xe  }
0x1c2: {  	s18 =	spop (v2sf)  }
0x1c3: {  	[sflag:s8] =	ssyncset.done @!p0 $0x0;
	p1 =	sne.s32 s18, $0x0  }
0x1c4: {  	[sflag:s8] =	ssyncadd.s32 @!p0 $0xFFFFFFF0;
	s8 =	rddreg [dreg:$0x18];
	s9 =	sshll.u32 @!p1 s0, $0x6  }
0x1c5: {  	s8 =	sadd.s32 @!p1 s5, s8;
	s9 =	sor.u32 @!p1 $0x1C12, s9  }
0x1c6: {  	[hbm:s8], [sflag:s9] =	dma.local @!p1 [hbm:s20], $0x10  }
0x1c7: {  	s8 =	simm.s32 @!p1 $0x12  }
0x1c8: {  	_ =	swait.ge @!p1 [sflag:s8], $0x10  }
0x1c9: {  	(v2sf) =	vpush v2, $0x9;
	_ =	sdelay $0xe  }
0x1ca: {  	s19 =	spop (v2sf)  }
0x1cb: {  	[sflag:s8] =	ssyncset.done @!p1 $0x0;
	p0 =	sne.s32 s19, $0x0  }
0x1cc: {  	[sflag:s8] =	ssyncadd.s32 @!p1 $0xFFFFFFF0;
	s8 =	rddreg [dreg:$0x19];
	s9 =	sshll.u32 @!p0 s0, $0x6  }
0x1cd: {  	s8 =	sadd.s32 @!p0 s5, s8;
	s9 =	sor.u32 @!p0 $0x1C12, s9  }
0x1ce: {  	[hbm:s8], [sflag:s9] =	dma.local @!p0 [hbm:s20], $0x10  }
0x1cf: {  	s8 =	simm.s32 @!p0 $0x12  }
0x1d0: {  	_ =	swait.ge @!p0 [sflag:s8], $0x10  }
0x1d1: {  	(v2sf) =	vpush v2, $0xA;
	_ =	sdelay $0xe  }
0x1d2: {  	s23 =	spop (v2sf)  }
0x1d3: {  	[sflag:s8] =	ssyncset.done @!p0 $0x0;
	p1 =	sne.s32 s23, $0x0  }
0x1d4: {  	[sflag:s8] =	ssyncadd.s32 @!p0 $0xFFFFFFF0;
	s8 =	rddreg [dreg:$0x1a];
	s9 =	sshll.u32 @!p1 s0, $0x6  }
0x1d5: {  	s8 =	sadd.s32 @!p1 s5, s8;
	s9 =	sor.u32 @!p1 $0x1C12, s9  }
0x1d6: {  	[hbm:s8], [sflag:s9] =	dma.local @!p1 [hbm:s20], $0x10  }
0x1d7: {  	s8 =	simm.s32 @!p1 $0x12  }
0x1d8: {  	_ =	swait.ge @!p1 [sflag:s8], $0x10  }
0x1d9: {  	(v2sf) =	vpush v2, $0xB;
	_ =	sdelay $0xe  }
0x1da: {  	s24 =	spop (v2sf)  }
0x1db: {  	[sflag:s8] =	ssyncset.done @!p1 $0x0;
	p0 =	sne.s32 s24, $0x0  }
0x1dc: {  	[sflag:s8] =	ssyncadd.s32 @!p1 $0xFFFFFFF0;
	s8 =	rddreg [dreg:$0x1b];
	s9 =	sshll.u32 @!p0 s0, $0x6  }
0x1dd: {  	s8 =	sadd.s32 @!p0 s5, s8;
	s9 =	sor.u32 @!p0 $0x1C12, s9  }
0x1de: {  	[hbm:s8], [sflag:s9] =	dma.local @!p0 [hbm:s20], $0x10  }
0x1df: {  	s8 =	simm.s32 @!p0 $0x12  }
0x1e0: {  	_ =	swait.ge @!p0 [sflag:s8], $0x10  }
0x1e1: {  	(v2sf) =	vpush v2, $0xC;
	_ =	sdelay $0xe  }
0x1e2: {  	s29 =	spop (v2sf)  }
0x1e3: {  	[sflag:s8] =	ssyncset.done @!p0 $0x0;
	p1 =	sne.s32 s29, $0x0  }
0x1e4: {  	[sflag:s8] =	ssyncadd.s32 @!p0 $0xFFFFFFF0;
	s8 =	rddreg [dreg:$0x1c];
	s9 =	sshll.u32 @!p1 s0, $0x6  }
0x1e5: {  	s8 =	sadd.s32 @!p1 s5, s8;
	s9 =	sor.u32 @!p1 $0x1C12, s9  }
0x1e6: {  	[hbm:s8], [sflag:s9] =	dma.local @!p1 [hbm:s20], $0x10  }
0x1e7: {  	s8 =	simm.s32 @!p1 $0x12  }
0x1e8: {  	_ =	swait.ge @!p1 [sflag:s8], $0x10  }
0x1e9: {  	(v2sf) =	vpush v2, $0xD;
	_ =	sdelay $0xe  }
0x1ea: {  	s2 =	spop (v2sf)  }
0x1eb: {  	[sflag:s8] =	ssyncset.done @!p1 $0x0;
	p0 =	sne.s32 s2, $0x0  }
0x1ec: {  	[sflag:s8] =	ssyncadd.s32 @!p1 $0xFFFFFFF0;
	s8 =	rddreg [dreg:$0x1d];
	s9 =	sshll.u32 @!p0 s0, $0x6  }
0x1ed: {  	s8 =	sadd.s32 @!p0 s5, s8;
	s9 =	sor.u32 @!p0 $0x1C12, s9  }
0x1ee: {  	[hbm:s8], [sflag:s9] =	dma.local @!p0 [hbm:s20], $0x10  }
0x1ef: {  	s8 =	simm.s32 @!p0 $0x12  }
0x1f0: {  	_ =	swait.ge @!p0 [sflag:s8], $0x10  }
0x1f1: {  	(v2sf) =	vpush v2, $0xE;
	_ =	sdelay $0xe  }
0x1f2: {  	s6 =	spop (v2sf)  }
0x1f3: {  	[sflag:s8] =	ssyncset.done @!p0 $0x0;
	p1 =	sne.s32 s6, $0x0  }
0x1f4: {  	[sflag:s8] =	ssyncadd.s32 @!p0 $0xFFFFFFF0;
	s8 =	rddreg [dreg:$0x1e];
	s9 =	sshll.u32 @!p1 s0, $0x6  }
0x1f5: {  	s8 =	sadd.s32 @!p1 s5, s8;
	s9 =	sor.u32 @!p1 $0x1C12, s9  }
0x1f6: {  	[hbm:s8], [sflag:s9] =	dma.local @!p1 [hbm:s20], $0x10  }
0x1f7: {  	s8 =	simm.s32 @!p1 $0x12  }
0x1f8: {  	_ =	swait.ge @!p1 [sflag:s8], $0x10  }
0x1f9: {  	(v2sf) =	vpush v2, $0xF;
	_ =	sdelay $0xe  }
0x1fa: {  	s10 =	spop (v2sf)  }
0x1fb: {  	[sflag:s8] =	ssyncset.done @!p1 $0x0;
	p0 =	sne.s32 s10, $0x0  }
0x1fc: {  	[sflag:s8] =	ssyncadd.s32 @!p1 $0xFFFFFFF0;
	s8 =	rddreg [dreg:$0x1f];
	s9 =	sshll.u32 @!p0 s0, $0x6  }
0x1fd: {  	s8 =	sadd.s32 @!p0 s5, s8;
	s9 =	sor.u32 @!p0 $0x1C12, s9  }
0x1fe: {  	[hbm:s8], [sflag:s9] =	dma.local @!p0 [hbm:s20], $0x10  }
0x1ff: {  	s8 =	simm.s32 @!p0 $0x12  }
0x200: {  	_ =	swait.ge @!p0 [sflag:s8], $0x10  }
0x201: {  	(v2sf) =	vpush v1, $0x0;
	_ =	sdelay $0xd  }
0x202: {  	[sflag:s8] =	ssyncset.done @!p0 $0x0  }
0x203: {  	[sflag:s8] =	ssyncadd.s32 @!p0 $0xFFFFFFF0;
	s8 =	sld [smem:$0x7EE];
	s11 =	spop (v2sf)  }
0x204: {  	p1 =	sne.s32 s11, $0x0  }
0x205: {  	s9 =	sshll.u32 @!p1 s0, $0x6  }
0x206: {  	s8 =	sadd.s32 @!p1 s5, s8;
	s9 =	sor.u32 @!p1 $0x1C12, s9  }
0x207: {  	[hbm:s8], [sflag:s9] =	dma.local @!p1 [hbm:s20], $0x10  }
0x208: {  	s8 =	simm.s32 @!p1 $0x12  }
0x209: {  	_ =	swait.ge @!p1 [sflag:s8], $0x10  }
0x20a: {  	(v2sf) =	vpush v1, $0x1;
	_ =	sdelay $0xd  }
0x20b: {  	[sflag:s8] =	ssyncset.done @!p1 $0x0  }
0x20c: {  	[sflag:s8] =	ssyncadd.s32 @!p1 $0xFFFFFFF0;
	s8 =	sld [smem:$0x7EF];
	s12 =	spop (v2sf)  }
0x20d: {  	p0 =	sne.s32 s12, $0x0  }
0x20e: {  	s9 =	sshll.u32 @!p0 s0, $0x6  }
0x20f: {  	s8 =	sadd.s32 @!p0 s5, s8;
	s9 =	sor.u32 @!p0 $0x1C12, s9  }
0x210: {  	[hbm:s8], [sflag:s9] =	dma.local @!p0 [hbm:s20], $0x10  }
0x211: {  	s8 =	simm.s32 @!p0 $0x12  }
0x212: {  	_ =	swait.ge @!p0 [sflag:s8], $0x10  }
0x213: {  	(v2sf) =	vpush v1, $0x2;
	_ =	sdelay $0xe  }
0x214: {  	s11 =	sld [smem:$0x7F0];
	s13 =	spop (v2sf)  }
0x215: {  	p1 =	sne.s32 s13, $0x0  }
0x216: {  	[sflag:s8] =	ssyncset.done @!p0 $0x0;
	s9 =	sshll.u32 @!p1 s0, $0x6  }
0x217: {  	[sflag:s8] =	ssyncadd.s32 @!p0 $0xFFFFFFF0;
	s8 =	sadd.s32 @!p1 s5, s11;
	s9 =	sor.u32 @!p1 $0x1C12, s9  }
0x218: {  	[hbm:s8], [sflag:s9] =	dma.local @!p1 [hbm:s20], $0x10  }
0x219: {  	s8 =	simm.s32 @!p1 $0x12  }
0x21a: {  	_ =	swait.ge @!p1 [sflag:s8], $0x10  }
0x21b: {  	(v2sf) =	vpush v1, $0x3;
	_ =	sdelay $0xe  }
0x21c: {  	s12 =	sld [smem:$0x7F1];
	s14 =	spop (v2sf)  }
0x21d: {  	p0 =	sne.s32 s14, $0x0  }
0x21e: {  	[sflag:s8] =	ssyncset.done @!p1 $0x0;
	s9 =	sshll.u32 @!p0 s0, $0x6  }
0x21f: {  	[sflag:s8] =	ssyncadd.s32 @!p1 $0xFFFFFFF0;
	s8 =	sadd.s32 @!p0 s5, s12;
	s9 =	sor.u32 @!p0 $0x1C12, s9  }
0x220: {  	[hbm:s8], [sflag:s9] =	dma.local @!p0 [hbm:s20], $0x10  }
0x221: {  	s8 =	simm.s32 @!p0 $0x12  }
0x222: {  	_ =	swait.ge @!p0 [sflag:s8], $0x10  }
0x223: {  	(v2sf) =	vpush v1, $0x4;
	_ =	sdelay $0xe  }
0x224: {  	s13 =	sld [smem:$0x7F2];
	s15 =	spop (v2sf)  }
0x225: {  	p1 =	sne.s32 s15, $0x0  }
0x226: {  	[sflag:s8] =	ssyncset.done @!p0 $0x0;
	s9 =	sshll.u32 @!p1 s0, $0x6  }
0x227: {  	[sflag:s8] =	ssyncadd.s32 @!p0 $0xFFFFFFF0;
	s8 =	sadd.s32 @!p1 s5, s13;
	s9 =	sor.u32 @!p1 $0x1C12, s9  }
0x228: {  	[hbm:s8], [sflag:s9] =	dma.local @!p1 [hbm:s20], $0x10  }
0x229: {  	s8 =	simm.s32 @!p1 $0x12  }
0x22a: {  	_ =	swait.ge @!p1 [sflag:s8], $0x10  }
0x22b: {  	(v2sf) =	vpush v1, $0x5;
	_ =	sdelay $0xe  }
0x22c: {  	s14 =	sld [smem:$0x7F3];
	s16 =	spop (v2sf)  }
0x22d: {  	p0 =	sne.s32 s16, $0x0  }
0x22e: {  	[sflag:s8] =	ssyncset.done @!p1 $0x0;
	s9 =	sshll.u32 @!p0 s0, $0x6  }
0x22f: {  	[sflag:s8] =	ssyncadd.s32 @!p1 $0xFFFFFFF0;
	s8 =	sadd.s32 @!p0 s5, s14;
	s9 =	sor.u32 @!p0 $0x1C12, s9  }
0x230: {  	[hbm:s8], [sflag:s9] =	dma.local @!p0 [hbm:s20], $0x10  }
0x231: {  	s8 =	simm.s32 @!p0 $0x12  }
0x232: {  	_ =	swait.ge @!p0 [sflag:s8], $0x10  }
0x233: {  	(v2sf) =	vpush v1, $0x6;
	_ =	sdelay $0xe  }
0x234: {  	s15 =	sld [smem:$0x7F4];
	s18 =	spop (v2sf)  }
0x235: {  	p1 =	sne.s32 s18, $0x0  }
0x236: {  	[sflag:s8] =	ssyncset.done @!p0 $0x0;
	s9 =	sshll.u32 @!p1 s0, $0x6  }
0x237: {  	[sflag:s8] =	ssyncadd.s32 @!p0 $0xFFFFFFF0;
	s8 =	sadd.s32 @!p1 s5, s15;
	s9 =	sor.u32 @!p1 $0x1C12, s9  }
0x238: {  	[hbm:s8], [sflag:s9] =	dma.local @!p1 [hbm:s20], $0x10  }
0x239: {  	s8 =	simm.s32 @!p1 $0x12  }
0x23a: {  	_ =	swait.ge @!p1 [sflag:s8], $0x10  }
0x23b: {  	(v2sf) =	vpush v1, $0x7;
	_ =	sdelay $0xe  }
0x23c: {  	s16 =	sld [smem:$0x7F5];
	s19 =	spop (v2sf)  }
0x23d: {  	p0 =	sne.s32 s19, $0x0  }
0x23e: {  	[sflag:s8] =	ssyncset.done @!p1 $0x0;
	s9 =	sshll.u32 @!p0 s0, $0x6  }
0x23f: {  	[sflag:s8] =	ssyncadd.s32 @!p1 $0xFFFFFFF0;
	s8 =	sadd.s32 @!p0 s5, s16;
	s9 =	sor.u32 @!p0 $0x1C12, s9  }
0x240: {  	[hbm:s8], [sflag:s9] =	dma.local @!p0 [hbm:s20], $0x10  }
0x241: {  	s8 =	simm.s32 @!p0 $0x12  }
0x242: {  	_ =	swait.ge @!p0 [sflag:s8], $0x10  }
0x243: {  	(v2sf) =	vpush v1, $0x8;
	_ =	sdelay $0xe  }
0x244: {  	s18 =	sld [smem:$0x7F6];
	s23 =	spop (v2sf)  }
0x245: {  	p1 =	sne.s32 s23, $0x0  }
0x246: {  	[sflag:s8] =	ssyncset.done @!p0 $0x0;
	s9 =	sshll.u32 @!p1 s0, $0x6  }
0x247: {  	[sflag:s8] =	ssyncadd.s32 @!p0 $0xFFFFFFF0;
	s8 =	sadd.s32 @!p1 s5, s18;
	s9 =	sor.u32 @!p1 $0x1C12, s9  }
0x248: {  	[hbm:s8], [sflag:s9] =	dma.local @!p1 [hbm:s20], $0x10  }
0x249: {  	s8 =	simm.s32 @!p1 $0x12  }
0x24a: {  	_ =	swait.ge @!p1 [sflag:s8], $0x10  }
0x24b: {  	(v2sf) =	vpush v1, $0x9;
	_ =	sdelay $0xe  }
0x24c: {  	s19 =	sld [smem:$0x7F7];
	s24 =	spop (v2sf)  }
0x24d: {  	p0 =	sne.s32 s24, $0x0  }
0x24e: {  	[sflag:s8] =	ssyncset.done @!p1 $0x0;
	s9 =	sshll.u32 @!p0 s0, $0x6  }
0x24f: {  	[sflag:s8] =	ssyncadd.s32 @!p1 $0xFFFFFFF0;
	s8 =	sadd.s32 @!p0 s5, s19;
	s9 =	sor.u32 @!p0 $0x1C12, s9  }
0x250: {  	[hbm:s8], [sflag:s9] =	dma.local @!p0 [hbm:s20], $0x10  }
0x251: {  	s8 =	simm.s32 @!p0 $0x12  }
0x252: {  	_ =	swait.ge @!p0 [sflag:s8], $0x10  }
0x253: {  	(v2sf) =	vpush v1, $0xA;
	_ =	sdelay $0xe  }
0x254: {  	s29 =	spop (v2sf)  }
0x255: {  	p1 =	sne.s32 s29, $0x0;
	s29 =	sld [smem:$0x7F8];
	_ =	sdelay $0x1  }
0x256: {  	[sflag:s8] =	ssyncset.done @!p0 $0x0;
	s9 =	sshll.u32 @!p1 s0, $0x6  }
0x257: {  	[sflag:s8] =	ssyncadd.s32 @!p0 $0xFFFFFFF0;
	s9 =	sor.u32 @!p1 $0x1C12, s9;
	s8 =	sadd.s32 @!p1 s5, s29  }
0x258: {  	[hbm:s8], [sflag:s9] =	dma.local @!p1 [hbm:s20], $0x10  }
0x259: {  	s8 =	simm.s32 @!p1 $0x12  }
0x25a: {  	_ =	swait.ge @!p1 [sflag:s8], $0x10  }
0x25b: {  	(v2sf) =	vpush v1, $0xB;
	_ =	sdelay $0xe  }
0x25c: {  	s2 =	spop (v2sf)  }
0x25d: {  	p0 =	sne.s32 s2, $0x0;
	s2 =	sld [smem:$0x7F9];
	_ =	sdelay $0x1  }
0x25e: {  	[sflag:s8] =	ssyncset.done @!p1 $0x0;
	s9 =	sshll.u32 @!p0 s0, $0x6  }
0x25f: {  	[sflag:s8] =	ssyncadd.s32 @!p1 $0xFFFFFFF0;
	s9 =	sor.u32 @!p0 $0x1C12, s9;
	s8 =	sadd.s32 @!p0 s5, s2  }
0x260: {  	[hbm:s8], [sflag:s9] =	dma.local @!p0 [hbm:s20], $0x10  }
0x261: {  	s8 =	simm.s32 @!p0 $0x12  }
0x262: {  	_ =	swait.ge @!p0 [sflag:s8], $0x10  }
0x263: {  	(v2sf) =	vpush v1, $0xC;
	_ =	sdelay $0xe  }
0x264: {  	s23 =	sld [smem:$0x7FA];
	s6 =	spop (v2sf)  }
0x265: {  	p1 =	sne.s32 s6, $0x0  }
0x266: {  	[sflag:s8] =	ssyncset.done @!p0 $0x0;
	s9 =	sshll.u32 @!p1 s0, $0x6  }
0x267: {  	[sflag:s8] =	ssyncadd.s32 @!p0 $0xFFFFFFF0;
	s8 =	sadd.s32 @!p1 s5, s23;
	s9 =	sor.u32 @!p1 $0x1C12, s9  }
0x268: {  	[hbm:s8], [sflag:s9] =	dma.local @!p1 [hbm:s20], $0x10  }
0x269: {  	s8 =	simm.s32 @!p1 $0x12  }
0x26a: {  	_ =	swait.ge @!p1 [sflag:s8], $0x10  }
0x26b: {  	(v2sf) =	vpush v1, $0xD;
	_ =	sdelay $0xe  }
0x26c: {  	s6 =	sld [smem:$0x7FB];
	s10 =	spop (v2sf)  }
0x26d: {  	p0 =	sne.s32 s10, $0x0  }
0x26e: {  	[sflag:s8] =	ssyncset.done @!p1 $0x0;
	s9 =	sshll.u32 @!p0 s0, $0x6  }
0x26f: {  	[sflag:s8] =	ssyncadd.s32 @!p1 $0xFFFFFFF0;
	s8 =	sadd.s32 @!p0 s5, s6;
	s9 =	sor.u32 @!p0 $0x1C12, s9  }
0x270: {  	[hbm:s8], [sflag:s9] =	dma.local @!p0 [hbm:s20], $0x10  }
0x271: {  	s8 =	simm.s32 @!p0 $0x12  }
0x272: {  	_ =	swait.ge @!p0 [sflag:s8], $0x10  }
0x273: {  	(v2sf) =	vpush v1, $0xE;
	_ =	sdelay $0xe  }
0x274: {  	s24 =	spop (v2sf)  }
0x275: {  	p1 =	sne.s32 s24, $0x0;
	s24 =	sld [smem:$0x7FC];
	_ =	sdelay $0x1  }
0x276: {  	[sflag:s8] =	ssyncset.done @!p0 $0x0;
	s9 =	sshll.u32 @!p1 s0, $0x6  }
0x277: {  	[sflag:s8] =	ssyncadd.s32 @!p0 $0xFFFFFFF0;
	s9 =	sor.u32 @!p1 $0x1C12, s9;
	s8 =	sadd.s32 @!p1 s5, s24  }
0x278: {  	[hbm:s8], [sflag:s9] =	dma.local @!p1 [hbm:s20], $0x10  }
0x279: {  	s8 =	simm.s32 @!p1 $0x12  }
0x27a: {  	_ =	swait.ge @!p1 [sflag:s8], $0x10  }
0x27b: {  	(v2sf) =	vpush v1, $0xF;
	_ =	sdelay $0xe  }
0x27c: {  	s10 =	spop (v2sf)  }
0x27d: {  	p0 =	sne.s32 s10, $0x0  }
0x27e: {  	[sflag:s8] =	ssyncset.done @!p1 $0x0;
	s10 =	rddreg [dreg:$0x7];
	s9 =	sshll.u32 @!p0 s0, $0x6  }
0x27f: {  	[sflag:s8] =	ssyncadd.s32 @!p1 $0xFFFFFFF0;
	s8 =	sadd.s32 @!p0 s5, s10;
	s9 =	sor.u32 @!p0 $0x1C12, s9  }
0x280: {  	[hbm:s8], [sflag:s9] =	dma.local @!p0 [hbm:s20], $0x10  }
0x281: {  	s8 =	simm.s32 @!p0 $0x12  }
0x282: {  	_ =	swait.ge @!p0 [sflag:s8], $0x10  }
0x283: {  	(v2sf) =	vpush v0, $0x0;
	_ =	sdelay $0xe  }
0x284: {  	s9 =	spop (v2sf)  }
0x285: {  	p1 =	sne.s32 s9, $0x0  }
0x286: {  	[sflag:s8] =	ssyncset.done @!p0 $0x0;
	s9 =	sshll.u32 @!p1 s0, $0x6  }
0x287: {  	[sflag:s8] =	ssyncadd.s32 @!p0 $0xFFFFFFF0;
	s8 =	sadd.s32 @!p1 s5, s11;
	s9 =	sor.u32 @!p1 $0x1C12, s9  }
0x288: {  	[hbm:s8], [sflag:s9] =	dma.local @!p1 [hbm:s20], $0x10  }
0x289: {  	s8 =	simm.s32 @!p1 $0x12  }
0x28a: {  	_ =	swait.ge @!p1 [sflag:s8], $0x10  }
0x28b: {  	(v2sf) =	vpush v0, $0x1;
	_ =	sdelay $0xe  }
0x28c: {  	s11 =	spop (v2sf)  }
0x28d: {  	p0 =	sne.s32 s11, $0x0  }
0x28e: {  	[sflag:s8] =	ssyncset.done @!p1 $0x0;
	s9 =	sshll.u32 @!p0 s0, $0x6  }
0x28f: {  	[sflag:s8] =	ssyncadd.s32 @!p1 $0xFFFFFFF0;
	s8 =	sadd.s32 @!p0 s5, s12;
	s9 =	sor.u32 @!p0 $0x1C12, s9  }
0x290: {  	[hbm:s8], [sflag:s9] =	dma.local @!p0 [hbm:s20], $0x10  }
0x291: {  	s8 =	simm.s32 @!p0 $0x12  }
0x292: {  	_ =	swait.ge @!p0 [sflag:s8], $0x10  }
0x293: {  	(v2sf) =	vpush v0, $0x2;
	_ =	sdelay $0xe  }
0x294: {  	s11 =	spop (v2sf)  }
0x295: {  	p1 =	sne.s32 s11, $0x0  }
0x296: {  	[sflag:s8] =	ssyncset.done @!p0 $0x0;
	s9 =	sshll.u32 @!p1 s0, $0x6  }
0x297: {  	[sflag:s8] =	ssyncadd.s32 @!p0 $0xFFFFFFF0;
	s8 =	sadd.s32 @!p1 s5, s13;
	s9 =	sor.u32 @!p1 $0x1C12, s9  }
0x298: {  	[hbm:s8], [sflag:s9] =	dma.local @!p1 [hbm:s20], $0x10  }
0x299: {  	s8 =	simm.s32 @!p1 $0x12  }
0x29a: {  	_ =	swait.ge @!p1 [sflag:s8], $0x10  }
0x29b: {  	(v2sf) =	vpush v0, $0x3;
	_ =	sdelay $0xe  }
0x29c: {  	s12 =	spop (v2sf)  }
0x29d: {  	p0 =	sne.s32 s12, $0x0  }
0x29e: {  	[sflag:s8] =	ssyncset.done @!p1 $0x0;
	s9 =	sshll.u32 @!p0 s0, $0x6  }
0x29f: {  	[sflag:s8] =	ssyncadd.s32 @!p1 $0xFFFFFFF0;
	s8 =	sadd.s32 @!p0 s5, s14;
	s9 =	sor.u32 @!p0 $0x1C12, s9  }
0x2a0: {  	[hbm:s8], [sflag:s9] =	dma.local @!p0 [hbm:s20], $0x10  }
0x2a1: {  	s8 =	simm.s32 @!p0 $0x12  }
0x2a2: {  	_ =	swait.ge @!p0 [sflag:s8], $0x10  }
0x2a3: {  	(v2sf) =	vpush v0, $0x4;
	_ =	sdelay $0xe  }
0x2a4: {  	s14 =	spop (v2sf)  }
0x2a5: {  	p1 =	sne.s32 s14, $0x0  }
0x2a6: {  	[sflag:s8] =	ssyncset.done @!p0 $0x0;
	s9 =	sshll.u32 @!p1 s0, $0x6  }
0x2a7: {  	[sflag:s8] =	ssyncadd.s32 @!p0 $0xFFFFFFF0;
	s8 =	sadd.s32 @!p1 s5, s15;
	s9 =	sor.u32 @!p1 $0x1C12, s9  }
0x2a8: {  	[hbm:s8], [sflag:s9] =	dma.local @!p1 [hbm:s20], $0x10  }
0x2a9: {  	s8 =	simm.s32 @!p1 $0x12  }
0x2aa: {  	_ =	swait.ge @!p1 [sflag:s8], $0x10  }
0x2ab: {  	(v2sf) =	vpush v0, $0x5;
	_ =	sdelay $0xe  }
0x2ac: {  	s15 =	spop (v2sf)  }
0x2ad: {  	p0 =	sne.s32 s15, $0x0  }
0x2ae: {  	[sflag:s8] =	ssyncset.done @!p1 $0x0;
	s9 =	sshll.u32 @!p0 s0, $0x6  }
0x2af: {  	[sflag:s8] =	ssyncadd.s32 @!p1 $0xFFFFFFF0;
	s8 =	sadd.s32 @!p0 s5, s16;
	s9 =	sor.u32 @!p0 $0x1C12, s9  }
0x2b0: {  	[hbm:s8], [sflag:s9] =	dma.local @!p0 [hbm:s20], $0x10  }
0x2b1: {  	s8 =	simm.s32 @!p0 $0x12  }
0x2b2: {  	_ =	swait.ge @!p0 [sflag:s8], $0x10  }
0x2b3: {  	(v2sf) =	vpush v0, $0x6;
	_ =	sdelay $0xe  }
0x2b4: {  	s11 =	spop (v2sf)  }
0x2b5: {  	p1 =	sne.s32 s11, $0x0  }
0x2b6: {  	[sflag:s8] =	ssyncset.done @!p0 $0x0;
	s9 =	sshll.u32 @!p1 s0, $0x6  }
0x2b7: {  	[sflag:s8] =	ssyncadd.s32 @!p0 $0xFFFFFFF0;
	s8 =	sadd.s32 @!p1 s5, s18;
	s9 =	sor.u32 @!p1 $0x1C12, s9  }
0x2b8: {  	[hbm:s8], [sflag:s9] =	dma.local @!p1 [hbm:s20], $0x10  }
0x2b9: {  	s8 =	simm.s32 @!p1 $0x12  }
0x2ba: {  	_ =	swait.ge @!p1 [sflag:s8], $0x10  }
0x2bb: {  	(v2sf) =	vpush v0, $0x7;
	_ =	sdelay $0xe  }
0x2bc: {  	s12 =	spop (v2sf)  }
0x2bd: {  	p0 =	sne.s32 s12, $0x0  }
0x2be: {  	[sflag:s8] =	ssyncset.done @!p1 $0x0;
	s9 =	sshll.u32 @!p0 s0, $0x6  }
0x2bf: {  	[sflag:s8] =	ssyncadd.s32 @!p1 $0xFFFFFFF0;
	s8 =	sadd.s32 @!p0 s5, s19;
	s9 =	sor.u32 @!p0 $0x1C12, s9  }
0x2c0: {  	[hbm:s8], [sflag:s9] =	dma.local @!p0 [hbm:s20], $0x10  }
0x2c1: {  	s8 =	simm.s32 @!p0 $0x12  }
0x2c2: {  	_ =	swait.ge @!p0 [sflag:s8], $0x10  }
0x2c3: {  	(v2sf) =	vpush v0, $0x8;
	_ =	sdelay $0xe  }
0x2c4: {  	s14 =	spop (v2sf)  }
0x2c5: {  	p1 =	sne.s32 s14, $0x0  }
0x2c6: {  	[sflag:s8] =	ssyncset.done @!p0 $0x0;
	s9 =	sshll.u32 @!p1 s0, $0x6  }
0x2c7: {  	[sflag:s8] =	ssyncadd.s32 @!p0 $0xFFFFFFF0;
	s8 =	sadd.s32 @!p1 s5, s29;
	s9 =	sor.u32 @!p1 $0x1C12, s9  }
0x2c8: {  	[hbm:s8], [sflag:s9] =	dma.local @!p1 [hbm:s20], $0x10  }
0x2c9: {  	s8 =	simm.s32 @!p1 $0x12  }
0x2ca: {  	_ =	swait.ge @!p1 [sflag:s8], $0x10  }
0x2cb: {  	(v2sf) =	vpush v0, $0x9;
	_ =	sdelay $0xe  }
0x2cc: {  	s15 =	spop (v2sf)  }
0x2cd: {  	p0 =	sne.s32 s15, $0x0  }
0x2ce: {  	[sflag:s8] =	ssyncset.done @!p1 $0x0;
	s9 =	sshll.u32 @!p0 s0, $0x6  }
0x2cf: {  	[sflag:s8] =	ssyncadd.s32 @!p1 $0xFFFFFFF0;
	s8 =	sadd.s32 @!p0 s5, s2;
	s9 =	sor.u32 @!p0 $0x1C12, s9  }
0x2d0: {  	[hbm:s8], [sflag:s9] =	dma.local @!p0 [hbm:s20], $0x10  }
0x2d1: {  	s8 =	simm.s32 @!p0 $0x12  }
0x2d2: {  	_ =	swait.ge @!p0 [sflag:s8], $0x10  }
0x2d3: {  	(v2sf) =	vpush v0, $0xA;
	_ =	sdelay $0xe  }
0x2d4: {  	s16 =	spop (v2sf)  }
0x2d5: {  	p1 =	sne.s32 s16, $0x0  }
0x2d6: {  	[sflag:s8] =	ssyncset.done @!p0 $0x0;
	s9 =	sshll.u32 @!p1 s0, $0x6  }
0x2d7: {  	[sflag:s8] =	ssyncadd.s32 @!p0 $0xFFFFFFF0;
	s8 =	sadd.s32 @!p1 s5, s23;
	s9 =	sor.u32 @!p1 $0x1C12, s9  }
0x2d8: {  	[hbm:s8], [sflag:s9] =	dma.local @!p1 [hbm:s20], $0x10  }
0x2d9: {  	s8 =	simm.s32 @!p1 $0x12  }
0x2da: {  	_ =	swait.ge @!p1 [sflag:s8], $0x10  }
0x2db: {  	(v2sf) =	vpush v0, $0xB;
	_ =	sdelay $0xe  }
0x2dc: {  	s18 =	spop (v2sf)  }
0x2dd: {  	p0 =	sne.s32 s18, $0x0  }
0x2de: {  	[sflag:s8] =	ssyncset.done @!p1 $0x0;
	s9 =	sshll.u32 @!p0 s0, $0x6  }
0x2df: {  	[sflag:s8] =	ssyncadd.s32 @!p1 $0xFFFFFFF0;
	s8 =	sadd.s32 @!p0 s5, s6;
	s9 =	sor.u32 @!p0 $0x1C12, s9  }
0x2e0: {  	[hbm:s8], [sflag:s9] =	dma.local @!p0 [hbm:s20], $0x10  }
0x2e1: {  	s8 =	simm.s32 @!p0 $0x12  }
0x2e2: {  	_ =	swait.ge @!p0 [sflag:s8], $0x10  }
0x2e3: {  	(v2sf) =	vpush v0, $0xC;
	_ =	sdelay $0xe  }
0x2e4: {  	s19 =	spop (v2sf)  }
0x2e5: {  	p1 =	sne.s32 s19, $0x0  }
0x2e6: {  	[sflag:s8] =	ssyncset.done @!p0 $0x0;
	s9 =	sshll.u32 @!p1 s0, $0x6  }
0x2e7: {  	[sflag:s8] =	ssyncadd.s32 @!p0 $0xFFFFFFF0;
	s8 =	sadd.s32 @!p1 s5, s24;
	s9 =	sor.u32 @!p1 $0x1C12, s9  }
0x2e8: {  	[hbm:s8], [sflag:s9] =	dma.local @!p1 [hbm:s20], $0x10  }
0x2e9: {  	s8 =	simm.s32 @!p1 $0x12  }
0x2ea: {  	_ =	swait.ge @!p1 [sflag:s8], $0x10  }
0x2eb: {  	(v2sf) =	vpush v0, $0xD;
	_ =	sdelay $0xe  }
0x2ec: {  	s23 =	spop (v2sf)  }
0x2ed: {  	p0 =	sne.s32 s23, $0x0  }
0x2ee: {  	[sflag:s8] =	ssyncset.done @!p1 $0x0;
	s9 =	sshll.u32 @!p0 s0, $0x6  }
0x2ef: {  	[sflag:s8] =	ssyncadd.s32 @!p1 $0xFFFFFFF0;
	s8 =	sadd.s32 @!p0 s5, s10;
	s9 =	sor.u32 @!p0 $0x1C12, s9  }
0x2f0: {  	[hbm:s8], [sflag:s9] =	dma.local @!p0 [hbm:s20], $0x10  }
0x2f1: {  	s8 =	simm.s32 @!p0 $0x12  }
0x2f2: {  	_ =	swait.ge @!p0 [sflag:s8], $0x10  }
0x2f3: {  	(v2sf) =	vpush v0, $0xE;
	_ =	sdelay $0xe  }
0x2f4: {  	s24 =	spop (v2sf)  }
0x2f5: {  	p1 =	sne.s32 s24, $0x0  }
0x2f6: {  	[sflag:s8] =	ssyncset.done @!p0 $0x0;
	s2 =	rddreg [dreg:$0x6];
	s9 =	sshll.u32 @!p1 s0, $0x6  }
0x2f7: {  	[sflag:s8] =	ssyncadd.s32 @!p0 $0xFFFFFFF0;
	s8 =	sadd.s32 @!p1 s5, s2;
	s9 =	sor.u32 @!p1 $0x1C12, s9  }
0x2f8: {  	[hbm:s8], [sflag:s9] =	dma.local @!p1 [hbm:s20], $0x10  }
0x2f9: {  	s8 =	simm.s32 @!p1 $0x12  }
0x2fa: {  	_ =	swait.ge @!p1 [sflag:s8], $0x10  }
0x2fb: {  	(v2sf) =	vpush v0, $0xF;
	_ =	sdelay $0xe  }
0x2fc: {  	s29 =	spop (v2sf)  }
0x2fd: {  	p0 =	sne.s32 s29, $0x0  }
0x2fe: {  	[sflag:s8] =	ssyncset.done @!p1 $0x0;
	s2 =	rddreg [dreg:$0x5];
	s9 =	sshll.u32 @!p0 s0, $0x6  }
0x2ff: {  	[sflag:s8] =	ssyncadd.s32 @!p1 $0xFFFFFFF0;
	s8 =	sadd.s32 @!p0 s5, s2;
	s9 =	sor.u32 @!p0 $0x1C11, s9  }
0x300: {  	[hbm:s8], [sflag:s9] =	dma.local @!p0 [hbm:s20], $0x10  }
.Ltmp7:
0x301: {  	_ = 	snop;
	(pc) =	sbr.rel .LBB2_7-.Ltmp7, $4  }
0x302: {  	s8 =	simm.s32 @!p0 $0x11  }
0x303: {  	_ =	swait.ge @!p0 [sflag:s8], $0x10  }
0x304: {  	[sflag:s8] =	ssyncset.done @!p0 $0x0  }
0x305: {  	s13 =	simm.s32 $0x10400;
	s6 =	simm.s32 $0xE800;
	[sflag:s8] =	ssyncadd.s32 @!p0 $0xFFFFFFF0  }
.LBB2_9:
0x306: {  	_ =	sfence.sel $0x180000  }
0x307: {  	[bflag:$0x0] =	sbarrier.arrive $0xFFFF  }
0x308: {  	_ =	strace $0x90000047  }
0x309: {  	[bflag:$0x2] =	sbarrier.arrive $0xFFFF  }
0x30a: {  	p0 =	sne.s32 s0, $0x0;
	s0 =	rddreg [dreg:$0x3]  }
0x30b: {  	s0 =	sadd.s32 @!p0 $0x100000, s0  }
0x30c: {  	[sflag:s0] =	ssyncadd.tile.s32 @!p0 $0x1;
	_ =	shalt  }
.Lfunc_end2:
_tile_overlayer_lowered:
.L_overlay_start_2:
0x30d: {  	(tag) =	ssettag $0x2  }
0x30e: {  	s0 =	rddreg [dreg:$0x0];
	s2 =	stileid.u32  }
0x30f: {  	s1 =	rddreg [dreg:$0x1];
	p0 =	sne.s32 s2, $0x0  }
0x310: {  	s3 =	rddreg [dreg:$0x2];
	[bflag:$0x3] =	sbarrier.arrive $0xFFFF;
	s2 =	simm.s32 @!p0 $0x1C11  }
0x311: {  	[timem:s3], [sflag:s2] =	dma.local @!p0 [hbm:s0], s1  }
0x312: {  	s0 =	simm.s32 @!p0 $0x11  }
0x313: {  	_ =	swait.ge @!p0 [sflag:s0], s1  }
0x314: {  	s1 =	ssub.s32 @!p0 $0x0, s1;
	[sflag:s0] =	ssyncset.done @!p0 $0x0  }
0x315: {  	[sflag:s0] =	ssyncadd.s32 @!p0 s1  }
0x316: {  	[bflag:$0x3] =	sbarrier.arrive $0xFFFF  }
0x317: {  	_ =	shalt  }

</sc_bundles>
